<compile_context>
chip_gen: v7x
topology: tpu7x:2x2x1
jax: 0.10.2.dev20260603
libtpu: 0.0.44.dev20260713+nightly
codegen_flags: <defaults>
</compile_context>

<pallas_src>
import functools

import jax
import jax.numpy as jnp
from jax import lax
from jax.experimental import pallas as pl
from jax.experimental.pallas import tpu as pltpu
from jax.experimental.pallas import tpu_sc as plsc

B = 16384
D = 64
H = B // 2
C = 1000
C1 = 1024
TW = 80
MARGIN = 0.3
EPS = 1e-12

NC = 2
NS = 16
NW = NC * NS
RPW = B // NW
LPW = RPW // 2
NCHUNK = RPW // 64

_SC_MESH = plsc.VectorSubcoreMesh(core_axis_name="c", subcore_axis_name="s")
_SC_PARAMS = pltpu.CompilerParams(needs_layout_passes=False,
                                  use_tc_tiling_on_sc=False)


def _norm_body(xt_ref, o_ref):
    xt = xt_ref[...]
    ss = jnp.sum(xt * xt, axis=0, keepdims=True)
    xnt = xt * (1.0 / jnp.maximum(jnp.sqrt(ss), EPS))
    o_ref[...] = jnp.concatenate([xnt[:, 0:H], xnt[:, H:B]], axis=0).T


def _segsum_body(emb_hbm, lab_hbm, z80_hbm, st_hbm,
                 en2_v, sc_v, lab_v, ssum, sem):
    cid = lax.axis_index("c")
    sid = lax.axis_index("s")
    wid = cid * NS + sid
    rows = C1 // NS

    hs = [pltpu.async_copy(z80_hbm.at[pl.ds(sid * rows, rows)],
                           ssum.at[pl.ds(sid * rows, rows)], sem),
          pltpu.async_copy(emb_hbm.at[pl.ds(wid * LPW, LPW)], en2_v, sem),
          pltpu.async_copy(lab_hbm.at[pl.ds(wid * LPW, LPW)],
                           lab_v.at[0], sem),
          pltpu.async_copy(lab_hbm.at[pl.ds(H + wid * LPW, LPW)],
                           lab_v.at[1], sem)]
    for h in hs:
        h.wait()

    onehot = (lax.broadcasted_iota(jnp.int32, (16,), 0) == 0).astype(jnp.float32)

    @pl.loop(0, LPW // 16)
    def _(g):
        for k in range(16):
            i = g * 16 + k
            for m in range(4):
                sc_v[i, pl.ds(m * 16, 16)] = en2_v[i, pl.ds(m * 16, 16)]
                sc_v[LPW + i, pl.ds(m * 16, 16)] = en2_v[i, pl.ds(64 + m * 16, 16)]
            sc_v[i, pl.ds(D, 16)] = onehot
            sc_v[LPW + i, pl.ds(D, 16)] = onehot

    plsc.subcore_barrier()

    hs = [pltpu.async_copy(sc_v.at[pl.ds(j * 64, 64)],
                           ssum.at[lab_v.at[j // 4, pl.ds((j % 4) * 64, 64)]],
                           sem, add=True)
          for j in range(NCHUNK)]
    for h in hs:
        h.wait()
    plsc.subcore_barrier()

    pltpu.sync_copy(ssum.at[pl.ds(sid * rows, rows)],
                    st_hbm.at[cid, pl.ds(sid * rows, rows)])


_segsum_call = functools.partial(
    pl.kernel, _segsum_body,
    out_type=jax.ShapeDtypeStruct((NC, C1, TW), jnp.float32),
    mesh=_SC_MESH,
    scratch_types=[
        pltpu.VMEM((LPW, 128), jnp.float32),
        pltpu.VMEM((RPW, TW), jnp.float32),
        pltpu.VMEM((2, LPW), jnp.int32),
        pltpu.VMEM_SHARED((C1, TW), jnp.float32),
        pltpu.SemaphoreType.DMA,
    ],
    compiler_params=_SC_PARAMS,
)()


def _centroid_body(st_ref, t_ref):
    sums = st_ref[0, :, 0:D] + st_ref[1, :, 0:D]
    counts = st_ref[0, :, D:D + 1] + st_ref[1, :, D:D + 1]
    safe = jnp.maximum(counts, 1.0)
    cen = sums / safe
    cn = jnp.maximum(jnp.sqrt(jnp.sum(cen * cen, axis=1, keepdims=True)), EPS)
    cen = cen / cn

    cen2 = cen * cen
    sq_col = jnp.sum(cen2, axis=1, keepdims=True)
    ones_row = jnp.ones((1, D), jnp.float32)
    sq_row = lax.dot_general(ones_row, cen2, (((1,), (1,)), ((), ())),
                             preferred_element_type=jnp.float32)
    g = lax.dot_general(cen, cen, (((1,), (1,)), ((), ())),
                        preferred_element_type=jnp.float32)
    d2 = jnp.maximum(sq_col + sq_row - 2.0 * g, 0.0)
    dist = jnp.sqrt(d2)
    row_i = lax.broadcasted_iota(jnp.int32, (C1, C1), 0)
    col_i = lax.broadcasted_iota(jnp.int32, (C1, C1), 1)
    dist = jnp.where((row_i == col_i) | (col_i >= C), jnp.inf, dist)
    minv = jnp.min(dist, axis=1, keepdims=True)
    nearest = jnp.min(jnp.where(dist == minv, col_i, jnp.int32(2 ** 30)),
                      axis=1, keepdims=True)

    oh_n = (col_i == nearest).astype(jnp.float32)
    c_neg = lax.dot_general(oh_n, cen, (((1,), (0,)), ((), ())),
                            preferred_element_type=jnp.float32)

    present = (counts > 0.0).astype(jnp.float32)
    den = jnp.maximum(jnp.sum(present, axis=0, keepdims=True), 1.0)
    s = present / (safe * den)
    lane = lax.broadcasted_iota(jnp.int32, (C1, 128 - D), 1)
    scale_cols = s * (lane == 0).astype(jnp.float32)
    t_ref[...] = jnp.concatenate([c_neg - cen, scale_cols], axis=1)


def _vals_body(en_hbm, lab_hbm, t_hbm, out_hbm,
               en2_v, t_rows, lab_v, acc_v, sem, sem_idx):
    cid = lax.axis_index("c")
    sid = lax.axis_index("s")
    wid = cid * NS + sid

    h1 = pltpu.async_copy(en_hbm.at[pl.ds(wid * LPW, LPW)], en2_v, sem)
    h2 = pltpu.async_copy(lab_hbm.at[pl.ds(wid * LPW, LPW)],
                          lab_v.at[0], sem_idx)
    h3 = pltpu.async_copy(lab_hbm.at[pl.ds(H + wid * LPW, LPW)],
                          lab_v.at[1], sem_idx)
    h2.wait()
    h3.wait()

    hs = [pltpu.async_copy(t_hbm.at[lab_v.at[j // 4, pl.ds((j % 4) * 64, 64)]],
                           t_rows.at[pl.ds(j * 64, 64)], sem)
          for j in range(NCHUNK)]
    h1.wait()
    for h in hs:
        h.wait()

    def body(off, g, acc):
        for k in range(16):
            i = g * 16 + k
            a = off + i
            p = en2_v[i, pl.ds(off // 4, 16)] * t_rows[a, pl.ds(0, 16)]
            for m in range(1, 4):
                p = p + (en2_v[i, pl.ds(off // 4 + m * 16, 16)]
                         * t_rows[a, pl.ds(m * 16, 16)])
            t = jnp.sum(p)
            v = jnp.maximum(t + MARGIN, 0.0)
            acc = acc + v * t_rows[a, pl.ds(D, 16)]
        return acc

    acc = lax.fori_loop(0, LPW // 16, functools.partial(body, 0),
                        jnp.zeros((16,), jnp.float32))
    acc = lax.fori_loop(0, LPW // 16, functools.partial(body, LPW), acc)
    acc_v[...] = acc
    pltpu.sync_copy(acc_v, out_hbm.at[cid, sid])


_vals_call = functools.partial(
    pl.kernel, _vals_body,
    out_type=jax.ShapeDtypeStruct((NC, NS, 16), jnp.float32),
    mesh=_SC_MESH,
    scratch_types=[
        pltpu.VMEM((LPW, 128), jnp.float32),
        pltpu.VMEM((RPW, 128), jnp.float32),
        pltpu.VMEM((2, LPW), jnp.int32),
        pltpu.VMEM((16,), jnp.float32),
        pltpu.SemaphoreType.DMA,
        pltpu.SemaphoreType.DMA,
    ],
    compiler_params=_SC_PARAMS,
)()


def _finalize_body(part_ref, out_ref):
    p = part_ref[0, :, :] + part_ref[1, :, :]
    num = jnp.sum(p, axis=0, keepdims=True)
    out_ref[...] = jnp.sum(num, axis=1, keepdims=True)


def kernel(embeddings, labels):
    en2 = pl.pallas_call(
        _norm_body,
        out_shape=jax.ShapeDtypeStruct((H, 128), jnp.float32),
    )(embeddings.T)

    z80 = jnp.zeros((C1, TW), jnp.float32)
    st = _segsum_call(en2, labels, z80)

    t = pl.pallas_call(
        _centroid_body,
        out_shape=jax.ShapeDtypeStruct((C1, 128), jnp.float32),
    )(st)

    part = _vals_call(en2, labels, t)

    out = pl.pallas_call(
        _finalize_body,
        out_shape=jax.ShapeDtypeStruct((1, 1), jnp.float32),
    )(part)
    return out[0, 0]

# --- scband reference (transcript-rebuilt; emitter-appended) ---
"""Pipeline reference for scband-centroid-triplet-loss-52956946759819 (READ-ONLY COPY).

The authoritative reference and input builder live on the scoring server;
editing this copy changes nothing except your own understanding.
"""

import jax, jax.numpy as jnp
import numpy as np

B = 16384
D = 64
C = 1000
MARGIN = 0.3
EPS = 1e-12


def setup_inputs(seed: int = 0) -> dict:
    key = jax.random.key(seed)
    k1, k2 = jax.random.split(key)
    embeddings = jax.random.normal(k1, (B, D), dtype=jnp.float32)
    labels = jax.random.randint(k2, (B,), 0, C, dtype=jnp.int32)
    return {"embeddings": embeddings, "labels": labels}


def reference(embeddings, labels):
    # L2-normalize embeddings (torch F.normalize semantics: x / max(||x||, eps))
    norm = jnp.linalg.norm(embeddings, axis=1, keepdims=True)
    emb_norm = embeddings / jnp.maximum(norm, EPS)

    # Per-class centroids over classes 0..C-1 (torch.unique returns sorted classes;
    # with this batch/class ratio every class is present)
    counts = jnp.bincount(labels, length=C)
    sums = jax.ops.segment_sum(emb_norm, labels, num_segments=C)
    safe_counts = jnp.maximum(counts, 1).astype(jnp.float32)
    centroids = sums / safe_counts[:, None]

    # Normalize centroids
    cnorm = jnp.linalg.norm(centroids, axis=1, keepdims=True)
    centroids = centroids / jnp.maximum(cnorm, EPS)

    # Pairwise centroid distances (cdist p=2); indices only -> stop_gradient
    sq = jnp.sum(centroids * centroids, axis=1)
    d2 = sq[:, None] + sq[None, :] - 2.0 * (centroids @ centroids.T)
    dist = jnp.sqrt(jnp.maximum(d2, 0.0))
    dist = jax.lax.stop_gradient(dist)
    dist = dist.at[jnp.arange(C), jnp.arange(C)].set(jnp.inf)
    nearest_neg = jnp.argmin(dist, axis=1)  # [C]

    # Per-anchor positive/negative cosine distances
    c_pos = centroids[labels]                 # [B, D] gather
    c_neg = centroids[nearest_neg[labels]]    # [B, D] gather
    d_pos = 1.0 - jnp.sum(emb_norm * c_pos, axis=1)
    d_neg = 1.0 - jnp.sum(emb_norm * c_neg, axis=1)
    vals = jax.nn.relu(d_pos - d_neg + MARGIN)

    # Per-class mean, then mean over non-empty classes
    per_class = jax.ops.segment_sum(vals, labels, num_segments=C) / safe_counts
    present = (counts > 0).astype(jnp.float32)
    loss = jnp.sum(per_class * present) / jnp.maximum(jnp.sum(present), 1.0)
    return loss

if __name__ == "__main__":
    import jax
    _d = setup_inputs()
    print(jax.jit(kernel)(*tuple(_d.values())))

</pallas_src>

<mosaic_0001>
#map = affine_map<(d0, d1) -> (0, 0)>
#map1 = affine_map<(d0, d1) -> (0)>
#map2 = affine_map<(d0, d1) -> (0, 0, 0)>
module attributes {stable_mosaic.version = 14 : i64} {
  func.func @_segsum_body(%arg0: i32, %arg1: i32, %arg2: memref<8192x128xf32, #tpu.memory_space<hbm>>, %arg3: memref<16384xi32, #tpu.memory_space<hbm>>, %arg4: memref<1024x80xf32, #tpu.memory_space<hbm>>, %arg5: memref<2x1024x80xf32, #tpu.memory_space<hbm>>, %arg6: memref<256x128xf32, #tpu.memory_space<vmem>>, %arg7: memref<512x80xf32, #tpu.memory_space<vmem>>, %arg8: memref<2x256xi32, #tpu.memory_space<vmem>>, %arg9: memref<1024x80xf32, #tpu.memory_space<vmem_shared>>, %arg10: memref<!tpu.dma_semaphore, #tpu.memory_space<semaphore_mem>>) attributes {dimension_semantics = [#tpu.dimension_semantics<core_parallel>, #tpu.dimension_semantics<subcore_parallel>], iteration_bounds = array<i64: 2, 16>, scalar_prefetch = 0 : i64, scratch_operands = 5 : i64, tpu.core_type = #tpu.core_type<sc_vector_subcore>, window_params = [{transform_indices = #map}, {transform_indices = #map1}, {transform_indices = #map}, {transform_indices = #map2}]} {
    %mul3A = arith.constant 16 : i32
    %mul3A_0 = arith.muli %arg0, %mul3A : i32
    %add3A = arith.addi %mul3A_0, %arg1 : i32
    %mul3A_1 = arith.constant 64 : i32
    %mul3A_2 = arith.muli %arg1, %mul3A_1 : i32
    %mul3A_3 = arith.constant 64 : i32
    %mul3A_4 = arith.muli %arg1, %mul3A_3 : i32
    %dma_start3A = arith.constant 0 : i32
    %dma_start3A_5 = tpu.memref_slice %arg9[%mul3A_4, %dma_start3A] : memref<1024x80xf32, #tpu.memory_space<vmem_shared>> -> memref<64x80xf32, #tpu.memory_space<vmem_shared>>
    %dma_start3A_6 = arith.constant 0 : i32
    %dma_start3A_7 = tpu.memref_slice %arg4[%mul3A_2, %dma_start3A_6] : memref<1024x80xf32, #tpu.memory_space<hbm>> -> memref<64x80xf32, #tpu.memory_space<hbm>>
    tpu.enqueue_dma source(%dma_start3A_7 : memref<64x80xf32, #tpu.memory_space<hbm>>) target(%dma_start3A_5 : memref<64x80xf32, #tpu.memory_space<vmem_shared>>) target_semaphore(%arg10 : memref<!tpu.dma_semaphore, #tpu.memory_space<semaphore_mem>>)
    %mul3A_8 = arith.constant 256 : i32
    %mul3A_9 = arith.muli %add3A, %mul3A_8 : i32
    %dma_start3A_10 = arith.constant 0 : i32
    %dma_start3A_11 = tpu.memref_slice %arg2[%mul3A_9, %dma_start3A_10] : memref<8192x128xf32, #tpu.memory_space<hbm>> -> memref<256x128xf32, #tpu.memory_space<hbm>>
    %dma_start3A_12 = arith.constant 0 : i32
    %dma_start3A_13 = tpu.memref_slice %arg2[%mul3A_9, %dma_start3A_12] : memref<8192x128xf32, #tpu.memory_space<hbm>> -> memref<256x128xf32, #tpu.memory_space<hbm>>
    tpu.enqueue_dma source(%dma_start3A_13 : memref<256x128xf32, #tpu.memory_space<hbm>>) target(%arg6 : memref<256x128xf32, #tpu.memory_space<vmem>>) target_semaphore(%arg10 : memref<!tpu.dma_semaphore, #tpu.memory_space<semaphore_mem>>)
    %mul3A_14 = arith.constant 256 : i32
    %mul3A_15 = arith.muli %add3A, %mul3A_14 : i32
    %dma_start3A_16 = arith.constant 0 : i32
    %dma_start3A_17 = arith.constant 0 : i32
    %dma_start3A_18 = tpu.memref_slice %arg8[%dma_start3A_16, %dma_start3A_17] : memref<2x256xi32, #tpu.memory_space<vmem>> -> memref<1x256xi32, #tpu.memory_space<vmem>>
    %dma_start3A_19 = tpu.memref_squeeze %dma_start3A_18 : memref<1x256xi32, #tpu.memory_space<vmem>> -> memref<256xi32, #tpu.memory_space<vmem>>
    %dma_start3A_20 = tpu.memref_slice %arg3[%mul3A_15] : memref<16384xi32, #tpu.memory_space<hbm>> -> memref<256xi32, #tpu.memory_space<hbm>>
    %dma_start3A_21 = arith.constant 0 : i32
    %dma_start3A_22 = tpu.memref_slice %arg8[%dma_start3A_16, %dma_start3A_21] : memref<2x256xi32, #tpu.memory_space<vmem>> -> memref<1x256xi32, #tpu.memory_space<vmem>>
    %dma_start3A_23 = tpu.memref_squeeze %dma_start3A_22 : memref<1x256xi32, #tpu.memory_space<vmem>> -> memref<256xi32, #tpu.memory_space<vmem>>
    %dma_start3A_24 = tpu.memref_slice %arg3[%mul3A_15] : memref<16384xi32, #tpu.memory_space<hbm>> -> memref<256xi32, #tpu.memory_space<hbm>>
    tpu.enqueue_dma source(%dma_start3A_24 : memref<256xi32, #tpu.memory_space<hbm>>) target(%dma_start3A_23 : memref<256xi32, #tpu.memory_space<vmem>>) target_semaphore(%arg10 : memref<!tpu.dma_semaphore, #tpu.memory_space<semaphore_mem>>)
    %mul3A_25 = arith.constant 256 : i32
    %mul3A_26 = arith.muli %add3A, %mul3A_25 : i32
    %add3A_27 = arith.constant 8192 : i32
    %add3A_28 = arith.addi %add3A_27, %mul3A_26 : i32
    %dma_start3A_29 = arith.constant 1 : i32
    %dma_start3A_30 = arith.constant 0 : i32
    %dma_start3A_31 = tpu.memref_slice %arg8[%dma_start3A_29, %dma_start3A_30] : memref<2x256xi32, #tpu.memory_space<vmem>> -> memref<1x256xi32, #tpu.memory_space<vmem>>
    %dma_start3A_32 = tpu.memref_squeeze %dma_start3A_31 : memref<1x256xi32, #tpu.memory_space<vmem>> -> memref<256xi32, #tpu.memory_space<vmem>>
    %dma_start3A_33 = tpu.memref_slice %arg3[%add3A_28] : memref<16384xi32, #tpu.memory_space<hbm>> -> memref<256xi32, #tpu.memory_space<hbm>>
    %dma_start3A_34 = arith.constant 0 : i32
    %dma_start3A_35 = tpu.memref_slice %arg8[%dma_start3A_29, %dma_start3A_34] : memref<2x256xi32, #tpu.memory_space<vmem>> -> memref<1x256xi32, #tpu.memory_space<vmem>>
    %dma_start3A_36 = tpu.memref_squeeze %dma_start3A_35 : memref<1x256xi32, #tpu.memory_space<vmem>> -> memref<256xi32, #tpu.memory_space<vmem>>
    %dma_start3A_37 = tpu.memref_slice %arg3[%add3A_28] : memref<16384xi32, #tpu.memory_space<hbm>> -> memref<256xi32, #tpu.memory_space<hbm>>
    tpu.enqueue_dma source(%dma_start3A_37 : memref<256xi32, #tpu.memory_space<hbm>>) target(%dma_start3A_36 : memref<256xi32, #tpu.memory_space<vmem>>) target_semaphore(%arg10 : memref<!tpu.dma_semaphore, #tpu.memory_space<semaphore_mem>>)
    %dma_wait3A = arith.constant 0 : i32
    %dma_wait3A_38 = tpu.memref_slice %arg9[%mul3A_4, %dma_wait3A] : memref<1024x80xf32, #tpu.memory_space<vmem_shared>> -> memref<64x80xf32, #tpu.memory_space<vmem_shared>>
    %dma_wait3A_39 = arith.constant 0 : i32
    %dma_wait3A_40 = tpu.memref_slice %arg4[%mul3A_2, %dma_wait3A_39] : memref<1024x80xf32, #tpu.memory_space<hbm>> -> memref<64x80xf32, #tpu.memory_space<hbm>>
    tpu.wait_dma2 semaphore(%arg10 : memref<!tpu.dma_semaphore, #tpu.memory_space<semaphore_mem>>) src(%dma_wait3A_40 : memref<64x80xf32, #tpu.memory_space<hbm>>) dst(%dma_wait3A_38 : memref<64x80xf32, #tpu.memory_space<vmem_shared>>)
    %dma_wait3A_41 = arith.constant 0 : i32
    %dma_wait3A_42 = tpu.memref_slice %arg2[%mul3A_9, %dma_wait3A_41] : memref<8192x128xf32, #tpu.memory_space<hbm>> -> memref<256x128xf32, #tpu.memory_space<hbm>>
    %dma_wait3A_43 = arith.constant 0 : i32
    %dma_wait3A_44 = tpu.memref_slice %arg2[%mul3A_9, %dma_wait3A_43] : memref<8192x128xf32, #tpu.memory_space<hbm>> -> memref<256x128xf32, #tpu.memory_space<hbm>>
    tpu.wait_dma2 semaphore(%arg10 : memref<!tpu.dma_semaphore, #tpu.memory_space<semaphore_mem>>) src(%dma_wait3A_44 : memref<256x128xf32, #tpu.memory_space<hbm>>) dst(%arg6 : memref<256x128xf32, #tpu.memory_space<vmem>>)
    %dma_wait3A_45 = arith.constant 0 : i32
    %dma_wait3A_46 = arith.constant 0 : i32
    %dma_wait3A_47 = tpu.memref_slice %arg8[%dma_wait3A_45, %dma_wait3A_46] : memref<2x256xi32, #tpu.memory_space<vmem>> -> memref<1x256xi32, #tpu.memory_space<vmem>>
    %dma_wait3A_48 = tpu.memref_squeeze %dma_wait3A_47 : memref<1x256xi32, #tpu.memory_space<vmem>> -> memref<256xi32, #tpu.memory_space<vmem>>
    %dma_wait3A_49 = tpu.memref_slice %arg3[%mul3A_15] : memref<16384xi32, #tpu.memory_space<hbm>> -> memref<256xi32, #tpu.memory_space<hbm>>
    %dma_wait3A_50 = arith.constant 0 : i32
    %dma_wait3A_51 = tpu.memref_slice %arg8[%dma_wait3A_45, %dma_wait3A_50] : memref<2x256xi32, #tpu.memory_space<vmem>> -> memref<1x256xi32, #tpu.memory_space<vmem>>
    %dma_wait3A_52 = tpu.memref_squeeze %dma_wait3A_51 : memref<1x256xi32, #tpu.memory_space<vmem>> -> memref<256xi32, #tpu.memory_space<vmem>>
    %dma_wait3A_53 = tpu.memref_slice %arg3[%mul3A_15] : memref<16384xi32, #tpu.memory_space<hbm>> -> memref<256xi32, #tpu.memory_space<hbm>>
    tpu.wait_dma2 semaphore(%arg10 : memref<!tpu.dma_semaphore, #tpu.memory_space<semaphore_mem>>) src(%dma_wait3A_53 : memref<256xi32, #tpu.memory_space<hbm>>) dst(%dma_wait3A_52 : memref<256xi32, #tpu.memory_space<vmem>>)
    %dma_wait3A_54 = arith.constant 1 : i32
    %dma_wait3A_55 = arith.constant 0 : i32
    %dma_wait3A_56 = tpu.memref_slice %arg8[%dma_wait3A_54, %dma_wait3A_55] : memref<2x256xi32, #tpu.memory_space<vmem>> -> memref<1x256xi32, #tpu.memory_space<vmem>>
    %dma_wait3A_57 = tpu.memref_squeeze %dma_wait3A_56 : memref<1x256xi32, #tpu.memory_space<vmem>> -> memref<256xi32, #tpu.memory_space<vmem>>
    %dma_wait3A_58 = tpu.memref_slice %arg3[%add3A_28] : memref<16384xi32, #tpu.memory_space<hbm>> -> memref<256xi32, #tpu.memory_space<hbm>>
    %dma_wait3A_59 = arith.constant 0 : i32
    %dma_wait3A_60 = tpu.memref_slice %arg8[%dma_wait3A_54, %dma_wait3A_59] : memref<2x256xi32, #tpu.memory_space<vmem>> -> memref<1x256xi32, #tpu.memory_space<vmem>>
    %dma_wait3A_61 = tpu.memref_squeeze %dma_wait3A_60 : memref<1x256xi32, #tpu.memory_space<vmem>> -> memref<256xi32, #tpu.memory_space<vmem>>
    %dma_wait3A_62 = tpu.memref_slice %arg3[%add3A_28] : memref<16384xi32, #tpu.memory_space<hbm>> -> memref<256xi32, #tpu.memory_space<hbm>>
    tpu.wait_dma2 semaphore(%arg10 : memref<!tpu.dma_semaphore, #tpu.memory_space<semaphore_mem>>) src(%dma_wait3A_62 : memref<256xi32, #tpu.memory_space<hbm>>) dst(%dma_wait3A_61 : memref<256xi32, #tpu.memory_space<vmem>>)
    %iota3A = tpu.iota {dimensions = array<i32: 0>} : vector<16xi32>
    %eq3A = arith.constant 0 : i32
    %eq3A_63 = vector.broadcast %eq3A : i32 to vector<16xi32>
    %eq3A_64 = arith.cmpi eq, %iota3A, %eq3A_63 : vector<16xi32>
    %convert_element_type3A = arith.extui %eq3A_64 : vector<16xi1> to vector<16xi32>
    %convert_element_type3A_65 = arith.sitofp %convert_element_type3A : vector<16xi32> to vector<16xf32>
    %scan3A = arith.constant 0 : i32
    %scan3A_66 = arith.constant 16 : i32
    %scan3A_67 = arith.addi %scan3A, %scan3A_66 : i32
    %scan3A_68 = arith.constant 1 : i32
    scf.for %scan3A_235 = %scan3A to %scan3A_67 step %scan3A_68  : i32 {
      %mul3A_236 = arith.constant 1 : i32
      %mul3A_237 = arith.muli %scan3A_235, %mul3A_236 : i32
      %add3A_238 = arith.constant 0 : i32
      %add3A_239 = arith.addi %add3A_238, %mul3A_237 : i32
      %mul3A_240 = arith.constant 16 : i32
      %mul3A_241 = arith.muli %add3A_239, %mul3A_240 : i32
      %add3A_242 = arith.constant 0 : i32
      %add3A_243 = arith.addi %mul3A_241, %add3A_242 : i32
      %get3A = arith.index_cast %add3A_243 : i32 to index
      %get3A_244 = arith.constant 0 : index
      %get3A_245 = tpu.vector_load %arg6[%get3A, %get3A_244] {strides = array<i32>} : memref<256x128xf32, #tpu.memory_space<vmem>>, vector<16xf32>,
      %swap3A = arith.index_cast %add3A_243 : i32 to index
      %swap3A_246 = arith.constant 0 : index
      %swap3A_247 = tpu.vector_load %arg7[%swap3A, %swap3A_246] {strides = array<i32>} : memref<512x80xf32, #tpu.memory_space<vmem>>, vector<16xf32>,
      tpu.vector_store %arg7[%swap3A, %swap3A_246], %get3A_245 {strides = array<i32>} : memref<512x80xf32, #tpu.memory_space<vmem>>, vector<16xf32>,
      %get3A_248 = arith.index_cast %add3A_243 : i32 to index
      %get3A_249 = arith.constant 64 : index
      %get3A_250 = tpu.vector_load %arg6[%get3A_248, %get3A_249] {strides = array<i32>} : memref<256x128xf32, #tpu.memory_space<vmem>>, vector<16xf32>,
      %add3A_251 = arith.constant 256 : i32
      %add3A_252 = arith.addi %add3A_251, %add3A_243 : i32
      %swap3A_253 = arith.index_cast %add3A_252 : i32 to index
      %swap3A_254 = arith.constant 0 : index
      %swap3A_255 = tpu.vector_load %arg7[%swap3A_253, %swap3A_254] {strides = array<i32>} : memref<512x80xf32, #tpu.memory_space<vmem>>, vector<16xf32>,
      tpu.vector_store %arg7[%swap3A_253, %swap3A_254], %get3A_250 {strides = array<i32>} : memref<512x80xf32, #tpu.memory_space<vmem>>, vector<16xf32>,
      %get3A_256 = arith.index_cast %add3A_243 : i32 to index
      %get3A_257 = arith.constant 16 : index
      %get3A_258 = tpu.vector_load %arg6[%get3A_256, %get3A_257] {strides = array<i32>} : memref<256x128xf32, #tpu.memory_space<vmem>>, vector<16xf32>,
      %swap3A_259 = arith.index_cast %add3A_243 : i32 to index
      %swap3A_260 = arith.constant 16 : index
      %swap3A_261 = tpu.vector_load %arg7[%swap3A_259, %swap3A_260] {strides = array<i32>} : memref<512x80xf32, #tpu.memory_space<vmem>>, vector<16xf32>,
      tpu.vector_store %arg7[%swap3A_259, %swap3A_260], %get3A_258 {strides = array<i32>} : memref<512x80xf32, #tpu.memory_space<vmem>>, vector<16xf32>,
      %get3A_262 = arith.index_cast %add3A_243 : i32 to index
      %get3A_263 = arith.constant 80 : index
      %get3A_264 = tpu.vector_load %arg6[%get3A_262, %get3A_263] {strides = array<i32>} : memref<256x128xf32, #tpu.memory_space<vmem>>, vector<16xf32>,
      %add3A_265 = arith.constant 256 : i32
      %add3A_266 = arith.addi %add3A_265, %add3A_243 : i32
      %swap3A_267 = arith.index_cast %add3A_266 : i32 to index
      %swap3A_268 = arith.constant 16 : index
      %swap3A_269 = tpu.vector_load %arg7[%swap3A_267, %swap3A_268] {strides = array<i32>} : memref<512x80xf32, #tpu.memory_space<vmem>>, vector<16xf32>,
      tpu.vector_store %arg7[%swap3A_267, %swap3A_268], %get3A_264 {strides = array<i32>} : memref<512x80xf32, #tpu.memory_space<vmem>>, vector<16xf32>,
      %get3A_270 = arith.index_cast %add3A_243 : i32 to index
      %get3A_271 = arith.constant 32 : index
      %get3A_272 = tpu.vector_load %arg6[%get3A_270, %get3A_271] {strides = array<i32>} : memref<256x128xf32, #tpu.memory_space<vmem>>, vector<16xf32>,
      %swap3A_273 = arith.index_cast %add3A_243 : i32 to index
      %swap3A_274 = arith.constant 32 : index
      %swap3A_275 = tpu.vector_load %arg7[%swap3A_273, %swap3A_274] {strides = array<i32>} : memref<512x80xf32, #tpu.memory_space<vmem>>, vector<16xf32>,
      tpu.vector_store %arg7[%swap3A_273, %swap3A_274], %get3A_272 {strides = array<i32>} : memref<512x80xf32, #tpu.memory_space<vmem>>, vector<16xf32>,
      %get3A_276 = arith.index_cast %add3A_243 : i32 to index
      %get3A_277 = arith.constant 96 : index
      %get3A_278 = tpu.vector_load %arg6[%get3A_276, %get3A_277] {strides = array<i32>} : memref<256x128xf32, #tpu.memory_space<vmem>>, vector<16xf32>,
      %add3A_279 = arith.constant 256 : i32
      %add3A_280 = arith.addi %add3A_279, %add3A_243 : i32
      %swap3A_281 = arith.index_cast %add3A_280 : i32 to index
      %swap3A_282 = arith.constant 32 : index
      %swap3A_283 = tpu.vector_load %arg7[%swap3A_281, %swap3A_282] {strides = array<i32>} : memref<512x80xf32, #tpu.memory_space<vmem>>, vector<16xf32>,
      tpu.vector_store %arg7[%swap3A_281, %swap3A_282], %get3A_278 {strides = array<i32>} : memref<512x80xf32, #tpu.memory_space<vmem>>, vector<16xf32>,
      %get3A_284 = arith.index_cast %add3A_243 : i32 to index
      %get3A_285 = arith.constant 48 : index
      %get3A_286 = tpu.vector_load %arg6[%get3A_284, %get3A_285] {strides = array<i32>} : memref<256x128xf32, #tpu.memory_space<vmem>>, vector<16xf32>,
      %swap3A_287 = arith.index_cast %add3A_243 : i32 to index
      %swap3A_288 = arith.constant 48 : index
      %swap3A_289 = tpu.vector_load %arg7[%swap3A_287, %swap3A_288] {strides = array<i32>} : memref<512x80xf32, #tpu.memory_space<vmem>>, vector<16xf32>,
      tpu.vector_store %arg7[%swap3A_287, %swap3A_288], %get3A_286 {strides = array<i32>} : memref<512x80xf32, #tpu.memory_space<vmem>>, vector<16xf32>,
      %get3A_290 = arith.index_cast %add3A_243 : i32 to index
      %get3A_291 = arith.constant 112 : index
      %get3A_292 = tpu.vector_load %arg6[%get3A_290, %get3A_291] {strides = array<i32>} : memref<256x128xf32, #tpu.memory_space<vmem>>, vector<16xf32>,
      %add3A_293 = arith.constant 256 : i32
      %add3A_294 = arith.addi %add3A_293, %add3A_243 : i32
      %swap3A_295 = arith.index_cast %add3A_294 : i32 to index
      %swap3A_296 = arith.constant 48 : index
      %swap3A_297 = tpu.vector_load %arg7[%swap3A_295, %swap3A_296] {strides = array<i32>} : memref<512x80xf32, #tpu.memory_space<vmem>>, vector<16xf32>,
      tpu.vector_store %arg7[%swap3A_295, %swap3A_296], %get3A_292 {strides = array<i32>} : memref<512x80xf32, #tpu.memory_space<vmem>>, vector<16xf32>,
      %swap3A_298 = arith.index_cast %add3A_243 : i32 to index
      %swap3A_299 = arith.constant 64 : index
      %swap3A_300 = tpu.vector_load %arg7[%swap3A_298, %swap3A_299] {strides = array<i32>} : memref<512x80xf32, #tpu.memory_space<vmem>>, vector<16xf32>,
      tpu.vector_store %arg7[%swap3A_298, %swap3A_299], %convert_element_type3A_65 {strides = array<i32>} : memref<512x80xf32, #tpu.memory_space<vmem>>, vector<16xf32>,
      %add3A_301 = arith.constant 256 : i32
      %add3A_302 = arith.addi %add3A_301, %add3A_243 : i32
      %swap3A_303 = arith.index_cast %add3A_302 : i32 to index
      %swap3A_304 = arith.constant 64 : index
      %swap3A_305 = tpu.vector_load %arg7[%swap3A_303, %swap3A_304] {strides = array<i32>} : memref<512x80xf32, #tpu.memory_space<vmem>>, vector<16xf32>,
      tpu.vector_store %arg7[%swap3A_303, %swap3A_304], %convert_element_type3A_65 {strides = array<i32>} : memref<512x80xf32, #tpu.memory_space<vmem>>, vector<16xf32>,
      %mul3A_306 = arith.constant 16 : i32
      %mul3A_307 = arith.muli %add3A_239, %mul3A_306 : i32
      %add3A_308 = arith.constant 1 : i32
      %add3A_309 = arith.addi %mul3A_307, %add3A_308 : i32
      %get3A_310 = arith.index_cast %add3A_309 : i32 to index
      %get3A_311 = arith.constant 0 : index
      %get3A_312 = tpu.vector_load %arg6[%get3A_310, %get3A_311] {strides = array<i32>} : memref<256x128xf32, #tpu.memory_space<vmem>>, vector<16xf32>,
      %swap3A_313 = arith.index_cast %add3A_309 : i32 to index
      %swap3A_314 = arith.constant 0 : index
      %swap3A_315 = tpu.vector_load %arg7[%swap3A_313, %swap3A_314] {strides = array<i32>} : memref<512x80xf32, #tpu.memory_space<vmem>>, vector<16xf32>,
      tpu.vector_store %arg7[%swap3A_313, %swap3A_314], %get3A_312 {strides = array<i32>} : memref<512x80xf32, #tpu.memory_space<vmem>>, vector<16xf32>,
      %get3A_316 = arith.index_cast %add3A_309 : i32 to index
      %get3A_317 = arith.constant 64 : index
      %get3A_318 = tpu.vector_load %arg6[%get3A_316, %get3A_317] {strides = array<i32>} : memref<256x128xf32, #tpu.memory_space<vmem>>, vector<16xf32>,
      %add3A_319 = arith.constant 256 : i32
      %add3A_320 = arith.addi %add3A_319, %add3A_309 : i32
      %swap3A_321 = arith.index_cast %add3A_320 : i32 to index
      %swap3A_322 = arith.constant 0 : index
      %swap3A_323 = tpu.vector_load %arg7[%swap3A_321, %swap3A_322] {strides = array<i32>} : memref<512x80xf32, #tpu.memory_space<vmem>>, vector<16xf32>,
      tpu.vector_store %arg7[%swap3A_321, %swap3A_322], %get3A_318 {strides = array<i32>} : memref<512x80xf32, #tpu.memory_space<vmem>>, vector<16xf32>,
      %get3A_324 = arith.index_cast %add3A_309 : i32 to index
      %get3A_325 = arith.constant 16 : index
      %get3A_326 = tpu.vector_load %arg6[%get3A_324, %get3A_325] {strides = array<i32>} : memref<256x128xf32, #tpu.memory_space<vmem>>, vector<16xf32>,
      %swap3A_327 = arith.index_cast %add3A_309 : i32 to index
      %swap3A_328 = arith.constant 16 : index
      %swap3A_329 = tpu.vector_load %arg7[%swap3A_327, %swap3A_328] {strides = array<i32>} : memref<512x80xf32, #tpu.memory_space<vmem>>, vector<16xf32>,
      tpu.vector_store %arg7[%swap3A_327, %swap3A_328], %get3A_326 {strides = array<i32>} : memref<512x80xf32, #tpu.memory_space<vmem>>, vector<16xf32>,
      %get3A_330 = arith.index_cast %add3A_309 : i32 to index
      %get3A_331 = arith.constant 80 : index
      %get3A_332 = tpu.vector_load %arg6[%get3A_330, %get3A_331] {strides = array<i32>} : memref<256x128xf32, #tpu.memory_space<vmem>>, vector<16xf32>,
      %add3A_333 = arith.constant 256 : i32
      %add3A_334 = arith.addi %add3A_333, %add3A_309 : i32
      %swap3A_335 = arith.index_cast %add3A_334 : i32 to index
      %swap3A_336 = arith.constant 16 : index
      %swap3A_337 = tpu.vector_load %arg7[%swap3A_335, %swap3A_336] {strides = array<i32>} : memref<512x80xf32, #tpu.memory_space<vmem>>, vector<16xf32>,
      tpu.vector_store %arg7[%swap3A_335, %swap3A_336], %get3A_332 {strides = array<i32>} : memref<512x80xf32, #tpu.memory_space<vmem>>, vector<16xf32>,
      %get3A_338 = arith.index_cast %add3A_309 : i32 to index
      %get3A_339 = arith.constant 32 : index
      %get3A_340 = tpu.vector_load %arg6[%get3A_338, %get3A_339] {strides = array<i32>} : memref<256x128xf32, #tpu.memory_space<vmem>>, vector<16xf32>,
      %swap3A_341 = arith.index_cast %add3A_309 : i32 to index
      %swap3A_342 = arith.constant 32 : index
      %swap3A_343 = tpu.vector_load %arg7[%swap3A_341, %swap3A_342] {strides = array<i32>} : memref<512x80xf32, #tpu.memory_space<vmem>>, vector<16xf32>,
      tpu.vector_store %arg7[%swap3A_341, %swap3A_342], %get3A_340 {strides = array<i32>} : memref<512x80xf32, #tpu.memory_space<vmem>>, vector<16xf32>,
      %get3A_344 = arith.index_cast %add3A_309 : i32 to index
      %get3A_345 = arith.constant 96 : index
      %get3A_346 = tpu.vector_load %arg6[%get3A_344, %get3A_345] {strides = array<i32>} : memref<256x128xf32, #tpu.memory_space<vmem>>, vector<16xf32>,
      %add3A_347 = arith.constant 256 : i32
      %add3A_348 = arith.addi %add3A_347, %add3A_309 : i32
      %swap3A_349 = arith.index_cast %add3A_348 : i32 to index
      %swap3A_350 = arith.constant 32 : index
      %swap3A_351 = tpu.vector_load %arg7[%swap3A_349, %swap3A_350] {strides = array<i32>} : memref<512x80xf32, #tpu.memory_space<vmem>>, vector<16xf32>,
      tpu.vector_store %arg7[%swap3A_349, %swap3A_350], %get3A_346 {strides = array<i32>} : memref<512x80xf32, #tpu.memory_space<vmem>>, vector<16xf32>,
      %get3A_352 = arith.index_cast %add3A_309 : i32 to index
      %get3A_353 = arith.constant 48 : index
      %get3A_354 = tpu.vector_load %arg6[%get3A_352, %get3A_353] {strides = array<i32>} : memref<256x128xf32, #tpu.memory_space<vmem>>, vector<16xf32>,
      %swap3A_355 = arith.index_cast %add3A_309 : i32 to index
      %swap3A_356 = arith.constant 48 : index
      %swap3A_357 = tpu.vector_load %arg7[%swap3A_355, %swap3A_356] {strides = array<i32>} : memref<512x80xf32, #tpu.memory_space<vmem>>, vector<16xf32>,
      tpu.vector_store %arg7[%swap3A_355, %swap3A_356], %get3A_354 {strides = array<i32>} : memref<512x80xf32, #tpu.memory_space<vmem>>, vector<16xf32>,
      %get3A_358 = arith.index_cast %add3A_309 : i32 to index
      %get3A_359 = arith.constant 112 : index
      %get3A_360 = tpu.vector_load %arg6[%get3A_358, %get3A_359] {strides = array<i32>} : memref<256x128xf32, #tpu.memory_space<vmem>>, vector<16xf32>,
      %add3A_361 = arith.constant 256 : i32
      %add3A_362 = arith.addi %add3A_361, %add3A_309 : i32
      %swap3A_363 = arith.index_cast %add3A_362 : i32 to index
      %swap3A_364 = arith.constant 48 : index
      %swap3A_365 = tpu.vector_load %arg7[%swap3A_363, %swap3A_364] {strides = array<i32>} : memref<512x80xf32, #tpu.memory_space<vmem>>, vector<16xf32>,
      tpu.vector_store %arg7[%swap3A_363, %swap3A_364], %get3A_360 {strides = array<i32>} : memref<512x80xf32, #tpu.memory_space<vmem>>, vector<16xf32>,
      %swap3A_366 = arith.index_cast %add3A_309 : i32 to index
      %swap3A_367 = arith.constant 64 : index
      %swap3A_368 = tpu.vector_load %arg7[%swap3A_366, %swap3A_367] {strides = array<i32>} : memref<512x80xf32, #tpu.memory_space<vmem>>, vector<16xf32>,
      tpu.vector_store %arg7[%swap3A_366, %swap3A_367], %convert_element_type3A_65 {strides = array<i32>} : memref<512x80xf32, #tpu.memory_space<vmem>>, vector<16xf32>,
      %add3A_369 = arith.constant 256 : i32
      %add3A_370 = arith.addi %add3A_369, %add3A_309 : i32
      %swap3A_371 = arith.index_cast %add3A_370 : i32 to index
      %swap3A_372 = arith.constant 64 : index
      %swap3A_373 = tpu.vector_load %arg7[%swap3A_371, %swap3A_372] {strides = array<i32>} : memref<512x80xf32, #tpu.memory_space<vmem>>, vector<16xf32>,
      tpu.vector_store %arg7[%swap3A_371, %swap3A_372], %convert_element_type3A_65 {strides = array<i32>} : memref<512x80xf32, #tpu.memory_space<vmem>>, vector<16xf32>,
      %mul3A_374 = arith.constant 16 : i32
      %mul3A_375 = arith.muli %add3A_239, %mul3A_374 : i32
      %add3A_376 = arith.constant 2 : i32
      %add3A_377 = arith.addi %mul3A_375, %add3A_376 : i32
      %get3A_378 = arith.index_cast %add3A_377 : i32 to index
      %get3A_379 = arith.constant 0 : index
      %get3A_380 = tpu.vector_load %arg6[%get3A_378, %get3A_379] {strides = array<i32>} : memref<256x128xf32, #tpu.memory_space<vmem>>, vector<16xf32>,
      %swap3A_381 = arith.index_cast %add3A_377 : i32 to index
      %swap3A_382 = arith.constant 0 : index
      %swap3A_383 = tpu.vector_load %arg7[%swap3A_381, %swap3A_382] {strides = array<i32>} : memref<512x80xf32, #tpu.memory_space<vmem>>, vector<16xf32>,
      tpu.vector_store %arg7[%swap3A_381, %swap3A_382], %get3A_380 {strides = array<i32>} : memref<512x80xf32, #tpu.memory_space<vmem>>, vector<16xf32>,
      %get3A_384 = arith.index_cast %add3A_377 : i32 to index
      %get3A_385 = arith.constant 64 : index
      %get3A_386 = tpu.vector_load %arg6[%get3A_384, %get3A_385] {strides = array<i32>} : memref<256x128xf32, #tpu.memory_space<vmem>>, vector<16xf32>,
      %add3A_387 = arith.constant 256 : i32
      %add3A_388 = arith.addi %add3A_387, %add3A_377 : i32
      %swap3A_389 = arith.index_cast %add3A_388 : i32 to index
      %swap3A_390 = arith.constant 0 : index
      %swap3A_391 = tpu.vector_load %arg7[%swap3A_389, %swap3A_390] {strides = array<i32>} : memref<512x80xf32, #tpu.memory_space<vmem>>, vector<16xf32>,
      tpu.vector_store %arg7[%swap3A_389, %swap3A_390], %get3A_386 {strides = array<i32>} : memref<512x80xf32, #tpu.memory_space<vmem>>, vector<16xf32>,
      %get3A_392 = arith.index_cast %add3A_377 : i32 to index
      %get3A_393 = arith.constant 16 : index
      %get3A_394 = tpu.vector_load %arg6[%get3A_392, %get3A_393] {strides = array<i32>} : memref<256x128xf32, #tpu.memory_space<vmem>>, vector<16xf32>,
      %swap3A_395 = arith.index_cast %add3A_377 : i32 to index
      %swap3A_396 = arith.constant 16 : index
      %swap3A_397 = tpu.vector_load %arg7[%swap3A_395, %swap3A_396] {strides = array<i32>} : memref<512x80xf32, #tpu.memory_space<vmem>>, vector<16xf32>,
      tpu.vector_store %arg7[%swap3A_395, %swap3A_396], %get3A_394 {strides = array<i32>} : memref<512x80xf32, #tpu.memory_space<vmem>>, vector<16xf32>,
      %get3A_398 = arith.index_cast %add3A_377 : i32 to index
      %get3A_399 = arith.constant 80 : index
      %get3A_400 = tpu.vector_load %arg6[%get3A_398, %get3A_399] {strides = array<i32>} : memref<256x128xf32, #tpu.memory_space<vmem>>, vector<16xf32>,
      %add3A_401 = arith.constant 256 : i32
      %add3A_402 = arith.addi %add3A_401, %add3A_377 : i32
      %swap3A_403 = arith.index_cast %add3A_402 : i32 to index
      %swap3A_404 = arith.constant 16 : index
      %swap3A_405 = tpu.vector_load %arg7[%swap3A_403, %swap3A_404] {strides = array<i32>} : memref<512x80xf32, #tpu.memory_space<vmem>>, vector<16xf32>,
      tpu.vector_store %arg7[%swap3A_403, %swap3A_404], %get3A_400 {strides = array<i32>} : memref<512x80xf32, #tpu.memory_space<vmem>>, vector<16xf32>,
      %get3A_406 = arith.index_cast %add3A_377 : i32 to index
      %get3A_407 = arith.constant 32 : index
      %get3A_408 = tpu.vector_load %arg6[%get3A_406, %get3A_407] {strides = array<i32>} : memref<256x128xf32, #tpu.memory_space<vmem>>, vector<16xf32>,
      %swap3A_409 = arith.index_cast %add3A_377 : i32 to index
      %swap3A_410 = arith.constant 32 : index
      %swap3A_411 = tpu.vector_load %arg7[%swap3A_409, %swap3A_410] {strides = array<i32>} : memref<512x80xf32, #tpu.memory_space<vmem>>, vector<16xf32>,
      tpu.vector_store %arg7[%swap3A_409, %swap3A_410], %get3A_408 {strides = array<i32>} : memref<512x80xf32, #tpu.memory_space<vmem>>, vector<16xf32>,
      %get3A_412 = arith.index_cast %add3A_377 : i32 to index
      %get3A_413 = arith.constant 96 : index
      %get3A_414 = tpu.vector_load %arg6[%get3A_412, %get3A_413] {strides = array<i32>} : memref<256x128xf32, #tpu.memory_space<vmem>>, vector<16xf32>,
      %add3A_415 = arith.constant 256 : i32
      %add3A_416 = arith.addi %add3A_415, %add3A_377 : i32
      %swap3A_417 = arith.index_cast %add3A_416 : i32 to index
      %swap3A_418 = arith.constant 32 : index
      %swap3A_419 = tpu.vector_load %arg7[%swap3A_417, %swap3A_418] {strides = array<i32>} : memref<512x80xf32, #tpu.memory_space<vmem>>, vector<16xf32>,
      tpu.vector_store %arg7[%swap3A_417, %swap3A_418], %get3A_414 {strides = array<i32>} : memref<512x80xf32, #tpu.memory_space<vmem>>, vector<16xf32>,
      %get3A_420 = arith.index_cast %add3A_377 : i32 to index
      %get3A_421 = arith.constant 48 : index
      %get3A_422 = tpu.vector_load %arg6[%get3A_420, %get3A_421] {strides = array<i32>} : memref<256x128xf32, #tpu.memory_space<vmem>>, vector<16xf32>,
      %swap3A_423 = arith.index_cast %add3A_377 : i32 to index
      %swap3A_424 = arith.constant 48 : index
      %swap3A_425 = tpu.vector_load %arg7[%swap3A_423, %swap3A_424] {strides = array<i32>} : memref<512x80xf32, #tpu.memory_space<vmem>>, vector<16xf32>,
      tpu.vector_store %arg7[%swap3A_423, %swap3A_424], %get3A_422 {strides = array<i32>} : memref<512x80xf32, #tpu.memory_space<vmem>>, vector<16xf32>,
      %get3A_426 = arith.index_cast %add3A_377 : i32 to index
      %get3A_427 = arith.constant 112 : index
      %get3A_428 = tpu.vector_load %arg6[%get3A_426, %get3A_427] {strides = array<i32>} : memref<256x128xf32, #tpu.memory_space<vmem>>, vector<16xf32>,
      %add3A_429 = arith.constant 256 : i32
      %add3A_430 = arith.addi %add3A_429, %add3A_377 : i32
      %swap3A_431 = arith.index_cast %add3A_430 : i32 to index
      %swap3A_432 = arith.constant 48 : index
      %swap3A_433 = tpu.vector_load %arg7[%swap3A_431, %swap3A_432] {strides = array<i32>} : memref<512x80xf32, #tpu.memory_space<vmem>>, vector<16xf32>,
      tpu.vector_store %arg7[%swap3A_431, %swap3A_432], %get3A_428 {strides = array<i32>} : memref<512x80xf32, #tpu.memory_space<vmem>>, vector<16xf32>,
      %swap3A_434 = arith.index_cast %add3A_377 : i32 to index
      %swap3A_435 = arith.constant 64 : index
      %swap3A_436 = tpu.vector_load %arg7[%swap3A_434, %swap3A_435] {strides = array<i32>} : memref<512x80xf32, #tpu.memory_space<vmem>>, vector<16xf32>,
      tpu.vector_store %arg7[%swap3A_434, %swap3A_435], %convert_element_type3A_65 {strides = array<i32>} : memref<512x80xf32, #tpu.memory_space<vmem>>, vector<16xf32>,
      %add3A_437 = arith.constant 256 : i32
      %add3A_438 = arith.addi %add3A_437, %add3A_377 : i32
      %swap3A_439 = arith.index_cast %add3A_438 : i32 to index
      %swap3A_440 = arith.constant 64 : index
      %swap3A_441 = tpu.vector_load %arg7[%swap3A_439, %swap3A_440] {strides = array<i32>} : memref<512x80xf32, #tpu.memory_space<vmem>>, vector<16xf32>,
      tpu.vector_store %arg7[%swap3A_439, %swap3A_440], %convert_element_type3A_65 {strides = array<i32>} : memref<512x80xf32, #tpu.memory_space<vmem>>, vector<16xf32>,
      %mul3A_442 = arith.constant 16 : i32
      %mul3A_443 = arith.muli %add3A_239, %mul3A_442 : i32
      %add3A_444 = arith.constant 3 : i32
      %add3A_445 = arith.addi %mul3A_443, %add3A_444 : i32
      %get3A_446 = arith.index_cast %add3A_445 : i32 to index
      %get3A_447 = arith.constant 0 : index
      %get3A_448 = tpu.vector_load %arg6[%get3A_446, %get3A_447] {strides = array<i32>} : memref<256x128xf32, #tpu.memory_space<vmem>>, vector<16xf32>,
      %swap3A_449 = arith.index_cast %add3A_445 : i32 to index
      %swap3A_450 = arith.constant 0 : index
      %swap3A_451 = tpu.vector_load %arg7[%swap3A_449, %swap3A_450] {strides = array<i32>} : memref<512x80xf32, #tpu.memory_space<vmem>>, vector<16xf32>,
      tpu.vector_store %arg7[%swap3A_449, %swap3A_450], %get3A_448 {strides = array<i32>} : memref<512x80xf32, #tpu.memory_space<vmem>>, vector<16xf32>,
      %get3A_452 = arith.index_cast %add3A_445 : i32 to index
      %get3A_453 = arith.constant 64 : index
      %get3A_454 = tpu.vector_load %arg6[%get3A_452, %get3A_453] {strides = array<i32>} : memref<256x128xf32, #tpu.memory_space<vmem>>, vector<16xf32>,
      %add3A_455 = arith.constant 256 : i32
      %add3A_456 = arith.addi %add3A_455, %add3A_445 : i32
      %swap3A_457 = arith.index_cast %add3A_456 : i32 to index
      %swap3A_458 = arith.constant 0 : index
      %swap3A_459 = tpu.vector_load %arg7[%swap3A_457, %swap3A_458] {strides = array<i32>} : memref<512x80xf32, #tpu.memory_space<vmem>>, vector<16xf32>,
      tpu.vector_store %arg7[%swap3A_457, %swap3A_458], %get3A_454 {strides = array<i32>} : memref<512x80xf32, #tpu.memory_space<vmem>>, vector<16xf32>,
      %get3A_460 = arith.index_cast %add3A_445 : i32 to index
      %get3A_461 = arith.constant 16 : index
      %get3A_462 = tpu.vector_load %arg6[%get3A_460, %get3A_461] {strides = array<i32>} : memref<256x128xf32, #tpu.memory_space<vmem>>, vector<16xf32>,
      %swap3A_463 = arith.index_cast %add3A_445 : i32 to index
      %swap3A_464 = arith.constant 16 : index
      %swap3A_465 = tpu.vector_load %arg7[%swap3A_463, %swap3A_464] {strides = array<i32>} : memref<512x80xf32, #tpu.memory_space<vmem>>, vector<16xf32>,
      tpu.vector_store %arg7[%swap3A_463, %swap3A_464], %get3A_462 {strides = array<i32>} : memref<512x80xf32, #tpu.memory_space<vmem>>, vector<16xf32>,
      %get3A_466 = arith.index_cast %add3A_445 : i32 to index
      %get3A_467 = arith.constant 80 : index
      %get3A_468 = tpu.vector_load %arg6[%get3A_466, %get3A_467] {strides = array<i32>} : memref<256x128xf32, #tpu.memory_space<vmem>>, vector<16xf32>,
      %add3A_469 = arith.constant 256 : i32
      %add3A_470 = arith.addi %add3A_469, %add3A_445 : i32
      %swap3A_471 = arith.index_cast %add3A_470 : i32 to index
      %swap3A_472 = arith.constant 16 : index
      %swap3A_473 = tpu.vector_load %arg7[%swap3A_471, %swap3A_472] {strides = array<i32>} : memref<512x80xf32, #tpu.memory_space<vmem>>, vector<16xf32>,
      tpu.vector_store %arg7[%swap3A_471, %swap3A_472], %get3A_468 {strides = array<i32>} : memref<512x80xf32, #tpu.memory_space<vmem>>, vector<16xf32>,
      %get3A_474 = arith.index_cast %add3A_445 : i32 to index
      %get3A_475 = arith.constant 32 : index
      %get3A_476 = tpu.vector_load %arg6[%get3A_474, %get3A_475] {strides = array<i32>} : memref<256x128xf32, #tpu.memory_space<vmem>>, vector<16xf32>,
      %swap3A_477 = arith.index_cast %add3A_445 : i32 to index
      %swap3A_478 = arith.constant 32 : index
      %swap3A_479 = tpu.vector_load %arg7[%swap3A_477, %swap3A_478] {strides = array<i32>} : memref<512x80xf32, #tpu.memory_space<vmem>>, vector<16xf32>,
      tpu.vector_store %arg7[%swap3A_477, %swap3A_478], %get3A_476 {strides = array<i32>} : memref<512x80xf32, #tpu.memory_space<vmem>>, vector<16xf32>,
      %get3A_480 = arith.index_cast %add3A_445 : i32 to index
      %get3A_481 = arith.constant 96 : index
      %get3A_482 = tpu.vector_load %arg6[%get3A_480, %get3A_481] {strides = array<i32>} : memref<256x128xf32, #tpu.memory_space<vmem>>, vector<16xf32>,
      %add3A_483 = arith.constant 256 : i32
      %add3A_484 = arith.addi %add3A_483, %add3A_445 : i32
      %swap3A_485 = arith.index_cast %add3A_484 : i32 to index
      %swap3A_486 = arith.constant 32 : index
      %swap3A_487 = tpu.vector_load %arg7[%swap3A_485, %swap3A_486] {strides = array<i32>} : memref<512x80xf32, #tpu.memory_space<vmem>>, vector<16xf32>,
      tpu.vector_store %arg7[%swap3A_485, %swap3A_486], %get3A_482 {strides = array<i32>} : memref<512x80xf32, #tpu.memory_space<vmem>>, vector<16xf32>,
      %get3A_488 = arith.index_cast %add3A_445 : i32 to index
      %get3A_489 = arith.constant 48 : index
      %get3A_490 = tpu.vector_load %arg6[%get3A_488, %get3A_489] {strides = array<i32>} : memref<256x128xf32, #tpu.memory_space<vmem>>, vector<16xf32>,
      %swap3A_491 = arith.index_cast %add3A_445 : i32 to index
      %swap3A_492 = arith.constant 48 : index
      %swap3A_493 = tpu.vector_load %arg7[%swap3A_491, %swap3A_492] {strides = array<i32>} : memref<512x80xf32, #tpu.memory_space<vmem>>, vector<16xf32>,
      tpu.vector_store %arg7[%swap3A_491, %swap3A_492], %get3A_490 {strides = array<i32>} : memref<512x80xf32, #tpu.memory_space<vmem>>, vector<16xf32>,
      %get3A_494 = arith.index_cast %add3A_445 : i32 to index
      %get3A_495 = arith.constant 112 : index
      %get3A_496 = tpu.vector_load %arg6[%get3A_494, %get3A_495] {strides = array<i32>} : memref<256x128xf32, #tpu.memory_space<vmem>>, vector<16xf32>,
      %add3A_497 = arith.constant 256 : i32
      %add3A_498 = arith.addi %add3A_497, %add3A_445 : i32
      %swap3A_499 = arith.index_cast %add3A_498 : i32 to index
      %swap3A_500 = arith.constant 48 : index
      %swap3A_501 = tpu.vector_load %arg7[%swap3A_499, %swap3A_500] {strides = array<i32>} : memref<512x80xf32, #tpu.memory_space<vmem>>, vector<16xf32>,
      tpu.vector_store %arg7[%swap3A_499, %swap3A_500], %get3A_496 {strides = array<i32>} : memref<512x80xf32, #tpu.memory_space<vmem>>, vector<16xf32>,
      %swap3A_502 = arith.index_cast %add3A_445 : i32 to index
      %swap3A_503 = arith.constant 64 : index
      %swap3A_504 = tpu.vector_load %arg7[%swap3A_502, %swap3A_503] {strides = array<i32>} : memref<512x80xf32, #tpu.memory_space<vmem>>, vector<16xf32>,
      tpu.vector_store %arg7[%swap3A_502, %swap3A_503], %convert_element_type3A_65 {strides = array<i32>} : memref<512x80xf32, #tpu.memory_space<vmem>>, vector<16xf32>,
      %add3A_505 = arith.constant 256 : i32
      %add3A_506 = arith.addi %add3A_505, %add3A_445 : i32
      %swap3A_507 = arith.index_cast %add3A_506 : i32 to index
      %swap3A_508 = arith.constant 64 : index
      %swap3A_509 = tpu.vector_load %arg7[%swap3A_507, %swap3A_508] {strides = array<i32>} : memref<512x80xf32, #tpu.memory_space<vmem>>, vector<16xf32>,
      tpu.vector_store %arg7[%swap3A_507, %swap3A_508], %convert_element_type3A_65 {strides = array<i32>} : memref<512x80xf32, #tpu.memory_space<vmem>>, vector<16xf32>,
      %mul3A_510 = arith.constant 16 : i32
      %mul3A_511 = arith.muli %add3A_239, %mul3A_510 : i32
      %add3A_512 = arith.constant 4 : i32
      %add3A_513 = arith.addi %mul3A_511, %add3A_512 : i32
      %get3A_514 = arith.index_cast %add3A_513 : i32 to index
      %get3A_515 = arith.constant 0 : index
      %get3A_516 = tpu.vector_load %arg6[%get3A_514, %get3A_515] {strides = array<i32>} : memref<256x128xf32, #tpu.memory_space<vmem>>, vector<16xf32>,
      %swap3A_517 = arith.index_cast %add3A_513 : i32 to index
      %swap3A_518 = arith.constant 0 : index
      %swap3A_519 = tpu.vector_load %arg7[%swap3A_517, %swap3A_518] {strides = array<i32>} : memref<512x80xf32, #tpu.memory_space<vmem>>, vector<16xf32>,
      tpu.vector_store %arg7[%swap3A_517, %swap3A_518], %get3A_516 {strides = array<i32>} : memref<512x80xf32, #tpu.memory_space<vmem>>, vector<16xf32>,
      %get3A_520 = arith.index_cast %add3A_513 : i32 to index
      %get3A_521 = arith.constant 64 : index
      %get3A_522 = tpu.vector_load %arg6[%get3A_520, %get3A_521] {strides = array<i32>} : memref<256x128xf32, #tpu.memory_space<vmem>>, vector<16xf32>,
      %add3A_523 = arith.constant 256 : i32
      %add3A_524 = arith.addi %add3A_523, %add3A_513 : i32
      %swap3A_525 = arith.index_cast %add3A_524 : i32 to index
      %swap3A_526 = arith.constant 0 : index
      %swap3A_527 = tpu.vector_load %arg7[%swap3A_525, %swap3A_526] {strides = array<i32>} : memref<512x80xf32, #tpu.memory_space<vmem>>, vector<16xf32>,
      tpu.vector_store %arg7[%swap3A_525, %swap3A_526], %get3A_522 {strides = array<i32>} : memref<512x80xf32, #tpu.memory_space<vmem>>, vector<16xf32>,
      %get3A_528 = arith.index_cast %add3A_513 : i32 to index
      %get3A_529 = arith.constant 16 : index
      %get3A_530 = tpu.vector_load %arg6[%get3A_528, %get3A_529] {strides = array<i32>} : memref<256x128xf32, #tpu.memory_space<vmem>>, vector<16xf32>,
      %swap3A_531 = arith.index_cast %add3A_513 : i32 to index
      %swap3A_532 = arith.constant 16 : index
      %swap3A_533 = tpu.vector_load %arg7[%swap3A_531, %swap3A_532] {strides = array<i32>} : memref<512x80xf32, #tpu.memory_space<vmem>>, vector<16xf32>,
      tpu.vector_store %arg7[%swap3A_531, %swap3A_532], %get3A_530 {strides = array<i32>} : memref<512x80xf32, #tpu.memory_space<vmem>>, vector<16xf32>,
      %get3A_534 = arith.index_cast %add3A_513 : i32 to index
      %get3A_535 = arith.constant 80 : index
      %get3A_536 = tpu.vector_load %arg6[%get3A_534, %get3A_535] {strides = array<i32>} : memref<256x128xf32, #tpu.memory_space<vmem>>, vector<16xf32>,
      %add3A_537 = arith.constant 256 : i32
      %add3A_538 = arith.addi %add3A_537, %add3A_513 : i32
      %swap3A_539 = arith.index_cast %add3A_538 : i32 to index
      %swap3A_540 = arith.constant 16 : index
      %swap3A_541 = tpu.vector_load %arg7[%swap3A_539, %swap3A_540] {strides = array<i32>} : memref<512x80xf32, #tpu.memory_space<vmem>>, vector<16xf32>,
      tpu.vector_store %arg7[%swap3A_539, %swap3A_540], %get3A_536 {strides = array<i32>} : memref<512x80xf32, #tpu.memory_space<vmem>>, vector<16xf32>,
      %get3A_542 = arith.index_cast %add3A_513 : i32 to index
      %get3A_543 = arith.constant 32 : index
      %get3A_544 = tpu.vector_load %arg6[%get3A_542, %get3A_543] {strides = array<i32>} : memref<256x128xf32, #tpu.memory_space<vmem>>, vector<16xf32>,
      %swap3A_545 = arith.index_cast %add3A_513 : i32 to index
      %swap3A_546 = arith.constant 32 : index
      %swap3A_547 = tpu.vector_load %arg7[%swap3A_545, %swap3A_546] {strides = array<i32>} : memref<512x80xf32, #tpu.memory_space<vmem>>, vector<16xf32>,
      tpu.vector_store %arg7[%swap3A_545, %swap3A_546], %get3A_544 {strides = array<i32>} : memref<512x80xf32, #tpu.memory_space<vmem>>, vector<16xf32>,
      %get3A_548 = arith.index_cast %add3A_513 : i32 to index
      %get3A_549 = arith.constant 96 : index
      %get3A_550 = tpu.vector_load %arg6[%get3A_548, %get3A_549] {strides = array<i32>} : memref<256x128xf32, #tpu.memory_space<vmem>>, vector<16xf32>,
      %add3A_551 = arith.constant 256 : i32
      %add3A_552 = arith.addi %add3A_551, %add3A_513 : i32
      %swap3A_553 = arith.index_cast %add3A_552 : i32 to index
      %swap3A_554 = arith.constant 32 : index
      %swap3A_555 = tpu.vector_load %arg7[%swap3A_553, %swap3A_554] {strides = array<i32>} : memref<512x80xf32, #tpu.memory_space<vmem>>, vector<16xf32>,
      tpu.vector_store %arg7[%swap3A_553, %swap3A_554], %get3A_550 {strides = array<i32>} : memref<512x80xf32, #tpu.memory_space<vmem>>, vector<16xf32>,
      %get3A_556 = arith.index_cast %add3A_513 : i32 to index
      %get3A_557 = arith.constant 48 : index
      %get3A_558 = tpu.vector_load %arg6[%get3A_556, %get3A_557] {strides = array<i32>} : memref<256x128xf32, #tpu.memory_space<vmem>>, vector<16xf32>,
      %swap3A_559 = arith.index_cast %add3A_513 : i32 to index
      %swap3A_560 = arith.constant 48 : index
      %swap3A_561 = tpu.vector_load %arg7[%swap3A_559, %swap3A_560] {strides = array<i32>} : memref<512x80xf32, #tpu.memory_space<vmem>>, vector<16xf32>,
      tpu.vector_store %arg7[%swap3A_559, %swap3A_560], %get3A_558 {strides = array<i32>} : memref<512x80xf32, #tpu.memory_space<vmem>>, vector<16xf32>,
      %get3A_562 = arith.index_cast %add3A_513 : i32 to index
      %get3A_563 = arith.constant 112 : index
      %get3A_564 = tpu.vector_load %arg6[%get3A_562, %get3A_563] {strides = array<i32>} : memref<256x128xf32, #tpu.memory_space<vmem>>, vector<16xf32>,
      %add3A_565 = arith.constant 256 : i32
      %add3A_566 = arith.addi %add3A_565, %add3A_513 : i32
      %swap3A_567 = arith.index_cast %add3A_566 : i32 to index
      %swap3A_568 = arith.constant 48 : index
      %swap3A_569 = tpu.vector_load %arg7[%swap3A_567, %swap3A_568] {strides = array<i32>} : memref<512x80xf32, #tpu.memory_space<vmem>>, vector<16xf32>,
      tpu.vector_store %arg7[%swap3A_567, %swap3A_568], %get3A_564 {strides = array<i32>} : memref<512x80xf32, #tpu.memory_space<vmem>>, vector<16xf32>,
      %swap3A_570 = arith.index_cast %add3A_513 : i32 to index
      %swap3A_571 = arith.constant 64 : index
      %swap3A_572 = tpu.vector_load %arg7[%swap3A_570, %swap3A_571] {strides = array<i32>} : memref<512x80xf32, #tpu.memory_space<vmem>>, vector<16xf32>,
      tpu.vector_store %arg7[%swap3A_570, %swap3A_571], %convert_element_type3A_65 {strides = array<i32>} : memref<512x80xf32, #tpu.memory_space<vmem>>, vector<16xf32>,
      %add3A_573 = arith.constant 256 : i32
      %add3A_574 = arith.addi %add3A_573, %add3A_513 : i32
      %swap3A_575 = arith.index_cast %add3A_574 : i32 to index
      %swap3A_576 = arith.constant 64 : index
      %swap3A_577 = tpu.vector_load %arg7[%swap3A_575, %swap3A_576] {strides = array<i32>} : memref<512x80xf32, #tpu.memory_space<vmem>>, vector<16xf32>,
      tpu.vector_store %arg7[%swap3A_575, %swap3A_576], %convert_element_type3A_65 {strides = array<i32>} : memref<512x80xf32, #tpu.memory_space<vmem>>, vector<16xf32>,
      %mul3A_578 = arith.constant 16 : i32
      %mul3A_579 = arith.muli %add3A_239, %mul3A_578 : i32
      %add3A_580 = arith.constant 5 : i32
      %add3A_581 = arith.addi %mul3A_579, %add3A_580 : i32
      %get3A_582 = arith.index_cast %add3A_581 : i32 to index
      %get3A_583 = arith.constant 0 : index
      %get3A_584 = tpu.vector_load %arg6[%get3A_582, %get3A_583] {strides = array<i32>} : memref<256x128xf32, #tpu.memory_space<vmem>>, vector<16xf32>,
      %swap3A_585 = arith.index_cast %add3A_581 : i32 to index
      %swap3A_586 = arith.constant 0 : index
      %swap3A_587 = tpu.vector_load %arg7[%swap3A_585, %swap3A_586] {strides = array<i32>} : memref<512x80xf32, #tpu.memory_space<vmem>>, vector<16xf32>,
      tpu.vector_store %arg7[%swap3A_585, %swap3A_586], %get3A_584 {strides = array<i32>} : memref<512x80xf32, #tpu.memory_space<vmem>>, vector<16xf32>,
      %get3A_588 = arith.index_cast %add3A_581 : i32 to index
      %get3A_589 = arith.constant 64 : index
      %get3A_590 = tpu.vector_load %arg6[%get3A_588, %get3A_589] {strides = array<i32>} : memref<256x128xf32, #tpu.memory_space<vmem>>, vector<16xf32>,
      %add3A_591 = arith.constant 256 : i32
      %add3A_592 = arith.addi %add3A_591, %add3A_581 : i32
      %swap3A_593 = arith.index_cast %add3A_592 : i32 to index
      %swap3A_594 = arith.constant 0 : index
      %swap3A_595 = tpu.vector_load %arg7[%swap3A_593, %swap3A_594] {strides = array<i32>} : memref<512x80xf32, #tpu.memory_space<vmem>>, vector<16xf32>,
      tpu.vector_store %arg7[%swap3A_593, %swap3A_594], %get3A_590 {strides = array<i32>} : memref<512x80xf32, #tpu.memory_space<vmem>>, vector<16xf32>,
      %get3A_596 = arith.index_cast %add3A_581 : i32 to index
      %get3A_597 = arith.constant 16 : index
      %get3A_598 = tpu.vector_load %arg6[%get3A_596, %get3A_597] {strides = array<i32>} : memref<256x128xf32, #tpu.memory_space<vmem>>, vector<16xf32>,
      %swap3A_599 = arith.index_cast %add3A_581 : i32 to index
      %swap3A_600 = arith.constant 16 : index
      %swap3A_601 = tpu.vector_load %arg7[%swap3A_599, %swap3A_600] {strides = array<i32>} : memref<512x80xf32, #tpu.memory_space<vmem>>, vector<16xf32>,
      tpu.vector_store %arg7[%swap3A_599, %swap3A_600], %get3A_598 {strides = array<i32>} : memref<512x80xf32, #tpu.memory_space<vmem>>, vector<16xf32>,
      %get3A_602 = arith.index_cast %add3A_581 : i32 to index
      %get3A_603 = arith.constant 80 : index
      %get3A_604 = tpu.vector_load %arg6[%get3A_602, %get3A_603] {strides = array<i32>} : memref<256x128xf32, #tpu.memory_space<vmem>>, vector<16xf32>,
      %add3A_605 = arith.constant 256 : i32
      %add3A_606 = arith.addi %add3A_605, %add3A_581 : i32
      %swap3A_607 = arith.index_cast %add3A_606 : i32 to index
      %swap3A_608 = arith.constant 16 : index
      %swap3A_609 = tpu.vector_load %arg7[%swap3A_607, %swap3A_608] {strides = array<i32>} : memref<512x80xf32, #tpu.memory_space<vmem>>, vector<16xf32>,
      tpu.vector_store %arg7[%swap3A_607, %swap3A_608], %get3A_604 {strides = array<i32>} : memref<512x80xf32, #tpu.memory_space<vmem>>, vector<16xf32>,
      %get3A_610 = arith.index_cast %add3A_581 : i32 to index
      %get3A_611 = arith.constant 32 : index
      %get3A_612 = tpu.vector_load %arg6[%get3A_610, %get3A_611] {strides = array<i32>} : memref<256x128xf32, #tpu.memory_space<vmem>>, vector<16xf32>,
      %swap3A_613 = arith.index_cast %add3A_581 : i32 to index
      %swap3A_614 = arith.constant 32 : index
      %swap3A_615 = tpu.vector_load %arg7[%swap3A_613, %swap3A_614] {strides = array<i32>} : memref<512x80xf32, #tpu.memory_space<vmem>>, vector<16xf32>,
      tpu.vector_store %arg7[%swap3A_613, %swap3A_614], %get3A_612 {strides = array<i32>} : memref<512x80xf32, #tpu.memory_space<vmem>>, vector<16xf32>,
      %get3A_616 = arith.index_cast %add3A_581 : i32 to index
      %get3A_617 = arith.constant 96 : index
      %get3A_618 = tpu.vector_load %arg6[%get3A_616, %get3A_617] {strides = array<i32>} : memref<256x128xf32, #tpu.memory_space<vmem>>, vector<16xf32>,
      %add3A_619 = arith.constant 256 : i32
      %add3A_620 = arith.addi %add3A_619, %add3A_581 : i32
      %swap3A_621 = arith.index_cast %add3A_620 : i32 to index
      %swap3A_622 = arith.constant 32 : index
      %swap3A_623 = tpu.vector_load %arg7[%swap3A_621, %swap3A_622] {strides = array<i32>} : memref<512x80xf32, #tpu.memory_space<vmem>>, vector<16xf32>,
      tpu.vector_store %arg7[%swap3A_621, %swap3A_622], %get3A_618 {strides = array<i32>} : memref<512x80xf32, #tpu.memory_space<vmem>>, vector<16xf32>,
      %get3A_624 = arith.index_cast %add3A_581 : i32 to index
      %get3A_625 = arith.constant 48 : index
      %get3A_626 = tpu.vector_load %arg6[%get3A_624, %get3A_625] {strides = array<i32>} : memref<256x128xf32, #tpu.memory_space<vmem>>, vector<16xf32>,
      %swap3A_627 = arith.index_cast %add3A_581 : i32 to index
      %swap3A_628 = arith.constant 48 : index
      %swap3A_629 = tpu.vector_load %arg7[%swap3A_627, %swap3A_628] {strides = array<i32>} : memref<512x80xf32, #tpu.memory_space<vmem>>, vector<16xf32>,
      tpu.vector_store %arg7[%swap3A_627, %swap3A_628], %get3A_626 {strides = array<i32>} : memref<512x80xf32, #tpu.memory_space<vmem>>, vector<16xf32>,
      %get3A_630 = arith.index_cast %add3A_581 : i32 to index
      %get3A_631 = arith.constant 112 : index
      %get3A_632 = tpu.vector_load %arg6[%get3A_630, %get3A_631] {strides = array<i32>} : memref<256x128xf32, #tpu.memory_space<vmem>>, vector<16xf32>,
      %add3A_633 = arith.constant 256 : i32
      %add3A_634 = arith.addi %add3A_633, %add3A_581 : i32
      %swap3A_635 = arith.index_cast %add3A_634 : i32 to index
      %swap3A_636 = arith.constant 48 : index
      %swap3A_637 = tpu.vector_load %arg7[%swap3A_635, %swap3A_636] {strides = array<i32>} : memref<512x80xf32, #tpu.memory_space<vmem>>, vector<16xf32>,
      tpu.vector_store %arg7[%swap3A_635, %swap3A_636], %get3A_632 {strides = array<i32>} : memref<512x80xf32, #tpu.memory_space<vmem>>, vector<16xf32>,
      %swap3A_638 = arith.index_cast %add3A_581 : i32 to index
      %swap3A_639 = arith.constant 64 : index
      %swap3A_640 = tpu.vector_load %arg7[%swap3A_638, %swap3A_639] {strides = array<i32>} : memref<512x80xf32, #tpu.memory_space<vmem>>, vector<16xf32>,
      tpu.vector_store %arg7[%swap3A_638, %swap3A_639], %convert_element_type3A_65 {strides = array<i32>} : memref<512x80xf32, #tpu.memory_space<vmem>>, vector<16xf32>,
      %add3A_641 = arith.constant 256 : i32
      %add3A_642 = arith.addi %add3A_641, %add3A_581 : i32
      %swap3A_643 = arith.index_cast %add3A_642 : i32 to index
      %swap3A_644 = arith.constant 64 : index
      %swap3A_645 = tpu.vector_load %arg7[%swap3A_643, %swap3A_644] {strides = array<i32>} : memref<512x80xf32, #tpu.memory_space<vmem>>, vector<16xf32>,
      tpu.vector_store %arg7[%swap3A_643, %swap3A_644], %convert_element_type3A_65 {strides = array<i32>} : memref<512x80xf32, #tpu.memory_space<vmem>>, vector<16xf32>,
      %mul3A_646 = arith.constant 16 : i32
      %mul3A_647 = arith.muli %add3A_239, %mul3A_646 : i32
      %add3A_648 = arith.constant 6 : i32
      %add3A_649 = arith.addi %mul3A_647, %add3A_648 : i32
      %get3A_650 = arith.index_cast %add3A_649 : i32 to index
      %get3A_651 = arith.constant 0 : index
      %get3A_652 = tpu.vector_load %arg6[%get3A_650, %get3A_651] {strides = array<i32>} : memref<256x128xf32, #tpu.memory_space<vmem>>, vector<16xf32>,
      %swap3A_653 = arith.index_cast %add3A_649 : i32 to index
      %swap3A_654 = arith.constant 0 : index
      %swap3A_655 = tpu.vector_load %arg7[%swap3A_653, %swap3A_654] {strides = array<i32>} : memref<512x80xf32, #tpu.memory_space<vmem>>, vector<16xf32>,
      tpu.vector_store %arg7[%swap3A_653, %swap3A_654], %get3A_652 {strides = array<i32>} : memref<512x80xf32, #tpu.memory_space<vmem>>, vector<16xf32>,
      %get3A_656 = arith.index_cast %add3A_649 : i32 to index
      %get3A_657 = arith.constant 64 : index
      %get3A_658 = tpu.vector_load %arg6[%get3A_656, %get3A_657] {strides = array<i32>} : memref<256x128xf32, #tpu.memory_space<vmem>>, vector<16xf32>,
      %add3A_659 = arith.constant 256 : i32
      %add3A_660 = arith.addi %add3A_659, %add3A_649 : i32
      %swap3A_661 = arith.index_cast %add3A_660 : i32 to index
      %swap3A_662 = arith.constant 0 : index
      %swap3A_663 = tpu.vector_load %arg7[%swap3A_661, %swap3A_662] {strides = array<i32>} : memref<512x80xf32, #tpu.memory_space<vmem>>, vector<16xf32>,
      tpu.vector_store %arg7[%swap3A_661, %swap3A_662], %get3A_658 {strides = array<i32>} : memref<512x80xf32, #tpu.memory_space<vmem>>, vector<16xf32>,
      %get3A_664 = arith.index_cast %add3A_649 : i32 to index
      %get3A_665 = arith.constant 16 : index
      %get3A_666 = tpu.vector_load %arg6[%get3A_664, %get3A_665] {strides = array<i32>} : memref<256x128xf32, #tpu.memory_space<vmem>>, vector<16xf32>,
      %swap3A_667 = arith.index_cast %add3A_649 : i32 to index
      %swap3A_668 = arith.constant 16 : index
      %swap3A_669 = tpu.vector_load %arg7[%swap3A_667, %swap3A_668] {strides = array<i32>} : memref<512x80xf32, #tpu.memory_space<vmem>>, vector<16xf32>,
      tpu.vector_store %arg7[%swap3A_667, %swap3A_668], %get3A_666 {strides = array<i32>} : memref<512x80xf32, #tpu.memory_space<vmem>>, vector<16xf32>,
      %get3A_670 = arith.index_cast %add3A_649 : i32 to index
      %get3A_671 = arith.constant 80 : index
      %get3A_672 = tpu.vector_load %arg6[%get3A_670, %get3A_671] {strides = array<i32>} : memref<256x128xf32, #tpu.memory_space<vmem>>, vector<16xf32>,
      %add3A_673 = arith.constant 256 : i32
      %add3A_674 = arith.addi %add3A_673, %add3A_649 : i32
      %swap3A_675 = arith.index_cast %add3A_674 : i32 to index
      %swap3A_676 = arith.constant 16 : index
      %swap3A_677 = tpu.vector_load %arg7[%swap3A_675, %swap3A_676] {strides = array<i32>} : memref<512x80xf32, #tpu.memory_space<vmem>>, vector<16xf32>,
      tpu.vector_store %arg7[%swap3A_675, %swap3A_676], %get3A_672 {strides = array<i32>} : memref<512x80xf32, #tpu.memory_space<vmem>>, vector<16xf32>,
      %get3A_678 = arith.index_cast %add3A_649 : i32 to index
      %get3A_679 = arith.constant 32 : index
      %get3A_680 = tpu.vector_load %arg6[%get3A_678, %get3A_679] {strides = array<i32>} : memref<256x128xf32, #tpu.memory_space<vmem>>, vector<16xf32>,
      %swap3A_681 = arith.index_cast %add3A_649 : i32 to index
      %swap3A_682 = arith.constant 32 : index
      %swap3A_683 = tpu.vector_load %arg7[%swap3A_681, %swap3A_682] {strides = array<i32>} : memref<512x80xf32, #tpu.memory_space<vmem>>, vector<16xf32>,
      tpu.vector_store %arg7[%swap3A_681, %swap3A_682], %get3A_680 {strides = array<i32>} : memref<512x80xf32, #tpu.memory_space<vmem>>, vector<16xf32>,
      %get3A_684 = arith.index_cast %add3A_649 : i32 to index
      %get3A_685 = arith.constant 96 : index
      %get3A_686 = tpu.vector_load %arg6[%get3A_684, %get3A_685] {strides = array<i32>} : memref<256x128xf32, #tpu.memory_space<vmem>>, vector<16xf32>,
      %add3A_687 = arith.constant 256 : i32
      %add3A_688 = arith.addi %add3A_687, %add3A_649 : i32
      %swap3A_689 = arith.index_cast %add3A_688 : i32 to index
      %swap3A_690 = arith.constant 32 : index
      %swap3A_691 = tpu.vector_load %arg7[%swap3A_689, %swap3A_690] {strides = array<i32>} : memref<512x80xf32, #tpu.memory_space<vmem>>, vector<16xf32>,
      tpu.vector_store %arg7[%swap3A_689, %swap3A_690], %get3A_686 {strides = array<i32>} : memref<512x80xf32, #tpu.memory_space<vmem>>, vector<16xf32>,
      %get3A_692 = arith.index_cast %add3A_649 : i32 to index
      %get3A_693 = arith.constant 48 : index
      %get3A_694 = tpu.vector_load %arg6[%get3A_692, %get3A_693] {strides = array<i32>} : memref<256x128xf32, #tpu.memory_space<vmem>>, vector<16xf32>,
      %swap3A_695 = arith.index_cast %add3A_649 : i32 to index
      %swap3A_696 = arith.constant 48 : index
      %swap3A_697 = tpu.vector_load %arg7[%swap3A_695, %swap3A_696] {strides = array<i32>} : memref<512x80xf32, #tpu.memory_space<vmem>>, vector<16xf32>,
      tpu.vector_store %arg7[%swap3A_695, %swap3A_696], %get3A_694 {strides = array<i32>} : memref<512x80xf32, #tpu.memory_space<vmem>>, vector<16xf32>,
      %get3A_698 = arith.index_cast %add3A_649 : i32 to index
      %get3A_699 = arith.constant 112 : index
      %get3A_700 = tpu.vector_load %arg6[%get3A_698, %get3A_699] {strides = array<i32>} : memref<256x128xf32, #tpu.memory_space<vmem>>, vector<16xf32>,
      %add3A_701 = arith.constant 256 : i32
      %add3A_702 = arith.addi %add3A_701, %add3A_649 : i32
      %swap3A_703 = arith.index_cast %add3A_702 : i32 to index
      %swap3A_704 = arith.constant 48 : index
      %swap3A_705 = tpu.vector_load %arg7[%swap3A_703, %swap3A_704] {strides = array<i32>} : memref<512x80xf32, #tpu.memory_space<vmem>>, vector<16xf32>,
      tpu.vector_store %arg7[%swap3A_703, %swap3A_704], %get3A_700 {strides = array<i32>} : memref<512x80xf32, #tpu.memory_space<vmem>>, vector<16xf32>,
      %swap3A_706 = arith.index_cast %add3A_649 : i32 to index
      %swap3A_707 = arith.constant 64 : index
      %swap3A_708 = tpu.vector_load %arg7[%swap3A_706, %swap3A_707] {strides = array<i32>} : memref<512x80xf32, #tpu.memory_space<vmem>>, vector<16xf32>,
      tpu.vector_store %arg7[%swap3A_706, %swap3A_707], %convert_element_type3A_65 {strides = array<i32>} : memref<512x80xf32, #tpu.memory_space<vmem>>, vector<16xf32>,
      %add3A_709 = arith.constant 256 : i32
      %add3A_710 = arith.addi %add3A_709, %add3A_649 : i32
      %swap3A_711 = arith.index_cast %add3A_710 : i32 to index
      %swap3A_712 = arith.constant 64 : index
      %swap3A_713 = tpu.vector_load %arg7[%swap3A_711, %swap3A_712] {strides = array<i32>} : memref<512x80xf32, #tpu.memory_space<vmem>>, vector<16xf32>,
      tpu.vector_store %arg7[%swap3A_711, %swap3A_712], %convert_element_type3A_65 {strides = array<i32>} : memref<512x80xf32, #tpu.memory_space<vmem>>, vector<16xf32>,
      %mul3A_714 = arith.constant 16 : i32
      %mul3A_715 = arith.muli %add3A_239, %mul3A_714 : i32
      %add3A_716 = arith.constant 7 : i32
      %add3A_717 = arith.addi %mul3A_715, %add3A_716 : i32
      %get3A_718 = arith.index_cast %add3A_717 : i32 to index
      %get3A_719 = arith.constant 0 : index
      %get3A_720 = tpu.vector_load %arg6[%get3A_718, %get3A_719] {strides = array<i32>} : memref<256x128xf32, #tpu.memory_space<vmem>>, vector<16xf32>,
      %swap3A_721 = arith.index_cast %add3A_717 : i32 to index
      %swap3A_722 = arith.constant 0 : index
      %swap3A_723 = tpu.vector_load %arg7[%swap3A_721, %swap3A_722] {strides = array<i32>} : memref<512x80xf32, #tpu.memory_space<vmem>>, vector<16xf32>,
      tpu.vector_store %arg7[%swap3A_721, %swap3A_722], %get3A_720 {strides = array<i32>} : memref<512x80xf32, #tpu.memory_space<vmem>>, vector<16xf32>,
      %get3A_724 = arith.index_cast %add3A_717 : i32 to index
      %get3A_725 = arith.constant 64 : index
      %get3A_726 = tpu.vector_load %arg6[%get3A_724, %get3A_725] {strides = array<i32>} : memref<256x128xf32, #tpu.memory_space<vmem>>, vector<16xf32>,
      %add3A_727 = arith.constant 256 : i32
      %add3A_728 = arith.addi %add3A_727, %add3A_717 : i32
      %swap3A_729 = arith.index_cast %add3A_728 : i32 to index
      %swap3A_730 = arith.constant 0 : index
      %swap3A_731 = tpu.vector_load %arg7[%swap3A_729, %swap3A_730] {strides = array<i32>} : memref<512x80xf32, #tpu.memory_space<vmem>>, vector<16xf32>,
      tpu.vector_store %arg7[%swap3A_729, %swap3A_730], %get3A_726 {strides = array<i32>} : memref<512x80xf32, #tpu.memory_space<vmem>>, vector<16xf32>,
      %get3A_732 = arith.index_cast %add3A_717 : i32 to index
      %get3A_733 = arith.constant 16 : index
      %get3A_734 = tpu.vector_load %arg6[%get3A_732, %get3A_733] {strides = array<i32>} : memref<256x128xf32, #tpu.memory_space<vmem>>, vector<16xf32>,
      %swap3A_735 = arith.index_cast %add3A_717 : i32 to index
      %swap3A_736 = arith.constant 16 : index
      %swap3A_737 = tpu.vector_load %arg7[%swap3A_735, %swap3A_736] {strides = array<i32>} : memref<512x80xf32, #tpu.memory_space<vmem>>, vector<16xf32>,
      tpu.vector_store %arg7[%swap3A_735, %swap3A_736], %get3A_734 {strides = array<i32>} : memref<512x80xf32, #tpu.memory_space<vmem>>, vector<16xf32>,
      %get3A_738 = arith.index_cast %add3A_717 : i32 to index
      %get3A_739 = arith.constant 80 : index
      %get3A_740 = tpu.vector_load %arg6[%get3A_738, %get3A_739] {strides = array<i32>} : memref<256x128xf32, #tpu.memory_space<vmem>>, vector<16xf32>,
      %add3A_741 = arith.constant 256 : i32
      %add3A_742 = arith.addi %add3A_741, %add3A_717 : i32
      %swap3A_743 = arith.index_cast %add3A_742 : i32 to index
      %swap3A_744 = arith.constant 16 : index
      %swap3A_745 = tpu.vector_load %arg7[%swap3A_743, %swap3A_744] {strides = array<i32>} : memref<512x80xf32, #tpu.memory_space<vmem>>, vector<16xf32>,
      tpu.vector_store %arg7[%swap3A_743, %swap3A_744], %get3A_740 {strides = array<i32>} : memref<512x80xf32, #tpu.memory_space<vmem>>, vector<16xf32>,
      %get3A_746 = arith.index_cast %add3A_717 : i32 to index
      %get3A_747 = arith.constant 32 : index
      %get3A_748 = tpu.vector_load %arg6[%get3A_746, %get3A_747] {strides = array<i32>} : memref<256x128xf32, #tpu.memory_space<vmem>>, vector<16xf32>,
      %swap3A_749 = arith.index_cast %add3A_717 : i32 to index
      %swap3A_750 = arith.constant 32 : index
      %swap3A_751 = tpu.vector_load %arg7[%swap3A_749, %swap3A_750] {strides = array<i32>} : memref<512x80xf32, #tpu.memory_space<vmem>>, vector<16xf32>,
      tpu.vector_store %arg7[%swap3A_749, %swap3A_750], %get3A_748 {strides = array<i32>} : memref<512x80xf32, #tpu.memory_space<vmem>>, vector<16xf32>,
      %get3A_752 = arith.index_cast %add3A_717 : i32 to index
      %get3A_753 = arith.constant 96 : index
      %get3A_754 = tpu.vector_load %arg6[%get3A_752, %get3A_753] {strides = array<i32>} : memref<256x128xf32, #tpu.memory_space<vmem>>, vector<16xf32>,
      %add3A_755 = arith.constant 256 : i32
      %add3A_756 = arith.addi %add3A_755, %add3A_717 : i32
      %swap3A_757 = arith.index_cast %add3A_756 : i32 to index
      %swap3A_758 = arith.constant 32 : index
      %swap3A_759 = tpu.vector_load %arg7[%swap3A_757, %swap3A_758] {strides = array<i32>} : memref<512x80xf32, #tpu.memory_space<vmem>>, vector<16xf32>,
      tpu.vector_store %arg7[%swap3A_757, %swap3A_758], %get3A_754 {strides = array<i32>} : memref<512x80xf32, #tpu.memory_space<vmem>>, vector<16xf32>,
      %get3A_760 = arith.index_cast %add3A_717 : i32 to index
      %get3A_761 = arith.constant 48 : index
      %get3A_762 = tpu.vector_load %arg6[%get3A_760, %get3A_761] {strides = array<i32>} : memref<256x128xf32, #tpu.memory_space<vmem>>, vector<16xf32>,
      %swap3A_763 = arith.index_cast %add3A_717 : i32 to index
      %swap3A_764 = arith.constant 48 : index
      %swap3A_765 = tpu.vector_load %arg7[%swap3A_763, %swap3A_764] {strides = array<i32>} : memref<512x80xf32, #tpu.memory_space<vmem>>, vector<16xf32>,
      tpu.vector_store %arg7[%swap3A_763, %swap3A_764], %get3A_762 {strides = array<i32>} : memref<512x80xf32, #tpu.memory_space<vmem>>, vector<16xf32>,
      %get3A_766 = arith.index_cast %add3A_717 : i32 to index
      %get3A_767 = arith.constant 112 : index
      %get3A_768 = tpu.vector_load %arg6[%get3A_766, %get3A_767] {strides = array<i32>} : memref<256x128xf32, #tpu.memory_space<vmem>>, vector<16xf32>,
      %add3A_769 = arith.constant 256 : i32
      %add3A_770 = arith.addi %add3A_769, %add3A_717 : i32
      %swap3A_771 = arith.index_cast %add3A_770 : i32 to index
      %swap3A_772 = arith.constant 48 : index
      %swap3A_773 = tpu.vector_load %arg7[%swap3A_771, %swap3A_772] {strides = array<i32>} : memref<512x80xf32, #tpu.memory_space<vmem>>, vector<16xf32>,
      tpu.vector_store %arg7[%swap3A_771, %swap3A_772], %get3A_768 {strides = array<i32>} : memref<512x80xf32, #tpu.memory_space<vmem>>, vector<16xf32>,
      %swap3A_774 = arith.index_cast %add3A_717 : i32 to index
      %swap3A_775 = arith.constant 64 : index
      %swap3A_776 = tpu.vector_load %arg7[%swap3A_774, %swap3A_775] {strides = array<i32>} : memref<512x80xf32, #tpu.memory_space<vmem>>, vector<16xf32>,
      tpu.vector_store %arg7[%swap3A_774, %swap3A_775], %convert_element_type3A_65 {strides = array<i32>} : memref<512x80xf32, #tpu.memory_space<vmem>>, vector<16xf32>,
      %add3A_777 = arith.constant 256 : i32
      %add3A_778 = arith.addi %add3A_777, %add3A_717 : i32
      %swap3A_779 = arith.index_cast %add3A_778 : i32 to index
      %swap3A_780 = arith.constant 64 : index
      %swap3A_781 = tpu.vector_load %arg7[%swap3A_779, %swap3A_780] {strides = array<i32>} : memref<512x80xf32, #tpu.memory_space<vmem>>, vector<16xf32>,
      tpu.vector_store %arg7[%swap3A_779, %swap3A_780], %convert_element_type3A_65 {strides = array<i32>} : memref<512x80xf32, #tpu.memory_space<vmem>>, vector<16xf32>,
      %mul3A_782 = arith.constant 16 : i32
      %mul3A_783 = arith.muli %add3A_239, %mul3A_782 : i32
      %add3A_784 = arith.constant 8 : i32
      %add3A_785 = arith.addi %mul3A_783, %add3A_784 : i32
      %get3A_786 = arith.index_cast %add3A_785 : i32 to index
      %get3A_787 = arith.constant 0 : index
      %get3A_788 = tpu.vector_load %arg6[%get3A_786, %get3A_787] {strides = array<i32>} : memref<256x128xf32, #tpu.memory_space<vmem>>, vector<16xf32>,
      %swap3A_789 = arith.index_cast %add3A_785 : i32 to index
      %swap3A_790 = arith.constant 0 : index
      %swap3A_791 = tpu.vector_load %arg7[%swap3A_789, %swap3A_790] {strides = array<i32>} : memref<512x80xf32, #tpu.memory_space<vmem>>, vector<16xf32>,
      tpu.vector_store %arg7[%swap3A_789, %swap3A_790], %get3A_788 {strides = array<i32>} : memref<512x80xf32, #tpu.memory_space<vmem>>, vector<16xf32>,
      %get3A_792 = arith.index_cast %add3A_785 : i32 to index
      %get3A_793 = arith.constant 64 : index
      %get3A_794 = tpu.vector_load %arg6[%get3A_792, %get3A_793] {strides = array<i32>} : memref<256x128xf32, #tpu.memory_space<vmem>>, vector<16xf32>,
      %add3A_795 = arith.constant 256 : i32
      %add3A_796 = arith.addi %add3A_795, %add3A_785 : i32
      %swap3A_797 = arith.index_cast %add3A_796 : i32 to index
      %swap3A_798 = arith.constant 0 : index
      %swap3A_799 = tpu.vector_load %arg7[%swap3A_797, %swap3A_798] {strides = array<i32>} : memref<512x80xf32, #tpu.memory_space<vmem>>, vector<16xf32>,
      tpu.vector_store %arg7[%swap3A_797, %swap3A_798], %get3A_794 {strides = array<i32>} : memref<512x80xf32, #tpu.memory_space<vmem>>, vector<16xf32>,
      %get3A_800 = arith.index_cast %add3A_785 : i32 to index
      %get3A_801 = arith.constant 16 : index
      %get3A_802 = tpu.vector_load %arg6[%get3A_800, %get3A_801] {strides = array<i32>} : memref<256x128xf32, #tpu.memory_space<vmem>>, vector<16xf32>,
      %swap3A_803 = arith.index_cast %add3A_785 : i32 to index
      %swap3A_804 = arith.constant 16 : index
      %swap3A_805 = tpu.vector_load %arg7[%swap3A_803, %swap3A_804] {strides = array<i32>} : memref<512x80xf32, #tpu.memory_space<vmem>>, vector<16xf32>,
      tpu.vector_store %arg7[%swap3A_803, %swap3A_804], %get3A_802 {strides = array<i32>} : memref<512x80xf32, #tpu.memory_space<vmem>>, vector<16xf32>,
      %get3A_806 = arith.index_cast %add3A_785 : i32 to index
      %get3A_807 = arith.constant 80 : index
      %get3A_808 = tpu.vector_load %arg6[%get3A_806, %get3A_807] {strides = array<i32>} : memref<256x128xf32, #tpu.memory_space<vmem>>, vector<16xf32>,
      %add3A_809 = arith.constant 256 : i32
      %add3A_810 = arith.addi %add3A_809, %add3A_785 : i32
      %swap3A_811 = arith.index_cast %add3A_810 : i32 to index
      %swap3A_812 = arith.constant 16 : index
      %swap3A_813 = tpu.vector_load %arg7[%swap3A_811, %swap3A_812] {strides = array<i32>} : memref<512x80xf32, #tpu.memory_space<vmem>>, vector<16xf32>,
      tpu.vector_store %arg7[%swap3A_811, %swap3A_812], %get3A_808 {strides = array<i32>} : memref<512x80xf32, #tpu.memory_space<vmem>>, vector<16xf32>,
      %get3A_814 = arith.index_cast %add3A_785 : i32 to index
      %get3A_815 = arith.constant 32 : index
      %get3A_816 = tpu.vector_load %arg6[%get3A_814, %get3A_815] {strides = array<i32>} : memref<256x128xf32, #tpu.memory_space<vmem>>, vector<16xf32>,
      %swap3A_817 = arith.index_cast %add3A_785 : i32 to index
      %swap3A_818 = arith.constant 32 : index
      %swap3A_819 = tpu.vector_load %arg7[%swap3A_817, %swap3A_818] {strides = array<i32>} : memref<512x80xf32, #tpu.memory_space<vmem>>, vector<16xf32>,
      tpu.vector_store %arg7[%swap3A_817, %swap3A_818], %get3A_816 {strides = array<i32>} : memref<512x80xf32, #tpu.memory_space<vmem>>, vector<16xf32>,
      %get3A_820 = arith.index_cast %add3A_785 : i32 to index
      %get3A_821 = arith.constant 96 : index
      %get3A_822 = tpu.vector_load %arg6[%get3A_820, %get3A_821] {strides = array<i32>} : memref<256x128xf32, #tpu.memory_space<vmem>>, vector<16xf32>,
      %add3A_823 = arith.constant 256 : i32
      %add3A_824 = arith.addi %add3A_823, %add3A_785 : i32
      %swap3A_825 = arith.index_cast %add3A_824 : i32 to index
      %swap3A_826 = arith.constant 32 : index
      %swap3A_827 = tpu.vector_load %arg7[%swap3A_825, %swap3A_826] {strides = array<i32>} : memref<512x80xf32, #tpu.memory_space<vmem>>, vector<16xf32>,
      tpu.vector_store %arg7[%swap3A_825, %swap3A_826], %get3A_822 {strides = array<i32>} : memref<512x80xf32, #tpu.memory_space<vmem>>, vector<16xf32>,
      %get3A_828 = arith.index_cast %add3A_785 : i32 to index
      %get3A_829 = arith.constant 48 : index
      %get3A_830 = tpu.vector_load %arg6[%get3A_828, %get3A_829] {strides = array<i32>} : memref<256x128xf32, #tpu.memory_space<vmem>>, vector<16xf32>,
      %swap3A_831 = arith.index_cast %add3A_785 : i32 to index
      %swap3A_832 = arith.constant 48 : index
      %swap3A_833 = tpu.vector_load %arg7[%swap3A_831, %swap3A_832] {strides = array<i32>} : memref<512x80xf32, #tpu.memory_space<vmem>>, vector<16xf32>,
      tpu.vector_store %arg7[%swap3A_831, %swap3A_832], %get3A_830 {strides = array<i32>} : memref<512x80xf32, #tpu.memory_space<vmem>>, vector<16xf32>,
      %get3A_834 = arith.index_cast %add3A_785 : i32 to index
      %get3A_835 = arith.constant 112 : index
      %get3A_836 = tpu.vector_load %arg6[%get3A_834, %get3A_835] {strides = array<i32>} : memref<256x128xf32, #tpu.memory_space<vmem>>, vector<16xf32>,
      %add3A_837 = arith.constant 256 : i32
      %add3A_838 = arith.addi %add3A_837, %add3A_785 : i32
      %swap3A_839 = arith.index_cast %add3A_838 : i32 to index
      %swap3A_840 = arith.constant 48 : index
      %swap3A_841 = tpu.vector_load %arg7[%swap3A_839, %swap3A_840] {strides = array<i32>} : memref<512x80xf32, #tpu.memory_space<vmem>>, vector<16xf32>,
      tpu.vector_store %arg7[%swap3A_839, %swap3A_840], %get3A_836 {strides = array<i32>} : memref<512x80xf32, #tpu.memory_space<vmem>>, vector<16xf32>,
      %swap3A_842 = arith.index_cast %add3A_785 : i32 to index
      %swap3A_843 = arith.constant 64 : index
      %swap3A_844 = tpu.vector_load %arg7[%swap3A_842, %swap3A_843] {strides = array<i32>} : memref<512x80xf32, #tpu.memory_space<vmem>>, vector<16xf32>,
      tpu.vector_store %arg7[%swap3A_842, %swap3A_843], %convert_element_type3A_65 {strides = array<i32>} : memref<512x80xf32, #tpu.memory_space<vmem>>, vector<16xf32>,
      %add3A_845 = arith.constant 256 : i32
      %add3A_846 = arith.addi %add3A_845, %add3A_785 : i32
      %swap3A_847 = arith.index_cast %add3A_846 : i32 to index
      %swap3A_848 = arith.constant 64 : index
      %swap3A_849 = tpu.vector_load %arg7[%swap3A_847, %swap3A_848] {strides = array<i32>} : memref<512x80xf32, #tpu.memory_space<vmem>>, vector<16xf32>,
      tpu.vector_store %arg7[%swap3A_847, %swap3A_848], %convert_element_type3A_65 {strides = array<i32>} : memref<512x80xf32, #tpu.memory_space<vmem>>, vector<16xf32>,
      %mul3A_850 = arith.constant 16 : i32
      %mul3A_851 = arith.muli %add3A_239, %mul3A_850 : i32
      %add3A_852 = arith.constant 9 : i32
      %add3A_853 = arith.addi %mul3A_851, %add3A_852 : i32
      %get3A_854 = arith.index_cast %add3A_853 : i32 to index
      %get3A_855 = arith.constant 0 : index
      %get3A_856 = tpu.vector_load %arg6[%get3A_854, %get3A_855] {strides = array<i32>} : memref<256x128xf32, #tpu.memory_space<vmem>>, vector<16xf32>,
      %swap3A_857 = arith.index_cast %add3A_853 : i32 to index
      %swap3A_858 = arith.constant 0 : index
      %swap3A_859 = tpu.vector_load %arg7[%swap3A_857, %swap3A_858] {strides = array<i32>} : memref<512x80xf32, #tpu.memory_space<vmem>>, vector<16xf32>,
      tpu.vector_store %arg7[%swap3A_857, %swap3A_858], %get3A_856 {strides = array<i32>} : memref<512x80xf32, #tpu.memory_space<vmem>>, vector<16xf32>,
      %get3A_860 = arith.index_cast %add3A_853 : i32 to index
      %get3A_861 = arith.constant 64 : index
      %get3A_862 = tpu.vector_load %arg6[%get3A_860, %get3A_861] {strides = array<i32>} : memref<256x128xf32, #tpu.memory_space<vmem>>, vector<16xf32>,
      %add3A_863 = arith.constant 256 : i32
      %add3A_864 = arith.addi %add3A_863, %add3A_853 : i32
      %swap3A_865 = arith.index_cast %add3A_864 : i32 to index
      %swap3A_866 = arith.constant 0 : index
      %swap3A_867 = tpu.vector_load %arg7[%swap3A_865, %swap3A_866] {strides = array<i32>} : memref<512x80xf32, #tpu.memory_space<vmem>>, vector<16xf32>,
      tpu.vector_store %arg7[%swap3A_865, %swap3A_866], %get3A_862 {strides = array<i32>} : memref<512x80xf32, #tpu.memory_space<vmem>>, vector<16xf32>,
      %get3A_868 = arith.index_cast %add3A_853 : i32 to index
      %get3A_869 = arith.constant 16 : index
      %get3A_870 = tpu.vector_load %arg6[%get3A_868, %get3A_869] {strides = array<i32>} : memref<256x128xf32, #tpu.memory_space<vmem>>, vector<16xf32>,
      %swap3A_871 = arith.index_cast %add3A_853 : i32 to index
      %swap3A_872 = arith.constant 16 : index
      %swap3A_873 = tpu.vector_load %arg7[%swap3A_871, %swap3A_872] {strides = array<i32>} : memref<512x80xf32, #tpu.memory_space<vmem>>, vector<16xf32>,
      tpu.vector_store %arg7[%swap3A_871, %swap3A_872], %get3A_870 {strides = array<i32>} : memref<512x80xf32, #tpu.memory_space<vmem>>, vector<16xf32>,
      %get3A_874 = arith.index_cast %add3A_853 : i32 to index
      %get3A_875 = arith.constant 80 : index
      %get3A_876 = tpu.vector_load %arg6[%get3A_874, %get3A_875] {strides = array<i32>} : memref<256x128xf32, #tpu.memory_space<vmem>>, vector<16xf32>,
      %add3A_877 = arith.constant 256 : i32
      %add3A_878 = arith.addi %add3A_877, %add3A_853 : i32
      %swap3A_879 = arith.index_cast %add3A_878 : i32 to index
      %swap3A_880 = arith.constant 16 : index
      %swap3A_881 = tpu.vector_load %arg7[%swap3A_879, %swap3A_880] {strides = array<i32>} : memref<512x80xf32, #tpu.memory_space<vmem>>, vector<16xf32>,
      tpu.vector_store %arg7[%swap3A_879, %swap3A_880], %get3A_876 {strides = array<i32>} : memref<512x80xf32, #tpu.memory_space<vmem>>, vector<16xf32>,
      %get3A_882 = arith.index_cast %add3A_853 : i32 to index
      %get3A_883 = arith.constant 32 : index
      %get3A_884 = tpu.vector_load %arg6[%get3A_882, %get3A_883] {strides = array<i32>} : memref<256x128xf32, #tpu.memory_space<vmem>>, vector<16xf32>,
      %swap3A_885 = arith.index_cast %add3A_853 : i32 to index
      %swap3A_886 = arith.constant 32 : index
      %swap3A_887 = tpu.vector_load %arg7[%swap3A_885, %swap3A_886] {strides = array<i32>} : memref<512x80xf32, #tpu.memory_space<vmem>>, vector<16xf32>,
      tpu.vector_store %arg7[%swap3A_885, %swap3A_886], %get3A_884 {strides = array<i32>} : memref<512x80xf32, #tpu.memory_space<vmem>>, vector<16xf32>,
      %get3A_888 = arith.index_cast %add3A_853 : i32 to index
      %get3A_889 = arith.constant 96 : index
      %get3A_890 = tpu.vector_load %arg6[%get3A_888, %get3A_889] {strides = array<i32>} : memref<256x128xf32, #tpu.memory_space<vmem>>, vector<16xf32>,
      %add3A_891 = arith.constant 256 : i32
      %add3A_892 = arith.addi %add3A_891, %add3A_853 : i32
      %swap3A_893 = arith.index_cast %add3A_892 : i32 to index
      %swap3A_894 = arith.constant 32 : index
      %swap3A_895 = tpu.vector_load %arg7[%swap3A_893, %swap3A_894] {strides = array<i32>} : memref<512x80xf32, #tpu.memory_space<vmem>>, vector<16xf32>,
      tpu.vector_store %arg7[%swap3A_893, %swap3A_894], %get3A_890 {strides = array<i32>} : memref<512x80xf32, #tpu.memory_space<vmem>>, vector<16xf32>,
      %get3A_896 = arith.index_cast %add3A_853 : i32 to index
      %get3A_897 = arith.constant 48 : index
      %get3A_898 = tpu.vector_load %arg6[%get3A_896, %get3A_897] {strides = array<i32>} : memref<256x128xf32, #tpu.memory_space<vmem>>, vector<16xf32>,
      %swap3A_899 = arith.index_cast %add3A_853 : i32 to index
      %swap3A_900 = arith.constant 48 : index
      %swap3A_901 = tpu.vector_load %arg7[%swap3A_899, %swap3A_900] {strides = array<i32>} : memref<512x80xf32, #tpu.memory_space<vmem>>, vector<16xf32>,
      tpu.vector_store %arg7[%swap3A_899, %swap3A_900], %get3A_898 {strides = array<i32>} : memref<512x80xf32, #tpu.memory_space<vmem>>, vector<16xf32>,
      %get3A_902 = arith.index_cast %add3A_853 : i32 to index
      %get3A_903 = arith.constant 112 : index
      %get3A_904 = tpu.vector_load %arg6[%get3A_902, %get3A_903] {strides = array<i32>} : memref<256x128xf32, #tpu.memory_space<vmem>>, vector<16xf32>,
      %add3A_905 = arith.constant 256 : i32
      %add3A_906 = arith.addi %add3A_905, %add3A_853 : i32
      %swap3A_907 = arith.index_cast %add3A_906 : i32 to index
      %swap3A_908 = arith.constant 48 : index
      %swap3A_909 = tpu.vector_load %arg7[%swap3A_907, %swap3A_908] {strides = array<i32>} : memref<512x80xf32, #tpu.memory_space<vmem>>, vector<16xf32>,
      tpu.vector_store %arg7[%swap3A_907, %swap3A_908], %get3A_904 {strides = array<i32>} : memref<512x80xf32, #tpu.memory_space<vmem>>, vector<16xf32>,
      %swap3A_910 = arith.index_cast %add3A_853 : i32 to index
      %swap3A_911 = arith.constant 64 : index
      %swap3A_912 = tpu.vector_load %arg7[%swap3A_910, %swap3A_911] {strides = array<i32>} : memref<512x80xf32, #tpu.memory_space<vmem>>, vector<16xf32>,
      tpu.vector_store %arg7[%swap3A_910, %swap3A_911], %convert_element_type3A_65 {strides = array<i32>} : memref<512x80xf32, #tpu.memory_space<vmem>>, vector<16xf32>,
      %add3A_913 = arith.constant 256 : i32
      %add3A_914 = arith.addi %add3A_913, %add3A_853 : i32
      %swap3A_915 = arith.index_cast %add3A_914 : i32 to index
      %swap3A_916 = arith.constant 64 : index
      %swap3A_917 = tpu.vector_load %arg7[%swap3A_915, %swap3A_916] {strides = array<i32>} : memref<512x80xf32, #tpu.memory_space<vmem>>, vector<16xf32>,
      tpu.vector_store %arg7[%swap3A_915, %swap3A_916], %convert_element_type3A_65 {strides = array<i32>} : memref<512x80xf32, #tpu.memory_space<vmem>>, vector<16xf32>,
      %mul3A_918 = arith.constant 16 : i32
      %mul3A_919 = arith.muli %add3A_239, %mul3A_918 : i32
      %add3A_920 = arith.constant 10 : i32
      %add3A_921 = arith.addi %mul3A_919, %add3A_920 : i32
      %get3A_922 = arith.index_cast %add3A_921 : i32 to index
      %get3A_923 = arith.constant 0 : index
      %get3A_924 = tpu.vector_load %arg6[%get3A_922, %get3A_923] {strides = array<i32>} : memref<256x128xf32, #tpu.memory_space<vmem>>, vector<16xf32>,
      %swap3A_925 = arith.index_cast %add3A_921 : i32 to index
      %swap3A_926 = arith.constant 0 : index
      %swap3A_927 = tpu.vector_load %arg7[%swap3A_925, %swap3A_926] {strides = array<i32>} : memref<512x80xf32, #tpu.memory_space<vmem>>, vector<16xf32>,
      tpu.vector_store %arg7[%swap3A_925, %swap3A_926], %get3A_924 {strides = array<i32>} : memref<512x80xf32, #tpu.memory_space<vmem>>, vector<16xf32>,
      %get3A_928 = arith.index_cast %add3A_921 : i32 to index
      %get3A_929 = arith.constant 64 : index
      %get3A_930 = tpu.vector_load %arg6[%get3A_928, %get3A_929] {strides = array<i32>} : memref<256x128xf32, #tpu.memory_space<vmem>>, vector<16xf32>,
      %add3A_931 = arith.constant 256 : i32
      %add3A_932 = arith.addi %add3A_931, %add3A_921 : i32
      %swap3A_933 = arith.index_cast %add3A_932 : i32 to index
      %swap3A_934 = arith.constant 0 : index
      %swap3A_935 = tpu.vector_load %arg7[%swap3A_933, %swap3A_934] {strides = array<i32>} : memref<512x80xf32, #tpu.memory_space<vmem>>, vector<16xf32>,
      tpu.vector_store %arg7[%swap3A_933, %swap3A_934], %get3A_930 {strides = array<i32>} : memref<512x80xf32, #tpu.memory_space<vmem>>, vector<16xf32>,
      %get3A_936 = arith.index_cast %add3A_921 : i32 to index
      %get3A_937 = arith.constant 16 : index
      %get3A_938 = tpu.vector_load %arg6[%get3A_936, %get3A_937] {strides = array<i32>} : memref<256x128xf32, #tpu.memory_space<vmem>>, vector<16xf32>,
      %swap3A_939 = arith.index_cast %add3A_921 : i32 to index
      %swap3A_940 = arith.constant 16 : index
      %swap3A_941 = tpu.vector_load %arg7[%swap3A_939, %swap3A_940] {strides = array<i32>} : memref<512x80xf32, #tpu.memory_space<vmem>>, vector<16xf32>,
      tpu.vector_store %arg7[%swap3A_939, %swap3A_940], %get3A_938 {strides = array<i32>} : memref<512x80xf32, #tpu.memory_space<vmem>>, vector<16xf32>,
      %get3A_942 = arith.index_cast %add3A_921 : i32 to index
      %get3A_943 = arith.constant 80 : index
      %get3A_944 = tpu.vector_load %arg6[%get3A_942, %get3A_943] {strides = array<i32>} : memref<256x128xf32, #tpu.memory_space<vmem>>, vector<16xf32>,
      %add3A_945 = arith.constant 256 : i32
      %add3A_946 = arith.addi %add3A_945, %add3A_921 : i32
      %swap3A_947 = arith.index_cast %add3A_946 : i32 to index
      %swap3A_948 = arith.constant 16 : index
      %swap3A_949 = tpu.vector_load %arg7[%swap3A_947, %swap3A_948] {strides = array<i32>} : memref<512x80xf32, #tpu.memory_space<vmem>>, vector<16xf32>,
      tpu.vector_store %arg7[%swap3A_947, %swap3A_948], %get3A_944 {strides = array<i32>} : memref<512x80xf32, #tpu.memory_space<vmem>>, vector<16xf32>,
      %get3A_950 = arith.index_cast %add3A_921 : i32 to index
      %get3A_951 = arith.constant 32 : index
      %get3A_952 = tpu.vector_load %arg6[%get3A_950, %get3A_951] {strides = array<i32>} : memref<256x128xf32, #tpu.memory_space<vmem>>, vector<16xf32>,
      %swap3A_953 = arith.index_cast %add3A_921 : i32 to index
      %swap3A_954 = arith.constant 32 : index
      %swap3A_955 = tpu.vector_load %arg7[%swap3A_953, %swap3A_954] {strides = array<i32>} : memref<512x80xf32, #tpu.memory_space<vmem>>, vector<16xf32>,
      tpu.vector_store %arg7[%swap3A_953, %swap3A_954], %get3A_952 {strides = array<i32>} : memref<512x80xf32, #tpu.memory_space<vmem>>, vector<16xf32>,
      %get3A_956 = arith.index_cast %add3A_921 : i32 to index
      %get3A_957 = arith.constant 96 : index
      %get3A_958 = tpu.vector_load %arg6[%get3A_956, %get3A_957] {strides = array<i32>} : memref<256x128xf32, #tpu.memory_space<vmem>>, vector<16xf32>,
      %add3A_959 = arith.constant 256 : i32
      %add3A_960 = arith.addi %add3A_959, %add3A_921 : i32
      %swap3A_961 = arith.index_cast %add3A_960 : i32 to index
      %swap3A_962 = arith.constant 32 : index
      %swap3A_963 = tpu.vector_load %arg7[%swap3A_961, %swap3A_962] {strides = array<i32>} : memref<512x80xf32, #tpu.memory_space<vmem>>, vector<16xf32>,
      tpu.vector_store %arg7[%swap3A_961, %swap3A_962], %get3A_958 {strides = array<i32>} : memref<512x80xf32, #tpu.memory_space<vmem>>, vector<16xf32>,
      %get3A_964 = arith.index_cast %add3A_921 : i32 to index
      %get3A_965 = arith.constant 48 : index
      %get3A_966 = tpu.vector_load %arg6[%get3A_964, %get3A_965] {strides = array<i32>} : memref<256x128xf32, #tpu.memory_space<vmem>>, vector<16xf32>,
      %swap3A_967 = arith.index_cast %add3A_921 : i32 to index
      %swap3A_968 = arith.constant 48 : index
      %swap3A_969 = tpu.vector_load %arg7[%swap3A_967, %swap3A_968] {strides = array<i32>} : memref<512x80xf32, #tpu.memory_space<vmem>>, vector<16xf32>,
      tpu.vector_store %arg7[%swap3A_967, %swap3A_968], %get3A_966 {strides = array<i32>} : memref<512x80xf32, #tpu.memory_space<vmem>>, vector<16xf32>,
      %get3A_970 = arith.index_cast %add3A_921 : i32 to index
      %get3A_971 = arith.constant 112 : index
      %get3A_972 = tpu.vector_load %arg6[%get3A_970, %get3A_971] {strides = array<i32>} : memref<256x128xf32, #tpu.memory_space<vmem>>, vector<16xf32>,
      %add3A_973 = arith.constant 256 : i32
      %add3A_974 = arith.addi %add3A_973, %add3A_921 : i32
      %swap3A_975 = arith.index_cast %add3A_974 : i32 to index
      %swap3A_976 = arith.constant 48 : index
      %swap3A_977 = tpu.vector_load %arg7[%swap3A_975, %swap3A_976] {strides = array<i32>} : memref<512x80xf32, #tpu.memory_space<vmem>>, vector<16xf32>,
      tpu.vector_store %arg7[%swap3A_975, %swap3A_976], %get3A_972 {strides = array<i32>} : memref<512x80xf32, #tpu.memory_space<vmem>>, vector<16xf32>,
      %swap3A_978 = arith.index_cast %add3A_921 : i32 to index
      %swap3A_979 = arith.constant 64 : index
      %swap3A_980 = tpu.vector_load %arg7[%swap3A_978, %swap3A_979] {strides = array<i32>} : memref<512x80xf32, #tpu.memory_space<vmem>>, vector<16xf32>,
      tpu.vector_store %arg7[%swap3A_978, %swap3A_979], %convert_element_type3A_65 {strides = array<i32>} : memref<512x80xf32, #tpu.memory_space<vmem>>, vector<16xf32>,
      %add3A_981 = arith.constant 256 : i32
      %add3A_982 = arith.addi %add3A_981, %add3A_921 : i32
      %swap3A_983 = arith.index_cast %add3A_982 : i32 to index
      %swap3A_984 = arith.constant 64 : index
      %swap3A_985 = tpu.vector_load %arg7[%swap3A_983, %swap3A_984] {strides = array<i32>} : memref<512x80xf32, #tpu.memory_space<vmem>>, vector<16xf32>,
      tpu.vector_store %arg7[%swap3A_983, %swap3A_984], %convert_element_type3A_65 {strides = array<i32>} : memref<512x80xf32, #tpu.memory_space<vmem>>, vector<16xf32>,
      %mul3A_986 = arith.constant 16 : i32
      %mul3A_987 = arith.muli %add3A_239, %mul3A_986 : i32
      %add3A_988 = arith.constant 11 : i32
      %add3A_989 = arith.addi %mul3A_987, %add3A_988 : i32
      %get3A_990 = arith.index_cast %add3A_989 : i32 to index
      %get3A_991 = arith.constant 0 : index
      %get3A_992 = tpu.vector_load %arg6[%get3A_990, %get3A_991] {strides = array<i32>} : memref<256x128xf32, #tpu.memory_space<vmem>>, vector<16xf32>,
      %swap3A_993 = arith.index_cast %add3A_989 : i32 to index
      %swap3A_994 = arith.constant 0 : index
      %swap3A_995 = tpu.vector_load %arg7[%swap3A_993, %swap3A_994] {strides = array<i32>} : memref<512x80xf32, #tpu.memory_space<vmem>>, vector<16xf32>,
      tpu.vector_store %arg7[%swap3A_993, %swap3A_994], %get3A_992 {strides = array<i32>} : memref<512x80xf32, #tpu.memory_space<vmem>>, vector<16xf32>,
      %get3A_996 = arith.index_cast %add3A_989 : i32 to index
      %get3A_997 = arith.constant 64 : index
      %get3A_998 = tpu.vector_load %arg6[%get3A_996, %get3A_997] {strides = array<i32>} : memref<256x128xf32, #tpu.memory_space<vmem>>, vector<16xf32>,
      %add3A_999 = arith.constant 256 : i32
      %add3A_1000 = arith.addi %add3A_999, %add3A_989 : i32
      %swap3A_1001 = arith.index_cast %add3A_1000 : i32 to index
      %swap3A_1002 = arith.constant 0 : index
      %swap3A_1003 = tpu.vector_load %arg7[%swap3A_1001, %swap3A_1002] {strides = array<i32>} : memref<512x80xf32, #tpu.memory_space<vmem>>, vector<16xf32>,
      tpu.vector_store %arg7[%swap3A_1001, %swap3A_1002], %get3A_998 {strides = array<i32>} : memref<512x80xf32, #tpu.memory_space<vmem>>, vector<16xf32>,
      %get3A_1004 = arith.index_cast %add3A_989 : i32 to index
      %get3A_1005 = arith.constant 16 : index
      %get3A_1006 = tpu.vector_load %arg6[%get3A_1004, %get3A_1005] {strides = array<i32>} : memref<256x128xf32, #tpu.memory_space<vmem>>, vector<16xf32>,
      %swap3A_1007 = arith.index_cast %add3A_989 : i32 to index
      %swap3A_1008 = arith.constant 16 : index
      %swap3A_1009 = tpu.vector_load %arg7[%swap3A_1007, %swap3A_1008] {strides = array<i32>} : memref<512x80xf32, #tpu.memory_space<vmem>>, vector<16xf32>,
      tpu.vector_store %arg7[%swap3A_1007, %swap3A_1008], %get3A_1006 {strides = array<i32>} : memref<512x80xf32, #tpu.memory_space<vmem>>, vector<16xf32>,
      %get3A_1010 = arith.index_cast %add3A_989 : i32 to index
      %get3A_1011 = arith.constant 80 : index
      %get3A_1012 = tpu.vector_load %arg6[%get3A_1010, %get3A_1011] {strides = array<i32>} : memref<256x128xf32, #tpu.memory_space<vmem>>, vector<16xf32>,
      %add3A_1013 = arith.constant 256 : i32
      %add3A_1014 = arith.addi %add3A_1013, %add3A_989 : i32
      %swap3A_1015 = arith.index_cast %add3A_1014 : i32 to index
      %swap3A_1016 = arith.constant 16 : index
      %swap3A_1017 = tpu.vector_load %arg7[%swap3A_1015, %swap3A_1016] {strides = array<i32>} : memref<512x80xf32, #tpu.memory_space<vmem>>, vector<16xf32>,
      tpu.vector_store %arg7[%swap3A_1015, %swap3A_1016], %get3A_1012 {strides = array<i32>} : memref<512x80xf32, #tpu.memory_space<vmem>>, vector<16xf32>,
      %get3A_1018 = arith.index_cast %add3A_989 : i32 to index
      %get3A_1019 = arith.constant 32 : index
      %get3A_1020 = tpu.vector_load %arg6[%get3A_1018, %get3A_1019] {strides = array<i32>} : memref<256x128xf32, #tpu.memory_space<vmem>>, vector<16xf32>,
      %swap3A_1021 = arith.index_cast %add3A_989 : i32 to index
      %swap3A_1022 = arith.constant 32 : index
      %swap3A_1023 = tpu.vector_load %arg7[%swap3A_1021, %swap3A_1022] {strides = array<i32>} : memref<512x80xf32, #tpu.memory_space<vmem>>, vector<16xf32>,
      tpu.vector_store %arg7[%swap3A_1021, %swap3A_1022], %get3A_1020 {strides = array<i32>} : memref<512x80xf32, #tpu.memory_space<vmem>>, vector<16xf32>,
      %get3A_1024 = arith.index_cast %add3A_989 : i32 to index
      %get3A_1025 = arith.constant 96 : index
      %get3A_1026 = tpu.vector_load %arg6[%get3A_1024, %get3A_1025] {strides = array<i32>} : memref<256x128xf32, #tpu.memory_space<vmem>>, vector<16xf32>,
      %add3A_1027 = arith.constant 256 : i32
      %add3A_1028 = arith.addi %add3A_1027, %add3A_989 : i32
      %swap3A_1029 = arith.index_cast %add3A_1028 : i32 to index
      %swap3A_1030 = arith.constant 32 : index
      %swap3A_1031 = tpu.vector_load %arg7[%swap3A_1029, %swap3A_1030] {strides = array<i32>} : memref<512x80xf32, #tpu.memory_space<vmem>>, vector<16xf32>,
      tpu.vector_store %arg7[%swap3A_1029, %swap3A_1030], %get3A_1026 {strides = array<i32>} : memref<512x80xf32, #tpu.memory_space<vmem>>, vector<16xf32>,
      %get3A_1032 = arith.index_cast %add3A_989 : i32 to index
      %get3A_1033 = arith.constant 48 : index
      %get3A_1034 = tpu.vector_load %arg6[%get3A_1032, %get3A_1033] {strides = array<i32>} : memref<256x128xf32, #tpu.memory_space<vmem>>, vector<16xf32>,
      %swap3A_1035 = arith.index_cast %add3A_989 : i32 to index
      %swap3A_1036 = arith.constant 48 : index
      %swap3A_1037 = tpu.vector_load %arg7[%swap3A_1035, %swap3A_1036] {strides = array<i32>} : memref<512x80xf32, #tpu.memory_space<vmem>>, vector<16xf32>,
      tpu.vector_store %arg7[%swap3A_1035, %swap3A_1036], %get3A_1034 {strides = array<i32>} : memref<512x80xf32, #tpu.memory_space<vmem>>, vector<16xf32>,
      %get3A_1038 = arith.index_cast %add3A_989 : i32 to index
      %get3A_1039 = arith.constant 112 : index
      %get3A_1040 = tpu.vector_load %arg6[%get3A_1038, %get3A_1039] {strides = array<i32>} : memref<256x128xf32, #tpu.memory_space<vmem>>, vector<16xf32>,
      %add3A_1041 = arith.constant 256 : i32
      %add3A_1042 = arith.addi %add3A_1041, %add3A_989 : i32
      %swap3A_1043 = arith.index_cast %add3A_1042 : i32 to index
      %swap3A_1044 = arith.constant 48 : index
      %swap3A_1045 = tpu.vector_load %arg7[%swap3A_1043, %swap3A_1044] {strides = array<i32>} : memref<512x80xf32, #tpu.memory_space<vmem>>, vector<16xf32>,
      tpu.vector_store %arg7[%swap3A_1043, %swap3A_1044], %get3A_1040 {strides = array<i32>} : memref<512x80xf32, #tpu.memory_space<vmem>>, vector<16xf32>,
      %swap3A_1046 = arith.index_cast %add3A_989 : i32 to index
      %swap3A_1047 = arith.constant 64 : index
      %swap3A_1048 = tpu.vector_load %arg7[%swap3A_1046, %swap3A_1047] {strides = array<i32>} : memref<512x80xf32, #tpu.memory_space<vmem>>, vector<16xf32>,
      tpu.vector_store %arg7[%swap3A_1046, %swap3A_1047], %convert_element_type3A_65 {strides = array<i32>} : memref<512x80xf32, #tpu.memory_space<vmem>>, vector<16xf32>,
      %add3A_1049 = arith.constant 256 : i32
      %add3A_1050 = arith.addi %add3A_1049, %add3A_989 : i32
      %swap3A_1051 = arith.index_cast %add3A_1050 : i32 to index
      %swap3A_1052 = arith.constant 64 : index
      %swap3A_1053 = tpu.vector_load %arg7[%swap3A_1051, %swap3A_1052] {strides = array<i32>} : memref<512x80xf32, #tpu.memory_space<vmem>>, vector<16xf32>,
      tpu.vector_store %arg7[%swap3A_1051, %swap3A_1052], %convert_element_type3A_65 {strides = array<i32>} : memref<512x80xf32, #tpu.memory_space<vmem>>, vector<16xf32>,
      %mul3A_1054 = arith.constant 16 : i32
      %mul3A_1055 = arith.muli %add3A_239, %mul3A_1054 : i32
      %add3A_1056 = arith.constant 12 : i32
      %add3A_1057 = arith.addi %mul3A_1055, %add3A_1056 : i32
      %get3A_1058 = arith.index_cast %add3A_1057 : i32 to index
      %get3A_1059 = arith.constant 0 : index
      %get3A_1060 = tpu.vector_load %arg6[%get3A_1058, %get3A_1059] {strides = array<i32>} : memref<256x128xf32, #tpu.memory_space<vmem>>, vector<16xf32>,
      %swap3A_1061 = arith.index_cast %add3A_1057 : i32 to index
      %swap3A_1062 = arith.constant 0 : index
      %swap3A_1063 = tpu.vector_load %arg7[%swap3A_1061, %swap3A_1062] {strides = array<i32>} : memref<512x80xf32, #tpu.memory_space<vmem>>, vector<16xf32>,
      tpu.vector_store %arg7[%swap3A_1061, %swap3A_1062], %get3A_1060 {strides = array<i32>} : memref<512x80xf32, #tpu.memory_space<vmem>>, vector<16xf32>,
      %get3A_1064 = arith.index_cast %add3A_1057 : i32 to index
      %get3A_1065 = arith.constant 64 : index
      %get3A_1066 = tpu.vector_load %arg6[%get3A_1064, %get3A_1065] {strides = array<i32>} : memref<256x128xf32, #tpu.memory_space<vmem>>, vector<16xf32>,
      %add3A_1067 = arith.constant 256 : i32
      %add3A_1068 = arith.addi %add3A_1067, %add3A_1057 : i32
      %swap3A_1069 = arith.index_cast %add3A_1068 : i32 to index
      %swap3A_1070 = arith.constant 0 : index
      %swap3A_1071 = tpu.vector_load %arg7[%swap3A_1069, %swap3A_1070] {strides = array<i32>} : memref<512x80xf32, #tpu.memory_space<vmem>>, vector<16xf32>,
      tpu.vector_store %arg7[%swap3A_1069, %swap3A_1070], %get3A_1066 {strides = array<i32>} : memref<512x80xf32, #tpu.memory_space<vmem>>, vector<16xf32>,
      %get3A_1072 = arith.index_cast %add3A_1057 : i32 to index
      %get3A_1073 = arith.constant 16 : index
      %get3A_1074 = tpu.vector_load %arg6[%get3A_1072, %get3A_1073] {strides = array<i32>} : memref<256x128xf32, #tpu.memory_space<vmem>>, vector<16xf32>,
      %swap3A_1075 = arith.index_cast %add3A_1057 : i32 to index
      %swap3A_1076 = arith.constant 16 : index
      %swap3A_1077 = tpu.vector_load %arg7[%swap3A_1075, %swap3A_1076] {strides = array<i32>} : memref<512x80xf32, #tpu.memory_space<vmem>>, vector<16xf32>,
      tpu.vector_store %arg7[%swap3A_1075, %swap3A_1076], %get3A_1074 {strides = array<i32>} : memref<512x80xf32, #tpu.memory_space<vmem>>, vector<16xf32>,
      %get3A_1078 = arith.index_cast %add3A_1057 : i32 to index
      %get3A_1079 = arith.constant 80 : index
      %get3A_1080 = tpu.vector_load %arg6[%get3A_1078, %get3A_1079] {strides = array<i32>} : memref<256x128xf32, #tpu.memory_space<vmem>>, vector<16xf32>,
      %add3A_1081 = arith.constant 256 : i32
      %add3A_1082 = arith.addi %add3A_1081, %add3A_1057 : i32
      %swap3A_1083 = arith.index_cast %add3A_1082 : i32 to index
      %swap3A_1084 = arith.constant 16 : index
      %swap3A_1085 = tpu.vector_load %arg7[%swap3A_1083, %swap3A_1084] {strides = array<i32>} : memref<512x80xf32, #tpu.memory_space<vmem>>, vector<16xf32>,
      tpu.vector_store %arg7[%swap3A_1083, %swap3A_1084], %get3A_1080 {strides = array<i32>} : memref<512x80xf32, #tpu.memory_space<vmem>>, vector<16xf32>,
      %get3A_1086 = arith.index_cast %add3A_1057 : i32 to index
      %get3A_1087 = arith.constant 32 : index
      %get3A_1088 = tpu.vector_load %arg6[%get3A_1086, %get3A_1087] {strides = array<i32>} : memref<256x128xf32, #tpu.memory_space<vmem>>, vector<16xf32>,
      %swap3A_1089 = arith.index_cast %add3A_1057 : i32 to index
      %swap3A_1090 = arith.constant 32 : index
      %swap3A_1091 = tpu.vector_load %arg7[%swap3A_1089, %swap3A_1090] {strides = array<i32>} : memref<512x80xf32, #tpu.memory_space<vmem>>, vector<16xf32>,
      tpu.vector_store %arg7[%swap3A_1089, %swap3A_1090], %get3A_1088 {strides = array<i32>} : memref<512x80xf32, #tpu.memory_space<vmem>>, vector<16xf32>,
      %get3A_1092 = arith.index_cast %add3A_1057 : i32 to index
      %get3A_1093 = arith.constant 96 : index
      %get3A_1094 = tpu.vector_load %arg6[%get3A_1092, %get3A_1093] {strides = array<i32>} : memref<256x128xf32, #tpu.memory_space<vmem>>, vector<16xf32>,
      %add3A_1095 = arith.constant 256 : i32
      %add3A_1096 = arith.addi %add3A_1095, %add3A_1057 : i32
      %swap3A_1097 = arith.index_cast %add3A_1096 : i32 to index
      %swap3A_1098 = arith.constant 32 : index
      %swap3A_1099 = tpu.vector_load %arg7[%swap3A_1097, %swap3A_1098] {strides = array<i32>} : memref<512x80xf32, #tpu.memory_space<vmem>>, vector<16xf32>,
      tpu.vector_store %arg7[%swap3A_1097, %swap3A_1098], %get3A_1094 {strides = array<i32>} : memref<512x80xf32, #tpu.memory_space<vmem>>, vector<16xf32>,
      %get3A_1100 = arith.index_cast %add3A_1057 : i32 to index
      %get3A_1101 = arith.constant 48 : index
      %get3A_1102 = tpu.vector_load %arg6[%get3A_1100, %get3A_1101] {strides = array<i32>} : memref<256x128xf32, #tpu.memory_space<vmem>>, vector<16xf32>,
      %swap3A_1103 = arith.index_cast %add3A_1057 : i32 to index
      %swap3A_1104 = arith.constant 48 : index
      %swap3A_1105 = tpu.vector_load %arg7[%swap3A_1103, %swap3A_1104] {strides = array<i32>} : memref<512x80xf32, #tpu.memory_space<vmem>>, vector<16xf32>,
      tpu.vector_store %arg7[%swap3A_1103, %swap3A_1104], %get3A_1102 {strides = array<i32>} : memref<512x80xf32, #tpu.memory_space<vmem>>, vector<16xf32>,
      %get3A_1106 = arith.index_cast %add3A_1057 : i32 to index
      %get3A_1107 = arith.constant 112 : index
      %get3A_1108 = tpu.vector_load %arg6[%get3A_1106, %get3A_1107] {strides = array<i32>} : memref<256x128xf32, #tpu.memory_space<vmem>>, vector<16xf32>,
      %add3A_1109 = arith.constant 256 : i32
      %add3A_1110 = arith.addi %add3A_1109, %add3A_1057 : i32
      %swap3A_1111 = arith.index_cast %add3A_1110 : i32 to index
      %swap3A_1112 = arith.constant 48 : index
      %swap3A_1113 = tpu.vector_load %arg7[%swap3A_1111, %swap3A_1112] {strides = array<i32>} : memref<512x80xf32, #tpu.memory_space<vmem>>, vector<16xf32>,
      tpu.vector_store %arg7[%swap3A_1111, %swap3A_1112], %get3A_1108 {strides = array<i32>} : memref<512x80xf32, #tpu.memory_space<vmem>>, vector<16xf32>,
      %swap3A_1114 = arith.index_cast %add3A_1057 : i32 to index
      %swap3A_1115 = arith.constant 64 : index
      %swap3A_1116 = tpu.vector_load %arg7[%swap3A_1114, %swap3A_1115] {strides = array<i32>} : memref<512x80xf32, #tpu.memory_space<vmem>>, vector<16xf32>,
      tpu.vector_store %arg7[%swap3A_1114, %swap3A_1115], %convert_element_type3A_65 {strides = array<i32>} : memref<512x80xf32, #tpu.memory_space<vmem>>, vector<16xf32>,
      %add3A_1117 = arith.constant 256 : i32
      %add3A_1118 = arith.addi %add3A_1117, %add3A_1057 : i32
      %swap3A_1119 = arith.index_cast %add3A_1118 : i32 to index
      %swap3A_1120 = arith.constant 64 : index
      %swap3A_1121 = tpu.vector_load %arg7[%swap3A_1119, %swap3A_1120] {strides = array<i32>} : memref<512x80xf32, #tpu.memory_space<vmem>>, vector<16xf32>,
      tpu.vector_store %arg7[%swap3A_1119, %swap3A_1120], %convert_element_type3A_65 {strides = array<i32>} : memref<512x80xf32, #tpu.memory_space<vmem>>, vector<16xf32>,
      %mul3A_1122 = arith.constant 16 : i32
      %mul3A_1123 = arith.muli %add3A_239, %mul3A_1122 : i32
      %add3A_1124 = arith.constant 13 : i32
      %add3A_1125 = arith.addi %mul3A_1123, %add3A_1124 : i32
      %get3A_1126 = arith.index_cast %add3A_1125 : i32 to index
      %get3A_1127 = arith.constant 0 : index
      %get3A_1128 = tpu.vector_load %arg6[%get3A_1126, %get3A_1127] {strides = array<i32>} : memref<256x128xf32, #tpu.memory_space<vmem>>, vector<16xf32>,
      %swap3A_1129 = arith.index_cast %add3A_1125 : i32 to index
      %swap3A_1130 = arith.constant 0 : index
      %swap3A_1131 = tpu.vector_load %arg7[%swap3A_1129, %swap3A_1130] {strides = array<i32>} : memref<512x80xf32, #tpu.memory_space<vmem>>, vector<16xf32>,
      tpu.vector_store %arg7[%swap3A_1129, %swap3A_1130], %get3A_1128 {strides = array<i32>} : memref<512x80xf32, #tpu.memory_space<vmem>>, vector<16xf32>,
      %get3A_1132 = arith.index_cast %add3A_1125 : i32 to index
      %get3A_1133 = arith.constant 64 : index
      %get3A_1134 = tpu.vector_load %arg6[%get3A_1132, %get3A_1133] {strides = array<i32>} : memref<256x128xf32, #tpu.memory_space<vmem>>, vector<16xf32>,
      %add3A_1135 = arith.constant 256 : i32
      %add3A_1136 = arith.addi %add3A_1135, %add3A_1125 : i32
      %swap3A_1137 = arith.index_cast %add3A_1136 : i32 to index
      %swap3A_1138 = arith.constant 0 : index
      %swap3A_1139 = tpu.vector_load %arg7[%swap3A_1137, %swap3A_1138] {strides = array<i32>} : memref<512x80xf32, #tpu.memory_space<vmem>>, vector<16xf32>,
      tpu.vector_store %arg7[%swap3A_1137, %swap3A_1138], %get3A_1134 {strides = array<i32>} : memref<512x80xf32, #tpu.memory_space<vmem>>, vector<16xf32>,
      %get3A_1140 = arith.index_cast %add3A_1125 : i32 to index
      %get3A_1141 = arith.constant 16 : index
      %get3A_1142 = tpu.vector_load %arg6[%get3A_1140, %get3A_1141] {strides = array<i32>} : memref<256x128xf32, #tpu.memory_space<vmem>>, vector<16xf32>,
      %swap3A_1143 = arith.index_cast %add3A_1125 : i32 to index
      %swap3A_1144 = arith.constant 16 : index
      %swap3A_1145 = tpu.vector_load %arg7[%swap3A_1143, %swap3A_1144] {strides = array<i32>} : memref<512x80xf32, #tpu.memory_space<vmem>>, vector<16xf32>,
      tpu.vector_store %arg7[%swap3A_1143, %swap3A_1144], %get3A_1142 {strides = array<i32>} : memref<512x80xf32, #tpu.memory_space<vmem>>, vector<16xf32>,
      %get3A_1146 = arith.index_cast %add3A_1125 : i32 to index
      %get3A_1147 = arith.constant 80 : index
      %get3A_1148 = tpu.vector_load %arg6[%get3A_1146, %get3A_1147] {strides = array<i32>} : memref<256x128xf32, #tpu.memory_space<vmem>>, vector<16xf32>,
      %add3A_1149 = arith.constant 256 : i32
      %add3A_1150 = arith.addi %add3A_1149, %add3A_1125 : i32
      %swap3A_1151 = arith.index_cast %add3A_1150 : i32 to index
      %swap3A_1152 = arith.constant 16 : index
      %swap3A_1153 = tpu.vector_load %arg7[%swap3A_1151, %swap3A_1152] {strides = array<i32>} : memref<512x80xf32, #tpu.memory_space<vmem>>, vector<16xf32>,
      tpu.vector_store %arg7[%swap3A_1151, %swap3A_1152], %get3A_1148 {strides = array<i32>} : memref<512x80xf32, #tpu.memory_space<vmem>>, vector<16xf32>,
      %get3A_1154 = arith.index_cast %add3A_1125 : i32 to index
      %get3A_1155 = arith.constant 32 : index
      %get3A_1156 = tpu.vector_load %arg6[%get3A_1154, %get3A_1155] {strides = array<i32>} : memref<256x128xf32, #tpu.memory_space<vmem>>, vector<16xf32>,
      %swap3A_1157 = arith.index_cast %add3A_1125 : i32 to index
      %swap3A_1158 = arith.constant 32 : index
      %swap3A_1159 = tpu.vector_load %arg7[%swap3A_1157, %swap3A_1158] {strides = array<i32>} : memref<512x80xf32, #tpu.memory_space<vmem>>, vector<16xf32>,
      tpu.vector_store %arg7[%swap3A_1157, %swap3A_1158], %get3A_1156 {strides = array<i32>} : memref<512x80xf32, #tpu.memory_space<vmem>>, vector<16xf32>,
      %get3A_1160 = arith.index_cast %add3A_1125 : i32 to index
      %get3A_1161 = arith.constant 96 : index
      %get3A_1162 = tpu.vector_load %arg6[%get3A_1160, %get3A_1161] {strides = array<i32>} : memref<256x128xf32, #tpu.memory_space<vmem>>, vector<16xf32>,
      %add3A_1163 = arith.constant 256 : i32
      %add3A_1164 = arith.addi %add3A_1163, %add3A_1125 : i32
      %swap3A_1165 = arith.index_cast %add3A_1164 : i32 to index
      %swap3A_1166 = arith.constant 32 : index
      %swap3A_1167 = tpu.vector_load %arg7[%swap3A_1165, %swap3A_1166] {strides = array<i32>} : memref<512x80xf32, #tpu.memory_space<vmem>>, vector<16xf32>,
      tpu.vector_store %arg7[%swap3A_1165, %swap3A_1166], %get3A_1162 {strides = array<i32>} : memref<512x80xf32, #tpu.memory_space<vmem>>, vector<16xf32>,
      %get3A_1168 = arith.index_cast %add3A_1125 : i32 to index
      %get3A_1169 = arith.constant 48 : index
      %get3A_1170 = tpu.vector_load %arg6[%get3A_1168, %get3A_1169] {strides = array<i32>} : memref<256x128xf32, #tpu.memory_space<vmem>>, vector<16xf32>,
      %swap3A_1171 = arith.index_cast %add3A_1125 : i32 to index
      %swap3A_1172 = arith.constant 48 : index
      %swap3A_1173 = tpu.vector_load %arg7[%swap3A_1171, %swap3A_1172] {strides = array<i32>} : memref<512x80xf32, #tpu.memory_space<vmem>>, vector<16xf32>,
      tpu.vector_store %arg7[%swap3A_1171, %swap3A_1172], %get3A_1170 {strides = array<i32>} : memref<512x80xf32, #tpu.memory_space<vmem>>, vector<16xf32>,
      %get3A_1174 = arith.index_cast %add3A_1125 : i32 to index
      %get3A_1175 = arith.constant 112 : index
      %get3A_1176 = tpu.vector_load %arg6[%get3A_1174, %get3A_1175] {strides = array<i32>} : memref<256x128xf32, #tpu.memory_space<vmem>>, vector<16xf32>,
      %add3A_1177 = arith.constant 256 : i32
      %add3A_1178 = arith.addi %add3A_1177, %add3A_1125 : i32
      %swap3A_1179 = arith.index_cast %add3A_1178 : i32 to index
      %swap3A_1180 = arith.constant 48 : index
      %swap3A_1181 = tpu.vector_load %arg7[%swap3A_1179, %swap3A_1180] {strides = array<i32>} : memref<512x80xf32, #tpu.memory_space<vmem>>, vector<16xf32>,
      tpu.vector_store %arg7[%swap3A_1179, %swap3A_1180], %get3A_1176 {strides = array<i32>} : memref<512x80xf32, #tpu.memory_space<vmem>>, vector<16xf32>,
      %swap3A_1182 = arith.index_cast %add3A_1125 : i32 to index
      %swap3A_1183 = arith.constant 64 : index
      %swap3A_1184 = tpu.vector_load %arg7[%swap3A_1182, %swap3A_1183] {strides = array<i32>} : memref<512x80xf32, #tpu.memory_space<vmem>>, vector<16xf32>,
      tpu.vector_store %arg7[%swap3A_1182, %swap3A_1183], %convert_element_type3A_65 {strides = array<i32>} : memref<512x80xf32, #tpu.memory_space<vmem>>, vector<16xf32>,
      %add3A_1185 = arith.constant 256 : i32
      %add3A_1186 = arith.addi %add3A_1185, %add3A_1125 : i32
      %swap3A_1187 = arith.index_cast %add3A_1186 : i32 to index
      %swap3A_1188 = arith.constant 64 : index
      %swap3A_1189 = tpu.vector_load %arg7[%swap3A_1187, %swap3A_1188] {strides = array<i32>} : memref<512x80xf32, #tpu.memory_space<vmem>>, vector<16xf32>,
      tpu.vector_store %arg7[%swap3A_1187, %swap3A_1188], %convert_element_type3A_65 {strides = array<i32>} : memref<512x80xf32, #tpu.memory_space<vmem>>, vector<16xf32>,
      %mul3A_1190 = arith.constant 16 : i32
      %mul3A_1191 = arith.muli %add3A_239, %mul3A_1190 : i32
      %add3A_1192 = arith.constant 14 : i32
      %add3A_1193 = arith.addi %mul3A_1191, %add3A_1192 : i32
      %get3A_1194 = arith.index_cast %add3A_1193 : i32 to index
      %get3A_1195 = arith.constant 0 : index
      %get3A_1196 = tpu.vector_load %arg6[%get3A_1194, %get3A_1195] {strides = array<i32>} : memref<256x128xf32, #tpu.memory_space<vmem>>, vector<16xf32>,
      %swap3A_1197 = arith.index_cast %add3A_1193 : i32 to index
      %swap3A_1198 = arith.constant 0 : index
      %swap3A_1199 = tpu.vector_load %arg7[%swap3A_1197, %swap3A_1198] {strides = array<i32>} : memref<512x80xf32, #tpu.memory_space<vmem>>, vector<16xf32>,
      tpu.vector_store %arg7[%swap3A_1197, %swap3A_1198], %get3A_1196 {strides = array<i32>} : memref<512x80xf32, #tpu.memory_space<vmem>>, vector<16xf32>,
      %get3A_1200 = arith.index_cast %add3A_1193 : i32 to index
      %get3A_1201 = arith.constant 64 : index
      %get3A_1202 = tpu.vector_load %arg6[%get3A_1200, %get3A_1201] {strides = array<i32>} : memref<256x128xf32, #tpu.memory_space<vmem>>, vector<16xf32>,
      %add3A_1203 = arith.constant 256 : i32
      %add3A_1204 = arith.addi %add3A_1203, %add3A_1193 : i32
      %swap3A_1205 = arith.index_cast %add3A_1204 : i32 to index
      %swap3A_1206 = arith.constant 0 : index
      %swap3A_1207 = tpu.vector_load %arg7[%swap3A_1205, %swap3A_1206] {strides = array<i32>} : memref<512x80xf32, #tpu.memory_space<vmem>>, vector<16xf32>,
      tpu.vector_store %arg7[%swap3A_1205, %swap3A_1206], %get3A_1202 {strides = array<i32>} : memref<512x80xf32, #tpu.memory_space<vmem>>, vector<16xf32>,
      %get3A_1208 = arith.index_cast %add3A_1193 : i32 to index
      %get3A_1209 = arith.constant 16 : index
      %get3A_1210 = tpu.vector_load %arg6[%get3A_1208, %get3A_1209] {strides = array<i32>} : memref<256x128xf32, #tpu.memory_space<vmem>>, vector<16xf32>,
      %swap3A_1211 = arith.index_cast %add3A_1193 : i32 to index
      %swap3A_1212 = arith.constant 16 : index
      %swap3A_1213 = tpu.vector_load %arg7[%swap3A_1211, %swap3A_1212] {strides = array<i32>} : memref<512x80xf32, #tpu.memory_space<vmem>>, vector<16xf32>,
      tpu.vector_store %arg7[%swap3A_1211, %swap3A_1212], %get3A_1210 {strides = array<i32>} : memref<512x80xf32, #tpu.memory_space<vmem>>, vector<16xf32>,
      %get3A_1214 = arith.index_cast %add3A_1193 : i32 to index
      %get3A_1215 = arith.constant 80 : index
      %get3A_1216 = tpu.vector_load %arg6[%get3A_1214, %get3A_1215] {strides = array<i32>} : memref<256x128xf32, #tpu.memory_space<vmem>>, vector<16xf32>,
      %add3A_1217 = arith.constant 256 : i32
      %add3A_1218 = arith.addi %add3A_1217, %add3A_1193 : i32
      %swap3A_1219 = arith.index_cast %add3A_1218 : i32 to index
      %swap3A_1220 = arith.constant 16 : index
      %swap3A_1221 = tpu.vector_load %arg7[%swap3A_1219, %swap3A_1220] {strides = array<i32>} : memref<512x80xf32, #tpu.memory_space<vmem>>, vector<16xf32>,
      tpu.vector_store %arg7[%swap3A_1219, %swap3A_1220], %get3A_1216 {strides = array<i32>} : memref<512x80xf32, #tpu.memory_space<vmem>>, vector<16xf32>,
      %get3A_1222 = arith.index_cast %add3A_1193 : i32 to index
      %get3A_1223 = arith.constant 32 : index
      %get3A_1224 = tpu.vector_load %arg6[%get3A_1222, %get3A_1223] {strides = array<i32>} : memref<256x128xf32, #tpu.memory_space<vmem>>, vector<16xf32>,
      %swap3A_1225 = arith.index_cast %add3A_1193 : i32 to index
      %swap3A_1226 = arith.constant 32 : index
      %swap3A_1227 = tpu.vector_load %arg7[%swap3A_1225, %swap3A_1226] {strides = array<i32>} : memref<512x80xf32, #tpu.memory_space<vmem>>, vector<16xf32>,
      tpu.vector_store %arg7[%swap3A_1225, %swap3A_1226], %get3A_1224 {strides = array<i32>} : memref<512x80xf32, #tpu.memory_space<vmem>>, vector<16xf32>,
      %get3A_1228 = arith.index_cast %add3A_1193 : i32 to index
      %get3A_1229 = arith.constant 96 : index
      %get3A_1230 = tpu.vector_load %arg6[%get3A_1228, %get3A_1229] {strides = array<i32>} : memref<256x128xf32, #tpu.memory_space<vmem>>, vector<16xf32>,
      %add3A_1231 = arith.constant 256 : i32
      %add3A_1232 = arith.addi %add3A_1231, %add3A_1193 : i32
      %swap3A_1233 = arith.index_cast %add3A_1232 : i32 to index
      %swap3A_1234 = arith.constant 32 : index
      %swap3A_1235 = tpu.vector_load %arg7[%swap3A_1233, %swap3A_1234] {strides = array<i32>} : memref<512x80xf32, #tpu.memory_space<vmem>>, vector<16xf32>,
      tpu.vector_store %arg7[%swap3A_1233, %swap3A_1234], %get3A_1230 {strides = array<i32>} : memref<512x80xf32, #tpu.memory_space<vmem>>, vector<16xf32>,
      %get3A_1236 = arith.index_cast %add3A_1193 : i32 to index
      %get3A_1237 = arith.constant 48 : index
      %get3A_1238 = tpu.vector_load %arg6[%get3A_1236, %get3A_1237] {strides = array<i32>} : memref<256x128xf32, #tpu.memory_space<vmem>>, vector<16xf32>,
      %swap3A_1239 = arith.index_cast %add3A_1193 : i32 to index
      %swap3A_1240 = arith.constant 48 : index
      %swap3A_1241 = tpu.vector_load %arg7[%swap3A_1239, %swap3A_1240] {strides = array<i32>} : memref<512x80xf32, #tpu.memory_space<vmem>>, vector<16xf32>,
      tpu.vector_store %arg7[%swap3A_1239, %swap3A_1240], %get3A_1238 {strides = array<i32>} : memref<512x80xf32, #tpu.memory_space<vmem>>, vector<16xf32>,
      %get3A_1242 = arith.index_cast %add3A_1193 : i32 to index
      %get3A_1243 = arith.constant 112 : index
      %get3A_1244 = tpu.vector_load %arg6[%get3A_1242, %get3A_1243] {strides = array<i32>} : memref<256x128xf32, #tpu.memory_space<vmem>>, vector<16xf32>,
      %add3A_1245 = arith.constant 256 : i32
      %add3A_1246 = arith.addi %add3A_1245, %add3A_1193 : i32
      %swap3A_1247 = arith.index_cast %add3A_1246 : i32 to index
      %swap3A_1248 = arith.constant 48 : index
      %swap3A_1249 = tpu.vector_load %arg7[%swap3A_1247, %swap3A_1248] {strides = array<i32>} : memref<512x80xf32, #tpu.memory_space<vmem>>, vector<16xf32>,
      tpu.vector_store %arg7[%swap3A_1247, %swap3A_1248], %get3A_1244 {strides = array<i32>} : memref<512x80xf32, #tpu.memory_space<vmem>>, vector<16xf32>,
      %swap3A_1250 = arith.index_cast %add3A_1193 : i32 to index
      %swap3A_1251 = arith.constant 64 : index
      %swap3A_1252 = tpu.vector_load %arg7[%swap3A_1250, %swap3A_1251] {strides = array<i32>} : memref<512x80xf32, #tpu.memory_space<vmem>>, vector<16xf32>,
      tpu.vector_store %arg7[%swap3A_1250, %swap3A_1251], %convert_element_type3A_65 {strides = array<i32>} : memref<512x80xf32, #tpu.memory_space<vmem>>, vector<16xf32>,
      %add3A_1253 = arith.constant 256 : i32
      %add3A_1254 = arith.addi %add3A_1253, %add3A_1193 : i32
      %swap3A_1255 = arith.index_cast %add3A_1254 : i32 to index
      %swap3A_1256 = arith.constant 64 : index
      %swap3A_1257 = tpu.vector_load %arg7[%swap3A_1255, %swap3A_1256] {strides = array<i32>} : memref<512x80xf32, #tpu.memory_space<vmem>>, vector<16xf32>,
      tpu.vector_store %arg7[%swap3A_1255, %swap3A_1256], %convert_element_type3A_65 {strides = array<i32>} : memref<512x80xf32, #tpu.memory_space<vmem>>, vector<16xf32>,
      %mul3A_1258 = arith.constant 16 : i32
      %mul3A_1259 = arith.muli %add3A_239, %mul3A_1258 : i32
      %add3A_1260 = arith.constant 15 : i32
      %add3A_1261 = arith.addi %mul3A_1259, %add3A_1260 : i32
      %get3A_1262 = arith.index_cast %add3A_1261 : i32 to index
      %get3A_1263 = arith.constant 0 : index
      %get3A_1264 = tpu.vector_load %arg6[%get3A_1262, %get3A_1263] {strides = array<i32>} : memref<256x128xf32, #tpu.memory_space<vmem>>, vector<16xf32>,
      %swap3A_1265 = arith.index_cast %add3A_1261 : i32 to index
      %swap3A_1266 = arith.constant 0 : index
      %swap3A_1267 = tpu.vector_load %arg7[%swap3A_1265, %swap3A_1266] {strides = array<i32>} : memref<512x80xf32, #tpu.memory_space<vmem>>, vector<16xf32>,
      tpu.vector_store %arg7[%swap3A_1265, %swap3A_1266], %get3A_1264 {strides = array<i32>} : memref<512x80xf32, #tpu.memory_space<vmem>>, vector<16xf32>,
      %get3A_1268 = arith.index_cast %add3A_1261 : i32 to index
      %get3A_1269 = arith.constant 64 : index
      %get3A_1270 = tpu.vector_load %arg6[%get3A_1268, %get3A_1269] {strides = array<i32>} : memref<256x128xf32, #tpu.memory_space<vmem>>, vector<16xf32>,
      %add3A_1271 = arith.constant 256 : i32
      %add3A_1272 = arith.addi %add3A_1271, %add3A_1261 : i32
      %swap3A_1273 = arith.index_cast %add3A_1272 : i32 to index
      %swap3A_1274 = arith.constant 0 : index
      %swap3A_1275 = tpu.vector_load %arg7[%swap3A_1273, %swap3A_1274] {strides = array<i32>} : memref<512x80xf32, #tpu.memory_space<vmem>>, vector<16xf32>,
      tpu.vector_store %arg7[%swap3A_1273, %swap3A_1274], %get3A_1270 {strides = array<i32>} : memref<512x80xf32, #tpu.memory_space<vmem>>, vector<16xf32>,
      %get3A_1276 = arith.index_cast %add3A_1261 : i32 to index
      %get3A_1277 = arith.constant 16 : index
      %get3A_1278 = tpu.vector_load %arg6[%get3A_1276, %get3A_1277] {strides = array<i32>} : memref<256x128xf32, #tpu.memory_space<vmem>>, vector<16xf32>,
      %swap3A_1279 = arith.index_cast %add3A_1261 : i32 to index
      %swap3A_1280 = arith.constant 16 : index
      %swap3A_1281 = tpu.vector_load %arg7[%swap3A_1279, %swap3A_1280] {strides = array<i32>} : memref<512x80xf32, #tpu.memory_space<vmem>>, vector<16xf32>,
      tpu.vector_store %arg7[%swap3A_1279, %swap3A_1280], %get3A_1278 {strides = array<i32>} : memref<512x80xf32, #tpu.memory_space<vmem>>, vector<16xf32>,
      %get3A_1282 = arith.index_cast %add3A_1261 : i32 to index
      %get3A_1283 = arith.constant 80 : index
      %get3A_1284 = tpu.vector_load %arg6[%get3A_1282, %get3A_1283] {strides = array<i32>} : memref<256x128xf32, #tpu.memory_space<vmem>>, vector<16xf32>,
      %add3A_1285 = arith.constant 256 : i32
      %add3A_1286 = arith.addi %add3A_1285, %add3A_1261 : i32
      %swap3A_1287 = arith.index_cast %add3A_1286 : i32 to index
      %swap3A_1288 = arith.constant 16 : index
      %swap3A_1289 = tpu.vector_load %arg7[%swap3A_1287, %swap3A_1288] {strides = array<i32>} : memref<512x80xf32, #tpu.memory_space<vmem>>, vector<16xf32>,
      tpu.vector_store %arg7[%swap3A_1287, %swap3A_1288], %get3A_1284 {strides = array<i32>} : memref<512x80xf32, #tpu.memory_space<vmem>>, vector<16xf32>,
      %get3A_1290 = arith.index_cast %add3A_1261 : i32 to index
      %get3A_1291 = arith.constant 32 : index
      %get3A_1292 = tpu.vector_load %arg6[%get3A_1290, %get3A_1291] {strides = array<i32>} : memref<256x128xf32, #tpu.memory_space<vmem>>, vector<16xf32>,
      %swap3A_1293 = arith.index_cast %add3A_1261 : i32 to index
      %swap3A_1294 = arith.constant 32 : index
      %swap3A_1295 = tpu.vector_load %arg7[%swap3A_1293, %swap3A_1294] {strides = array<i32>} : memref<512x80xf32, #tpu.memory_space<vmem>>, vector<16xf32>,
      tpu.vector_store %arg7[%swap3A_1293, %swap3A_1294], %get3A_1292 {strides = array<i32>} : memref<512x80xf32, #tpu.memory_space<vmem>>, vector<16xf32>,
      %get3A_1296 = arith.index_cast %add3A_1261 : i32 to index
      %get3A_1297 = arith.constant 96 : index
      %get3A_1298 = tpu.vector_load %arg6[%get3A_1296, %get3A_1297] {strides = array<i32>} : memref<256x128xf32, #tpu.memory_space<vmem>>, vector<16xf32>,
      %add3A_1299 = arith.constant 256 : i32
      %add3A_1300 = arith.addi %add3A_1299, %add3A_1261 : i32
      %swap3A_1301 = arith.index_cast %add3A_1300 : i32 to index
      %swap3A_1302 = arith.constant 32 : index
      %swap3A_1303 = tpu.vector_load %arg7[%swap3A_1301, %swap3A_1302] {strides = array<i32>} : memref<512x80xf32, #tpu.memory_space<vmem>>, vector<16xf32>,
      tpu.vector_store %arg7[%swap3A_1301, %swap3A_1302], %get3A_1298 {strides = array<i32>} : memref<512x80xf32, #tpu.memory_space<vmem>>, vector<16xf32>,
      %get3A_1304 = arith.index_cast %add3A_1261 : i32 to index
      %get3A_1305 = arith.constant 48 : index
      %get3A_1306 = tpu.vector_load %arg6[%get3A_1304, %get3A_1305] {strides = array<i32>} : memref<256x128xf32, #tpu.memory_space<vmem>>, vector<16xf32>,
      %swap3A_1307 = arith.index_cast %add3A_1261 : i32 to index
      %swap3A_1308 = arith.constant 48 : index
      %swap3A_1309 = tpu.vector_load %arg7[%swap3A_1307, %swap3A_1308] {strides = array<i32>} : memref<512x80xf32, #tpu.memory_space<vmem>>, vector<16xf32>,
      tpu.vector_store %arg7[%swap3A_1307, %swap3A_1308], %get3A_1306 {strides = array<i32>} : memref<512x80xf32, #tpu.memory_space<vmem>>, vector<16xf32>,
      %get3A_1310 = arith.index_cast %add3A_1261 : i32 to index
      %get3A_1311 = arith.constant 112 : index
      %get3A_1312 = tpu.vector_load %arg6[%get3A_1310, %get3A_1311] {strides = array<i32>} : memref<256x128xf32, #tpu.memory_space<vmem>>, vector<16xf32>,
      %add3A_1313 = arith.constant 256 : i32
      %add3A_1314 = arith.addi %add3A_1313, %add3A_1261 : i32
      %swap3A_1315 = arith.index_cast %add3A_1314 : i32 to index
      %swap3A_1316 = arith.constant 48 : index
      %swap3A_1317 = tpu.vector_load %arg7[%swap3A_1315, %swap3A_1316] {strides = array<i32>} : memref<512x80xf32, #tpu.memory_space<vmem>>, vector<16xf32>,
      tpu.vector_store %arg7[%swap3A_1315, %swap3A_1316], %get3A_1312 {strides = array<i32>} : memref<512x80xf32, #tpu.memory_space<vmem>>, vector<16xf32>,
      %swap3A_1318 = arith.index_cast %add3A_1261 : i32 to index
      %swap3A_1319 = arith.constant 64 : index
      %swap3A_1320 = tpu.vector_load %arg7[%swap3A_1318, %swap3A_1319] {strides = array<i32>} : memref<512x80xf32, #tpu.memory_space<vmem>>, vector<16xf32>,
      tpu.vector_store %arg7[%swap3A_1318, %swap3A_1319], %convert_element_type3A_65 {strides = array<i32>} : memref<512x80xf32, #tpu.memory_space<vmem>>, vector<16xf32>,
      %add3A_1321 = arith.constant 256 : i32
      %add3A_1322 = arith.addi %add3A_1321, %add3A_1261 : i32
      %swap3A_1323 = arith.index_cast %add3A_1322 : i32 to index
      %swap3A_1324 = arith.constant 64 : index
      %swap3A_1325 = tpu.vector_load %arg7[%swap3A_1323, %swap3A_1324] {strides = array<i32>} : memref<512x80xf32, #tpu.memory_space<vmem>>, vector<16xf32>,
      tpu.vector_store %arg7[%swap3A_1323, %swap3A_1324], %convert_element_type3A_65 {strides = array<i32>} : memref<512x80xf32, #tpu.memory_space<vmem>>, vector<16xf32>,
    }
    %scan3A_69 = arith.constant 16 : i32
    %barrier3A = arith.constant 0 : index
    tpu.barrier barrier_id(%barrier3A)
    %dma_start3A_70 = arith.constant 0 : i32
    %dma_start3A_71 = arith.constant 0 : i32
    %dma_start3A_72 = arith.constant 0 : i32
    %dma_start3A_73 = tpu.memref_slice %arg7[%dma_start3A_71, %dma_start3A_72] : memref<512x80xf32, #tpu.memory_space<vmem>> -> memref<64x80xf32, #tpu.memory_space<vmem>>
    %dma_start3A_74 = arith.constant 0 : i32
    %dma_start3A_75 = tpu.memref_slice %arg8[%dma_start3A_70, %dma_start3A_74] : memref<2x256xi32, #tpu.memory_space<vmem>> -> memref<1x64xi32, #tpu.memory_space<vmem>>
    %dma_start3A_76 = tpu.memref_squeeze %dma_start3A_75 : memref<1x64xi32, #tpu.memory_space<vmem>> -> memref<64xi32, #tpu.memory_space<vmem>>
    %dma_start3A_77 = arith.constant 0 : i32
    %dma_start3A_78 = arith.constant 0 : i32
    %dma_start3A_79 = tpu.memref_slice %arg9[%dma_start3A_77, %dma_start3A_78] : memref<1024x80xf32, #tpu.memory_space<vmem_shared>> -> memref<1024x80xf32, #tpu.memory_space<vmem_shared>>
    tpu.enqueue_indirect_dma source(%dma_start3A_73 : memref<64x80xf32, #tpu.memory_space<vmem>>) target(%dma_start3A_79 : memref<1024x80xf32, #tpu.memory_space<vmem_shared>>) offsets(%dma_start3A_76 : memref<64xi32, #tpu.memory_space<vmem>>) semaphore(%arg10 : memref<!tpu.dma_semaphore, #tpu.memory_space<semaphore_mem>>) {add = true}
    %dma_start3A_80 = arith.constant 0 : i32
    %dma_start3A_81 = arith.constant 64 : i32
    %dma_start3A_82 = arith.constant 0 : i32
    %dma_start3A_83 = tpu.memref_slice %arg7[%dma_start3A_81, %dma_start3A_82] : memref<512x80xf32, #tpu.memory_space<vmem>> -> memref<64x80xf32, #tpu.memory_space<vmem>>
    %dma_start3A_84 = arith.constant 64 : i32
    %dma_start3A_85 = tpu.memref_slice %arg8[%dma_start3A_80, %dma_start3A_84] : memref<2x256xi32, #tpu.memory_space<vmem>> -> memref<1x64xi32, #tpu.memory_space<vmem>>
    %dma_start3A_86 = tpu.memref_squeeze %dma_start3A_85 : memref<1x64xi32, #tpu.memory_space<vmem>> -> memref<64xi32, #tpu.memory_space<vmem>>
    %dma_start3A_87 = arith.constant 0 : i32
    %dma_start3A_88 = arith.constant 0 : i32
    %dma_start3A_89 = tpu.memref_slice %arg9[%dma_start3A_87, %dma_start3A_88] : memref<1024x80xf32, #tpu.memory_space<vmem_shared>> -> memref<1024x80xf32, #tpu.memory_space<vmem_shared>>
    tpu.enqueue_indirect_dma source(%dma_start3A_83 : memref<64x80xf32, #tpu.memory_space<vmem>>) target(%dma_start3A_89 : memref<1024x80xf32, #tpu.memory_space<vmem_shared>>) offsets(%dma_start3A_86 : memref<64xi32, #tpu.memory_space<vmem>>) semaphore(%arg10 : memref<!tpu.dma_semaphore, #tpu.memory_space<semaphore_mem>>) {add = true}
    %dma_start3A_90 = arith.constant 0 : i32
    %dma_start3A_91 = arith.constant 128 : i32
    %dma_start3A_92 = arith.constant 0 : i32
    %dma_start3A_93 = tpu.memref_slice %arg7[%dma_start3A_91, %dma_start3A_92] : memref<512x80xf32, #tpu.memory_space<vmem>> -> memref<64x80xf32, #tpu.memory_space<vmem>>
    %dma_start3A_94 = arith.constant 128 : i32
    %dma_start3A_95 = tpu.memref_slice %arg8[%dma_start3A_90, %dma_start3A_94] : memref<2x256xi32, #tpu.memory_space<vmem>> -> memref<1x64xi32, #tpu.memory_space<vmem>>
    %dma_start3A_96 = tpu.memref_squeeze %dma_start3A_95 : memref<1x64xi32, #tpu.memory_space<vmem>> -> memref<64xi32, #tpu.memory_space<vmem>>
    %dma_start3A_97 = arith.constant 0 : i32
    %dma_start3A_98 = arith.constant 0 : i32
    %dma_start3A_99 = tpu.memref_slice %arg9[%dma_start3A_97, %dma_start3A_98] : memref<1024x80xf32, #tpu.memory_space<vmem_shared>> -> memref<1024x80xf32, #tpu.memory_space<vmem_shared>>
    tpu.enqueue_indirect_dma source(%dma_start3A_93 : memref<64x80xf32, #tpu.memory_space<vmem>>) target(%dma_start3A_99 : memref<1024x80xf32, #tpu.memory_space<vmem_shared>>) offsets(%dma_start3A_96 : memref<64xi32, #tpu.memory_space<vmem>>) semaphore(%arg10 : memref<!tpu.dma_semaphore, #tpu.memory_space<semaphore_mem>>) {add = true}
    %dma_start3A_100 = arith.constant 0 : i32
    %dma_start3A_101 = arith.constant 192 : i32
    %dma_start3A_102 = arith.constant 0 : i32
    %dma_start3A_103 = tpu.memref_slice %arg7[%dma_start3A_101, %dma_start3A_102] : memref<512x80xf32, #tpu.memory_space<vmem>> -> memref<64x80xf32, #tpu.memory_space<vmem>>
    %dma_start3A_104 = arith.constant 192 : i32
    %dma_start3A_105 = tpu.memref_slice %arg8[%dma_start3A_100, %dma_start3A_104] : memref<2x256xi32, #tpu.memory_space<vmem>> -> memref<1x64xi32, #tpu.memory_space<vmem>>
    %dma_start3A_106 = tpu.memref_squeeze %dma_start3A_105 : memref<1x64xi32, #tpu.memory_space<vmem>> -> memref<64xi32, #tpu.memory_space<vmem>>
    %dma_start3A_107 = arith.constant 0 : i32
    %dma_start3A_108 = arith.constant 0 : i32
    %dma_start3A_109 = tpu.memref_slice %arg9[%dma_start3A_107, %dma_start3A_108] : memref<1024x80xf32, #tpu.memory_space<vmem_shared>> -> memref<1024x80xf32, #tpu.memory_space<vmem_shared>>
    tpu.enqueue_indirect_dma source(%dma_start3A_103 : memref<64x80xf32, #tpu.memory_space<vmem>>) target(%dma_start3A_109 : memref<1024x80xf32, #tpu.memory_space<vmem_shared>>) offsets(%dma_start3A_106 : memref<64xi32, #tpu.memory_space<vmem>>) semaphore(%arg10 : memref<!tpu.dma_semaphore, #tpu.memory_space<semaphore_mem>>) {add = true}
    %dma_start3A_110 = arith.constant 1 : i32
    %dma_start3A_111 = arith.constant 256 : i32
    %dma_start3A_112 = arith.constant 0 : i32
    %dma_start3A_113 = tpu.memref_slice %arg7[%dma_start3A_111, %dma_start3A_112] : memref<512x80xf32, #tpu.memory_space<vmem>> -> memref<64x80xf32, #tpu.memory_space<vmem>>
    %dma_start3A_114 = arith.constant 0 : i32
    %dma_start3A_115 = tpu.memref_slice %arg8[%dma_start3A_110, %dma_start3A_114] : memref<2x256xi32, #tpu.memory_space<vmem>> -> memref<1x64xi32, #tpu.memory_space<vmem>>
    %dma_start3A_116 = tpu.memref_squeeze %dma_start3A_115 : memref<1x64xi32, #tpu.memory_space<vmem>> -> memref<64xi32, #tpu.memory_space<vmem>>
    %dma_start3A_117 = arith.constant 0 : i32
    %dma_start3A_118 = arith.constant 0 : i32
    %dma_start3A_119 = tpu.memref_slice %arg9[%dma_start3A_117, %dma_start3A_118] : memref<1024x80xf32, #tpu.memory_space<vmem_shared>> -> memref<1024x80xf32, #tpu.memory_space<vmem_shared>>
    tpu.enqueue_indirect_dma source(%dma_start3A_113 : memref<64x80xf32, #tpu.memory_space<vmem>>) target(%dma_start3A_119 : memref<1024x80xf32, #tpu.memory_space<vmem_shared>>) offsets(%dma_start3A_116 : memref<64xi32, #tpu.memory_space<vmem>>) semaphore(%arg10 : memref<!tpu.dma_semaphore, #tpu.memory_space<semaphore_mem>>) {add = true}
    %dma_start3A_120 = arith.constant 1 : i32
    %dma_start3A_121 = arith.constant 320 : i32
    %dma_start3A_122 = arith.constant 0 : i32
    %dma_start3A_123 = tpu.memref_slice %arg7[%dma_start3A_121, %dma_start3A_122] : memref<512x80xf32, #tpu.memory_space<vmem>> -> memref<64x80xf32, #tpu.memory_space<vmem>>
    %dma_start3A_124 = arith.constant 64 : i32
    %dma_start3A_125 = tpu.memref_slice %arg8[%dma_start3A_120, %dma_start3A_124] : memref<2x256xi32, #tpu.memory_space<vmem>> -> memref<1x64xi32, #tpu.memory_space<vmem>>
    %dma_start3A_126 = tpu.memref_squeeze %dma_start3A_125 : memref<1x64xi32, #tpu.memory_space<vmem>> -> memref<64xi32, #tpu.memory_space<vmem>>
    %dma_start3A_127 = arith.constant 0 : i32
    %dma_start3A_128 = arith.constant 0 : i32
    %dma_start3A_129 = tpu.memref_slice %arg9[%dma_start3A_127, %dma_start3A_128] : memref<1024x80xf32, #tpu.memory_space<vmem_shared>> -> memref<1024x80xf32, #tpu.memory_space<vmem_shared>>
    tpu.enqueue_indirect_dma source(%dma_start3A_123 : memref<64x80xf32, #tpu.memory_space<vmem>>) target(%dma_start3A_129 : memref<1024x80xf32, #tpu.memory_space<vmem_shared>>) offsets(%dma_start3A_126 : memref<64xi32, #tpu.memory_space<vmem>>) semaphore(%arg10 : memref<!tpu.dma_semaphore, #tpu.memory_space<semaphore_mem>>) {add = true}
    %dma_start3A_130 = arith.constant 1 : i32
    %dma_start3A_131 = arith.constant 384 : i32
    %dma_start3A_132 = arith.constant 0 : i32
    %dma_start3A_133 = tpu.memref_slice %arg7[%dma_start3A_131, %dma_start3A_132] : memref<512x80xf32, #tpu.memory_space<vmem>> -> memref<64x80xf32, #tpu.memory_space<vmem>>
    %dma_start3A_134 = arith.constant 128 : i32
    %dma_start3A_135 = tpu.memref_slice %arg8[%dma_start3A_130, %dma_start3A_134] : memref<2x256xi32, #tpu.memory_space<vmem>> -> memref<1x64xi32, #tpu.memory_space<vmem>>
    %dma_start3A_136 = tpu.memref_squeeze %dma_start3A_135 : memref<1x64xi32, #tpu.memory_space<vmem>> -> memref<64xi32, #tpu.memory_space<vmem>>
    %dma_start3A_137 = arith.constant 0 : i32
    %dma_start3A_138 = arith.constant 0 : i32
    %dma_start3A_139 = tpu.memref_slice %arg9[%dma_start3A_137, %dma_start3A_138] : memref<1024x80xf32, #tpu.memory_space<vmem_shared>> -> memref<1024x80xf32, #tpu.memory_space<vmem_shared>>
    tpu.enqueue_indirect_dma source(%dma_start3A_133 : memref<64x80xf32, #tpu.memory_space<vmem>>) target(%dma_start3A_139 : memref<1024x80xf32, #tpu.memory_space<vmem_shared>>) offsets(%dma_start3A_136 : memref<64xi32, #tpu.memory_space<vmem>>) semaphore(%arg10 : memref<!tpu.dma_semaphore, #tpu.memory_space<semaphore_mem>>) {add = true}
    %dma_start3A_140 = arith.constant 1 : i32
    %dma_start3A_141 = arith.constant 448 : i32
    %dma_start3A_142 = arith.constant 0 : i32
    %dma_start3A_143 = tpu.memref_slice %arg7[%dma_start3A_141, %dma_start3A_142] : memref<512x80xf32, #tpu.memory_space<vmem>> -> memref<64x80xf32, #tpu.memory_space<vmem>>
    %dma_start3A_144 = arith.constant 192 : i32
    %dma_start3A_145 = tpu.memref_slice %arg8[%dma_start3A_140, %dma_start3A_144] : memref<2x256xi32, #tpu.memory_space<vmem>> -> memref<1x64xi32, #tpu.memory_space<vmem>>
    %dma_start3A_146 = tpu.memref_squeeze %dma_start3A_145 : memref<1x64xi32, #tpu.memory_space<vmem>> -> memref<64xi32, #tpu.memory_space<vmem>>
    %dma_start3A_147 = arith.constant 0 : i32
    %dma_start3A_148 = arith.constant 0 : i32
    %dma_start3A_149 = tpu.memref_slice %arg9[%dma_start3A_147, %dma_start3A_148] : memref<1024x80xf32, #tpu.memory_space<vmem_shared>> -> memref<1024x80xf32, #tpu.memory_space<vmem_shared>>
    tpu.enqueue_indirect_dma source(%dma_start3A_143 : memref<64x80xf32, #tpu.memory_space<vmem>>) target(%dma_start3A_149 : memref<1024x80xf32, #tpu.memory_space<vmem_shared>>) offsets(%dma_start3A_146 : memref<64xi32, #tpu.memory_space<vmem>>) semaphore(%arg10 : memref<!tpu.dma_semaphore, #tpu.memory_space<semaphore_mem>>) {add = true}
    %dma_wait3A_150 = arith.constant 0 : i32
    %dma_wait3A_151 = arith.constant 0 : i32
    %dma_wait3A_152 = arith.constant 0 : i32
    %dma_wait3A_153 = tpu.memref_slice %arg7[%dma_wait3A_151, %dma_wait3A_152] : memref<512x80xf32, #tpu.memory_space<vmem>> -> memref<64x80xf32, #tpu.memory_space<vmem>>
    %dma_wait3A_154 = arith.constant 0 : i32
    %dma_wait3A_155 = tpu.memref_slice %arg8[%dma_wait3A_150, %dma_wait3A_154] : memref<2x256xi32, #tpu.memory_space<vmem>> -> memref<1x64xi32, #tpu.memory_space<vmem>>
    %dma_wait3A_156 = tpu.memref_squeeze %dma_wait3A_155 : memref<1x64xi32, #tpu.memory_space<vmem>> -> memref<64xi32, #tpu.memory_space<vmem>>
    %dma_wait3A_157 = arith.constant 0 : i32
    %dma_wait3A_158 = arith.constant 0 : i32
    %dma_wait3A_159 = tpu.memref_slice %arg9[%dma_wait3A_157, %dma_wait3A_158] : memref<1024x80xf32, #tpu.memory_space<vmem_shared>> -> memref<1024x80xf32, #tpu.memory_space<vmem_shared>>
    tpu.wait_indirect_dma semaphore(%arg10 : memref<!tpu.dma_semaphore, #tpu.memory_space<semaphore_mem>>) src(%dma_wait3A_153 : memref<64x80xf32, #tpu.memory_space<vmem>>) dst(%dma_wait3A_159 : memref<1024x80xf32, #tpu.memory_space<vmem_shared>>)
    %dma_wait3A_160 = arith.constant 0 : i32
    %dma_wait3A_161 = arith.constant 64 : i32
    %dma_wait3A_162 = arith.constant 0 : i32
    %dma_wait3A_163 = tpu.memref_slice %arg7[%dma_wait3A_161, %dma_wait3A_162] : memref<512x80xf32, #tpu.memory_space<vmem>> -> memref<64x80xf32, #tpu.memory_space<vmem>>
    %dma_wait3A_164 = arith.constant 64 : i32
    %dma_wait3A_165 = tpu.memref_slice %arg8[%dma_wait3A_160, %dma_wait3A_164] : memref<2x256xi32, #tpu.memory_space<vmem>> -> memref<1x64xi32, #tpu.memory_space<vmem>>
    %dma_wait3A_166 = tpu.memref_squeeze %dma_wait3A_165 : memref<1x64xi32, #tpu.memory_space<vmem>> -> memref<64xi32, #tpu.memory_space<vmem>>
    %dma_wait3A_167 = arith.constant 0 : i32
    %dma_wait3A_168 = arith.constant 0 : i32
    %dma_wait3A_169 = tpu.memref_slice %arg9[%dma_wait3A_167, %dma_wait3A_168] : memref<1024x80xf32, #tpu.memory_space<vmem_shared>> -> memref<1024x80xf32, #tpu.memory_space<vmem_shared>>
    tpu.wait_indirect_dma semaphore(%arg10 : memref<!tpu.dma_semaphore, #tpu.memory_space<semaphore_mem>>) src(%dma_wait3A_163 : memref<64x80xf32, #tpu.memory_space<vmem>>) dst(%dma_wait3A_169 : memref<1024x80xf32, #tpu.memory_space<vmem_shared>>)
    %dma_wait3A_170 = arith.constant 0 : i32
    %dma_wait3A_171 = arith.constant 128 : i32
    %dma_wait3A_172 = arith.constant 0 : i32
    %dma_wait3A_173 = tpu.memref_slice %arg7[%dma_wait3A_171, %dma_wait3A_172] : memref<512x80xf32, #tpu.memory_space<vmem>> -> memref<64x80xf32, #tpu.memory_space<vmem>>
    %dma_wait3A_174 = arith.constant 128 : i32
    %dma_wait3A_175 = tpu.memref_slice %arg8[%dma_wait3A_170, %dma_wait3A_174] : memref<2x256xi32, #tpu.memory_space<vmem>> -> memref<1x64xi32, #tpu.memory_space<vmem>>
    %dma_wait3A_176 = tpu.memref_squeeze %dma_wait3A_175 : memref<1x64xi32, #tpu.memory_space<vmem>> -> memref<64xi32, #tpu.memory_space<vmem>>
    %dma_wait3A_177 = arith.constant 0 : i32
    %dma_wait3A_178 = arith.constant 0 : i32
    %dma_wait3A_179 = tpu.memref_slice %arg9[%dma_wait3A_177, %dma_wait3A_178] : memref<1024x80xf32, #tpu.memory_space<vmem_shared>> -> memref<1024x80xf32, #tpu.memory_space<vmem_shared>>
    tpu.wait_indirect_dma semaphore(%arg10 : memref<!tpu.dma_semaphore, #tpu.memory_space<semaphore_mem>>) src(%dma_wait3A_173 : memref<64x80xf32, #tpu.memory_space<vmem>>) dst(%dma_wait3A_179 : memref<1024x80xf32, #tpu.memory_space<vmem_shared>>)
    %dma_wait3A_180 = arith.constant 0 : i32
    %dma_wait3A_181 = arith.constant 192 : i32
    %dma_wait3A_182 = arith.constant 0 : i32
    %dma_wait3A_183 = tpu.memref_slice %arg7[%dma_wait3A_181, %dma_wait3A_182] : memref<512x80xf32, #tpu.memory_space<vmem>> -> memref<64x80xf32, #tpu.memory_space<vmem>>
    %dma_wait3A_184 = arith.constant 192 : i32
    %dma_wait3A_185 = tpu.memref_slice %arg8[%dma_wait3A_180, %dma_wait3A_184] : memref<2x256xi32, #tpu.memory_space<vmem>> -> memref<1x64xi32, #tpu.memory_space<vmem>>
    %dma_wait3A_186 = tpu.memref_squeeze %dma_wait3A_185 : memref<1x64xi32, #tpu.memory_space<vmem>> -> memref<64xi32, #tpu.memory_space<vmem>>
    %dma_wait3A_187 = arith.constant 0 : i32
    %dma_wait3A_188 = arith.constant 0 : i32
    %dma_wait3A_189 = tpu.memref_slice %arg9[%dma_wait3A_187, %dma_wait3A_188] : memref<1024x80xf32, #tpu.memory_space<vmem_shared>> -> memref<1024x80xf32, #tpu.memory_space<vmem_shared>>
    tpu.wait_indirect_dma semaphore(%arg10 : memref<!tpu.dma_semaphore, #tpu.memory_space<semaphore_mem>>) src(%dma_wait3A_183 : memref<64x80xf32, #tpu.memory_space<vmem>>) dst(%dma_wait3A_189 : memref<1024x80xf32, #tpu.memory_space<vmem_shared>>)
    %dma_wait3A_190 = arith.constant 1 : i32
    %dma_wait3A_191 = arith.constant 256 : i32
    %dma_wait3A_192 = arith.constant 0 : i32
    %dma_wait3A_193 = tpu.memref_slice %arg7[%dma_wait3A_191, %dma_wait3A_192] : memref<512x80xf32, #tpu.memory_space<vmem>> -> memref<64x80xf32, #tpu.memory_space<vmem>>
    %dma_wait3A_194 = arith.constant 0 : i32
    %dma_wait3A_195 = tpu.memref_slice %arg8[%dma_wait3A_190, %dma_wait3A_194] : memref<2x256xi32, #tpu.memory_space<vmem>> -> memref<1x64xi32, #tpu.memory_space<vmem>>
    %dma_wait3A_196 = tpu.memref_squeeze %dma_wait3A_195 : memref<1x64xi32, #tpu.memory_space<vmem>> -> memref<64xi32, #tpu.memory_space<vmem>>
    %dma_wait3A_197 = arith.constant 0 : i32
    %dma_wait3A_198 = arith.constant 0 : i32
    %dma_wait3A_199 = tpu.memref_slice %arg9[%dma_wait3A_197, %dma_wait3A_198] : memref<1024x80xf32, #tpu.memory_space<vmem_shared>> -> memref<1024x80xf32, #tpu.memory_space<vmem_shared>>
    tpu.wait_indirect_dma semaphore(%arg10 : memref<!tpu.dma_semaphore, #tpu.memory_space<semaphore_mem>>) src(%dma_wait3A_193 : memref<64x80xf32, #tpu.memory_space<vmem>>) dst(%dma_wait3A_199 : memref<1024x80xf32, #tpu.memory_space<vmem_shared>>)
    %dma_wait3A_200 = arith.constant 1 : i32
    %dma_wait3A_201 = arith.constant 320 : i32
    %dma_wait3A_202 = arith.constant 0 : i32
    %dma_wait3A_203 = tpu.memref_slice %arg7[%dma_wait3A_201, %dma_wait3A_202] : memref<512x80xf32, #tpu.memory_space<vmem>> -> memref<64x80xf32, #tpu.memory_space<vmem>>
    %dma_wait3A_204 = arith.constant 64 : i32
    %dma_wait3A_205 = tpu.memref_slice %arg8[%dma_wait3A_200, %dma_wait3A_204] : memref<2x256xi32, #tpu.memory_space<vmem>> -> memref<1x64xi32, #tpu.memory_space<vmem>>
    %dma_wait3A_206 = tpu.memref_squeeze %dma_wait3A_205 : memref<1x64xi32, #tpu.memory_space<vmem>> -> memref<64xi32, #tpu.memory_space<vmem>>
    %dma_wait3A_207 = arith.constant 0 : i32
    %dma_wait3A_208 = arith.constant 0 : i32
    %dma_wait3A_209 = tpu.memref_slice %arg9[%dma_wait3A_207, %dma_wait3A_208] : memref<1024x80xf32, #tpu.memory_space<vmem_shared>> -> memref<1024x80xf32, #tpu.memory_space<vmem_shared>>
    tpu.wait_indirect_dma semaphore(%arg10 : memref<!tpu.dma_semaphore, #tpu.memory_space<semaphore_mem>>) src(%dma_wait3A_203 : memref<64x80xf32, #tpu.memory_space<vmem>>) dst(%dma_wait3A_209 : memref<1024x80xf32, #tpu.memory_space<vmem_shared>>)
    %dma_wait3A_210 = arith.constant 1 : i32
    %dma_wait3A_211 = arith.constant 384 : i32
    %dma_wait3A_212 = arith.constant 0 : i32
    %dma_wait3A_213 = tpu.memref_slice %arg7[%dma_wait3A_211, %dma_wait3A_212] : memref<512x80xf32, #tpu.memory_space<vmem>> -> memref<64x80xf32, #tpu.memory_space<vmem>>
    %dma_wait3A_214 = arith.constant 128 : i32
    %dma_wait3A_215 = tpu.memref_slice %arg8[%dma_wait3A_210, %dma_wait3A_214] : memref<2x256xi32, #tpu.memory_space<vmem>> -> memref<1x64xi32, #tpu.memory_space<vmem>>
    %dma_wait3A_216 = tpu.memref_squeeze %dma_wait3A_215 : memref<1x64xi32, #tpu.memory_space<vmem>> -> memref<64xi32, #tpu.memory_space<vmem>>
    %dma_wait3A_217 = arith.constant 0 : i32
    %dma_wait3A_218 = arith.constant 0 : i32
    %dma_wait3A_219 = tpu.memref_slice %arg9[%dma_wait3A_217, %dma_wait3A_218] : memref<1024x80xf32, #tpu.memory_space<vmem_shared>> -> memref<1024x80xf32, #tpu.memory_space<vmem_shared>>
    tpu.wait_indirect_dma semaphore(%arg10 : memref<!tpu.dma_semaphore, #tpu.memory_space<semaphore_mem>>) src(%dma_wait3A_213 : memref<64x80xf32, #tpu.memory_space<vmem>>) dst(%dma_wait3A_219 : memref<1024x80xf32, #tpu.memory_space<vmem_shared>>)
    %dma_wait3A_220 = arith.constant 1 : i32
    %dma_wait3A_221 = arith.constant 448 : i32
    %dma_wait3A_222 = arith.constant 0 : i32
    %dma_wait3A_223 = tpu.memref_slice %arg7[%dma_wait3A_221, %dma_wait3A_222] : memref<512x80xf32, #tpu.memory_space<vmem>> -> memref<64x80xf32, #tpu.memory_space<vmem>>
    %dma_wait3A_224 = arith.constant 192 : i32
    %dma_wait3A_225 = tpu.memref_slice %arg8[%dma_wait3A_220, %dma_wait3A_224] : memref<2x256xi32, #tpu.memory_space<vmem>> -> memref<1x64xi32, #tpu.memory_space<vmem>>
    %dma_wait3A_226 = tpu.memref_squeeze %dma_wait3A_225 : memref<1x64xi32, #tpu.memory_space<vmem>> -> memref<64xi32, #tpu.memory_space<vmem>>
    %dma_wait3A_227 = arith.constant 0 : i32
    %dma_wait3A_228 = arith.constant 0 : i32
    %dma_wait3A_229 = tpu.memref_slice %arg9[%dma_wait3A_227, %dma_wait3A_228] : memref<1024x80xf32, #tpu.memory_space<vmem_shared>> -> memref<1024x80xf32, #tpu.memory_space<vmem_shared>>
    tpu.wait_indirect_dma semaphore(%arg10 : memref<!tpu.dma_semaphore, #tpu.memory_space<semaphore_mem>>) src(%dma_wait3A_223 : memref<64x80xf32, #tpu.memory_space<vmem>>) dst(%dma_wait3A_229 : memref<1024x80xf32, #tpu.memory_space<vmem_shared>>)
    %barrier3A_230 = arith.constant 0 : index
    tpu.barrier barrier_id(%barrier3A_230)
    %mul3A_231 = arith.constant 64 : i32
    %mul3A_232 = arith.muli %arg1, %mul3A_231 : i32
    %mul3A_233 = arith.constant 64 : i32
    %mul3A_234 = arith.muli %arg1, %mul3A_233 : i32
    "tpu.region"() ({
      %run_scoped3A = tpu.sem_alloc : memref<!tpu.dma_semaphore, #tpu.memory_space<semaphore_mem>>
      %dma_start3A_235 = arith.constant 0 : i32
      %dma_start3A_236 = tpu.memref_slice %arg5[%arg0, %mul3A_234, %dma_start3A_235] : memref<2x1024x80xf32, #tpu.memory_space<hbm>> -> memref<1x64x80xf32, #tpu.memory_space<hbm>>
      %dma_start3A_237 = tpu.memref_squeeze %dma_start3A_236 : memref<1x64x80xf32, #tpu.memory_space<hbm>> -> memref<64x80xf32, #tpu.memory_space<hbm>>
      %dma_start3A_238 = arith.constant 0 : i32
      %dma_start3A_239 = tpu.memref_slice %arg9[%mul3A_232, %dma_start3A_238] : memref<1024x80xf32, #tpu.memory_space<vmem_shared>> -> memref<64x80xf32, #tpu.memory_space<vmem_shared>>
      tpu.enqueue_dma source(%dma_start3A_239 : memref<64x80xf32, #tpu.memory_space<vmem_shared>>) target(%dma_start3A_237 : memref<64x80xf32, #tpu.memory_space<hbm>>) target_semaphore(%run_scoped3A : memref<!tpu.dma_semaphore, #tpu.memory_space<semaphore_mem>>)
      %dma_wait3A_240 = arith.constant 0 : i32
      %dma_wait3A_241 = tpu.memref_slice %arg5[%arg0, %mul3A_234, %dma_wait3A_240] : memref<2x1024x80xf32, #tpu.memory_space<hbm>> -> memref<1x64x80xf32, #tpu.memory_space<hbm>>
      %dma_wait3A_242 = tpu.memref_squeeze %dma_wait3A_241 : memref<1x64x80xf32, #tpu.memory_space<hbm>> -> memref<64x80xf32, #tpu.memory_space<hbm>>
      %dma_wait3A_243 = arith.constant 0 : i32
      %dma_wait3A_244 = tpu.memref_slice %arg9[%mul3A_232, %dma_wait3A_243] : memref<1024x80xf32, #tpu.memory_space<vmem_shared>> -> memref<64x80xf32, #tpu.memory_space<vmem_shared>>
      tpu.wait_dma2 semaphore(%run_scoped3A : memref<!tpu.dma_semaphore, #tpu.memory_space<semaphore_mem>>) src(%dma_wait3A_244 : memref<64x80xf32, #tpu.memory_space<vmem_shared>>) dst(%dma_wait3A_242 : memref<64x80xf32, #tpu.memory_space<hbm>>)
      tpu.yield
    }) : () -> ()
    return
  }
}

#map = affine_map<(d0, d1) -> (0, 0)>
#map1 = affine_map<(d0, d1) -> (0)>
#map2 = affine_map<(d0, d1) -> (0, 0, 0)>
module attributes {stable_mosaic.version = 14 : i64} {
  func.func @_vals_body(%arg0: i32, %arg1: i32, %arg2: memref<8192x128xf32, #tpu.memory_space<hbm>>, %arg3: memref<16384xi32, #tpu.memory_space<hbm>>, %arg4: memref<1024x128xf32, #tpu.memory_space<hbm>>, %arg5: memref<2x16x16xf32, #tpu.memory_space<hbm>>, %arg6: memref<256x128xf32, #tpu.memory_space<vmem>>, %arg7: memref<512x128xf32, #tpu.memory_space<vmem>>, %arg8: memref<2x256xi32, #tpu.memory_space<vmem>>, %arg9: memref<16xf32, #tpu.memory_space<vmem>>, %arg10: memref<!tpu.dma_semaphore, #tpu.memory_space<semaphore_mem>>, %arg11: memref<!tpu.dma_semaphore, #tpu.memory_space<semaphore_mem>>) attributes {dimension_semantics = [#tpu.dimension_semantics<core_parallel>, #tpu.dimension_semantics<subcore_parallel>], iteration_bounds = array<i64: 2, 16>, scalar_prefetch = 0 : i64, scratch_operands = 6 : i64, tpu.core_type = #tpu.core_type<sc_vector_subcore>, window_params = [{transform_indices = #map}, {transform_indices = #map1}, {transform_indices = #map}, {transform_indices = #map2}]} {
    %mul3A = arith.constant 16 : i32
    %mul3A_0 = arith.muli %arg0, %mul3A : i32
    %add3A = arith.addi %mul3A_0, %arg1 : i32
    %mul3A_1 = arith.constant 256 : i32
    %mul3A_2 = arith.muli %add3A, %mul3A_1 : i32
    %dma_start3A = arith.constant 0 : i32
    %dma_start3A_3 = tpu.memref_slice %arg2[%mul3A_2, %dma_start3A] : memref<8192x128xf32, #tpu.memory_space<hbm>> -> memref<256x128xf32, #tpu.memory_space<hbm>>
    %dma_start3A_4 = arith.constant 0 : i32
    %dma_start3A_5 = tpu.memref_slice %arg2[%mul3A_2, %dma_start3A_4] : memref<8192x128xf32, #tpu.memory_space<hbm>> -> memref<256x128xf32, #tpu.memory_space<hbm>>
    tpu.enqueue_dma source(%dma_start3A_5 : memref<256x128xf32, #tpu.memory_space<hbm>>) target(%arg6 : memref<256x128xf32, #tpu.memory_space<vmem>>) target_semaphore(%arg10 : memref<!tpu.dma_semaphore, #tpu.memory_space<semaphore_mem>>)
    %mul3A_6 = arith.constant 256 : i32
    %mul3A_7 = arith.muli %add3A, %mul3A_6 : i32
    %dma_start3A_8 = arith.constant 0 : i32
    %dma_start3A_9 = arith.constant 0 : i32
    %dma_start3A_10 = tpu.memref_slice %arg8[%dma_start3A_8, %dma_start3A_9] : memref<2x256xi32, #tpu.memory_space<vmem>> -> memref<1x256xi32, #tpu.memory_space<vmem>>
    %dma_start3A_11 = tpu.memref_squeeze %dma_start3A_10 : memref<1x256xi32, #tpu.memory_space<vmem>> -> memref<256xi32, #tpu.memory_space<vmem>>
    %dma_start3A_12 = tpu.memref_slice %arg3[%mul3A_7] : memref<16384xi32, #tpu.memory_space<hbm>> -> memref<256xi32, #tpu.memory_space<hbm>>
    %dma_start3A_13 = arith.constant 0 : i32
    %dma_start3A_14 = tpu.memref_slice %arg8[%dma_start3A_8, %dma_start3A_13] : memref<2x256xi32, #tpu.memory_space<vmem>> -> memref<1x256xi32, #tpu.memory_space<vmem>>
    %dma_start3A_15 = tpu.memref_squeeze %dma_start3A_14 : memref<1x256xi32, #tpu.memory_space<vmem>> -> memref<256xi32, #tpu.memory_space<vmem>>
    %dma_start3A_16 = tpu.memref_slice %arg3[%mul3A_7] : memref<16384xi32, #tpu.memory_space<hbm>> -> memref<256xi32, #tpu.memory_space<hbm>>
    tpu.enqueue_dma source(%dma_start3A_16 : memref<256xi32, #tpu.memory_space<hbm>>) target(%dma_start3A_15 : memref<256xi32, #tpu.memory_space<vmem>>) target_semaphore(%arg11 : memref<!tpu.dma_semaphore, #tpu.memory_space<semaphore_mem>>)
    %mul3A_17 = arith.constant 256 : i32
    %mul3A_18 = arith.muli %add3A, %mul3A_17 : i32
    %add3A_19 = arith.constant 8192 : i32
    %add3A_20 = arith.addi %add3A_19, %mul3A_18 : i32
    %dma_start3A_21 = arith.constant 1 : i32
    %dma_start3A_22 = arith.constant 0 : i32
    %dma_start3A_23 = tpu.memref_slice %arg8[%dma_start3A_21, %dma_start3A_22] : memref<2x256xi32, #tpu.memory_space<vmem>> -> memref<1x256xi32, #tpu.memory_space<vmem>>
    %dma_start3A_24 = tpu.memref_squeeze %dma_start3A_23 : memref<1x256xi32, #tpu.memory_space<vmem>> -> memref<256xi32, #tpu.memory_space<vmem>>
    %dma_start3A_25 = tpu.memref_slice %arg3[%add3A_20] : memref<16384xi32, #tpu.memory_space<hbm>> -> memref<256xi32, #tpu.memory_space<hbm>>
    %dma_start3A_26 = arith.constant 0 : i32
    %dma_start3A_27 = tpu.memref_slice %arg8[%dma_start3A_21, %dma_start3A_26] : memref<2x256xi32, #tpu.memory_space<vmem>> -> memref<1x256xi32, #tpu.memory_space<vmem>>
    %dma_start3A_28 = tpu.memref_squeeze %dma_start3A_27 : memref<1x256xi32, #tpu.memory_space<vmem>> -> memref<256xi32, #tpu.memory_space<vmem>>
    %dma_start3A_29 = tpu.memref_slice %arg3[%add3A_20] : memref<16384xi32, #tpu.memory_space<hbm>> -> memref<256xi32, #tpu.memory_space<hbm>>
    tpu.enqueue_dma source(%dma_start3A_29 : memref<256xi32, #tpu.memory_space<hbm>>) target(%dma_start3A_28 : memref<256xi32, #tpu.memory_space<vmem>>) target_semaphore(%arg11 : memref<!tpu.dma_semaphore, #tpu.memory_space<semaphore_mem>>)
    %dma_wait3A = arith.constant 0 : i32
    %dma_wait3A_30 = arith.constant 0 : i32
    %dma_wait3A_31 = tpu.memref_slice %arg8[%dma_wait3A, %dma_wait3A_30] : memref<2x256xi32, #tpu.memory_space<vmem>> -> memref<1x256xi32, #tpu.memory_space<vmem>>
    %dma_wait3A_32 = tpu.memref_squeeze %dma_wait3A_31 : memref<1x256xi32, #tpu.memory_space<vmem>> -> memref<256xi32, #tpu.memory_space<vmem>>
    %dma_wait3A_33 = tpu.memref_slice %arg3[%mul3A_7] : memref<16384xi32, #tpu.memory_space<hbm>> -> memref<256xi32, #tpu.memory_space<hbm>>
    %dma_wait3A_34 = arith.constant 0 : i32
    %dma_wait3A_35 = tpu.memref_slice %arg8[%dma_wait3A, %dma_wait3A_34] : memref<2x256xi32, #tpu.memory_space<vmem>> -> memref<1x256xi32, #tpu.memory_space<vmem>>
    %dma_wait3A_36 = tpu.memref_squeeze %dma_wait3A_35 : memref<1x256xi32, #tpu.memory_space<vmem>> -> memref<256xi32, #tpu.memory_space<vmem>>
    %dma_wait3A_37 = tpu.memref_slice %arg3[%mul3A_7] : memref<16384xi32, #tpu.memory_space<hbm>> -> memref<256xi32, #tpu.memory_space<hbm>>
    tpu.wait_dma2 semaphore(%arg11 : memref<!tpu.dma_semaphore, #tpu.memory_space<semaphore_mem>>) src(%dma_wait3A_37 : memref<256xi32, #tpu.memory_space<hbm>>) dst(%dma_wait3A_36 : memref<256xi32, #tpu.memory_space<vmem>>)
    %dma_wait3A_38 = arith.constant 1 : i32
    %dma_wait3A_39 = arith.constant 0 : i32
    %dma_wait3A_40 = tpu.memref_slice %arg8[%dma_wait3A_38, %dma_wait3A_39] : memref<2x256xi32, #tpu.memory_space<vmem>> -> memref<1x256xi32, #tpu.memory_space<vmem>>
    %dma_wait3A_41 = tpu.memref_squeeze %dma_wait3A_40 : memref<1x256xi32, #tpu.memory_space<vmem>> -> memref<256xi32, #tpu.memory_space<vmem>>
    %dma_wait3A_42 = tpu.memref_slice %arg3[%add3A_20] : memref<16384xi32, #tpu.memory_space<hbm>> -> memref<256xi32, #tpu.memory_space<hbm>>
    %dma_wait3A_43 = arith.constant 0 : i32
    %dma_wait3A_44 = tpu.memref_slice %arg8[%dma_wait3A_38, %dma_wait3A_43] : memref<2x256xi32, #tpu.memory_space<vmem>> -> memref<1x256xi32, #tpu.memory_space<vmem>>
    %dma_wait3A_45 = tpu.memref_squeeze %dma_wait3A_44 : memref<1x256xi32, #tpu.memory_space<vmem>> -> memref<256xi32, #tpu.memory_space<vmem>>
    %dma_wait3A_46 = tpu.memref_slice %arg3[%add3A_20] : memref<16384xi32, #tpu.memory_space<hbm>> -> memref<256xi32, #tpu.memory_space<hbm>>
    tpu.wait_dma2 semaphore(%arg11 : memref<!tpu.dma_semaphore, #tpu.memory_space<semaphore_mem>>) src(%dma_wait3A_46 : memref<256xi32, #tpu.memory_space<hbm>>) dst(%dma_wait3A_45 : memref<256xi32, #tpu.memory_space<vmem>>)
    %dma_start3A_47 = arith.constant 0 : i32
    %dma_start3A_48 = arith.constant 0 : i32
    %dma_start3A_49 = arith.constant 0 : i32
    %dma_start3A_50 = tpu.memref_slice %arg7[%dma_start3A_48, %dma_start3A_49] : memref<512x128xf32, #tpu.memory_space<vmem>> -> memref<64x128xf32, #tpu.memory_space<vmem>>
    %dma_start3A_51 = arith.constant 0 : i32
    %dma_start3A_52 = tpu.memref_slice %arg8[%dma_start3A_47, %dma_start3A_51] : memref<2x256xi32, #tpu.memory_space<vmem>> -> memref<1x64xi32, #tpu.memory_space<vmem>>
    %dma_start3A_53 = tpu.memref_squeeze %dma_start3A_52 : memref<1x64xi32, #tpu.memory_space<vmem>> -> memref<64xi32, #tpu.memory_space<vmem>>
    %dma_start3A_54 = arith.constant 0 : i32
    %dma_start3A_55 = arith.constant 0 : i32
    %dma_start3A_56 = tpu.memref_slice %arg4[%dma_start3A_54, %dma_start3A_55] : memref<1024x128xf32, #tpu.memory_space<hbm>> -> memref<1024x128xf32, #tpu.memory_space<hbm>>
    tpu.enqueue_indirect_dma source(%dma_start3A_56 : memref<1024x128xf32, #tpu.memory_space<hbm>>) target(%dma_start3A_50 : memref<64x128xf32, #tpu.memory_space<vmem>>) offsets(%dma_start3A_53 : memref<64xi32, #tpu.memory_space<vmem>>) semaphore(%arg10 : memref<!tpu.dma_semaphore, #tpu.memory_space<semaphore_mem>>)
    %dma_start3A_57 = arith.constant 0 : i32
    %dma_start3A_58 = arith.constant 64 : i32
    %dma_start3A_59 = arith.constant 0 : i32
    %dma_start3A_60 = tpu.memref_slice %arg7[%dma_start3A_58, %dma_start3A_59] : memref<512x128xf32, #tpu.memory_space<vmem>> -> memref<64x128xf32, #tpu.memory_space<vmem>>
    %dma_start3A_61 = arith.constant 64 : i32
    %dma_start3A_62 = tpu.memref_slice %arg8[%dma_start3A_57, %dma_start3A_61] : memref<2x256xi32, #tpu.memory_space<vmem>> -> memref<1x64xi32, #tpu.memory_space<vmem>>
    %dma_start3A_63 = tpu.memref_squeeze %dma_start3A_62 : memref<1x64xi32, #tpu.memory_space<vmem>> -> memref<64xi32, #tpu.memory_space<vmem>>
    %dma_start3A_64 = arith.constant 0 : i32
    %dma_start3A_65 = arith.constant 0 : i32
    %dma_start3A_66 = tpu.memref_slice %arg4[%dma_start3A_64, %dma_start3A_65] : memref<1024x128xf32, #tpu.memory_space<hbm>> -> memref<1024x128xf32, #tpu.memory_space<hbm>>
    tpu.enqueue_indirect_dma source(%dma_start3A_66 : memref<1024x128xf32, #tpu.memory_space<hbm>>) target(%dma_start3A_60 : memref<64x128xf32, #tpu.memory_space<vmem>>) offsets(%dma_start3A_63 : memref<64xi32, #tpu.memory_space<vmem>>) semaphore(%arg10 : memref<!tpu.dma_semaphore, #tpu.memory_space<semaphore_mem>>)
    %dma_start3A_67 = arith.constant 0 : i32
    %dma_start3A_68 = arith.constant 128 : i32
    %dma_start3A_69 = arith.constant 0 : i32
    %dma_start3A_70 = tpu.memref_slice %arg7[%dma_start3A_68, %dma_start3A_69] : memref<512x128xf32, #tpu.memory_space<vmem>> -> memref<64x128xf32, #tpu.memory_space<vmem>>
    %dma_start3A_71 = arith.constant 128 : i32
    %dma_start3A_72 = tpu.memref_slice %arg8[%dma_start3A_67, %dma_start3A_71] : memref<2x256xi32, #tpu.memory_space<vmem>> -> memref<1x64xi32, #tpu.memory_space<vmem>>
    %dma_start3A_73 = tpu.memref_squeeze %dma_start3A_72 : memref<1x64xi32, #tpu.memory_space<vmem>> -> memref<64xi32, #tpu.memory_space<vmem>>
    %dma_start3A_74 = arith.constant 0 : i32
    %dma_start3A_75 = arith.constant 0 : i32
    %dma_start3A_76 = tpu.memref_slice %arg4[%dma_start3A_74, %dma_start3A_75] : memref<1024x128xf32, #tpu.memory_space<hbm>> -> memref<1024x128xf32, #tpu.memory_space<hbm>>
    tpu.enqueue_indirect_dma source(%dma_start3A_76 : memref<1024x128xf32, #tpu.memory_space<hbm>>) target(%dma_start3A_70 : memref<64x128xf32, #tpu.memory_space<vmem>>) offsets(%dma_start3A_73 : memref<64xi32, #tpu.memory_space<vmem>>) semaphore(%arg10 : memref<!tpu.dma_semaphore, #tpu.memory_space<semaphore_mem>>)
    %dma_start3A_77 = arith.constant 0 : i32
    %dma_start3A_78 = arith.constant 192 : i32
    %dma_start3A_79 = arith.constant 0 : i32
    %dma_start3A_80 = tpu.memref_slice %arg7[%dma_start3A_78, %dma_start3A_79] : memref<512x128xf32, #tpu.memory_space<vmem>> -> memref<64x128xf32, #tpu.memory_space<vmem>>
    %dma_start3A_81 = arith.constant 192 : i32
    %dma_start3A_82 = tpu.memref_slice %arg8[%dma_start3A_77, %dma_start3A_81] : memref<2x256xi32, #tpu.memory_space<vmem>> -> memref<1x64xi32, #tpu.memory_space<vmem>>
    %dma_start3A_83 = tpu.memref_squeeze %dma_start3A_82 : memref<1x64xi32, #tpu.memory_space<vmem>> -> memref<64xi32, #tpu.memory_space<vmem>>
    %dma_start3A_84 = arith.constant 0 : i32
    %dma_start3A_85 = arith.constant 0 : i32
    %dma_start3A_86 = tpu.memref_slice %arg4[%dma_start3A_84, %dma_start3A_85] : memref<1024x128xf32, #tpu.memory_space<hbm>> -> memref<1024x128xf32, #tpu.memory_space<hbm>>
    tpu.enqueue_indirect_dma source(%dma_start3A_86 : memref<1024x128xf32, #tpu.memory_space<hbm>>) target(%dma_start3A_80 : memref<64x128xf32, #tpu.memory_space<vmem>>) offsets(%dma_start3A_83 : memref<64xi32, #tpu.memory_space<vmem>>) semaphore(%arg10 : memref<!tpu.dma_semaphore, #tpu.memory_space<semaphore_mem>>)
    %dma_start3A_87 = arith.constant 1 : i32
    %dma_start3A_88 = arith.constant 256 : i32
    %dma_start3A_89 = arith.constant 0 : i32
    %dma_start3A_90 = tpu.memref_slice %arg7[%dma_start3A_88, %dma_start3A_89] : memref<512x128xf32, #tpu.memory_space<vmem>> -> memref<64x128xf32, #tpu.memory_space<vmem>>
    %dma_start3A_91 = arith.constant 0 : i32
    %dma_start3A_92 = tpu.memref_slice %arg8[%dma_start3A_87, %dma_start3A_91] : memref<2x256xi32, #tpu.memory_space<vmem>> -> memref<1x64xi32, #tpu.memory_space<vmem>>
    %dma_start3A_93 = tpu.memref_squeeze %dma_start3A_92 : memref<1x64xi32, #tpu.memory_space<vmem>> -> memref<64xi32, #tpu.memory_space<vmem>>
    %dma_start3A_94 = arith.constant 0 : i32
    %dma_start3A_95 = arith.constant 0 : i32
    %dma_start3A_96 = tpu.memref_slice %arg4[%dma_start3A_94, %dma_start3A_95] : memref<1024x128xf32, #tpu.memory_space<hbm>> -> memref<1024x128xf32, #tpu.memory_space<hbm>>
    tpu.enqueue_indirect_dma source(%dma_start3A_96 : memref<1024x128xf32, #tpu.memory_space<hbm>>) target(%dma_start3A_90 : memref<64x128xf32, #tpu.memory_space<vmem>>) offsets(%dma_start3A_93 : memref<64xi32, #tpu.memory_space<vmem>>) semaphore(%arg10 : memref<!tpu.dma_semaphore, #tpu.memory_space<semaphore_mem>>)
    %dma_start3A_97 = arith.constant 1 : i32
    %dma_start3A_98 = arith.constant 320 : i32
    %dma_start3A_99 = arith.constant 0 : i32
    %dma_start3A_100 = tpu.memref_slice %arg7[%dma_start3A_98, %dma_start3A_99] : memref<512x128xf32, #tpu.memory_space<vmem>> -> memref<64x128xf32, #tpu.memory_space<vmem>>
    %dma_start3A_101 = arith.constant 64 : i32
    %dma_start3A_102 = tpu.memref_slice %arg8[%dma_start3A_97, %dma_start3A_101] : memref<2x256xi32, #tpu.memory_space<vmem>> -> memref<1x64xi32, #tpu.memory_space<vmem>>
    %dma_start3A_103 = tpu.memref_squeeze %dma_start3A_102 : memref<1x64xi32, #tpu.memory_space<vmem>> -> memref<64xi32, #tpu.memory_space<vmem>>
    %dma_start3A_104 = arith.constant 0 : i32
    %dma_start3A_105 = arith.constant 0 : i32
    %dma_start3A_106 = tpu.memref_slice %arg4[%dma_start3A_104, %dma_start3A_105] : memref<1024x128xf32, #tpu.memory_space<hbm>> -> memref<1024x128xf32, #tpu.memory_space<hbm>>
    tpu.enqueue_indirect_dma source(%dma_start3A_106 : memref<1024x128xf32, #tpu.memory_space<hbm>>) target(%dma_start3A_100 : memref<64x128xf32, #tpu.memory_space<vmem>>) offsets(%dma_start3A_103 : memref<64xi32, #tpu.memory_space<vmem>>) semaphore(%arg10 : memref<!tpu.dma_semaphore, #tpu.memory_space<semaphore_mem>>)
    %dma_start3A_107 = arith.constant 1 : i32
    %dma_start3A_108 = arith.constant 384 : i32
    %dma_start3A_109 = arith.constant 0 : i32
    %dma_start3A_110 = tpu.memref_slice %arg7[%dma_start3A_108, %dma_start3A_109] : memref<512x128xf32, #tpu.memory_space<vmem>> -> memref<64x128xf32, #tpu.memory_space<vmem>>
    %dma_start3A_111 = arith.constant 128 : i32
    %dma_start3A_112 = tpu.memref_slice %arg8[%dma_start3A_107, %dma_start3A_111] : memref<2x256xi32, #tpu.memory_space<vmem>> -> memref<1x64xi32, #tpu.memory_space<vmem>>
    %dma_start3A_113 = tpu.memref_squeeze %dma_start3A_112 : memref<1x64xi32, #tpu.memory_space<vmem>> -> memref<64xi32, #tpu.memory_space<vmem>>
    %dma_start3A_114 = arith.constant 0 : i32
    %dma_start3A_115 = arith.constant 0 : i32
    %dma_start3A_116 = tpu.memref_slice %arg4[%dma_start3A_114, %dma_start3A_115] : memref<1024x128xf32, #tpu.memory_space<hbm>> -> memref<1024x128xf32, #tpu.memory_space<hbm>>
    tpu.enqueue_indirect_dma source(%dma_start3A_116 : memref<1024x128xf32, #tpu.memory_space<hbm>>) target(%dma_start3A_110 : memref<64x128xf32, #tpu.memory_space<vmem>>) offsets(%dma_start3A_113 : memref<64xi32, #tpu.memory_space<vmem>>) semaphore(%arg10 : memref<!tpu.dma_semaphore, #tpu.memory_space<semaphore_mem>>)
    %dma_start3A_117 = arith.constant 1 : i32
    %dma_start3A_118 = arith.constant 448 : i32
    %dma_start3A_119 = arith.constant 0 : i32
    %dma_start3A_120 = tpu.memref_slice %arg7[%dma_start3A_118, %dma_start3A_119] : memref<512x128xf32, #tpu.memory_space<vmem>> -> memref<64x128xf32, #tpu.memory_space<vmem>>
    %dma_start3A_121 = arith.constant 192 : i32
    %dma_start3A_122 = tpu.memref_slice %arg8[%dma_start3A_117, %dma_start3A_121] : memref<2x256xi32, #tpu.memory_space<vmem>> -> memref<1x64xi32, #tpu.memory_space<vmem>>
    %dma_start3A_123 = tpu.memref_squeeze %dma_start3A_122 : memref<1x64xi32, #tpu.memory_space<vmem>> -> memref<64xi32, #tpu.memory_space<vmem>>
    %dma_start3A_124 = arith.constant 0 : i32
    %dma_start3A_125 = arith.constant 0 : i32
    %dma_start3A_126 = tpu.memref_slice %arg4[%dma_start3A_124, %dma_start3A_125] : memref<1024x128xf32, #tpu.memory_space<hbm>> -> memref<1024x128xf32, #tpu.memory_space<hbm>>
    tpu.enqueue_indirect_dma source(%dma_start3A_126 : memref<1024x128xf32, #tpu.memory_space<hbm>>) target(%dma_start3A_120 : memref<64x128xf32, #tpu.memory_space<vmem>>) offsets(%dma_start3A_123 : memref<64xi32, #tpu.memory_space<vmem>>) semaphore(%arg10 : memref<!tpu.dma_semaphore, #tpu.memory_space<semaphore_mem>>)
    %dma_wait3A_127 = arith.constant 0 : i32
    %dma_wait3A_128 = tpu.memref_slice %arg2[%mul3A_2, %dma_wait3A_127] : memref<8192x128xf32, #tpu.memory_space<hbm>> -> memref<256x128xf32, #tpu.memory_space<hbm>>
    %dma_wait3A_129 = arith.constant 0 : i32
    %dma_wait3A_130 = tpu.memref_slice %arg2[%mul3A_2, %dma_wait3A_129] : memref<8192x128xf32, #tpu.memory_space<hbm>> -> memref<256x128xf32, #tpu.memory_space<hbm>>
    tpu.wait_dma2 semaphore(%arg10 : memref<!tpu.dma_semaphore, #tpu.memory_space<semaphore_mem>>) src(%dma_wait3A_130 : memref<256x128xf32, #tpu.memory_space<hbm>>) dst(%arg6 : memref<256x128xf32, #tpu.memory_space<vmem>>)
    %dma_wait3A_131 = arith.constant 0 : i32
    %dma_wait3A_132 = arith.constant 0 : i32
    %dma_wait3A_133 = arith.constant 0 : i32
    %dma_wait3A_134 = tpu.memref_slice %arg7[%dma_wait3A_132, %dma_wait3A_133] : memref<512x128xf32, #tpu.memory_space<vmem>> -> memref<64x128xf32, #tpu.memory_space<vmem>>
    %dma_wait3A_135 = arith.constant 0 : i32
    %dma_wait3A_136 = tpu.memref_slice %arg8[%dma_wait3A_131, %dma_wait3A_135] : memref<2x256xi32, #tpu.memory_space<vmem>> -> memref<1x64xi32, #tpu.memory_space<vmem>>
    %dma_wait3A_137 = tpu.memref_squeeze %dma_wait3A_136 : memref<1x64xi32, #tpu.memory_space<vmem>> -> memref<64xi32, #tpu.memory_space<vmem>>
    %dma_wait3A_138 = arith.constant 0 : i32
    %dma_wait3A_139 = arith.constant 0 : i32
    %dma_wait3A_140 = tpu.memref_slice %arg4[%dma_wait3A_138, %dma_wait3A_139] : memref<1024x128xf32, #tpu.memory_space<hbm>> -> memref<1024x128xf32, #tpu.memory_space<hbm>>
    tpu.wait_indirect_dma semaphore(%arg10 : memref<!tpu.dma_semaphore, #tpu.memory_space<semaphore_mem>>) src(%dma_wait3A_140 : memref<1024x128xf32, #tpu.memory_space<hbm>>) dst(%dma_wait3A_134 : memref<64x128xf32, #tpu.memory_space<vmem>>)
    %dma_wait3A_141 = arith.constant 0 : i32
    %dma_wait3A_142 = arith.constant 64 : i32
    %dma_wait3A_143 = arith.constant 0 : i32
    %dma_wait3A_144 = tpu.memref_slice %arg7[%dma_wait3A_142, %dma_wait3A_143] : memref<512x128xf32, #tpu.memory_space<vmem>> -> memref<64x128xf32, #tpu.memory_space<vmem>>
    %dma_wait3A_145 = arith.constant 64 : i32
    %dma_wait3A_146 = tpu.memref_slice %arg8[%dma_wait3A_141, %dma_wait3A_145] : memref<2x256xi32, #tpu.memory_space<vmem>> -> memref<1x64xi32, #tpu.memory_space<vmem>>
    %dma_wait3A_147 = tpu.memref_squeeze %dma_wait3A_146 : memref<1x64xi32, #tpu.memory_space<vmem>> -> memref<64xi32, #tpu.memory_space<vmem>>
    %dma_wait3A_148 = arith.constant 0 : i32
    %dma_wait3A_149 = arith.constant 0 : i32
    %dma_wait3A_150 = tpu.memref_slice %arg4[%dma_wait3A_148, %dma_wait3A_149] : memref<1024x128xf32, #tpu.memory_space<hbm>> -> memref<1024x128xf32, #tpu.memory_space<hbm>>
    tpu.wait_indirect_dma semaphore(%arg10 : memref<!tpu.dma_semaphore, #tpu.memory_space<semaphore_mem>>) src(%dma_wait3A_150 : memref<1024x128xf32, #tpu.memory_space<hbm>>) dst(%dma_wait3A_144 : memref<64x128xf32, #tpu.memory_space<vmem>>)
    %dma_wait3A_151 = arith.constant 0 : i32
    %dma_wait3A_152 = arith.constant 128 : i32
    %dma_wait3A_153 = arith.constant 0 : i32
    %dma_wait3A_154 = tpu.memref_slice %arg7[%dma_wait3A_152, %dma_wait3A_153] : memref<512x128xf32, #tpu.memory_space<vmem>> -> memref<64x128xf32, #tpu.memory_space<vmem>>
    %dma_wait3A_155 = arith.constant 128 : i32
    %dma_wait3A_156 = tpu.memref_slice %arg8[%dma_wait3A_151, %dma_wait3A_155] : memref<2x256xi32, #tpu.memory_space<vmem>> -> memref<1x64xi32, #tpu.memory_space<vmem>>
    %dma_wait3A_157 = tpu.memref_squeeze %dma_wait3A_156 : memref<1x64xi32, #tpu.memory_space<vmem>> -> memref<64xi32, #tpu.memory_space<vmem>>
    %dma_wait3A_158 = arith.constant 0 : i32
    %dma_wait3A_159 = arith.constant 0 : i32
    %dma_wait3A_160 = tpu.memref_slice %arg4[%dma_wait3A_158, %dma_wait3A_159] : memref<1024x128xf32, #tpu.memory_space<hbm>> -> memref<1024x128xf32, #tpu.memory_space<hbm>>
    tpu.wait_indirect_dma semaphore(%arg10 : memref<!tpu.dma_semaphore, #tpu.memory_space<semaphore_mem>>) src(%dma_wait3A_160 : memref<1024x128xf32, #tpu.memory_space<hbm>>) dst(%dma_wait3A_154 : memref<64x128xf32, #tpu.memory_space<vmem>>)
    %dma_wait3A_161 = arith.constant 0 : i32
    %dma_wait3A_162 = arith.constant 192 : i32
    %dma_wait3A_163 = arith.constant 0 : i32
    %dma_wait3A_164 = tpu.memref_slice %arg7[%dma_wait3A_162, %dma_wait3A_163] : memref<512x128xf32, #tpu.memory_space<vmem>> -> memref<64x128xf32, #tpu.memory_space<vmem>>
    %dma_wait3A_165 = arith.constant 192 : i32
    %dma_wait3A_166 = tpu.memref_slice %arg8[%dma_wait3A_161, %dma_wait3A_165] : memref<2x256xi32, #tpu.memory_space<vmem>> -> memref<1x64xi32, #tpu.memory_space<vmem>>
    %dma_wait3A_167 = tpu.memref_squeeze %dma_wait3A_166 : memref<1x64xi32, #tpu.memory_space<vmem>> -> memref<64xi32, #tpu.memory_space<vmem>>
    %dma_wait3A_168 = arith.constant 0 : i32
    %dma_wait3A_169 = arith.constant 0 : i32
    %dma_wait3A_170 = tpu.memref_slice %arg4[%dma_wait3A_168, %dma_wait3A_169] : memref<1024x128xf32, #tpu.memory_space<hbm>> -> memref<1024x128xf32, #tpu.memory_space<hbm>>
    tpu.wait_indirect_dma semaphore(%arg10 : memref<!tpu.dma_semaphore, #tpu.memory_space<semaphore_mem>>) src(%dma_wait3A_170 : memref<1024x128xf32, #tpu.memory_space<hbm>>) dst(%dma_wait3A_164 : memref<64x128xf32, #tpu.memory_space<vmem>>)
    %dma_wait3A_171 = arith.constant 1 : i32
    %dma_wait3A_172 = arith.constant 256 : i32
    %dma_wait3A_173 = arith.constant 0 : i32
    %dma_wait3A_174 = tpu.memref_slice %arg7[%dma_wait3A_172, %dma_wait3A_173] : memref<512x128xf32, #tpu.memory_space<vmem>> -> memref<64x128xf32, #tpu.memory_space<vmem>>
    %dma_wait3A_175 = arith.constant 0 : i32
    %dma_wait3A_176 = tpu.memref_slice %arg8[%dma_wait3A_171, %dma_wait3A_175] : memref<2x256xi32, #tpu.memory_space<vmem>> -> memref<1x64xi32, #tpu.memory_space<vmem>>
    %dma_wait3A_177 = tpu.memref_squeeze %dma_wait3A_176 : memref<1x64xi32, #tpu.memory_space<vmem>> -> memref<64xi32, #tpu.memory_space<vmem>>
    %dma_wait3A_178 = arith.constant 0 : i32
    %dma_wait3A_179 = arith.constant 0 : i32
    %dma_wait3A_180 = tpu.memref_slice %arg4[%dma_wait3A_178, %dma_wait3A_179] : memref<1024x128xf32, #tpu.memory_space<hbm>> -> memref<1024x128xf32, #tpu.memory_space<hbm>>
    tpu.wait_indirect_dma semaphore(%arg10 : memref<!tpu.dma_semaphore, #tpu.memory_space<semaphore_mem>>) src(%dma_wait3A_180 : memref<1024x128xf32, #tpu.memory_space<hbm>>) dst(%dma_wait3A_174 : memref<64x128xf32, #tpu.memory_space<vmem>>)
    %dma_wait3A_181 = arith.constant 1 : i32
    %dma_wait3A_182 = arith.constant 320 : i32
    %dma_wait3A_183 = arith.constant 0 : i32
    %dma_wait3A_184 = tpu.memref_slice %arg7[%dma_wait3A_182, %dma_wait3A_183] : memref<512x128xf32, #tpu.memory_space<vmem>> -> memref<64x128xf32, #tpu.memory_space<vmem>>
    %dma_wait3A_185 = arith.constant 64 : i32
    %dma_wait3A_186 = tpu.memref_slice %arg8[%dma_wait3A_181, %dma_wait3A_185] : memref<2x256xi32, #tpu.memory_space<vmem>> -> memref<1x64xi32, #tpu.memory_space<vmem>>
    %dma_wait3A_187 = tpu.memref_squeeze %dma_wait3A_186 : memref<1x64xi32, #tpu.memory_space<vmem>> -> memref<64xi32, #tpu.memory_space<vmem>>
    %dma_wait3A_188 = arith.constant 0 : i32
    %dma_wait3A_189 = arith.constant 0 : i32
    %dma_wait3A_190 = tpu.memref_slice %arg4[%dma_wait3A_188, %dma_wait3A_189] : memref<1024x128xf32, #tpu.memory_space<hbm>> -> memref<1024x128xf32, #tpu.memory_space<hbm>>
    tpu.wait_indirect_dma semaphore(%arg10 : memref<!tpu.dma_semaphore, #tpu.memory_space<semaphore_mem>>) src(%dma_wait3A_190 : memref<1024x128xf32, #tpu.memory_space<hbm>>) dst(%dma_wait3A_184 : memref<64x128xf32, #tpu.memory_space<vmem>>)
    %dma_wait3A_191 = arith.constant 1 : i32
    %dma_wait3A_192 = arith.constant 384 : i32
    %dma_wait3A_193 = arith.constant 0 : i32
    %dma_wait3A_194 = tpu.memref_slice %arg7[%dma_wait3A_192, %dma_wait3A_193] : memref<512x128xf32, #tpu.memory_space<vmem>> -> memref<64x128xf32, #tpu.memory_space<vmem>>
    %dma_wait3A_195 = arith.constant 128 : i32
    %dma_wait3A_196 = tpu.memref_slice %arg8[%dma_wait3A_191, %dma_wait3A_195] : memref<2x256xi32, #tpu.memory_space<vmem>> -> memref<1x64xi32, #tpu.memory_space<vmem>>
    %dma_wait3A_197 = tpu.memref_squeeze %dma_wait3A_196 : memref<1x64xi32, #tpu.memory_space<vmem>> -> memref<64xi32, #tpu.memory_space<vmem>>
    %dma_wait3A_198 = arith.constant 0 : i32
    %dma_wait3A_199 = arith.constant 0 : i32
    %dma_wait3A_200 = tpu.memref_slice %arg4[%dma_wait3A_198, %dma_wait3A_199] : memref<1024x128xf32, #tpu.memory_space<hbm>> -> memref<1024x128xf32, #tpu.memory_space<hbm>>
    tpu.wait_indirect_dma semaphore(%arg10 : memref<!tpu.dma_semaphore, #tpu.memory_space<semaphore_mem>>) src(%dma_wait3A_200 : memref<1024x128xf32, #tpu.memory_space<hbm>>) dst(%dma_wait3A_194 : memref<64x128xf32, #tpu.memory_space<vmem>>)
    %dma_wait3A_201 = arith.constant 1 : i32
    %dma_wait3A_202 = arith.constant 448 : i32
    %dma_wait3A_203 = arith.constant 0 : i32
    %dma_wait3A_204 = tpu.memref_slice %arg7[%dma_wait3A_202, %dma_wait3A_203] : memref<512x128xf32, #tpu.memory_space<vmem>> -> memref<64x128xf32, #tpu.memory_space<vmem>>
    %dma_wait3A_205 = arith.constant 192 : i32
    %dma_wait3A_206 = tpu.memref_slice %arg8[%dma_wait3A_201, %dma_wait3A_205] : memref<2x256xi32, #tpu.memory_space<vmem>> -> memref<1x64xi32, #tpu.memory_space<vmem>>
    %dma_wait3A_207 = tpu.memref_squeeze %dma_wait3A_206 : memref<1x64xi32, #tpu.memory_space<vmem>> -> memref<64xi32, #tpu.memory_space<vmem>>
    %dma_wait3A_208 = arith.constant 0 : i32
    %dma_wait3A_209 = arith.constant 0 : i32
    %dma_wait3A_210 = tpu.memref_slice %arg4[%dma_wait3A_208, %dma_wait3A_209] : memref<1024x128xf32, #tpu.memory_space<hbm>> -> memref<1024x128xf32, #tpu.memory_space<hbm>>
    tpu.wait_indirect_dma semaphore(%arg10 : memref<!tpu.dma_semaphore, #tpu.memory_space<semaphore_mem>>) src(%dma_wait3A_210 : memref<1024x128xf32, #tpu.memory_space<hbm>>) dst(%dma_wait3A_204 : memref<64x128xf32, #tpu.memory_space<vmem>>)
    %broadcast_in_dim3A = arith.constant 0.000000e+00 : f32
    %broadcast_in_dim3A_211 = vector.broadcast %broadcast_in_dim3A : f32 to vector<16xf32>
    %scan3A = arith.constant 0 : i32
    %scan3A_212 = arith.constant 16 : i32
    %scan3A_213 = arith.addi %scan3A, %scan3A_212 : i32
    %scan3A_214 = arith.constant 1 : i32
    %scan3A_215 = scf.for %scan3A_224 = %scan3A to %scan3A_213 step %scan3A_214 iter_args(%scan3A_225 = %broadcast_in_dim3A_211) -> (vector<16xf32>)  : i32 {
      %mul3A_226 = arith.constant 16 : i32
      %mul3A_227 = arith.muli %scan3A_224, %mul3A_226 : i32
      %add3A_228 = arith.constant 0 : i32
      %add3A_229 = arith.addi %mul3A_227, %add3A_228 : i32
      %add3A_230 = arith.constant 0 : i32
      %add3A_231 = arith.addi %add3A_230, %add3A_229 : i32
      %get3A = arith.index_cast %add3A_229 : i32 to index
      %get3A_232 = arith.constant 0 : index
      %get3A_233 = tpu.vector_load %arg6[%get3A, %get3A_232] {strides = array<i32>} : memref<256x128xf32, #tpu.memory_space<vmem>>, vector<16xf32>,
      %get3A_234 = arith.index_cast %add3A_231 : i32 to index
      %get3A_235 = arith.constant 0 : index
      %get3A_236 = tpu.vector_load %arg7[%get3A_234, %get3A_235] {strides = array<i32>} : memref<512x128xf32, #tpu.memory_space<vmem>>, vector<16xf32>,
      %mul3A_237 = arith.mulf %get3A_233, %get3A_236 : vector<16xf32>
      %get3A_238 = arith.index_cast %add3A_229 : i32 to index
      %get3A_239 = arith.constant 16 : index
      %get3A_240 = tpu.vector_load %arg6[%get3A_238, %get3A_239] {strides = array<i32>} : memref<256x128xf32, #tpu.memory_space<vmem>>, vector<16xf32>,
      %get3A_241 = arith.index_cast %add3A_231 : i32 to index
      %get3A_242 = arith.constant 16 : index
      %get3A_243 = tpu.vector_load %arg7[%get3A_241, %get3A_242] {strides = array<i32>} : memref<512x128xf32, #tpu.memory_space<vmem>>, vector<16xf32>,
      %mul3A_244 = arith.mulf %get3A_240, %get3A_243 : vector<16xf32>
      %add3A_245 = arith.addf %mul3A_237, %mul3A_244 : vector<16xf32>
      %get3A_246 = arith.index_cast %add3A_229 : i32 to index
      %get3A_247 = arith.constant 32 : index
      %get3A_248 = tpu.vector_load %arg6[%get3A_246, %get3A_247] {strides = array<i32>} : memref<256x128xf32, #tpu.memory_space<vmem>>, vector<16xf32>,
      %get3A_249 = arith.index_cast %add3A_231 : i32 to index
      %get3A_250 = arith.constant 32 : index
      %get3A_251 = tpu.vector_load %arg7[%get3A_249, %get3A_250] {strides = array<i32>} : memref<512x128xf32, #tpu.memory_space<vmem>>, vector<16xf32>,
      %mul3A_252 = arith.mulf %get3A_248, %get3A_251 : vector<16xf32>
      %add3A_253 = arith.addf %add3A_245, %mul3A_252 : vector<16xf32>
      %get3A_254 = arith.index_cast %add3A_229 : i32 to index
      %get3A_255 = arith.constant 48 : index
      %get3A_256 = tpu.vector_load %arg6[%get3A_254, %get3A_255] {strides = array<i32>} : memref<256x128xf32, #tpu.memory_space<vmem>>, vector<16xf32>,
      %get3A_257 = arith.index_cast %add3A_231 : i32 to index
      %get3A_258 = arith.constant 48 : index
      %get3A_259 = tpu.vector_load %arg7[%get3A_257, %get3A_258] {strides = array<i32>} : memref<512x128xf32, #tpu.memory_space<vmem>>, vector<16xf32>,
      %mul3A_260 = arith.mulf %get3A_256, %get3A_259 : vector<16xf32>
      %add3A_261 = arith.addf %add3A_253, %mul3A_260 : vector<16xf32>
      %reduce_sum3A = arith.constant true
      %reduce_sum3A_262 = vector.broadcast %reduce_sum3A : i1 to vector<16xi1>
      %reduce_sum3A_263 = tpu.scan <sum>, %add3A_261 masked %reduce_sum3A_262 : vector<16xf32>, vector<16xi1> -> vector<16xf32>
      %reduce_sum3A_264 = vector.extract %reduce_sum3A_263[15] : f32 from vector<16xf32>
      %add3A_265 = arith.constant 3.000000e-01 : f32
      %add3A_266 = arith.addf %reduce_sum3A_264, %add3A_265 : f32
      %max3A = arith.constant 0.000000e+00 : f32
      %max3A_267 = arith.maximumf %add3A_266, %max3A : f32
      %get3A_268 = arith.index_cast %add3A_231 : i32 to index
      %get3A_269 = arith.constant 64 : index
      %get3A_270 = tpu.vector_load %arg7[%get3A_268, %get3A_269] {strides = array<i32>} : memref<512x128xf32, #tpu.memory_space<vmem>>, vector<16xf32>,
      %mul3A_271 = vector.broadcast %max3A_267 : f32 to vector<16xf32>
      %mul3A_272 = arith.mulf %mul3A_271, %get3A_270 : vector<16xf32>
      %add3A_273 = arith.addf %scan3A_225, %mul3A_272 : vector<16xf32>
      %mul3A_274 = arith.constant 16 : i32
      %mul3A_275 = arith.muli %scan3A_224, %mul3A_274 : i32
      %add3A_276 = arith.constant 1 : i32
      %add3A_277 = arith.addi %mul3A_275, %add3A_276 : i32
      %add3A_278 = arith.constant 0 : i32
      %add3A_279 = arith.addi %add3A_278, %add3A_277 : i32
      %get3A_280 = arith.index_cast %add3A_277 : i32 to index
      %get3A_281 = arith.constant 0 : index
      %get3A_282 = tpu.vector_load %arg6[%get3A_280, %get3A_281] {strides = array<i32>} : memref<256x128xf32, #tpu.memory_space<vmem>>, vector<16xf32>,
      %get3A_283 = arith.index_cast %add3A_279 : i32 to index
      %get3A_284 = arith.constant 0 : index
      %get3A_285 = tpu.vector_load %arg7[%get3A_283, %get3A_284] {strides = array<i32>} : memref<512x128xf32, #tpu.memory_space<vmem>>, vector<16xf32>,
      %mul3A_286 = arith.mulf %get3A_282, %get3A_285 : vector<16xf32>
      %get3A_287 = arith.index_cast %add3A_277 : i32 to index
      %get3A_288 = arith.constant 16 : index
      %get3A_289 = tpu.vector_load %arg6[%get3A_287, %get3A_288] {strides = array<i32>} : memref<256x128xf32, #tpu.memory_space<vmem>>, vector<16xf32>,
      %get3A_290 = arith.index_cast %add3A_279 : i32 to index
      %get3A_291 = arith.constant 16 : index
      %get3A_292 = tpu.vector_load %arg7[%get3A_290, %get3A_291] {strides = array<i32>} : memref<512x128xf32, #tpu.memory_space<vmem>>, vector<16xf32>,
      %mul3A_293 = arith.mulf %get3A_289, %get3A_292 : vector<16xf32>
      %add3A_294 = arith.addf %mul3A_286, %mul3A_293 : vector<16xf32>
      %get3A_295 = arith.index_cast %add3A_277 : i32 to index
      %get3A_296 = arith.constant 32 : index
      %get3A_297 = tpu.vector_load %arg6[%get3A_295, %get3A_296] {strides = array<i32>} : memref<256x128xf32, #tpu.memory_space<vmem>>, vector<16xf32>,
      %get3A_298 = arith.index_cast %add3A_279 : i32 to index
      %get3A_299 = arith.constant 32 : index
      %get3A_300 = tpu.vector_load %arg7[%get3A_298, %get3A_299] {strides = array<i32>} : memref<512x128xf32, #tpu.memory_space<vmem>>, vector<16xf32>,
      %mul3A_301 = arith.mulf %get3A_297, %get3A_300 : vector<16xf32>
      %add3A_302 = arith.addf %add3A_294, %mul3A_301 : vector<16xf32>
      %get3A_303 = arith.index_cast %add3A_277 : i32 to index
      %get3A_304 = arith.constant 48 : index
      %get3A_305 = tpu.vector_load %arg6[%get3A_303, %get3A_304] {strides = array<i32>} : memref<256x128xf32, #tpu.memory_space<vmem>>, vector<16xf32>,
      %get3A_306 = arith.index_cast %add3A_279 : i32 to index
      %get3A_307 = arith.constant 48 : index
      %get3A_308 = tpu.vector_load %arg7[%get3A_306, %get3A_307] {strides = array<i32>} : memref<512x128xf32, #tpu.memory_space<vmem>>, vector<16xf32>,
      %mul3A_309 = arith.mulf %get3A_305, %get3A_308 : vector<16xf32>
      %add3A_310 = arith.addf %add3A_302, %mul3A_309 : vector<16xf32>
      %reduce_sum3A_311 = arith.constant true
      %reduce_sum3A_312 = vector.broadcast %reduce_sum3A_311 : i1 to vector<16xi1>
      %reduce_sum3A_313 = tpu.scan <sum>, %add3A_310 masked %reduce_sum3A_312 : vector<16xf32>, vector<16xi1> -> vector<16xf32>
      %reduce_sum3A_314 = vector.extract %reduce_sum3A_313[15] : f32 from vector<16xf32>
      %add3A_315 = arith.constant 3.000000e-01 : f32
      %add3A_316 = arith.addf %reduce_sum3A_314, %add3A_315 : f32
      %max3A_317 = arith.constant 0.000000e+00 : f32
      %max3A_318 = arith.maximumf %add3A_316, %max3A_317 : f32
      %get3A_319 = arith.index_cast %add3A_279 : i32 to index
      %get3A_320 = arith.constant 64 : index
      %get3A_321 = tpu.vector_load %arg7[%get3A_319, %get3A_320] {strides = array<i32>} : memref<512x128xf32, #tpu.memory_space<vmem>>, vector<16xf32>,
      %mul3A_322 = vector.broadcast %max3A_318 : f32 to vector<16xf32>
      %mul3A_323 = arith.mulf %mul3A_322, %get3A_321 : vector<16xf32>
      %add3A_324 = arith.addf %add3A_273, %mul3A_323 : vector<16xf32>
      %mul3A_325 = arith.constant 16 : i32
      %mul3A_326 = arith.muli %scan3A_224, %mul3A_325 : i32
      %add3A_327 = arith.constant 2 : i32
      %add3A_328 = arith.addi %mul3A_326, %add3A_327 : i32
      %add3A_329 = arith.constant 0 : i32
      %add3A_330 = arith.addi %add3A_329, %add3A_328 : i32
      %get3A_331 = arith.index_cast %add3A_328 : i32 to index
      %get3A_332 = arith.constant 0 : index
      %get3A_333 = tpu.vector_load %arg6[%get3A_331, %get3A_332] {strides = array<i32>} : memref<256x128xf32, #tpu.memory_space<vmem>>, vector<16xf32>,
      %get3A_334 = arith.index_cast %add3A_330 : i32 to index
      %get3A_335 = arith.constant 0 : index
      %get3A_336 = tpu.vector_load %arg7[%get3A_334, %get3A_335] {strides = array<i32>} : memref<512x128xf32, #tpu.memory_space<vmem>>, vector<16xf32>,
      %mul3A_337 = arith.mulf %get3A_333, %get3A_336 : vector<16xf32>
      %get3A_338 = arith.index_cast %add3A_328 : i32 to index
      %get3A_339 = arith.constant 16 : index
      %get3A_340 = tpu.vector_load %arg6[%get3A_338, %get3A_339] {strides = array<i32>} : memref<256x128xf32, #tpu.memory_space<vmem>>, vector<16xf32>,
      %get3A_341 = arith.index_cast %add3A_330 : i32 to index
      %get3A_342 = arith.constant 16 : index
      %get3A_343 = tpu.vector_load %arg7[%get3A_341, %get3A_342] {strides = array<i32>} : memref<512x128xf32, #tpu.memory_space<vmem>>, vector<16xf32>,
      %mul3A_344 = arith.mulf %get3A_340, %get3A_343 : vector<16xf32>
      %add3A_345 = arith.addf %mul3A_337, %mul3A_344 : vector<16xf32>
      %get3A_346 = arith.index_cast %add3A_328 : i32 to index
      %get3A_347 = arith.constant 32 : index
      %get3A_348 = tpu.vector_load %arg6[%get3A_346, %get3A_347] {strides = array<i32>} : memref<256x128xf32, #tpu.memory_space<vmem>>, vector<16xf32>,
      %get3A_349 = arith.index_cast %add3A_330 : i32 to index
      %get3A_350 = arith.constant 32 : index
      %get3A_351 = tpu.vector_load %arg7[%get3A_349, %get3A_350] {strides = array<i32>} : memref<512x128xf32, #tpu.memory_space<vmem>>, vector<16xf32>,
      %mul3A_352 = arith.mulf %get3A_348, %get3A_351 : vector<16xf32>
      %add3A_353 = arith.addf %add3A_345, %mul3A_352 : vector<16xf32>
      %get3A_354 = arith.index_cast %add3A_328 : i32 to index
      %get3A_355 = arith.constant 48 : index
      %get3A_356 = tpu.vector_load %arg6[%get3A_354, %get3A_355] {strides = array<i32>} : memref<256x128xf32, #tpu.memory_space<vmem>>, vector<16xf32>,
      %get3A_357 = arith.index_cast %add3A_330 : i32 to index
      %get3A_358 = arith.constant 48 : index
      %get3A_359 = tpu.vector_load %arg7[%get3A_357, %get3A_358] {strides = array<i32>} : memref<512x128xf32, #tpu.memory_space<vmem>>, vector<16xf32>,
      %mul3A_360 = arith.mulf %get3A_356, %get3A_359 : vector<16xf32>
      %add3A_361 = arith.addf %add3A_353, %mul3A_360 : vector<16xf32>
      %reduce_sum3A_362 = arith.constant true
      %reduce_sum3A_363 = vector.broadcast %reduce_sum3A_362 : i1 to vector<16xi1>
      %reduce_sum3A_364 = tpu.scan <sum>, %add3A_361 masked %reduce_sum3A_363 : vector<16xf32>, vector<16xi1> -> vector<16xf32>
      %reduce_sum3A_365 = vector.extract %reduce_sum3A_364[15] : f32 from vector<16xf32>
      %add3A_366 = arith.constant 3.000000e-01 : f32
      %add3A_367 = arith.addf %reduce_sum3A_365, %add3A_366 : f32
      %max3A_368 = arith.constant 0.000000e+00 : f32
      %max3A_369 = arith.maximumf %add3A_367, %max3A_368 : f32
      %get3A_370 = arith.index_cast %add3A_330 : i32 to index
      %get3A_371 = arith.constant 64 : index
      %get3A_372 = tpu.vector_load %arg7[%get3A_370, %get3A_371] {strides = array<i32>} : memref<512x128xf32, #tpu.memory_space<vmem>>, vector<16xf32>,
      %mul3A_373 = vector.broadcast %max3A_369 : f32 to vector<16xf32>
      %mul3A_374 = arith.mulf %mul3A_373, %get3A_372 : vector<16xf32>
      %add3A_375 = arith.addf %add3A_324, %mul3A_374 : vector<16xf32>
      %mul3A_376 = arith.constant 16 : i32
      %mul3A_377 = arith.muli %scan3A_224, %mul3A_376 : i32
      %add3A_378 = arith.constant 3 : i32
      %add3A_379 = arith.addi %mul3A_377, %add3A_378 : i32
      %add3A_380 = arith.constant 0 : i32
      %add3A_381 = arith.addi %add3A_380, %add3A_379 : i32
      %get3A_382 = arith.index_cast %add3A_379 : i32 to index
      %get3A_383 = arith.constant 0 : index
      %get3A_384 = tpu.vector_load %arg6[%get3A_382, %get3A_383] {strides = array<i32>} : memref<256x128xf32, #tpu.memory_space<vmem>>, vector<16xf32>,
      %get3A_385 = arith.index_cast %add3A_381 : i32 to index
      %get3A_386 = arith.constant 0 : index
      %get3A_387 = tpu.vector_load %arg7[%get3A_385, %get3A_386] {strides = array<i32>} : memref<512x128xf32, #tpu.memory_space<vmem>>, vector<16xf32>,
      %mul3A_388 = arith.mulf %get3A_384, %get3A_387 : vector<16xf32>
      %get3A_389 = arith.index_cast %add3A_379 : i32 to index
      %get3A_390 = arith.constant 16 : index
      %get3A_391 = tpu.vector_load %arg6[%get3A_389, %get3A_390] {strides = array<i32>} : memref<256x128xf32, #tpu.memory_space<vmem>>, vector<16xf32>,
      %get3A_392 = arith.index_cast %add3A_381 : i32 to index
      %get3A_393 = arith.constant 16 : index
      %get3A_394 = tpu.vector_load %arg7[%get3A_392, %get3A_393] {strides = array<i32>} : memref<512x128xf32, #tpu.memory_space<vmem>>, vector<16xf32>,
      %mul3A_395 = arith.mulf %get3A_391, %get3A_394 : vector<16xf32>
      %add3A_396 = arith.addf %mul3A_388, %mul3A_395 : vector<16xf32>
      %get3A_397 = arith.index_cast %add3A_379 : i32 to index
      %get3A_398 = arith.constant 32 : index
      %get3A_399 = tpu.vector_load %arg6[%get3A_397, %get3A_398] {strides = array<i32>} : memref<256x128xf32, #tpu.memory_space<vmem>>, vector<16xf32>,
      %get3A_400 = arith.index_cast %add3A_381 : i32 to index
      %get3A_401 = arith.constant 32 : index
      %get3A_402 = tpu.vector_load %arg7[%get3A_400, %get3A_401] {strides = array<i32>} : memref<512x128xf32, #tpu.memory_space<vmem>>, vector<16xf32>,
      %mul3A_403 = arith.mulf %get3A_399, %get3A_402 : vector<16xf32>
      %add3A_404 = arith.addf %add3A_396, %mul3A_403 : vector<16xf32>
      %get3A_405 = arith.index_cast %add3A_379 : i32 to index
      %get3A_406 = arith.constant 48 : index
      %get3A_407 = tpu.vector_load %arg6[%get3A_405, %get3A_406] {strides = array<i32>} : memref<256x128xf32, #tpu.memory_space<vmem>>, vector<16xf32>,
      %get3A_408 = arith.index_cast %add3A_381 : i32 to index
      %get3A_409 = arith.constant 48 : index
      %get3A_410 = tpu.vector_load %arg7[%get3A_408, %get3A_409] {strides = array<i32>} : memref<512x128xf32, #tpu.memory_space<vmem>>, vector<16xf32>,
      %mul3A_411 = arith.mulf %get3A_407, %get3A_410 : vector<16xf32>
      %add3A_412 = arith.addf %add3A_404, %mul3A_411 : vector<16xf32>
      %reduce_sum3A_413 = arith.constant true
      %reduce_sum3A_414 = vector.broadcast %reduce_sum3A_413 : i1 to vector<16xi1>
      %reduce_sum3A_415 = tpu.scan <sum>, %add3A_412 masked %reduce_sum3A_414 : vector<16xf32>, vector<16xi1> -> vector<16xf32>
      %reduce_sum3A_416 = vector.extract %reduce_sum3A_415[15] : f32 from vector<16xf32>
      %add3A_417 = arith.constant 3.000000e-01 : f32
      %add3A_418 = arith.addf %reduce_sum3A_416, %add3A_417 : f32
      %max3A_419 = arith.constant 0.000000e+00 : f32
      %max3A_420 = arith.maximumf %add3A_418, %max3A_419 : f32
      %get3A_421 = arith.index_cast %add3A_381 : i32 to index
      %get3A_422 = arith.constant 64 : index
      %get3A_423 = tpu.vector_load %arg7[%get3A_421, %get3A_422] {strides = array<i32>} : memref<512x128xf32, #tpu.memory_space<vmem>>, vector<16xf32>,
      %mul3A_424 = vector.broadcast %max3A_420 : f32 to vector<16xf32>
      %mul3A_425 = arith.mulf %mul3A_424, %get3A_423 : vector<16xf32>
      %add3A_426 = arith.addf %add3A_375, %mul3A_425 : vector<16xf32>
      %mul3A_427 = arith.constant 16 : i32
      %mul3A_428 = arith.muli %scan3A_224, %mul3A_427 : i32
      %add3A_429 = arith.constant 4 : i32
      %add3A_430 = arith.addi %mul3A_428, %add3A_429 : i32
      %add3A_431 = arith.constant 0 : i32
      %add3A_432 = arith.addi %add3A_431, %add3A_430 : i32
      %get3A_433 = arith.index_cast %add3A_430 : i32 to index
      %get3A_434 = arith.constant 0 : index
      %get3A_435 = tpu.vector_load %arg6[%get3A_433, %get3A_434] {strides = array<i32>} : memref<256x128xf32, #tpu.memory_space<vmem>>, vector<16xf32>,
      %get3A_436 = arith.index_cast %add3A_432 : i32 to index
      %get3A_437 = arith.constant 0 : index
      %get3A_438 = tpu.vector_load %arg7[%get3A_436, %get3A_437] {strides = array<i32>} : memref<512x128xf32, #tpu.memory_space<vmem>>, vector<16xf32>,
      %mul3A_439 = arith.mulf %get3A_435, %get3A_438 : vector<16xf32>
      %get3A_440 = arith.index_cast %add3A_430 : i32 to index
      %get3A_441 = arith.constant 16 : index
      %get3A_442 = tpu.vector_load %arg6[%get3A_440, %get3A_441] {strides = array<i32>} : memref<256x128xf32, #tpu.memory_space<vmem>>, vector<16xf32>,
      %get3A_443 = arith.index_cast %add3A_432 : i32 to index
      %get3A_444 = arith.constant 16 : index
      %get3A_445 = tpu.vector_load %arg7[%get3A_443, %get3A_444] {strides = array<i32>} : memref<512x128xf32, #tpu.memory_space<vmem>>, vector<16xf32>,
      %mul3A_446 = arith.mulf %get3A_442, %get3A_445 : vector<16xf32>
      %add3A_447 = arith.addf %mul3A_439, %mul3A_446 : vector<16xf32>
      %get3A_448 = arith.index_cast %add3A_430 : i32 to index
      %get3A_449 = arith.constant 32 : index
      %get3A_450 = tpu.vector_load %arg6[%get3A_448, %get3A_449] {strides = array<i32>} : memref<256x128xf32, #tpu.memory_space<vmem>>, vector<16xf32>,
      %get3A_451 = arith.index_cast %add3A_432 : i32 to index
      %get3A_452 = arith.constant 32 : index
      %get3A_453 = tpu.vector_load %arg7[%get3A_451, %get3A_452] {strides = array<i32>} : memref<512x128xf32, #tpu.memory_space<vmem>>, vector<16xf32>,
      %mul3A_454 = arith.mulf %get3A_450, %get3A_453 : vector<16xf32>
      %add3A_455 = arith.addf %add3A_447, %mul3A_454 : vector<16xf32>
      %get3A_456 = arith.index_cast %add3A_430 : i32 to index
      %get3A_457 = arith.constant 48 : index
      %get3A_458 = tpu.vector_load %arg6[%get3A_456, %get3A_457] {strides = array<i32>} : memref<256x128xf32, #tpu.memory_space<vmem>>, vector<16xf32>,
      %get3A_459 = arith.index_cast %add3A_432 : i32 to index
      %get3A_460 = arith.constant 48 : index
      %get3A_461 = tpu.vector_load %arg7[%get3A_459, %get3A_460] {strides = array<i32>} : memref<512x128xf32, #tpu.memory_space<vmem>>, vector<16xf32>,
      %mul3A_462 = arith.mulf %get3A_458, %get3A_461 : vector<16xf32>
      %add3A_463 = arith.addf %add3A_455, %mul3A_462 : vector<16xf32>
      %reduce_sum3A_464 = arith.constant true
      %reduce_sum3A_465 = vector.broadcast %reduce_sum3A_464 : i1 to vector<16xi1>
      %reduce_sum3A_466 = tpu.scan <sum>, %add3A_463 masked %reduce_sum3A_465 : vector<16xf32>, vector<16xi1> -> vector<16xf32>
      %reduce_sum3A_467 = vector.extract %reduce_sum3A_466[15] : f32 from vector<16xf32>
      %add3A_468 = arith.constant 3.000000e-01 : f32
      %add3A_469 = arith.addf %reduce_sum3A_467, %add3A_468 : f32
      %max3A_470 = arith.constant 0.000000e+00 : f32
      %max3A_471 = arith.maximumf %add3A_469, %max3A_470 : f32
      %get3A_472 = arith.index_cast %add3A_432 : i32 to index
      %get3A_473 = arith.constant 64 : index
      %get3A_474 = tpu.vector_load %arg7[%get3A_472, %get3A_473] {strides = array<i32>} : memref<512x128xf32, #tpu.memory_space<vmem>>, vector<16xf32>,
      %mul3A_475 = vector.broadcast %max3A_471 : f32 to vector<16xf32>
      %mul3A_476 = arith.mulf %mul3A_475, %get3A_474 : vector<16xf32>
      %add3A_477 = arith.addf %add3A_426, %mul3A_476 : vector<16xf32>
      %mul3A_478 = arith.constant 16 : i32
      %mul3A_479 = arith.muli %scan3A_224, %mul3A_478 : i32
      %add3A_480 = arith.constant 5 : i32
      %add3A_481 = arith.addi %mul3A_479, %add3A_480 : i32
      %add3A_482 = arith.constant 0 : i32
      %add3A_483 = arith.addi %add3A_482, %add3A_481 : i32
      %get3A_484 = arith.index_cast %add3A_481 : i32 to index
      %get3A_485 = arith.constant 0 : index
      %get3A_486 = tpu.vector_load %arg6[%get3A_484, %get3A_485] {strides = array<i32>} : memref<256x128xf32, #tpu.memory_space<vmem>>, vector<16xf32>,
      %get3A_487 = arith.index_cast %add3A_483 : i32 to index
      %get3A_488 = arith.constant 0 : index
      %get3A_489 = tpu.vector_load %arg7[%get3A_487, %get3A_488] {strides = array<i32>} : memref<512x128xf32, #tpu.memory_space<vmem>>, vector<16xf32>,
      %mul3A_490 = arith.mulf %get3A_486, %get3A_489 : vector<16xf32>
      %get3A_491 = arith.index_cast %add3A_481 : i32 to index
      %get3A_492 = arith.constant 16 : index
      %get3A_493 = tpu.vector_load %arg6[%get3A_491, %get3A_492] {strides = array<i32>} : memref<256x128xf32, #tpu.memory_space<vmem>>, vector<16xf32>,
      %get3A_494 = arith.index_cast %add3A_483 : i32 to index
      %get3A_495 = arith.constant 16 : index
      %get3A_496 = tpu.vector_load %arg7[%get3A_494, %get3A_495] {strides = array<i32>} : memref<512x128xf32, #tpu.memory_space<vmem>>, vector<16xf32>,
      %mul3A_497 = arith.mulf %get3A_493, %get3A_496 : vector<16xf32>
      %add3A_498 = arith.addf %mul3A_490, %mul3A_497 : vector<16xf32>
      %get3A_499 = arith.index_cast %add3A_481 : i32 to index
      %get3A_500 = arith.constant 32 : index
      %get3A_501 = tpu.vector_load %arg6[%get3A_499, %get3A_500] {strides = array<i32>} : memref<256x128xf32, #tpu.memory_space<vmem>>, vector<16xf32>,
      %get3A_502 = arith.index_cast %add3A_483 : i32 to index
      %get3A_503 = arith.constant 32 : index
      %get3A_504 = tpu.vector_load %arg7[%get3A_502, %get3A_503] {strides = array<i32>} : memref<512x128xf32, #tpu.memory_space<vmem>>, vector<16xf32>,
      %mul3A_505 = arith.mulf %get3A_501, %get3A_504 : vector<16xf32>
      %add3A_506 = arith.addf %add3A_498, %mul3A_505 : vector<16xf32>
      %get3A_507 = arith.index_cast %add3A_481 : i32 to index
      %get3A_508 = arith.constant 48 : index
      %get3A_509 = tpu.vector_load %arg6[%get3A_507, %get3A_508] {strides = array<i32>} : memref<256x128xf32, #tpu.memory_space<vmem>>, vector<16xf32>,
      %get3A_510 = arith.index_cast %add3A_483 : i32 to index
      %get3A_511 = arith.constant 48 : index
      %get3A_512 = tpu.vector_load %arg7[%get3A_510, %get3A_511] {strides = array<i32>} : memref<512x128xf32, #tpu.memory_space<vmem>>, vector<16xf32>,
      %mul3A_513 = arith.mulf %get3A_509, %get3A_512 : vector<16xf32>
      %add3A_514 = arith.addf %add3A_506, %mul3A_513 : vector<16xf32>
      %reduce_sum3A_515 = arith.constant true
      %reduce_sum3A_516 = vector.broadcast %reduce_sum3A_515 : i1 to vector<16xi1>
      %reduce_sum3A_517 = tpu.scan <sum>, %add3A_514 masked %reduce_sum3A_516 : vector<16xf32>, vector<16xi1> -> vector<16xf32>
      %reduce_sum3A_518 = vector.extract %reduce_sum3A_517[15] : f32 from vector<16xf32>
      %add3A_519 = arith.constant 3.000000e-01 : f32
      %add3A_520 = arith.addf %reduce_sum3A_518, %add3A_519 : f32
      %max3A_521 = arith.constant 0.000000e+00 : f32
      %max3A_522 = arith.maximumf %add3A_520, %max3A_521 : f32
      %get3A_523 = arith.index_cast %add3A_483 : i32 to index
      %get3A_524 = arith.constant 64 : index
      %get3A_525 = tpu.vector_load %arg7[%get3A_523, %get3A_524] {strides = array<i32>} : memref<512x128xf32, #tpu.memory_space<vmem>>, vector<16xf32>,
      %mul3A_526 = vector.broadcast %max3A_522 : f32 to vector<16xf32>
      %mul3A_527 = arith.mulf %mul3A_526, %get3A_525 : vector<16xf32>
      %add3A_528 = arith.addf %add3A_477, %mul3A_527 : vector<16xf32>
      %mul3A_529 = arith.constant 16 : i32
      %mul3A_530 = arith.muli %scan3A_224, %mul3A_529 : i32
      %add3A_531 = arith.constant 6 : i32
      %add3A_532 = arith.addi %mul3A_530, %add3A_531 : i32
      %add3A_533 = arith.constant 0 : i32
      %add3A_534 = arith.addi %add3A_533, %add3A_532 : i32
      %get3A_535 = arith.index_cast %add3A_532 : i32 to index
      %get3A_536 = arith.constant 0 : index
      %get3A_537 = tpu.vector_load %arg6[%get3A_535, %get3A_536] {strides = array<i32>} : memref<256x128xf32, #tpu.memory_space<vmem>>, vector<16xf32>,
      %get3A_538 = arith.index_cast %add3A_534 : i32 to index
      %get3A_539 = arith.constant 0 : index
      %get3A_540 = tpu.vector_load %arg7[%get3A_538, %get3A_539] {strides = array<i32>} : memref<512x128xf32, #tpu.memory_space<vmem>>, vector<16xf32>,
      %mul3A_541 = arith.mulf %get3A_537, %get3A_540 : vector<16xf32>
      %get3A_542 = arith.index_cast %add3A_532 : i32 to index
      %get3A_543 = arith.constant 16 : index
      %get3A_544 = tpu.vector_load %arg6[%get3A_542, %get3A_543] {strides = array<i32>} : memref<256x128xf32, #tpu.memory_space<vmem>>, vector<16xf32>,
      %get3A_545 = arith.index_cast %add3A_534 : i32 to index
      %get3A_546 = arith.constant 16 : index
      %get3A_547 = tpu.vector_load %arg7[%get3A_545, %get3A_546] {strides = array<i32>} : memref<512x128xf32, #tpu.memory_space<vmem>>, vector<16xf32>,
      %mul3A_548 = arith.mulf %get3A_544, %get3A_547 : vector<16xf32>
      %add3A_549 = arith.addf %mul3A_541, %mul3A_548 : vector<16xf32>
      %get3A_550 = arith.index_cast %add3A_532 : i32 to index
      %get3A_551 = arith.constant 32 : index
      %get3A_552 = tpu.vector_load %arg6[%get3A_550, %get3A_551] {strides = array<i32>} : memref<256x128xf32, #tpu.memory_space<vmem>>, vector<16xf32>,
      %get3A_553 = arith.index_cast %add3A_534 : i32 to index
      %get3A_554 = arith.constant 32 : index
      %get3A_555 = tpu.vector_load %arg7[%get3A_553, %get3A_554] {strides = array<i32>} : memref<512x128xf32, #tpu.memory_space<vmem>>, vector<16xf32>,
      %mul3A_556 = arith.mulf %get3A_552, %get3A_555 : vector<16xf32>
      %add3A_557 = arith.addf %add3A_549, %mul3A_556 : vector<16xf32>
      %get3A_558 = arith.index_cast %add3A_532 : i32 to index
      %get3A_559 = arith.constant 48 : index
      %get3A_560 = tpu.vector_load %arg6[%get3A_558, %get3A_559] {strides = array<i32>} : memref<256x128xf32, #tpu.memory_space<vmem>>, vector<16xf32>,
      %get3A_561 = arith.index_cast %add3A_534 : i32 to index
      %get3A_562 = arith.constant 48 : index
      %get3A_563 = tpu.vector_load %arg7[%get3A_561, %get3A_562] {strides = array<i32>} : memref<512x128xf32, #tpu.memory_space<vmem>>, vector<16xf32>,
      %mul3A_564 = arith.mulf %get3A_560, %get3A_563 : vector<16xf32>
      %add3A_565 = arith.addf %add3A_557, %mul3A_564 : vector<16xf32>
      %reduce_sum3A_566 = arith.constant true
      %reduce_sum3A_567 = vector.broadcast %reduce_sum3A_566 : i1 to vector<16xi1>
      %reduce_sum3A_568 = tpu.scan <sum>, %add3A_565 masked %reduce_sum3A_567 : vector<16xf32>, vector<16xi1> -> vector<16xf32>
      %reduce_sum3A_569 = vector.extract %reduce_sum3A_568[15] : f32 from vector<16xf32>
      %add3A_570 = arith.constant 3.000000e-01 : f32
      %add3A_571 = arith.addf %reduce_sum3A_569, %add3A_570 : f32
      %max3A_572 = arith.constant 0.000000e+00 : f32
      %max3A_573 = arith.maximumf %add3A_571, %max3A_572 : f32
      %get3A_574 = arith.index_cast %add3A_534 : i32 to index
      %get3A_575 = arith.constant 64 : index
      %get3A_576 = tpu.vector_load %arg7[%get3A_574, %get3A_575] {strides = array<i32>} : memref<512x128xf32, #tpu.memory_space<vmem>>, vector<16xf32>,
      %mul3A_577 = vector.broadcast %max3A_573 : f32 to vector<16xf32>
      %mul3A_578 = arith.mulf %mul3A_577, %get3A_576 : vector<16xf32>
      %add3A_579 = arith.addf %add3A_528, %mul3A_578 : vector<16xf32>
      %mul3A_580 = arith.constant 16 : i32
      %mul3A_581 = arith.muli %scan3A_224, %mul3A_580 : i32
      %add3A_582 = arith.constant 7 : i32
      %add3A_583 = arith.addi %mul3A_581, %add3A_582 : i32
      %add3A_584 = arith.constant 0 : i32
      %add3A_585 = arith.addi %add3A_584, %add3A_583 : i32
      %get3A_586 = arith.index_cast %add3A_583 : i32 to index
      %get3A_587 = arith.constant 0 : index
      %get3A_588 = tpu.vector_load %arg6[%get3A_586, %get3A_587] {strides = array<i32>} : memref<256x128xf32, #tpu.memory_space<vmem>>, vector<16xf32>,
      %get3A_589 = arith.index_cast %add3A_585 : i32 to index
      %get3A_590 = arith.constant 0 : index
      %get3A_591 = tpu.vector_load %arg7[%get3A_589, %get3A_590] {strides = array<i32>} : memref<512x128xf32, #tpu.memory_space<vmem>>, vector<16xf32>,
      %mul3A_592 = arith.mulf %get3A_588, %get3A_591 : vector<16xf32>
      %get3A_593 = arith.index_cast %add3A_583 : i32 to index
      %get3A_594 = arith.constant 16 : index
      %get3A_595 = tpu.vector_load %arg6[%get3A_593, %get3A_594] {strides = array<i32>} : memref<256x128xf32, #tpu.memory_space<vmem>>, vector<16xf32>,
      %get3A_596 = arith.index_cast %add3A_585 : i32 to index
      %get3A_597 = arith.constant 16 : index
      %get3A_598 = tpu.vector_load %arg7[%get3A_596, %get3A_597] {strides = array<i32>} : memref<512x128xf32, #tpu.memory_space<vmem>>, vector<16xf32>,
      %mul3A_599 = arith.mulf %get3A_595, %get3A_598 : vector<16xf32>
      %add3A_600 = arith.addf %mul3A_592, %mul3A_599 : vector<16xf32>
      %get3A_601 = arith.index_cast %add3A_583 : i32 to index
      %get3A_602 = arith.constant 32 : index
      %get3A_603 = tpu.vector_load %arg6[%get3A_601, %get3A_602] {strides = array<i32>} : memref<256x128xf32, #tpu.memory_space<vmem>>, vector<16xf32>,
      %get3A_604 = arith.index_cast %add3A_585 : i32 to index
      %get3A_605 = arith.constant 32 : index
      %get3A_606 = tpu.vector_load %arg7[%get3A_604, %get3A_605] {strides = array<i32>} : memref<512x128xf32, #tpu.memory_space<vmem>>, vector<16xf32>,
      %mul3A_607 = arith.mulf %get3A_603, %get3A_606 : vector<16xf32>
      %add3A_608 = arith.addf %add3A_600, %mul3A_607 : vector<16xf32>
      %get3A_609 = arith.index_cast %add3A_583 : i32 to index
      %get3A_610 = arith.constant 48 : index
      %get3A_611 = tpu.vector_load %arg6[%get3A_609, %get3A_610] {strides = array<i32>} : memref<256x128xf32, #tpu.memory_space<vmem>>, vector<16xf32>,
      %get3A_612 = arith.index_cast %add3A_585 : i32 to index
      %get3A_613 = arith.constant 48 : index
      %get3A_614 = tpu.vector_load %arg7[%get3A_612, %get3A_613] {strides = array<i32>} : memref<512x128xf32, #tpu.memory_space<vmem>>, vector<16xf32>,
      %mul3A_615 = arith.mulf %get3A_611, %get3A_614 : vector<16xf32>
      %add3A_616 = arith.addf %add3A_608, %mul3A_615 : vector<16xf32>
      %reduce_sum3A_617 = arith.constant true
      %reduce_sum3A_618 = vector.broadcast %reduce_sum3A_617 : i1 to vector<16xi1>
      %reduce_sum3A_619 = tpu.scan <sum>, %add3A_616 masked %reduce_sum3A_618 : vector<16xf32>, vector<16xi1> -> vector<16xf32>
      %reduce_sum3A_620 = vector.extract %reduce_sum3A_619[15] : f32 from vector<16xf32>
      %add3A_621 = arith.constant 3.000000e-01 : f32
      %add3A_622 = arith.addf %reduce_sum3A_620, %add3A_621 : f32
      %max3A_623 = arith.constant 0.000000e+00 : f32
      %max3A_624 = arith.maximumf %add3A_622, %max3A_623 : f32
      %get3A_625 = arith.index_cast %add3A_585 : i32 to index
      %get3A_626 = arith.constant 64 : index
      %get3A_627 = tpu.vector_load %arg7[%get3A_625, %get3A_626] {strides = array<i32>} : memref<512x128xf32, #tpu.memory_space<vmem>>, vector<16xf32>,
      %mul3A_628 = vector.broadcast %max3A_624 : f32 to vector<16xf32>
      %mul3A_629 = arith.mulf %mul3A_628, %get3A_627 : vector<16xf32>
      %add3A_630 = arith.addf %add3A_579, %mul3A_629 : vector<16xf32>
      %mul3A_631 = arith.constant 16 : i32
      %mul3A_632 = arith.muli %scan3A_224, %mul3A_631 : i32
      %add3A_633 = arith.constant 8 : i32
      %add3A_634 = arith.addi %mul3A_632, %add3A_633 : i32
      %add3A_635 = arith.constant 0 : i32
      %add3A_636 = arith.addi %add3A_635, %add3A_634 : i32
      %get3A_637 = arith.index_cast %add3A_634 : i32 to index
      %get3A_638 = arith.constant 0 : index
      %get3A_639 = tpu.vector_load %arg6[%get3A_637, %get3A_638] {strides = array<i32>} : memref<256x128xf32, #tpu.memory_space<vmem>>, vector<16xf32>,
      %get3A_640 = arith.index_cast %add3A_636 : i32 to index
      %get3A_641 = arith.constant 0 : index
      %get3A_642 = tpu.vector_load %arg7[%get3A_640, %get3A_641] {strides = array<i32>} : memref<512x128xf32, #tpu.memory_space<vmem>>, vector<16xf32>,
      %mul3A_643 = arith.mulf %get3A_639, %get3A_642 : vector<16xf32>
      %get3A_644 = arith.index_cast %add3A_634 : i32 to index
      %get3A_645 = arith.constant 16 : index
      %get3A_646 = tpu.vector_load %arg6[%get3A_644, %get3A_645] {strides = array<i32>} : memref<256x128xf32, #tpu.memory_space<vmem>>, vector<16xf32>,
      %get3A_647 = arith.index_cast %add3A_636 : i32 to index
      %get3A_648 = arith.constant 16 : index
      %get3A_649 = tpu.vector_load %arg7[%get3A_647, %get3A_648] {strides = array<i32>} : memref<512x128xf32, #tpu.memory_space<vmem>>, vector<16xf32>,
      %mul3A_650 = arith.mulf %get3A_646, %get3A_649 : vector<16xf32>
      %add3A_651 = arith.addf %mul3A_643, %mul3A_650 : vector<16xf32>
      %get3A_652 = arith.index_cast %add3A_634 : i32 to index
      %get3A_653 = arith.constant 32 : index
      %get3A_654 = tpu.vector_load %arg6[%get3A_652, %get3A_653] {strides = array<i32>} : memref<256x128xf32, #tpu.memory_space<vmem>>, vector<16xf32>,
      %get3A_655 = arith.index_cast %add3A_636 : i32 to index
      %get3A_656 = arith.constant 32 : index
      %get3A_657 = tpu.vector_load %arg7[%get3A_655, %get3A_656] {strides = array<i32>} : memref<512x128xf32, #tpu.memory_space<vmem>>, vector<16xf32>,
      %mul3A_658 = arith.mulf %get3A_654, %get3A_657 : vector<16xf32>
      %add3A_659 = arith.addf %add3A_651, %mul3A_658 : vector<16xf32>
      %get3A_660 = arith.index_cast %add3A_634 : i32 to index
      %get3A_661 = arith.constant 48 : index
      %get3A_662 = tpu.vector_load %arg6[%get3A_660, %get3A_661] {strides = array<i32>} : memref<256x128xf32, #tpu.memory_space<vmem>>, vector<16xf32>,
      %get3A_663 = arith.index_cast %add3A_636 : i32 to index
      %get3A_664 = arith.constant 48 : index
      %get3A_665 = tpu.vector_load %arg7[%get3A_663, %get3A_664] {strides = array<i32>} : memref<512x128xf32, #tpu.memory_space<vmem>>, vector<16xf32>,
      %mul3A_666 = arith.mulf %get3A_662, %get3A_665 : vector<16xf32>
      %add3A_667 = arith.addf %add3A_659, %mul3A_666 : vector<16xf32>
      %reduce_sum3A_668 = arith.constant true
      %reduce_sum3A_669 = vector.broadcast %reduce_sum3A_668 : i1 to vector<16xi1>
      %reduce_sum3A_670 = tpu.scan <sum>, %add3A_667 masked %reduce_sum3A_669 : vector<16xf32>, vector<16xi1> -> vector<16xf32>
      %reduce_sum3A_671 = vector.extract %reduce_sum3A_670[15] : f32 from vector<16xf32>
      %add3A_672 = arith.constant 3.000000e-01 : f32
      %add3A_673 = arith.addf %reduce_sum3A_671, %add3A_672 : f32
      %max3A_674 = arith.constant 0.000000e+00 : f32
      %max3A_675 = arith.maximumf %add3A_673, %max3A_674 : f32
      %get3A_676 = arith.index_cast %add3A_636 : i32 to index
      %get3A_677 = arith.constant 64 : index
      %get3A_678 = tpu.vector_load %arg7[%get3A_676, %get3A_677] {strides = array<i32>} : memref<512x128xf32, #tpu.memory_space<vmem>>, vector<16xf32>,
      %mul3A_679 = vector.broadcast %max3A_675 : f32 to vector<16xf32>
      %mul3A_680 = arith.mulf %mul3A_679, %get3A_678 : vector<16xf32>
      %add3A_681 = arith.addf %add3A_630, %mul3A_680 : vector<16xf32>
      %mul3A_682 = arith.constant 16 : i32
      %mul3A_683 = arith.muli %scan3A_224, %mul3A_682 : i32
      %add3A_684 = arith.constant 9 : i32
      %add3A_685 = arith.addi %mul3A_683, %add3A_684 : i32
      %add3A_686 = arith.constant 0 : i32
      %add3A_687 = arith.addi %add3A_686, %add3A_685 : i32
      %get3A_688 = arith.index_cast %add3A_685 : i32 to index
      %get3A_689 = arith.constant 0 : index
      %get3A_690 = tpu.vector_load %arg6[%get3A_688, %get3A_689] {strides = array<i32>} : memref<256x128xf32, #tpu.memory_space<vmem>>, vector<16xf32>,
      %get3A_691 = arith.index_cast %add3A_687 : i32 to index
      %get3A_692 = arith.constant 0 : index
      %get3A_693 = tpu.vector_load %arg7[%get3A_691, %get3A_692] {strides = array<i32>} : memref<512x128xf32, #tpu.memory_space<vmem>>, vector<16xf32>,
      %mul3A_694 = arith.mulf %get3A_690, %get3A_693 : vector<16xf32>
      %get3A_695 = arith.index_cast %add3A_685 : i32 to index
      %get3A_696 = arith.constant 16 : index
      %get3A_697 = tpu.vector_load %arg6[%get3A_695, %get3A_696] {strides = array<i32>} : memref<256x128xf32, #tpu.memory_space<vmem>>, vector<16xf32>,
      %get3A_698 = arith.index_cast %add3A_687 : i32 to index
      %get3A_699 = arith.constant 16 : index
      %get3A_700 = tpu.vector_load %arg7[%get3A_698, %get3A_699] {strides = array<i32>} : memref<512x128xf32, #tpu.memory_space<vmem>>, vector<16xf32>,
      %mul3A_701 = arith.mulf %get3A_697, %get3A_700 : vector<16xf32>
      %add3A_702 = arith.addf %mul3A_694, %mul3A_701 : vector<16xf32>
      %get3A_703 = arith.index_cast %add3A_685 : i32 to index
      %get3A_704 = arith.constant 32 : index
      %get3A_705 = tpu.vector_load %arg6[%get3A_703, %get3A_704] {strides = array<i32>} : memref<256x128xf32, #tpu.memory_space<vmem>>, vector<16xf32>,
      %get3A_706 = arith.index_cast %add3A_687 : i32 to index
      %get3A_707 = arith.constant 32 : index
      %get3A_708 = tpu.vector_load %arg7[%get3A_706, %get3A_707] {strides = array<i32>} : memref<512x128xf32, #tpu.memory_space<vmem>>, vector<16xf32>,
      %mul3A_709 = arith.mulf %get3A_705, %get3A_708 : vector<16xf32>
      %add3A_710 = arith.addf %add3A_702, %mul3A_709 : vector<16xf32>
      %get3A_711 = arith.index_cast %add3A_685 : i32 to index
      %get3A_712 = arith.constant 48 : index
      %get3A_713 = tpu.vector_load %arg6[%get3A_711, %get3A_712] {strides = array<i32>} : memref<256x128xf32, #tpu.memory_space<vmem>>, vector<16xf32>,
      %get3A_714 = arith.index_cast %add3A_687 : i32 to index
      %get3A_715 = arith.constant 48 : index
      %get3A_716 = tpu.vector_load %arg7[%get3A_714, %get3A_715] {strides = array<i32>} : memref<512x128xf32, #tpu.memory_space<vmem>>, vector<16xf32>,
      %mul3A_717 = arith.mulf %get3A_713, %get3A_716 : vector<16xf32>
      %add3A_718 = arith.addf %add3A_710, %mul3A_717 : vector<16xf32>
      %reduce_sum3A_719 = arith.constant true
      %reduce_sum3A_720 = vector.broadcast %reduce_sum3A_719 : i1 to vector<16xi1>
      %reduce_sum3A_721 = tpu.scan <sum>, %add3A_718 masked %reduce_sum3A_720 : vector<16xf32>, vector<16xi1> -> vector<16xf32>
      %reduce_sum3A_722 = vector.extract %reduce_sum3A_721[15] : f32 from vector<16xf32>
      %add3A_723 = arith.constant 3.000000e-01 : f32
      %add3A_724 = arith.addf %reduce_sum3A_722, %add3A_723 : f32
      %max3A_725 = arith.constant 0.000000e+00 : f32
      %max3A_726 = arith.maximumf %add3A_724, %max3A_725 : f32
      %get3A_727 = arith.index_cast %add3A_687 : i32 to index
      %get3A_728 = arith.constant 64 : index
      %get3A_729 = tpu.vector_load %arg7[%get3A_727, %get3A_728] {strides = array<i32>} : memref<512x128xf32, #tpu.memory_space<vmem>>, vector<16xf32>,
      %mul3A_730 = vector.broadcast %max3A_726 : f32 to vector<16xf32>
      %mul3A_731 = arith.mulf %mul3A_730, %get3A_729 : vector<16xf32>
      %add3A_732 = arith.addf %add3A_681, %mul3A_731 : vector<16xf32>
      %mul3A_733 = arith.constant 16 : i32
      %mul3A_734 = arith.muli %scan3A_224, %mul3A_733 : i32
      %add3A_735 = arith.constant 10 : i32
      %add3A_736 = arith.addi %mul3A_734, %add3A_735 : i32
      %add3A_737 = arith.constant 0 : i32
      %add3A_738 = arith.addi %add3A_737, %add3A_736 : i32
      %get3A_739 = arith.index_cast %add3A_736 : i32 to index
      %get3A_740 = arith.constant 0 : index
      %get3A_741 = tpu.vector_load %arg6[%get3A_739, %get3A_740] {strides = array<i32>} : memref<256x128xf32, #tpu.memory_space<vmem>>, vector<16xf32>,
      %get3A_742 = arith.index_cast %add3A_738 : i32 to index
      %get3A_743 = arith.constant 0 : index
      %get3A_744 = tpu.vector_load %arg7[%get3A_742, %get3A_743] {strides = array<i32>} : memref<512x128xf32, #tpu.memory_space<vmem>>, vector<16xf32>,
      %mul3A_745 = arith.mulf %get3A_741, %get3A_744 : vector<16xf32>
      %get3A_746 = arith.index_cast %add3A_736 : i32 to index
      %get3A_747 = arith.constant 16 : index
      %get3A_748 = tpu.vector_load %arg6[%get3A_746, %get3A_747] {strides = array<i32>} : memref<256x128xf32, #tpu.memory_space<vmem>>, vector<16xf32>,
      %get3A_749 = arith.index_cast %add3A_738 : i32 to index
      %get3A_750 = arith.constant 16 : index
      %get3A_751 = tpu.vector_load %arg7[%get3A_749, %get3A_750] {strides = array<i32>} : memref<512x128xf32, #tpu.memory_space<vmem>>, vector<16xf32>,
      %mul3A_752 = arith.mulf %get3A_748, %get3A_751 : vector<16xf32>
      %add3A_753 = arith.addf %mul3A_745, %mul3A_752 : vector<16xf32>
      %get3A_754 = arith.index_cast %add3A_736 : i32 to index
      %get3A_755 = arith.constant 32 : index
      %get3A_756 = tpu.vector_load %arg6[%get3A_754, %get3A_755] {strides = array<i32>} : memref<256x128xf32, #tpu.memory_space<vmem>>, vector<16xf32>,
      %get3A_757 = arith.index_cast %add3A_738 : i32 to index
      %get3A_758 = arith.constant 32 : index
      %get3A_759 = tpu.vector_load %arg7[%get3A_757, %get3A_758] {strides = array<i32>} : memref<512x128xf32, #tpu.memory_space<vmem>>, vector<16xf32>,
      %mul3A_760 = arith.mulf %get3A_756, %get3A_759 : vector<16xf32>
      %add3A_761 = arith.addf %add3A_753, %mul3A_760 : vector<16xf32>
      %get3A_762 = arith.index_cast %add3A_736 : i32 to index
      %get3A_763 = arith.constant 48 : index
      %get3A_764 = tpu.vector_load %arg6[%get3A_762, %get3A_763] {strides = array<i32>} : memref<256x128xf32, #tpu.memory_space<vmem>>, vector<16xf32>,
      %get3A_765 = arith.index_cast %add3A_738 : i32 to index
      %get3A_766 = arith.constant 48 : index
      %get3A_767 = tpu.vector_load %arg7[%get3A_765, %get3A_766] {strides = array<i32>} : memref<512x128xf32, #tpu.memory_space<vmem>>, vector<16xf32>,
      %mul3A_768 = arith.mulf %get3A_764, %get3A_767 : vector<16xf32>
      %add3A_769 = arith.addf %add3A_761, %mul3A_768 : vector<16xf32>
      %reduce_sum3A_770 = arith.constant true
      %reduce_sum3A_771 = vector.broadcast %reduce_sum3A_770 : i1 to vector<16xi1>
      %reduce_sum3A_772 = tpu.scan <sum>, %add3A_769 masked %reduce_sum3A_771 : vector<16xf32>, vector<16xi1> -> vector<16xf32>
      %reduce_sum3A_773 = vector.extract %reduce_sum3A_772[15] : f32 from vector<16xf32>
      %add3A_774 = arith.constant 3.000000e-01 : f32
      %add3A_775 = arith.addf %reduce_sum3A_773, %add3A_774 : f32
      %max3A_776 = arith.constant 0.000000e+00 : f32
      %max3A_777 = arith.maximumf %add3A_775, %max3A_776 : f32
      %get3A_778 = arith.index_cast %add3A_738 : i32 to index
      %get3A_779 = arith.constant 64 : index
      %get3A_780 = tpu.vector_load %arg7[%get3A_778, %get3A_779] {strides = array<i32>} : memref<512x128xf32, #tpu.memory_space<vmem>>, vector<16xf32>,
      %mul3A_781 = vector.broadcast %max3A_777 : f32 to vector<16xf32>
      %mul3A_782 = arith.mulf %mul3A_781, %get3A_780 : vector<16xf32>
      %add3A_783 = arith.addf %add3A_732, %mul3A_782 : vector<16xf32>
      %mul3A_784 = arith.constant 16 : i32
      %mul3A_785 = arith.muli %scan3A_224, %mul3A_784 : i32
      %add3A_786 = arith.constant 11 : i32
      %add3A_787 = arith.addi %mul3A_785, %add3A_786 : i32
      %add3A_788 = arith.constant 0 : i32
      %add3A_789 = arith.addi %add3A_788, %add3A_787 : i32
      %get3A_790 = arith.index_cast %add3A_787 : i32 to index
      %get3A_791 = arith.constant 0 : index
      %get3A_792 = tpu.vector_load %arg6[%get3A_790, %get3A_791] {strides = array<i32>} : memref<256x128xf32, #tpu.memory_space<vmem>>, vector<16xf32>,
      %get3A_793 = arith.index_cast %add3A_789 : i32 to index
      %get3A_794 = arith.constant 0 : index
      %get3A_795 = tpu.vector_load %arg7[%get3A_793, %get3A_794] {strides = array<i32>} : memref<512x128xf32, #tpu.memory_space<vmem>>, vector<16xf32>,
      %mul3A_796 = arith.mulf %get3A_792, %get3A_795 : vector<16xf32>
      %get3A_797 = arith.index_cast %add3A_787 : i32 to index
      %get3A_798 = arith.constant 16 : index
      %get3A_799 = tpu.vector_load %arg6[%get3A_797, %get3A_798] {strides = array<i32>} : memref<256x128xf32, #tpu.memory_space<vmem>>, vector<16xf32>,
      %get3A_800 = arith.index_cast %add3A_789 : i32 to index
      %get3A_801 = arith.constant 16 : index
      %get3A_802 = tpu.vector_load %arg7[%get3A_800, %get3A_801] {strides = array<i32>} : memref<512x128xf32, #tpu.memory_space<vmem>>, vector<16xf32>,
      %mul3A_803 = arith.mulf %get3A_799, %get3A_802 : vector<16xf32>
      %add3A_804 = arith.addf %mul3A_796, %mul3A_803 : vector<16xf32>
      %get3A_805 = arith.index_cast %add3A_787 : i32 to index
      %get3A_806 = arith.constant 32 : index
      %get3A_807 = tpu.vector_load %arg6[%get3A_805, %get3A_806] {strides = array<i32>} : memref<256x128xf32, #tpu.memory_space<vmem>>, vector<16xf32>,
      %get3A_808 = arith.index_cast %add3A_789 : i32 to index
      %get3A_809 = arith.constant 32 : index
      %get3A_810 = tpu.vector_load %arg7[%get3A_808, %get3A_809] {strides = array<i32>} : memref<512x128xf32, #tpu.memory_space<vmem>>, vector<16xf32>,
      %mul3A_811 = arith.mulf %get3A_807, %get3A_810 : vector<16xf32>
      %add3A_812 = arith.addf %add3A_804, %mul3A_811 : vector<16xf32>
      %get3A_813 = arith.index_cast %add3A_787 : i32 to index
      %get3A_814 = arith.constant 48 : index
      %get3A_815 = tpu.vector_load %arg6[%get3A_813, %get3A_814] {strides = array<i32>} : memref<256x128xf32, #tpu.memory_space<vmem>>, vector<16xf32>,
      %get3A_816 = arith.index_cast %add3A_789 : i32 to index
      %get3A_817 = arith.constant 48 : index
      %get3A_818 = tpu.vector_load %arg7[%get3A_816, %get3A_817] {strides = array<i32>} : memref<512x128xf32, #tpu.memory_space<vmem>>, vector<16xf32>,
      %mul3A_819 = arith.mulf %get3A_815, %get3A_818 : vector<16xf32>
      %add3A_820 = arith.addf %add3A_812, %mul3A_819 : vector<16xf32>
      %reduce_sum3A_821 = arith.constant true
      %reduce_sum3A_822 = vector.broadcast %reduce_sum3A_821 : i1 to vector<16xi1>
      %reduce_sum3A_823 = tpu.scan <sum>, %add3A_820 masked %reduce_sum3A_822 : vector<16xf32>, vector<16xi1> -> vector<16xf32>
      %reduce_sum3A_824 = vector.extract %reduce_sum3A_823[15] : f32 from vector<16xf32>
      %add3A_825 = arith.constant 3.000000e-01 : f32
      %add3A_826 = arith.addf %reduce_sum3A_824, %add3A_825 : f32
      %max3A_827 = arith.constant 0.000000e+00 : f32
      %max3A_828 = arith.maximumf %add3A_826, %max3A_827 : f32
      %get3A_829 = arith.index_cast %add3A_789 : i32 to index
      %get3A_830 = arith.constant 64 : index
      %get3A_831 = tpu.vector_load %arg7[%get3A_829, %get3A_830] {strides = array<i32>} : memref<512x128xf32, #tpu.memory_space<vmem>>, vector<16xf32>,
      %mul3A_832 = vector.broadcast %max3A_828 : f32 to vector<16xf32>
      %mul3A_833 = arith.mulf %mul3A_832, %get3A_831 : vector<16xf32>
      %add3A_834 = arith.addf %add3A_783, %mul3A_833 : vector<16xf32>
      %mul3A_835 = arith.constant 16 : i32
      %mul3A_836 = arith.muli %scan3A_224, %mul3A_835 : i32
      %add3A_837 = arith.constant 12 : i32
      %add3A_838 = arith.addi %mul3A_836, %add3A_837 : i32
      %add3A_839 = arith.constant 0 : i32
      %add3A_840 = arith.addi %add3A_839, %add3A_838 : i32
      %get3A_841 = arith.index_cast %add3A_838 : i32 to index
      %get3A_842 = arith.constant 0 : index
      %get3A_843 = tpu.vector_load %arg6[%get3A_841, %get3A_842] {strides = array<i32>} : memref<256x128xf32, #tpu.memory_space<vmem>>, vector<16xf32>,
      %get3A_844 = arith.index_cast %add3A_840 : i32 to index
      %get3A_845 = arith.constant 0 : index
      %get3A_846 = tpu.vector_load %arg7[%get3A_844, %get3A_845] {strides = array<i32>} : memref<512x128xf32, #tpu.memory_space<vmem>>, vector<16xf32>,
      %mul3A_847 = arith.mulf %get3A_843, %get3A_846 : vector<16xf32>
      %get3A_848 = arith.index_cast %add3A_838 : i32 to index
      %get3A_849 = arith.constant 16 : index
      %get3A_850 = tpu.vector_load %arg6[%get3A_848, %get3A_849] {strides = array<i32>} : memref<256x128xf32, #tpu.memory_space<vmem>>, vector<16xf32>,
      %get3A_851 = arith.index_cast %add3A_840 : i32 to index
      %get3A_852 = arith.constant 16 : index
      %get3A_853 = tpu.vector_load %arg7[%get3A_851, %get3A_852] {strides = array<i32>} : memref<512x128xf32, #tpu.memory_space<vmem>>, vector<16xf32>,
      %mul3A_854 = arith.mulf %get3A_850, %get3A_853 : vector<16xf32>
      %add3A_855 = arith.addf %mul3A_847, %mul3A_854 : vector<16xf32>
      %get3A_856 = arith.index_cast %add3A_838 : i32 to index
      %get3A_857 = arith.constant 32 : index
      %get3A_858 = tpu.vector_load %arg6[%get3A_856, %get3A_857] {strides = array<i32>} : memref<256x128xf32, #tpu.memory_space<vmem>>, vector<16xf32>,
      %get3A_859 = arith.index_cast %add3A_840 : i32 to index
      %get3A_860 = arith.constant 32 : index
      %get3A_861 = tpu.vector_load %arg7[%get3A_859, %get3A_860] {strides = array<i32>} : memref<512x128xf32, #tpu.memory_space<vmem>>, vector<16xf32>,
      %mul3A_862 = arith.mulf %get3A_858, %get3A_861 : vector<16xf32>
      %add3A_863 = arith.addf %add3A_855, %mul3A_862 : vector<16xf32>
      %get3A_864 = arith.index_cast %add3A_838 : i32 to index
      %get3A_865 = arith.constant 48 : index
      %get3A_866 = tpu.vector_load %arg6[%get3A_864, %get3A_865] {strides = array<i32>} : memref<256x128xf32, #tpu.memory_space<vmem>>, vector<16xf32>,
      %get3A_867 = arith.index_cast %add3A_840 : i32 to index
      %get3A_868 = arith.constant 48 : index
      %get3A_869 = tpu.vector_load %arg7[%get3A_867, %get3A_868] {strides = array<i32>} : memref<512x128xf32, #tpu.memory_space<vmem>>, vector<16xf32>,
      %mul3A_870 = arith.mulf %get3A_866, %get3A_869 : vector<16xf32>
      %add3A_871 = arith.addf %add3A_863, %mul3A_870 : vector<16xf32>
      %reduce_sum3A_872 = arith.constant true
      %reduce_sum3A_873 = vector.broadcast %reduce_sum3A_872 : i1 to vector<16xi1>
      %reduce_sum3A_874 = tpu.scan <sum>, %add3A_871 masked %reduce_sum3A_873 : vector<16xf32>, vector<16xi1> -> vector<16xf32>
      %reduce_sum3A_875 = vector.extract %reduce_sum3A_874[15] : f32 from vector<16xf32>
      %add3A_876 = arith.constant 3.000000e-01 : f32
      %add3A_877 = arith.addf %reduce_sum3A_875, %add3A_876 : f32
      %max3A_878 = arith.constant 0.000000e+00 : f32
      %max3A_879 = arith.maximumf %add3A_877, %max3A_878 : f32
      %get3A_880 = arith.index_cast %add3A_840 : i32 to index
      %get3A_881 = arith.constant 64 : index
      %get3A_882 = tpu.vector_load %arg7[%get3A_880, %get3A_881] {strides = array<i32>} : memref<512x128xf32, #tpu.memory_space<vmem>>, vector<16xf32>,
      %mul3A_883 = vector.broadcast %max3A_879 : f32 to vector<16xf32>
      %mul3A_884 = arith.mulf %mul3A_883, %get3A_882 : vector<16xf32>
      %add3A_885 = arith.addf %add3A_834, %mul3A_884 : vector<16xf32>
      %mul3A_886 = arith.constant 16 : i32
      %mul3A_887 = arith.muli %scan3A_224, %mul3A_886 : i32
      %add3A_888 = arith.constant 13 : i32
      %add3A_889 = arith.addi %mul3A_887, %add3A_888 : i32
      %add3A_890 = arith.constant 0 : i32
      %add3A_891 = arith.addi %add3A_890, %add3A_889 : i32
      %get3A_892 = arith.index_cast %add3A_889 : i32 to index
      %get3A_893 = arith.constant 0 : index
      %get3A_894 = tpu.vector_load %arg6[%get3A_892, %get3A_893] {strides = array<i32>} : memref<256x128xf32, #tpu.memory_space<vmem>>, vector<16xf32>,
      %get3A_895 = arith.index_cast %add3A_891 : i32 to index
      %get3A_896 = arith.constant 0 : index
      %get3A_897 = tpu.vector_load %arg7[%get3A_895, %get3A_896] {strides = array<i32>} : memref<512x128xf32, #tpu.memory_space<vmem>>, vector<16xf32>,
      %mul3A_898 = arith.mulf %get3A_894, %get3A_897 : vector<16xf32>
      %get3A_899 = arith.index_cast %add3A_889 : i32 to index
      %get3A_900 = arith.constant 16 : index
      %get3A_901 = tpu.vector_load %arg6[%get3A_899, %get3A_900] {strides = array<i32>} : memref<256x128xf32, #tpu.memory_space<vmem>>, vector<16xf32>,
      %get3A_902 = arith.index_cast %add3A_891 : i32 to index
      %get3A_903 = arith.constant 16 : index
      %get3A_904 = tpu.vector_load %arg7[%get3A_902, %get3A_903] {strides = array<i32>} : memref<512x128xf32, #tpu.memory_space<vmem>>, vector<16xf32>,
      %mul3A_905 = arith.mulf %get3A_901, %get3A_904 : vector<16xf32>
      %add3A_906 = arith.addf %mul3A_898, %mul3A_905 : vector<16xf32>
      %get3A_907 = arith.index_cast %add3A_889 : i32 to index
      %get3A_908 = arith.constant 32 : index
      %get3A_909 = tpu.vector_load %arg6[%get3A_907, %get3A_908] {strides = array<i32>} : memref<256x128xf32, #tpu.memory_space<vmem>>, vector<16xf32>,
      %get3A_910 = arith.index_cast %add3A_891 : i32 to index
      %get3A_911 = arith.constant 32 : index
      %get3A_912 = tpu.vector_load %arg7[%get3A_910, %get3A_911] {strides = array<i32>} : memref<512x128xf32, #tpu.memory_space<vmem>>, vector<16xf32>,
      %mul3A_913 = arith.mulf %get3A_909, %get3A_912 : vector<16xf32>
      %add3A_914 = arith.addf %add3A_906, %mul3A_913 : vector<16xf32>
      %get3A_915 = arith.index_cast %add3A_889 : i32 to index
      %get3A_916 = arith.constant 48 : index
      %get3A_917 = tpu.vector_load %arg6[%get3A_915, %get3A_916] {strides = array<i32>} : memref<256x128xf32, #tpu.memory_space<vmem>>, vector<16xf32>,
      %get3A_918 = arith.index_cast %add3A_891 : i32 to index
      %get3A_919 = arith.constant 48 : index
      %get3A_920 = tpu.vector_load %arg7[%get3A_918, %get3A_919] {strides = array<i32>} : memref<512x128xf32, #tpu.memory_space<vmem>>, vector<16xf32>,
      %mul3A_921 = arith.mulf %get3A_917, %get3A_920 : vector<16xf32>
      %add3A_922 = arith.addf %add3A_914, %mul3A_921 : vector<16xf32>
      %reduce_sum3A_923 = arith.constant true
      %reduce_sum3A_924 = vector.broadcast %reduce_sum3A_923 : i1 to vector<16xi1>
      %reduce_sum3A_925 = tpu.scan <sum>, %add3A_922 masked %reduce_sum3A_924 : vector<16xf32>, vector<16xi1> -> vector<16xf32>
      %reduce_sum3A_926 = vector.extract %reduce_sum3A_925[15] : f32 from vector<16xf32>
      %add3A_927 = arith.constant 3.000000e-01 : f32
      %add3A_928 = arith.addf %reduce_sum3A_926, %add3A_927 : f32
      %max3A_929 = arith.constant 0.000000e+00 : f32
      %max3A_930 = arith.maximumf %add3A_928, %max3A_929 : f32
      %get3A_931 = arith.index_cast %add3A_891 : i32 to index
      %get3A_932 = arith.constant 64 : index
      %get3A_933 = tpu.vector_load %arg7[%get3A_931, %get3A_932] {strides = array<i32>} : memref<512x128xf32, #tpu.memory_space<vmem>>, vector<16xf32>,
      %mul3A_934 = vector.broadcast %max3A_930 : f32 to vector<16xf32>
      %mul3A_935 = arith.mulf %mul3A_934, %get3A_933 : vector<16xf32>
      %add3A_936 = arith.addf %add3A_885, %mul3A_935 : vector<16xf32>
      %mul3A_937 = arith.constant 16 : i32
      %mul3A_938 = arith.muli %scan3A_224, %mul3A_937 : i32
      %add3A_939 = arith.constant 14 : i32
      %add3A_940 = arith.addi %mul3A_938, %add3A_939 : i32
      %add3A_941 = arith.constant 0 : i32
      %add3A_942 = arith.addi %add3A_941, %add3A_940 : i32
      %get3A_943 = arith.index_cast %add3A_940 : i32 to index
      %get3A_944 = arith.constant 0 : index
      %get3A_945 = tpu.vector_load %arg6[%get3A_943, %get3A_944] {strides = array<i32>} : memref<256x128xf32, #tpu.memory_space<vmem>>, vector<16xf32>,
      %get3A_946 = arith.index_cast %add3A_942 : i32 to index
      %get3A_947 = arith.constant 0 : index
      %get3A_948 = tpu.vector_load %arg7[%get3A_946, %get3A_947] {strides = array<i32>} : memref<512x128xf32, #tpu.memory_space<vmem>>, vector<16xf32>,
      %mul3A_949 = arith.mulf %get3A_945, %get3A_948 : vector<16xf32>
      %get3A_950 = arith.index_cast %add3A_940 : i32 to index
      %get3A_951 = arith.constant 16 : index
      %get3A_952 = tpu.vector_load %arg6[%get3A_950, %get3A_951] {strides = array<i32>} : memref<256x128xf32, #tpu.memory_space<vmem>>, vector<16xf32>,
      %get3A_953 = arith.index_cast %add3A_942 : i32 to index
      %get3A_954 = arith.constant 16 : index
      %get3A_955 = tpu.vector_load %arg7[%get3A_953, %get3A_954] {strides = array<i32>} : memref<512x128xf32, #tpu.memory_space<vmem>>, vector<16xf32>,
      %mul3A_956 = arith.mulf %get3A_952, %get3A_955 : vector<16xf32>
      %add3A_957 = arith.addf %mul3A_949, %mul3A_956 : vector<16xf32>
      %get3A_958 = arith.index_cast %add3A_940 : i32 to index
      %get3A_959 = arith.constant 32 : index
      %get3A_960 = tpu.vector_load %arg6[%get3A_958, %get3A_959] {strides = array<i32>} : memref<256x128xf32, #tpu.memory_space<vmem>>, vector<16xf32>,
      %get3A_961 = arith.index_cast %add3A_942 : i32 to index
      %get3A_962 = arith.constant 32 : index
      %get3A_963 = tpu.vector_load %arg7[%get3A_961, %get3A_962] {strides = array<i32>} : memref<512x128xf32, #tpu.memory_space<vmem>>, vector<16xf32>,
      %mul3A_964 = arith.mulf %get3A_960, %get3A_963 : vector<16xf32>
      %add3A_965 = arith.addf %add3A_957, %mul3A_964 : vector<16xf32>
      %get3A_966 = arith.index_cast %add3A_940 : i32 to index
      %get3A_967 = arith.constant 48 : index
      %get3A_968 = tpu.vector_load %arg6[%get3A_966, %get3A_967] {strides = array<i32>} : memref<256x128xf32, #tpu.memory_space<vmem>>, vector<16xf32>,
      %get3A_969 = arith.index_cast %add3A_942 : i32 to index
      %get3A_970 = arith.constant 48 : index
      %get3A_971 = tpu.vector_load %arg7[%get3A_969, %get3A_970] {strides = array<i32>} : memref<512x128xf32, #tpu.memory_space<vmem>>, vector<16xf32>,
      %mul3A_972 = arith.mulf %get3A_968, %get3A_971 : vector<16xf32>
      %add3A_973 = arith.addf %add3A_965, %mul3A_972 : vector<16xf32>
      %reduce_sum3A_974 = arith.constant true
      %reduce_sum3A_975 = vector.broadcast %reduce_sum3A_974 : i1 to vector<16xi1>
      %reduce_sum3A_976 = tpu.scan <sum>, %add3A_973 masked %reduce_sum3A_975 : vector<16xf32>, vector<16xi1> -> vector<16xf32>
      %reduce_sum3A_977 = vector.extract %reduce_sum3A_976[15] : f32 from vector<16xf32>
      %add3A_978 = arith.constant 3.000000e-01 : f32
      %add3A_979 = arith.addf %reduce_sum3A_977, %add3A_978 : f32
      %max3A_980 = arith.constant 0.000000e+00 : f32
      %max3A_981 = arith.maximumf %add3A_979, %max3A_980 : f32
      %get3A_982 = arith.index_cast %add3A_942 : i32 to index
      %get3A_983 = arith.constant 64 : index
      %get3A_984 = tpu.vector_load %arg7[%get3A_982, %get3A_983] {strides = array<i32>} : memref<512x128xf32, #tpu.memory_space<vmem>>, vector<16xf32>,
      %mul3A_985 = vector.broadcast %max3A_981 : f32 to vector<16xf32>
      %mul3A_986 = arith.mulf %mul3A_985, %get3A_984 : vector<16xf32>
      %add3A_987 = arith.addf %add3A_936, %mul3A_986 : vector<16xf32>
      %mul3A_988 = arith.constant 16 : i32
      %mul3A_989 = arith.muli %scan3A_224, %mul3A_988 : i32
      %add3A_990 = arith.constant 15 : i32
      %add3A_991 = arith.addi %mul3A_989, %add3A_990 : i32
      %add3A_992 = arith.constant 0 : i32
      %add3A_993 = arith.addi %add3A_992, %add3A_991 : i32
      %get3A_994 = arith.index_cast %add3A_991 : i32 to index
      %get3A_995 = arith.constant 0 : index
      %get3A_996 = tpu.vector_load %arg6[%get3A_994, %get3A_995] {strides = array<i32>} : memref<256x128xf32, #tpu.memory_space<vmem>>, vector<16xf32>,
      %get3A_997 = arith.index_cast %add3A_993 : i32 to index
      %get3A_998 = arith.constant 0 : index
      %get3A_999 = tpu.vector_load %arg7[%get3A_997, %get3A_998] {strides = array<i32>} : memref<512x128xf32, #tpu.memory_space<vmem>>, vector<16xf32>,
      %mul3A_1000 = arith.mulf %get3A_996, %get3A_999 : vector<16xf32>
      %get3A_1001 = arith.index_cast %add3A_991 : i32 to index
      %get3A_1002 = arith.constant 16 : index
      %get3A_1003 = tpu.vector_load %arg6[%get3A_1001, %get3A_1002] {strides = array<i32>} : memref<256x128xf32, #tpu.memory_space<vmem>>, vector<16xf32>,
      %get3A_1004 = arith.index_cast %add3A_993 : i32 to index
      %get3A_1005 = arith.constant 16 : index
      %get3A_1006 = tpu.vector_load %arg7[%get3A_1004, %get3A_1005] {strides = array<i32>} : memref<512x128xf32, #tpu.memory_space<vmem>>, vector<16xf32>,
      %mul3A_1007 = arith.mulf %get3A_1003, %get3A_1006 : vector<16xf32>
      %add3A_1008 = arith.addf %mul3A_1000, %mul3A_1007 : vector<16xf32>
      %get3A_1009 = arith.index_cast %add3A_991 : i32 to index
      %get3A_1010 = arith.constant 32 : index
      %get3A_1011 = tpu.vector_load %arg6[%get3A_1009, %get3A_1010] {strides = array<i32>} : memref<256x128xf32, #tpu.memory_space<vmem>>, vector<16xf32>,
      %get3A_1012 = arith.index_cast %add3A_993 : i32 to index
      %get3A_1013 = arith.constant 32 : index
      %get3A_1014 = tpu.vector_load %arg7[%get3A_1012, %get3A_1013] {strides = array<i32>} : memref<512x128xf32, #tpu.memory_space<vmem>>, vector<16xf32>,
      %mul3A_1015 = arith.mulf %get3A_1011, %get3A_1014 : vector<16xf32>
      %add3A_1016 = arith.addf %add3A_1008, %mul3A_1015 : vector<16xf32>
      %get3A_1017 = arith.index_cast %add3A_991 : i32 to index
      %get3A_1018 = arith.constant 48 : index
      %get3A_1019 = tpu.vector_load %arg6[%get3A_1017, %get3A_1018] {strides = array<i32>} : memref<256x128xf32, #tpu.memory_space<vmem>>, vector<16xf32>,
      %get3A_1020 = arith.index_cast %add3A_993 : i32 to index
      %get3A_1021 = arith.constant 48 : index
      %get3A_1022 = tpu.vector_load %arg7[%get3A_1020, %get3A_1021] {strides = array<i32>} : memref<512x128xf32, #tpu.memory_space<vmem>>, vector<16xf32>,
      %mul3A_1023 = arith.mulf %get3A_1019, %get3A_1022 : vector<16xf32>
      %add3A_1024 = arith.addf %add3A_1016, %mul3A_1023 : vector<16xf32>
      %reduce_sum3A_1025 = arith.constant true
      %reduce_sum3A_1026 = vector.broadcast %reduce_sum3A_1025 : i1 to vector<16xi1>
      %reduce_sum3A_1027 = tpu.scan <sum>, %add3A_1024 masked %reduce_sum3A_1026 : vector<16xf32>, vector<16xi1> -> vector<16xf32>
      %reduce_sum3A_1028 = vector.extract %reduce_sum3A_1027[15] : f32 from vector<16xf32>
      %add3A_1029 = arith.constant 3.000000e-01 : f32
      %add3A_1030 = arith.addf %reduce_sum3A_1028, %add3A_1029 : f32
      %max3A_1031 = arith.constant 0.000000e+00 : f32
      %max3A_1032 = arith.maximumf %add3A_1030, %max3A_1031 : f32
      %get3A_1033 = arith.index_cast %add3A_993 : i32 to index
      %get3A_1034 = arith.constant 64 : index
      %get3A_1035 = tpu.vector_load %arg7[%get3A_1033, %get3A_1034] {strides = array<i32>} : memref<512x128xf32, #tpu.memory_space<vmem>>, vector<16xf32>,
      %mul3A_1036 = vector.broadcast %max3A_1032 : f32 to vector<16xf32>
      %mul3A_1037 = arith.mulf %mul3A_1036, %get3A_1035 : vector<16xf32>
      %add3A_1038 = arith.addf %add3A_987, %mul3A_1037 : vector<16xf32>
      scf.yield %add3A_1038 : vector<16xf32>
    }
    %scan3A_216 = arith.constant 16 : i32
    %scan3A_217 = arith.constant 0 : i32
    %scan3A_218 = arith.constant 16 : i32
    %scan3A_219 = arith.addi %scan3A_217, %scan3A_218 : i32
    %scan3A_220 = arith.constant 1 : i32
    %scan3A_221 = scf.for %scan3A_224 = %scan3A_217 to %scan3A_219 step %scan3A_220 iter_args(%scan3A_225 = %scan3A_215) -> (vector<16xf32>)  : i32 {
      %mul3A_226 = arith.constant 16 : i32
      %mul3A_227 = arith.muli %scan3A_224, %mul3A_226 : i32
      %add3A_228 = arith.constant 0 : i32
      %add3A_229 = arith.addi %mul3A_227, %add3A_228 : i32
      %add3A_230 = arith.constant 256 : i32
      %add3A_231 = arith.addi %add3A_230, %add3A_229 : i32
      %get3A = arith.index_cast %add3A_229 : i32 to index
      %get3A_232 = arith.constant 64 : index
      %get3A_233 = tpu.vector_load %arg6[%get3A, %get3A_232] {strides = array<i32>} : memref<256x128xf32, #tpu.memory_space<vmem>>, vector<16xf32>,
      %get3A_234 = arith.index_cast %add3A_231 : i32 to index
      %get3A_235 = arith.constant 0 : index
      %get3A_236 = tpu.vector_load %arg7[%get3A_234, %get3A_235] {strides = array<i32>} : memref<512x128xf32, #tpu.memory_space<vmem>>, vector<16xf32>,
      %mul3A_237 = arith.mulf %get3A_233, %get3A_236 : vector<16xf32>
      %get3A_238 = arith.index_cast %add3A_229 : i32 to index
      %get3A_239 = arith.constant 80 : index
      %get3A_240 = tpu.vector_load %arg6[%get3A_238, %get3A_239] {strides = array<i32>} : memref<256x128xf32, #tpu.memory_space<vmem>>, vector<16xf32>,
      %get3A_241 = arith.index_cast %add3A_231 : i32 to index
      %get3A_242 = arith.constant 16 : index
      %get3A_243 = tpu.vector_load %arg7[%get3A_241, %get3A_242] {strides = array<i32>} : memref<512x128xf32, #tpu.memory_space<vmem>>, vector<16xf32>,
      %mul3A_244 = arith.mulf %get3A_240, %get3A_243 : vector<16xf32>
      %add3A_245 = arith.addf %mul3A_237, %mul3A_244 : vector<16xf32>
      %get3A_246 = arith.index_cast %add3A_229 : i32 to index
      %get3A_247 = arith.constant 96 : index
      %get3A_248 = tpu.vector_load %arg6[%get3A_246, %get3A_247] {strides = array<i32>} : memref<256x128xf32, #tpu.memory_space<vmem>>, vector<16xf32>,
      %get3A_249 = arith.index_cast %add3A_231 : i32 to index
      %get3A_250 = arith.constant 32 : index
      %get3A_251 = tpu.vector_load %arg7[%get3A_249, %get3A_250] {strides = array<i32>} : memref<512x128xf32, #tpu.memory_space<vmem>>, vector<16xf32>,
      %mul3A_252 = arith.mulf %get3A_248, %get3A_251 : vector<16xf32>
      %add3A_253 = arith.addf %add3A_245, %mul3A_252 : vector<16xf32>
      %get3A_254 = arith.index_cast %add3A_229 : i32 to index
      %get3A_255 = arith.constant 112 : index
      %get3A_256 = tpu.vector_load %arg6[%get3A_254, %get3A_255] {strides = array<i32>} : memref<256x128xf32, #tpu.memory_space<vmem>>, vector<16xf32>,
      %get3A_257 = arith.index_cast %add3A_231 : i32 to index
      %get3A_258 = arith.constant 48 : index
      %get3A_259 = tpu.vector_load %arg7[%get3A_257, %get3A_258] {strides = array<i32>} : memref<512x128xf32, #tpu.memory_space<vmem>>, vector<16xf32>,
      %mul3A_260 = arith.mulf %get3A_256, %get3A_259 : vector<16xf32>
      %add3A_261 = arith.addf %add3A_253, %mul3A_260 : vector<16xf32>
      %reduce_sum3A = arith.constant true
      %reduce_sum3A_262 = vector.broadcast %reduce_sum3A : i1 to vector<16xi1>
      %reduce_sum3A_263 = tpu.scan <sum>, %add3A_261 masked %reduce_sum3A_262 : vector<16xf32>, vector<16xi1> -> vector<16xf32>
      %reduce_sum3A_264 = vector.extract %reduce_sum3A_263[15] : f32 from vector<16xf32>
      %add3A_265 = arith.constant 3.000000e-01 : f32
      %add3A_266 = arith.addf %reduce_sum3A_264, %add3A_265 : f32
      %max3A = arith.constant 0.000000e+00 : f32
      %max3A_267 = arith.maximumf %add3A_266, %max3A : f32
      %get3A_268 = arith.index_cast %add3A_231 : i32 to index
      %get3A_269 = arith.constant 64 : index
      %get3A_270 = tpu.vector_load %arg7[%get3A_268, %get3A_269] {strides = array<i32>} : memref<512x128xf32, #tpu.memory_space<vmem>>, vector<16xf32>,
      %mul3A_271 = vector.broadcast %max3A_267 : f32 to vector<16xf32>
      %mul3A_272 = arith.mulf %mul3A_271, %get3A_270 : vector<16xf32>
      %add3A_273 = arith.addf %scan3A_225, %mul3A_272 : vector<16xf32>
      %mul3A_274 = arith.constant 16 : i32
      %mul3A_275 = arith.muli %scan3A_224, %mul3A_274 : i32
      %add3A_276 = arith.constant 1 : i32
      %add3A_277 = arith.addi %mul3A_275, %add3A_276 : i32
      %add3A_278 = arith.constant 256 : i32
      %add3A_279 = arith.addi %add3A_278, %add3A_277 : i32
      %get3A_280 = arith.index_cast %add3A_277 : i32 to index
      %get3A_281 = arith.constant 64 : index
      %get3A_282 = tpu.vector_load %arg6[%get3A_280, %get3A_281] {strides = array<i32>} : memref<256x128xf32, #tpu.memory_space<vmem>>, vector<16xf32>,
      %get3A_283 = arith.index_cast %add3A_279 : i32 to index
      %get3A_284 = arith.constant 0 : index
      %get3A_285 = tpu.vector_load %arg7[%get3A_283, %get3A_284] {strides = array<i32>} : memref<512x128xf32, #tpu.memory_space<vmem>>, vector<16xf32>,
      %mul3A_286 = arith.mulf %get3A_282, %get3A_285 : vector<16xf32>
      %get3A_287 = arith.index_cast %add3A_277 : i32 to index
      %get3A_288 = arith.constant 80 : index
      %get3A_289 = tpu.vector_load %arg6[%get3A_287, %get3A_288] {strides = array<i32>} : memref<256x128xf32, #tpu.memory_space<vmem>>, vector<16xf32>,
      %get3A_290 = arith.index_cast %add3A_279 : i32 to index
      %get3A_291 = arith.constant 16 : index
      %get3A_292 = tpu.vector_load %arg7[%get3A_290, %get3A_291] {strides = array<i32>} : memref<512x128xf32, #tpu.memory_space<vmem>>, vector<16xf32>,
      %mul3A_293 = arith.mulf %get3A_289, %get3A_292 : vector<16xf32>
      %add3A_294 = arith.addf %mul3A_286, %mul3A_293 : vector<16xf32>
      %get3A_295 = arith.index_cast %add3A_277 : i32 to index
      %get3A_296 = arith.constant 96 : index
      %get3A_297 = tpu.vector_load %arg6[%get3A_295, %get3A_296] {strides = array<i32>} : memref<256x128xf32, #tpu.memory_space<vmem>>, vector<16xf32>,
      %get3A_298 = arith.index_cast %add3A_279 : i32 to index
      %get3A_299 = arith.constant 32 : index
      %get3A_300 = tpu.vector_load %arg7[%get3A_298, %get3A_299] {strides = array<i32>} : memref<512x128xf32, #tpu.memory_space<vmem>>, vector<16xf32>,
      %mul3A_301 = arith.mulf %get3A_297, %get3A_300 : vector<16xf32>
      %add3A_302 = arith.addf %add3A_294, %mul3A_301 : vector<16xf32>
      %get3A_303 = arith.index_cast %add3A_277 : i32 to index
      %get3A_304 = arith.constant 112 : index
      %get3A_305 = tpu.vector_load %arg6[%get3A_303, %get3A_304] {strides = array<i32>} : memref<256x128xf32, #tpu.memory_space<vmem>>, vector<16xf32>,
      %get3A_306 = arith.index_cast %add3A_279 : i32 to index
      %get3A_307 = arith.constant 48 : index
      %get3A_308 = tpu.vector_load %arg7[%get3A_306, %get3A_307] {strides = array<i32>} : memref<512x128xf32, #tpu.memory_space<vmem>>, vector<16xf32>,
      %mul3A_309 = arith.mulf %get3A_305, %get3A_308 : vector<16xf32>
      %add3A_310 = arith.addf %add3A_302, %mul3A_309 : vector<16xf32>
      %reduce_sum3A_311 = arith.constant true
      %reduce_sum3A_312 = vector.broadcast %reduce_sum3A_311 : i1 to vector<16xi1>
      %reduce_sum3A_313 = tpu.scan <sum>, %add3A_310 masked %reduce_sum3A_312 : vector<16xf32>, vector<16xi1> -> vector<16xf32>
      %reduce_sum3A_314 = vector.extract %reduce_sum3A_313[15] : f32 from vector<16xf32>
      %add3A_315 = arith.constant 3.000000e-01 : f32
      %add3A_316 = arith.addf %reduce_sum3A_314, %add3A_315 : f32
      %max3A_317 = arith.constant 0.000000e+00 : f32
      %max3A_318 = arith.maximumf %add3A_316, %max3A_317 : f32
      %get3A_319 = arith.index_cast %add3A_279 : i32 to index
      %get3A_320 = arith.constant 64 : index
      %get3A_321 = tpu.vector_load %arg7[%get3A_319, %get3A_320] {strides = array<i32>} : memref<512x128xf32, #tpu.memory_space<vmem>>, vector<16xf32>,
      %mul3A_322 = vector.broadcast %max3A_318 : f32 to vector<16xf32>
      %mul3A_323 = arith.mulf %mul3A_322, %get3A_321 : vector<16xf32>
      %add3A_324 = arith.addf %add3A_273, %mul3A_323 : vector<16xf32>
      %mul3A_325 = arith.constant 16 : i32
      %mul3A_326 = arith.muli %scan3A_224, %mul3A_325 : i32
      %add3A_327 = arith.constant 2 : i32
      %add3A_328 = arith.addi %mul3A_326, %add3A_327 : i32
      %add3A_329 = arith.constant 256 : i32
      %add3A_330 = arith.addi %add3A_329, %add3A_328 : i32
      %get3A_331 = arith.index_cast %add3A_328 : i32 to index
      %get3A_332 = arith.constant 64 : index
      %get3A_333 = tpu.vector_load %arg6[%get3A_331, %get3A_332] {strides = array<i32>} : memref<256x128xf32, #tpu.memory_space<vmem>>, vector<16xf32>,
      %get3A_334 = arith.index_cast %add3A_330 : i32 to index
      %get3A_335 = arith.constant 0 : index
      %get3A_336 = tpu.vector_load %arg7[%get3A_334, %get3A_335] {strides = array<i32>} : memref<512x128xf32, #tpu.memory_space<vmem>>, vector<16xf32>,
      %mul3A_337 = arith.mulf %get3A_333, %get3A_336 : vector<16xf32>
      %get3A_338 = arith.index_cast %add3A_328 : i32 to index
      %get3A_339 = arith.constant 80 : index
      %get3A_340 = tpu.vector_load %arg6[%get3A_338, %get3A_339] {strides = array<i32>} : memref<256x128xf32, #tpu.memory_space<vmem>>, vector<16xf32>,
      %get3A_341 = arith.index_cast %add3A_330 : i32 to index
      %get3A_342 = arith.constant 16 : index
      %get3A_343 = tpu.vector_load %arg7[%get3A_341, %get3A_342] {strides = array<i32>} : memref<512x128xf32, #tpu.memory_space<vmem>>, vector<16xf32>,
      %mul3A_344 = arith.mulf %get3A_340, %get3A_343 : vector<16xf32>
      %add3A_345 = arith.addf %mul3A_337, %mul3A_344 : vector<16xf32>
      %get3A_346 = arith.index_cast %add3A_328 : i32 to index
      %get3A_347 = arith.constant 96 : index
      %get3A_348 = tpu.vector_load %arg6[%get3A_346, %get3A_347] {strides = array<i32>} : memref<256x128xf32, #tpu.memory_space<vmem>>, vector<16xf32>,
      %get3A_349 = arith.index_cast %add3A_330 : i32 to index
      %get3A_350 = arith.constant 32 : index
      %get3A_351 = tpu.vector_load %arg7[%get3A_349, %get3A_350] {strides = array<i32>} : memref<512x128xf32, #tpu.memory_space<vmem>>, vector<16xf32>,
      %mul3A_352 = arith.mulf %get3A_348, %get3A_351 : vector<16xf32>
      %add3A_353 = arith.addf %add3A_345, %mul3A_352 : vector<16xf32>
      %get3A_354 = arith.index_cast %add3A_328 : i32 to index
      %get3A_355 = arith.constant 112 : index
      %get3A_356 = tpu.vector_load %arg6[%get3A_354, %get3A_355] {strides = array<i32>} : memref<256x128xf32, #tpu.memory_space<vmem>>, vector<16xf32>,
      %get3A_357 = arith.index_cast %add3A_330 : i32 to index
      %get3A_358 = arith.constant 48 : index
      %get3A_359 = tpu.vector_load %arg7[%get3A_357, %get3A_358] {strides = array<i32>} : memref<512x128xf32, #tpu.memory_space<vmem>>, vector<16xf32>,
      %mul3A_360 = arith.mulf %get3A_356, %get3A_359 : vector<16xf32>
      %add3A_361 = arith.addf %add3A_353, %mul3A_360 : vector<16xf32>
      %reduce_sum3A_362 = arith.constant true
      %reduce_sum3A_363 = vector.broadcast %reduce_sum3A_362 : i1 to vector<16xi1>
      %reduce_sum3A_364 = tpu.scan <sum>, %add3A_361 masked %reduce_sum3A_363 : vector<16xf32>, vector<16xi1> -> vector<16xf32>
      %reduce_sum3A_365 = vector.extract %reduce_sum3A_364[15] : f32 from vector<16xf32>
      %add3A_366 = arith.constant 3.000000e-01 : f32
      %add3A_367 = arith.addf %reduce_sum3A_365, %add3A_366 : f32
      %max3A_368 = arith.constant 0.000000e+00 : f32
      %max3A_369 = arith.maximumf %add3A_367, %max3A_368 : f32
      %get3A_370 = arith.index_cast %add3A_330 : i32 to index
      %get3A_371 = arith.constant 64 : index
      %get3A_372 = tpu.vector_load %arg7[%get3A_370, %get3A_371] {strides = array<i32>} : memref<512x128xf32, #tpu.memory_space<vmem>>, vector<16xf32>,
      %mul3A_373 = vector.broadcast %max3A_369 : f32 to vector<16xf32>
      %mul3A_374 = arith.mulf %mul3A_373, %get3A_372 : vector<16xf32>
      %add3A_375 = arith.addf %add3A_324, %mul3A_374 : vector<16xf32>
      %mul3A_376 = arith.constant 16 : i32
      %mul3A_377 = arith.muli %scan3A_224, %mul3A_376 : i32
      %add3A_378 = arith.constant 3 : i32
      %add3A_379 = arith.addi %mul3A_377, %add3A_378 : i32
      %add3A_380 = arith.constant 256 : i32
      %add3A_381 = arith.addi %add3A_380, %add3A_379 : i32
      %get3A_382 = arith.index_cast %add3A_379 : i32 to index
      %get3A_383 = arith.constant 64 : index
      %get3A_384 = tpu.vector_load %arg6[%get3A_382, %get3A_383] {strides = array<i32>} : memref<256x128xf32, #tpu.memory_space<vmem>>, vector<16xf32>,
      %get3A_385 = arith.index_cast %add3A_381 : i32 to index
      %get3A_386 = arith.constant 0 : index
      %get3A_387 = tpu.vector_load %arg7[%get3A_385, %get3A_386] {strides = array<i32>} : memref<512x128xf32, #tpu.memory_space<vmem>>, vector<16xf32>,
      %mul3A_388 = arith.mulf %get3A_384, %get3A_387 : vector<16xf32>
      %get3A_389 = arith.index_cast %add3A_379 : i32 to index
      %get3A_390 = arith.constant 80 : index
      %get3A_391 = tpu.vector_load %arg6[%get3A_389, %get3A_390] {strides = array<i32>} : memref<256x128xf32, #tpu.memory_space<vmem>>, vector<16xf32>,
      %get3A_392 = arith.index_cast %add3A_381 : i32 to index
      %get3A_393 = arith.constant 16 : index
      %get3A_394 = tpu.vector_load %arg7[%get3A_392, %get3A_393] {strides = array<i32>} : memref<512x128xf32, #tpu.memory_space<vmem>>, vector<16xf32>,
      %mul3A_395 = arith.mulf %get3A_391, %get3A_394 : vector<16xf32>
      %add3A_396 = arith.addf %mul3A_388, %mul3A_395 : vector<16xf32>
      %get3A_397 = arith.index_cast %add3A_379 : i32 to index
      %get3A_398 = arith.constant 96 : index
      %get3A_399 = tpu.vector_load %arg6[%get3A_397, %get3A_398] {strides = array<i32>} : memref<256x128xf32, #tpu.memory_space<vmem>>, vector<16xf32>,
      %get3A_400 = arith.index_cast %add3A_381 : i32 to index
      %get3A_401 = arith.constant 32 : index
      %get3A_402 = tpu.vector_load %arg7[%get3A_400, %get3A_401] {strides = array<i32>} : memref<512x128xf32, #tpu.memory_space<vmem>>, vector<16xf32>,
      %mul3A_403 = arith.mulf %get3A_399, %get3A_402 : vector<16xf32>
      %add3A_404 = arith.addf %add3A_396, %mul3A_403 : vector<16xf32>
      %get3A_405 = arith.index_cast %add3A_379 : i32 to index
      %get3A_406 = arith.constant 112 : index
      %get3A_407 = tpu.vector_load %arg6[%get3A_405, %get3A_406] {strides = array<i32>} : memref<256x128xf32, #tpu.memory_space<vmem>>, vector<16xf32>,
      %get3A_408 = arith.index_cast %add3A_381 : i32 to index
      %get3A_409 = arith.constant 48 : index
      %get3A_410 = tpu.vector_load %arg7[%get3A_408, %get3A_409] {strides = array<i32>} : memref<512x128xf32, #tpu.memory_space<vmem>>, vector<16xf32>,
      %mul3A_411 = arith.mulf %get3A_407, %get3A_410 : vector<16xf32>
      %add3A_412 = arith.addf %add3A_404, %mul3A_411 : vector<16xf32>
      %reduce_sum3A_413 = arith.constant true
      %reduce_sum3A_414 = vector.broadcast %reduce_sum3A_413 : i1 to vector<16xi1>
      %reduce_sum3A_415 = tpu.scan <sum>, %add3A_412 masked %reduce_sum3A_414 : vector<16xf32>, vector<16xi1> -> vector<16xf32>
      %reduce_sum3A_416 = vector.extract %reduce_sum3A_415[15] : f32 from vector<16xf32>
      %add3A_417 = arith.constant 3.000000e-01 : f32
      %add3A_418 = arith.addf %reduce_sum3A_416, %add3A_417 : f32
      %max3A_419 = arith.constant 0.000000e+00 : f32
      %max3A_420 = arith.maximumf %add3A_418, %max3A_419 : f32
      %get3A_421 = arith.index_cast %add3A_381 : i32 to index
      %get3A_422 = arith.constant 64 : index
      %get3A_423 = tpu.vector_load %arg7[%get3A_421, %get3A_422] {strides = array<i32>} : memref<512x128xf32, #tpu.memory_space<vmem>>, vector<16xf32>,
      %mul3A_424 = vector.broadcast %max3A_420 : f32 to vector<16xf32>
      %mul3A_425 = arith.mulf %mul3A_424, %get3A_423 : vector<16xf32>
      %add3A_426 = arith.addf %add3A_375, %mul3A_425 : vector<16xf32>
      %mul3A_427 = arith.constant 16 : i32
      %mul3A_428 = arith.muli %scan3A_224, %mul3A_427 : i32
      %add3A_429 = arith.constant 4 : i32
      %add3A_430 = arith.addi %mul3A_428, %add3A_429 : i32
      %add3A_431 = arith.constant 256 : i32
      %add3A_432 = arith.addi %add3A_431, %add3A_430 : i32
      %get3A_433 = arith.index_cast %add3A_430 : i32 to index
      %get3A_434 = arith.constant 64 : index
      %get3A_435 = tpu.vector_load %arg6[%get3A_433, %get3A_434] {strides = array<i32>} : memref<256x128xf32, #tpu.memory_space<vmem>>, vector<16xf32>,
      %get3A_436 = arith.index_cast %add3A_432 : i32 to index
      %get3A_437 = arith.constant 0 : index
      %get3A_438 = tpu.vector_load %arg7[%get3A_436, %get3A_437] {strides = array<i32>} : memref<512x128xf32, #tpu.memory_space<vmem>>, vector<16xf32>,
      %mul3A_439 = arith.mulf %get3A_435, %get3A_438 : vector<16xf32>
      %get3A_440 = arith.index_cast %add3A_430 : i32 to index
      %get3A_441 = arith.constant 80 : index
      %get3A_442 = tpu.vector_load %arg6[%get3A_440, %get3A_441] {strides = array<i32>} : memref<256x128xf32, #tpu.memory_space<vmem>>, vector<16xf32>,
      %get3A_443 = arith.index_cast %add3A_432 : i32 to index
      %get3A_444 = arith.constant 16 : index
      %get3A_445 = tpu.vector_load %arg7[%get3A_443, %get3A_444] {strides = array<i32>} : memref<512x128xf32, #tpu.memory_space<vmem>>, vector<16xf32>,
      %mul3A_446 = arith.mulf %get3A_442, %get3A_445 : vector<16xf32>
      %add3A_447 = arith.addf %mul3A_439, %mul3A_446 : vector<16xf32>
      %get3A_448 = arith.index_cast %add3A_430 : i32 to index
      %get3A_449 = arith.constant 96 : index
      %get3A_450 = tpu.vector_load %arg6[%get3A_448, %get3A_449] {strides = array<i32>} : memref<256x128xf32, #tpu.memory_space<vmem>>, vector<16xf32>,
      %get3A_451 = arith.index_cast %add3A_432 : i32 to index
      %get3A_452 = arith.constant 32 : index
      %get3A_453 = tpu.vector_load %arg7[%get3A_451, %get3A_452] {strides = array<i32>} : memref<512x128xf32, #tpu.memory_space<vmem>>, vector<16xf32>,
      %mul3A_454 = arith.mulf %get3A_450, %get3A_453 : vector<16xf32>
      %add3A_455 = arith.addf %add3A_447, %mul3A_454 : vector<16xf32>
      %get3A_456 = arith.index_cast %add3A_430 : i32 to index
      %get3A_457 = arith.constant 112 : index
      %get3A_458 = tpu.vector_load %arg6[%get3A_456, %get3A_457] {strides = array<i32>} : memref<256x128xf32, #tpu.memory_space<vmem>>, vector<16xf32>,
      %get3A_459 = arith.index_cast %add3A_432 : i32 to index
      %get3A_460 = arith.constant 48 : index
      %get3A_461 = tpu.vector_load %arg7[%get3A_459, %get3A_460] {strides = array<i32>} : memref<512x128xf32, #tpu.memory_space<vmem>>, vector<16xf32>,
      %mul3A_462 = arith.mulf %get3A_458, %get3A_461 : vector<16xf32>
      %add3A_463 = arith.addf %add3A_455, %mul3A_462 : vector<16xf32>
      %reduce_sum3A_464 = arith.constant true
      %reduce_sum3A_465 = vector.broadcast %reduce_sum3A_464 : i1 to vector<16xi1>
      %reduce_sum3A_466 = tpu.scan <sum>, %add3A_463 masked %reduce_sum3A_465 : vector<16xf32>, vector<16xi1> -> vector<16xf32>
      %reduce_sum3A_467 = vector.extract %reduce_sum3A_466[15] : f32 from vector<16xf32>
      %add3A_468 = arith.constant 3.000000e-01 : f32
      %add3A_469 = arith.addf %reduce_sum3A_467, %add3A_468 : f32
      %max3A_470 = arith.constant 0.000000e+00 : f32
      %max3A_471 = arith.maximumf %add3A_469, %max3A_470 : f32
      %get3A_472 = arith.index_cast %add3A_432 : i32 to index
      %get3A_473 = arith.constant 64 : index
      %get3A_474 = tpu.vector_load %arg7[%get3A_472, %get3A_473] {strides = array<i32>} : memref<512x128xf32, #tpu.memory_space<vmem>>, vector<16xf32>,
      %mul3A_475 = vector.broadcast %max3A_471 : f32 to vector<16xf32>
      %mul3A_476 = arith.mulf %mul3A_475, %get3A_474 : vector<16xf32>
      %add3A_477 = arith.addf %add3A_426, %mul3A_476 : vector<16xf32>
      %mul3A_478 = arith.constant 16 : i32
      %mul3A_479 = arith.muli %scan3A_224, %mul3A_478 : i32
      %add3A_480 = arith.constant 5 : i32
      %add3A_481 = arith.addi %mul3A_479, %add3A_480 : i32
      %add3A_482 = arith.constant 256 : i32
      %add3A_483 = arith.addi %add3A_482, %add3A_481 : i32
      %get3A_484 = arith.index_cast %add3A_481 : i32 to index
      %get3A_485 = arith.constant 64 : index
      %get3A_486 = tpu.vector_load %arg6[%get3A_484, %get3A_485] {strides = array<i32>} : memref<256x128xf32, #tpu.memory_space<vmem>>, vector<16xf32>,
      %get3A_487 = arith.index_cast %add3A_483 : i32 to index
      %get3A_488 = arith.constant 0 : index
      %get3A_489 = tpu.vector_load %arg7[%get3A_487, %get3A_488] {strides = array<i32>} : memref<512x128xf32, #tpu.memory_space<vmem>>, vector<16xf32>,
      %mul3A_490 = arith.mulf %get3A_486, %get3A_489 : vector<16xf32>
      %get3A_491 = arith.index_cast %add3A_481 : i32 to index
      %get3A_492 = arith.constant 80 : index
      %get3A_493 = tpu.vector_load %arg6[%get3A_491, %get3A_492] {strides = array<i32>} : memref<256x128xf32, #tpu.memory_space<vmem>>, vector<16xf32>,
      %get3A_494 = arith.index_cast %add3A_483 : i32 to index
      %get3A_495 = arith.constant 16 : index
      %get3A_496 = tpu.vector_load %arg7[%get3A_494, %get3A_495] {strides = array<i32>} : memref<512x128xf32, #tpu.memory_space<vmem>>, vector<16xf32>,
      %mul3A_497 = arith.mulf %get3A_493, %get3A_496 : vector<16xf32>
      %add3A_498 = arith.addf %mul3A_490, %mul3A_497 : vector<16xf32>
      %get3A_499 = arith.index_cast %add3A_481 : i32 to index
      %get3A_500 = arith.constant 96 : index
      %get3A_501 = tpu.vector_load %arg6[%get3A_499, %get3A_500] {strides = array<i32>} : memref<256x128xf32, #tpu.memory_space<vmem>>, vector<16xf32>,
      %get3A_502 = arith.index_cast %add3A_483 : i32 to index
      %get3A_503 = arith.constant 32 : index
      %get3A_504 = tpu.vector_load %arg7[%get3A_502, %get3A_503] {strides = array<i32>} : memref<512x128xf32, #tpu.memory_space<vmem>>, vector<16xf32>,
      %mul3A_505 = arith.mulf %get3A_501, %get3A_504 : vector<16xf32>
      %add3A_506 = arith.addf %add3A_498, %mul3A_505 : vector<16xf32>
      %get3A_507 = arith.index_cast %add3A_481 : i32 to index
      %get3A_508 = arith.constant 112 : index
      %get3A_509 = tpu.vector_load %arg6[%get3A_507, %get3A_508] {strides = array<i32>} : memref<256x128xf32, #tpu.memory_space<vmem>>, vector<16xf32>,
      %get3A_510 = arith.index_cast %add3A_483 : i32 to index
      %get3A_511 = arith.constant 48 : index
      %get3A_512 = tpu.vector_load %arg7[%get3A_510, %get3A_511] {strides = array<i32>} : memref<512x128xf32, #tpu.memory_space<vmem>>, vector<16xf32>,
      %mul3A_513 = arith.mulf %get3A_509, %get3A_512 : vector<16xf32>
      %add3A_514 = arith.addf %add3A_506, %mul3A_513 : vector<16xf32>
      %reduce_sum3A_515 = arith.constant true
      %reduce_sum3A_516 = vector.broadcast %reduce_sum3A_515 : i1 to vector<16xi1>
      %reduce_sum3A_517 = tpu.scan <sum>, %add3A_514 masked %reduce_sum3A_516 : vector<16xf32>, vector<16xi1> -> vector<16xf32>
      %reduce_sum3A_518 = vector.extract %reduce_sum3A_517[15] : f32 from vector<16xf32>
      %add3A_519 = arith.constant 3.000000e-01 : f32
      %add3A_520 = arith.addf %reduce_sum3A_518, %add3A_519 : f32
      %max3A_521 = arith.constant 0.000000e+00 : f32
      %max3A_522 = arith.maximumf %add3A_520, %max3A_521 : f32
      %get3A_523 = arith.index_cast %add3A_483 : i32 to index
      %get3A_524 = arith.constant 64 : index
      %get3A_525 = tpu.vector_load %arg7[%get3A_523, %get3A_524] {strides = array<i32>} : memref<512x128xf32, #tpu.memory_space<vmem>>, vector<16xf32>,
      %mul3A_526 = vector.broadcast %max3A_522 : f32 to vector<16xf32>
      %mul3A_527 = arith.mulf %mul3A_526, %get3A_525 : vector<16xf32>
      %add3A_528 = arith.addf %add3A_477, %mul3A_527 : vector<16xf32>
      %mul3A_529 = arith.constant 16 : i32
      %mul3A_530 = arith.muli %scan3A_224, %mul3A_529 : i32
      %add3A_531 = arith.constant 6 : i32
      %add3A_532 = arith.addi %mul3A_530, %add3A_531 : i32
      %add3A_533 = arith.constant 256 : i32
      %add3A_534 = arith.addi %add3A_533, %add3A_532 : i32
      %get3A_535 = arith.index_cast %add3A_532 : i32 to index
      %get3A_536 = arith.constant 64 : index
      %get3A_537 = tpu.vector_load %arg6[%get3A_535, %get3A_536] {strides = array<i32>} : memref<256x128xf32, #tpu.memory_space<vmem>>, vector<16xf32>,
      %get3A_538 = arith.index_cast %add3A_534 : i32 to index
      %get3A_539 = arith.constant 0 : index
      %get3A_540 = tpu.vector_load %arg7[%get3A_538, %get3A_539] {strides = array<i32>} : memref<512x128xf32, #tpu.memory_space<vmem>>, vector<16xf32>,
      %mul3A_541 = arith.mulf %get3A_537, %get3A_540 : vector<16xf32>
      %get3A_542 = arith.index_cast %add3A_532 : i32 to index
      %get3A_543 = arith.constant 80 : index
      %get3A_544 = tpu.vector_load %arg6[%get3A_542, %get3A_543] {strides = array<i32>} : memref<256x128xf32, #tpu.memory_space<vmem>>, vector<16xf32>,
      %get3A_545 = arith.index_cast %add3A_534 : i32 to index
      %get3A_546 = arith.constant 16 : index
      %get3A_547 = tpu.vector_load %arg7[%get3A_545, %get3A_546] {strides = array<i32>} : memref<512x128xf32, #tpu.memory_space<vmem>>, vector<16xf32>,
      %mul3A_548 = arith.mulf %get3A_544, %get3A_547 : vector<16xf32>
      %add3A_549 = arith.addf %mul3A_541, %mul3A_548 : vector<16xf32>
      %get3A_550 = arith.index_cast %add3A_532 : i32 to index
      %get3A_551 = arith.constant 96 : index
      %get3A_552 = tpu.vector_load %arg6[%get3A_550, %get3A_551] {strides = array<i32>} : memref<256x128xf32, #tpu.memory_space<vmem>>, vector<16xf32>,
      %get3A_553 = arith.index_cast %add3A_534 : i32 to index
      %get3A_554 = arith.constant 32 : index
      %get3A_555 = tpu.vector_load %arg7[%get3A_553, %get3A_554] {strides = array<i32>} : memref<512x128xf32, #tpu.memory_space<vmem>>, vector<16xf32>,
      %mul3A_556 = arith.mulf %get3A_552, %get3A_555 : vector<16xf32>
      %add3A_557 = arith.addf %add3A_549, %mul3A_556 : vector<16xf32>
      %get3A_558 = arith.index_cast %add3A_532 : i32 to index
      %get3A_559 = arith.constant 112 : index
      %get3A_560 = tpu.vector_load %arg6[%get3A_558, %get3A_559] {strides = array<i32>} : memref<256x128xf32, #tpu.memory_space<vmem>>, vector<16xf32>,
      %get3A_561 = arith.index_cast %add3A_534 : i32 to index
      %get3A_562 = arith.constant 48 : index
      %get3A_563 = tpu.vector_load %arg7[%get3A_561, %get3A_562] {strides = array<i32>} : memref<512x128xf32, #tpu.memory_space<vmem>>, vector<16xf32>,
      %mul3A_564 = arith.mulf %get3A_560, %get3A_563 : vector<16xf32>
      %add3A_565 = arith.addf %add3A_557, %mul3A_564 : vector<16xf32>
      %reduce_sum3A_566 = arith.constant true
      %reduce_sum3A_567 = vector.broadcast %reduce_sum3A_566 : i1 to vector<16xi1>
      %reduce_sum3A_568 = tpu.scan <sum>, %add3A_565 masked %reduce_sum3A_567 : vector<16xf32>, vector<16xi1> -> vector<16xf32>
      %reduce_sum3A_569 = vector.extract %reduce_sum3A_568[15] : f32 from vector<16xf32>
      %add3A_570 = arith.constant 3.000000e-01 : f32
      %add3A_571 = arith.addf %reduce_sum3A_569, %add3A_570 : f32
      %max3A_572 = arith.constant 0.000000e+00 : f32
      %max3A_573 = arith.maximumf %add3A_571, %max3A_572 : f32
      %get3A_574 = arith.index_cast %add3A_534 : i32 to index
      %get3A_575 = arith.constant 64 : index
      %get3A_576 = tpu.vector_load %arg7[%get3A_574, %get3A_575] {strides = array<i32>} : memref<512x128xf32, #tpu.memory_space<vmem>>, vector<16xf32>,
      %mul3A_577 = vector.broadcast %max3A_573 : f32 to vector<16xf32>
      %mul3A_578 = arith.mulf %mul3A_577, %get3A_576 : vector<16xf32>
      %add3A_579 = arith.addf %add3A_528, %mul3A_578 : vector<16xf32>
      %mul3A_580 = arith.constant 16 : i32
      %mul3A_581 = arith.muli %scan3A_224, %mul3A_580 : i32
      %add3A_582 = arith.constant 7 : i32
      %add3A_583 = arith.addi %mul3A_581, %add3A_582 : i32
      %add3A_584 = arith.constant 256 : i32
      %add3A_585 = arith.addi %add3A_584, %add3A_583 : i32
      %get3A_586 = arith.index_cast %add3A_583 : i32 to index
      %get3A_587 = arith.constant 64 : index
      %get3A_588 = tpu.vector_load %arg6[%get3A_586, %get3A_587] {strides = array<i32>} : memref<256x128xf32, #tpu.memory_space<vmem>>, vector<16xf32>,
      %get3A_589 = arith.index_cast %add3A_585 : i32 to index
      %get3A_590 = arith.constant 0 : index
      %get3A_591 = tpu.vector_load %arg7[%get3A_589, %get3A_590] {strides = array<i32>} : memref<512x128xf32, #tpu.memory_space<vmem>>, vector<16xf32>,
      %mul3A_592 = arith.mulf %get3A_588, %get3A_591 : vector<16xf32>
      %get3A_593 = arith.index_cast %add3A_583 : i32 to index
      %get3A_594 = arith.constant 80 : index
      %get3A_595 = tpu.vector_load %arg6[%get3A_593, %get3A_594] {strides = array<i32>} : memref<256x128xf32, #tpu.memory_space<vmem>>, vector<16xf32>,
      %get3A_596 = arith.index_cast %add3A_585 : i32 to index
      %get3A_597 = arith.constant 16 : index
      %get3A_598 = tpu.vector_load %arg7[%get3A_596, %get3A_597] {strides = array<i32>} : memref<512x128xf32, #tpu.memory_space<vmem>>, vector<16xf32>,
      %mul3A_599 = arith.mulf %get3A_595, %get3A_598 : vector<16xf32>
      %add3A_600 = arith.addf %mul3A_592, %mul3A_599 : vector<16xf32>
      %get3A_601 = arith.index_cast %add3A_583 : i32 to index
      %get3A_602 = arith.constant 96 : index
      %get3A_603 = tpu.vector_load %arg6[%get3A_601, %get3A_602] {strides = array<i32>} : memref<256x128xf32, #tpu.memory_space<vmem>>, vector<16xf32>,
      %get3A_604 = arith.index_cast %add3A_585 : i32 to index
      %get3A_605 = arith.constant 32 : index
      %get3A_606 = tpu.vector_load %arg7[%get3A_604, %get3A_605] {strides = array<i32>} : memref<512x128xf32, #tpu.memory_space<vmem>>, vector<16xf32>,
      %mul3A_607 = arith.mulf %get3A_603, %get3A_606 : vector<16xf32>
      %add3A_608 = arith.addf %add3A_600, %mul3A_607 : vector<16xf32>
      %get3A_609 = arith.index_cast %add3A_583 : i32 to index
      %get3A_610 = arith.constant 112 : index
      %get3A_611 = tpu.vector_load %arg6[%get3A_609, %get3A_610] {strides = array<i32>} : memref<256x128xf32, #tpu.memory_space<vmem>>, vector<16xf32>,
      %get3A_612 = arith.index_cast %add3A_585 : i32 to index
      %get3A_613 = arith.constant 48 : index
      %get3A_614 = tpu.vector_load %arg7[%get3A_612, %get3A_613] {strides = array<i32>} : memref<512x128xf32, #tpu.memory_space<vmem>>, vector<16xf32>,
      %mul3A_615 = arith.mulf %get3A_611, %get3A_614 : vector<16xf32>
      %add3A_616 = arith.addf %add3A_608, %mul3A_615 : vector<16xf32>
      %reduce_sum3A_617 = arith.constant true
      %reduce_sum3A_618 = vector.broadcast %reduce_sum3A_617 : i1 to vector<16xi1>
      %reduce_sum3A_619 = tpu.scan <sum>, %add3A_616 masked %reduce_sum3A_618 : vector<16xf32>, vector<16xi1> -> vector<16xf32>
      %reduce_sum3A_620 = vector.extract %reduce_sum3A_619[15] : f32 from vector<16xf32>
      %add3A_621 = arith.constant 3.000000e-01 : f32
      %add3A_622 = arith.addf %reduce_sum3A_620, %add3A_621 : f32
      %max3A_623 = arith.constant 0.000000e+00 : f32
      %max3A_624 = arith.maximumf %add3A_622, %max3A_623 : f32
      %get3A_625 = arith.index_cast %add3A_585 : i32 to index
      %get3A_626 = arith.constant 64 : index
      %get3A_627 = tpu.vector_load %arg7[%get3A_625, %get3A_626] {strides = array<i32>} : memref<512x128xf32, #tpu.memory_space<vmem>>, vector<16xf32>,
      %mul3A_628 = vector.broadcast %max3A_624 : f32 to vector<16xf32>
      %mul3A_629 = arith.mulf %mul3A_628, %get3A_627 : vector<16xf32>
      %add3A_630 = arith.addf %add3A_579, %mul3A_629 : vector<16xf32>
      %mul3A_631 = arith.constant 16 : i32
      %mul3A_632 = arith.muli %scan3A_224, %mul3A_631 : i32
      %add3A_633 = arith.constant 8 : i32
      %add3A_634 = arith.addi %mul3A_632, %add3A_633 : i32
      %add3A_635 = arith.constant 256 : i32
      %add3A_636 = arith.addi %add3A_635, %add3A_634 : i32
      %get3A_637 = arith.index_cast %add3A_634 : i32 to index
      %get3A_638 = arith.constant 64 : index
      %get3A_639 = tpu.vector_load %arg6[%get3A_637, %get3A_638] {strides = array<i32>} : memref<256x128xf32, #tpu.memory_space<vmem>>, vector<16xf32>,
      %get3A_640 = arith.index_cast %add3A_636 : i32 to index
      %get3A_641 = arith.constant 0 : index
      %get3A_642 = tpu.vector_load %arg7[%get3A_640, %get3A_641] {strides = array<i32>} : memref<512x128xf32, #tpu.memory_space<vmem>>, vector<16xf32>,
      %mul3A_643 = arith.mulf %get3A_639, %get3A_642 : vector<16xf32>
      %get3A_644 = arith.index_cast %add3A_634 : i32 to index
      %get3A_645 = arith.constant 80 : index
      %get3A_646 = tpu.vector_load %arg6[%get3A_644, %get3A_645] {strides = array<i32>} : memref<256x128xf32, #tpu.memory_space<vmem>>, vector<16xf32>,
      %get3A_647 = arith.index_cast %add3A_636 : i32 to index
      %get3A_648 = arith.constant 16 : index
      %get3A_649 = tpu.vector_load %arg7[%get3A_647, %get3A_648] {strides = array<i32>} : memref<512x128xf32, #tpu.memory_space<vmem>>, vector<16xf32>,
      %mul3A_650 = arith.mulf %get3A_646, %get3A_649 : vector<16xf32>
      %add3A_651 = arith.addf %mul3A_643, %mul3A_650 : vector<16xf32>
      %get3A_652 = arith.index_cast %add3A_634 : i32 to index
      %get3A_653 = arith.constant 96 : index
      %get3A_654 = tpu.vector_load %arg6[%get3A_652, %get3A_653] {strides = array<i32>} : memref<256x128xf32, #tpu.memory_space<vmem>>, vector<16xf32>,
      %get3A_655 = arith.index_cast %add3A_636 : i32 to index
      %get3A_656 = arith.constant 32 : index
      %get3A_657 = tpu.vector_load %arg7[%get3A_655, %get3A_656] {strides = array<i32>} : memref<512x128xf32, #tpu.memory_space<vmem>>, vector<16xf32>,
      %mul3A_658 = arith.mulf %get3A_654, %get3A_657 : vector<16xf32>
      %add3A_659 = arith.addf %add3A_651, %mul3A_658 : vector<16xf32>
      %get3A_660 = arith.index_cast %add3A_634 : i32 to index
      %get3A_661 = arith.constant 112 : index
      %get3A_662 = tpu.vector_load %arg6[%get3A_660, %get3A_661] {strides = array<i32>} : memref<256x128xf32, #tpu.memory_space<vmem>>, vector<16xf32>,
      %get3A_663 = arith.index_cast %add3A_636 : i32 to index
      %get3A_664 = arith.constant 48 : index
      %get3A_665 = tpu.vector_load %arg7[%get3A_663, %get3A_664] {strides = array<i32>} : memref<512x128xf32, #tpu.memory_space<vmem>>, vector<16xf32>,
      %mul3A_666 = arith.mulf %get3A_662, %get3A_665 : vector<16xf32>
      %add3A_667 = arith.addf %add3A_659, %mul3A_666 : vector<16xf32>
      %reduce_sum3A_668 = arith.constant true
      %reduce_sum3A_669 = vector.broadcast %reduce_sum3A_668 : i1 to vector<16xi1>
      %reduce_sum3A_670 = tpu.scan <sum>, %add3A_667 masked %reduce_sum3A_669 : vector<16xf32>, vector<16xi1> -> vector<16xf32>
      %reduce_sum3A_671 = vector.extract %reduce_sum3A_670[15] : f32 from vector<16xf32>
      %add3A_672 = arith.constant 3.000000e-01 : f32
      %add3A_673 = arith.addf %reduce_sum3A_671, %add3A_672 : f32
      %max3A_674 = arith.constant 0.000000e+00 : f32
      %max3A_675 = arith.maximumf %add3A_673, %max3A_674 : f32
      %get3A_676 = arith.index_cast %add3A_636 : i32 to index
      %get3A_677 = arith.constant 64 : index
      %get3A_678 = tpu.vector_load %arg7[%get3A_676, %get3A_677] {strides = array<i32>} : memref<512x128xf32, #tpu.memory_space<vmem>>, vector<16xf32>,
      %mul3A_679 = vector.broadcast %max3A_675 : f32 to vector<16xf32>
      %mul3A_680 = arith.mulf %mul3A_679, %get3A_678 : vector<16xf32>
      %add3A_681 = arith.addf %add3A_630, %mul3A_680 : vector<16xf32>
      %mul3A_682 = arith.constant 16 : i32
      %mul3A_683 = arith.muli %scan3A_224, %mul3A_682 : i32
      %add3A_684 = arith.constant 9 : i32
      %add3A_685 = arith.addi %mul3A_683, %add3A_684 : i32
      %add3A_686 = arith.constant 256 : i32
      %add3A_687 = arith.addi %add3A_686, %add3A_685 : i32
      %get3A_688 = arith.index_cast %add3A_685 : i32 to index
      %get3A_689 = arith.constant 64 : index
      %get3A_690 = tpu.vector_load %arg6[%get3A_688, %get3A_689] {strides = array<i32>} : memref<256x128xf32, #tpu.memory_space<vmem>>, vector<16xf32>,
      %get3A_691 = arith.index_cast %add3A_687 : i32 to index
      %get3A_692 = arith.constant 0 : index
      %get3A_693 = tpu.vector_load %arg7[%get3A_691, %get3A_692] {strides = array<i32>} : memref<512x128xf32, #tpu.memory_space<vmem>>, vector<16xf32>,
      %mul3A_694 = arith.mulf %get3A_690, %get3A_693 : vector<16xf32>
      %get3A_695 = arith.index_cast %add3A_685 : i32 to index
      %get3A_696 = arith.constant 80 : index
      %get3A_697 = tpu.vector_load %arg6[%get3A_695, %get3A_696] {strides = array<i32>} : memref<256x128xf32, #tpu.memory_space<vmem>>, vector<16xf32>,
      %get3A_698 = arith.index_cast %add3A_687 : i32 to index
      %get3A_699 = arith.constant 16 : index
      %get3A_700 = tpu.vector_load %arg7[%get3A_698, %get3A_699] {strides = array<i32>} : memref<512x128xf32, #tpu.memory_space<vmem>>, vector<16xf32>,
      %mul3A_701 = arith.mulf %get3A_697, %get3A_700 : vector<16xf32>
      %add3A_702 = arith.addf %mul3A_694, %mul3A_701 : vector<16xf32>
      %get3A_703 = arith.index_cast %add3A_685 : i32 to index
      %get3A_704 = arith.constant 96 : index
      %get3A_705 = tpu.vector_load %arg6[%get3A_703, %get3A_704] {strides = array<i32>} : memref<256x128xf32, #tpu.memory_space<vmem>>, vector<16xf32>,
      %get3A_706 = arith.index_cast %add3A_687 : i32 to index
      %get3A_707 = arith.constant 32 : index
      %get3A_708 = tpu.vector_load %arg7[%get3A_706, %get3A_707] {strides = array<i32>} : memref<512x128xf32, #tpu.memory_space<vmem>>, vector<16xf32>,
      %mul3A_709 = arith.mulf %get3A_705, %get3A_708 : vector<16xf32>
      %add3A_710 = arith.addf %add3A_702, %mul3A_709 : vector<16xf32>
      %get3A_711 = arith.index_cast %add3A_685 : i32 to index
      %get3A_712 = arith.constant 112 : index
      %get3A_713 = tpu.vector_load %arg6[%get3A_711, %get3A_712] {strides = array<i32>} : memref<256x128xf32, #tpu.memory_space<vmem>>, vector<16xf32>,
      %get3A_714 = arith.index_cast %add3A_687 : i32 to index
      %get3A_715 = arith.constant 48 : index
      %get3A_716 = tpu.vector_load %arg7[%get3A_714, %get3A_715] {strides = array<i32>} : memref<512x128xf32, #tpu.memory_space<vmem>>, vector<16xf32>,
      %mul3A_717 = arith.mulf %get3A_713, %get3A_716 : vector<16xf32>
      %add3A_718 = arith.addf %add3A_710, %mul3A_717 : vector<16xf32>
      %reduce_sum3A_719 = arith.constant true
      %reduce_sum3A_720 = vector.broadcast %reduce_sum3A_719 : i1 to vector<16xi1>
      %reduce_sum3A_721 = tpu.scan <sum>, %add3A_718 masked %reduce_sum3A_720 : vector<16xf32>, vector<16xi1> -> vector<16xf32>
      %reduce_sum3A_722 = vector.extract %reduce_sum3A_721[15] : f32 from vector<16xf32>
      %add3A_723 = arith.constant 3.000000e-01 : f32
      %add3A_724 = arith.addf %reduce_sum3A_722, %add3A_723 : f32
      %max3A_725 = arith.constant 0.000000e+00 : f32
      %max3A_726 = arith.maximumf %add3A_724, %max3A_725 : f32
      %get3A_727 = arith.index_cast %add3A_687 : i32 to index
      %get3A_728 = arith.constant 64 : index
      %get3A_729 = tpu.vector_load %arg7[%get3A_727, %get3A_728] {strides = array<i32>} : memref<512x128xf32, #tpu.memory_space<vmem>>, vector<16xf32>,
      %mul3A_730 = vector.broadcast %max3A_726 : f32 to vector<16xf32>
      %mul3A_731 = arith.mulf %mul3A_730, %get3A_729 : vector<16xf32>
      %add3A_732 = arith.addf %add3A_681, %mul3A_731 : vector<16xf32>
      %mul3A_733 = arith.constant 16 : i32
      %mul3A_734 = arith.muli %scan3A_224, %mul3A_733 : i32
      %add3A_735 = arith.constant 10 : i32
      %add3A_736 = arith.addi %mul3A_734, %add3A_735 : i32
      %add3A_737 = arith.constant 256 : i32
      %add3A_738 = arith.addi %add3A_737, %add3A_736 : i32
      %get3A_739 = arith.index_cast %add3A_736 : i32 to index
      %get3A_740 = arith.constant 64 : index
      %get3A_741 = tpu.vector_load %arg6[%get3A_739, %get3A_740] {strides = array<i32>} : memref<256x128xf32, #tpu.memory_space<vmem>>, vector<16xf32>,
      %get3A_742 = arith.index_cast %add3A_738 : i32 to index
      %get3A_743 = arith.constant 0 : index
      %get3A_744 = tpu.vector_load %arg7[%get3A_742, %get3A_743] {strides = array<i32>} : memref<512x128xf32, #tpu.memory_space<vmem>>, vector<16xf32>,
      %mul3A_745 = arith.mulf %get3A_741, %get3A_744 : vector<16xf32>
      %get3A_746 = arith.index_cast %add3A_736 : i32 to index
      %get3A_747 = arith.constant 80 : index
      %get3A_748 = tpu.vector_load %arg6[%get3A_746, %get3A_747] {strides = array<i32>} : memref<256x128xf32, #tpu.memory_space<vmem>>, vector<16xf32>,
      %get3A_749 = arith.index_cast %add3A_738 : i32 to index
      %get3A_750 = arith.constant 16 : index
      %get3A_751 = tpu.vector_load %arg7[%get3A_749, %get3A_750] {strides = array<i32>} : memref<512x128xf32, #tpu.memory_space<vmem>>, vector<16xf32>,
      %mul3A_752 = arith.mulf %get3A_748, %get3A_751 : vector<16xf32>
      %add3A_753 = arith.addf %mul3A_745, %mul3A_752 : vector<16xf32>
      %get3A_754 = arith.index_cast %add3A_736 : i32 to index
      %get3A_755 = arith.constant 96 : index
      %get3A_756 = tpu.vector_load %arg6[%get3A_754, %get3A_755] {strides = array<i32>} : memref<256x128xf32, #tpu.memory_space<vmem>>, vector<16xf32>,
      %get3A_757 = arith.index_cast %add3A_738 : i32 to index
      %get3A_758 = arith.constant 32 : index
      %get3A_759 = tpu.vector_load %arg7[%get3A_757, %get3A_758] {strides = array<i32>} : memref<512x128xf32, #tpu.memory_space<vmem>>, vector<16xf32>,
      %mul3A_760 = arith.mulf %get3A_756, %get3A_759 : vector<16xf32>
      %add3A_761 = arith.addf %add3A_753, %mul3A_760 : vector<16xf32>
      %get3A_762 = arith.index_cast %add3A_736 : i32 to index
      %get3A_763 = arith.constant 112 : index
      %get3A_764 = tpu.vector_load %arg6[%get3A_762, %get3A_763] {strides = array<i32>} : memref<256x128xf32, #tpu.memory_space<vmem>>, vector<16xf32>,
      %get3A_765 = arith.index_cast %add3A_738 : i32 to index
      %get3A_766 = arith.constant 48 : index
      %get3A_767 = tpu.vector_load %arg7[%get3A_765, %get3A_766] {strides = array<i32>} : memref<512x128xf32, #tpu.memory_space<vmem>>, vector<16xf32>,
      %mul3A_768 = arith.mulf %get3A_764, %get3A_767 : vector<16xf32>
      %add3A_769 = arith.addf %add3A_761, %mul3A_768 : vector<16xf32>
      %reduce_sum3A_770 = arith.constant true
      %reduce_sum3A_771 = vector.broadcast %reduce_sum3A_770 : i1 to vector<16xi1>
      %reduce_sum3A_772 = tpu.scan <sum>, %add3A_769 masked %reduce_sum3A_771 : vector<16xf32>, vector<16xi1> -> vector<16xf32>
      %reduce_sum3A_773 = vector.extract %reduce_sum3A_772[15] : f32 from vector<16xf32>
      %add3A_774 = arith.constant 3.000000e-01 : f32
      %add3A_775 = arith.addf %reduce_sum3A_773, %add3A_774 : f32
      %max3A_776 = arith.constant 0.000000e+00 : f32
      %max3A_777 = arith.maximumf %add3A_775, %max3A_776 : f32
      %get3A_778 = arith.index_cast %add3A_738 : i32 to index
      %get3A_779 = arith.constant 64 : index
      %get3A_780 = tpu.vector_load %arg7[%get3A_778, %get3A_779] {strides = array<i32>} : memref<512x128xf32, #tpu.memory_space<vmem>>, vector<16xf32>,
      %mul3A_781 = vector.broadcast %max3A_777 : f32 to vector<16xf32>
      %mul3A_782 = arith.mulf %mul3A_781, %get3A_780 : vector<16xf32>
      %add3A_783 = arith.addf %add3A_732, %mul3A_782 : vector<16xf32>
      %mul3A_784 = arith.constant 16 : i32
      %mul3A_785 = arith.muli %scan3A_224, %mul3A_784 : i32
      %add3A_786 = arith.constant 11 : i32
      %add3A_787 = arith.addi %mul3A_785, %add3A_786 : i32
      %add3A_788 = arith.constant 256 : i32
      %add3A_789 = arith.addi %add3A_788, %add3A_787 : i32
      %get3A_790 = arith.index_cast %add3A_787 : i32 to index
      %get3A_791 = arith.constant 64 : index
      %get3A_792 = tpu.vector_load %arg6[%get3A_790, %get3A_791] {strides = array<i32>} : memref<256x128xf32, #tpu.memory_space<vmem>>, vector<16xf32>,
      %get3A_793 = arith.index_cast %add3A_789 : i32 to index
      %get3A_794 = arith.constant 0 : index
      %get3A_795 = tpu.vector_load %arg7[%get3A_793, %get3A_794] {strides = array<i32>} : memref<512x128xf32, #tpu.memory_space<vmem>>, vector<16xf32>,
      %mul3A_796 = arith.mulf %get3A_792, %get3A_795 : vector<16xf32>
      %get3A_797 = arith.index_cast %add3A_787 : i32 to index
      %get3A_798 = arith.constant 80 : index
      %get3A_799 = tpu.vector_load %arg6[%get3A_797, %get3A_798] {strides = array<i32>} : memref<256x128xf32, #tpu.memory_space<vmem>>, vector<16xf32>,
      %get3A_800 = arith.index_cast %add3A_789 : i32 to index
      %get3A_801 = arith.constant 16 : index
      %get3A_802 = tpu.vector_load %arg7[%get3A_800, %get3A_801] {strides = array<i32>} : memref<512x128xf32, #tpu.memory_space<vmem>>, vector<16xf32>,
      %mul3A_803 = arith.mulf %get3A_799, %get3A_802 : vector<16xf32>
      %add3A_804 = arith.addf %mul3A_796, %mul3A_803 : vector<16xf32>
      %get3A_805 = arith.index_cast %add3A_787 : i32 to index
      %get3A_806 = arith.constant 96 : index
      %get3A_807 = tpu.vector_load %arg6[%get3A_805, %get3A_806] {strides = array<i32>} : memref<256x128xf32, #tpu.memory_space<vmem>>, vector<16xf32>,
      %get3A_808 = arith.index_cast %add3A_789 : i32 to index
      %get3A_809 = arith.constant 32 : index
      %get3A_810 = tpu.vector_load %arg7[%get3A_808, %get3A_809] {strides = array<i32>} : memref<512x128xf32, #tpu.memory_space<vmem>>, vector<16xf32>,
      %mul3A_811 = arith.mulf %get3A_807, %get3A_810 : vector<16xf32>
      %add3A_812 = arith.addf %add3A_804, %mul3A_811 : vector<16xf32>
      %get3A_813 = arith.index_cast %add3A_787 : i32 to index
      %get3A_814 = arith.constant 112 : index
      %get3A_815 = tpu.vector_load %arg6[%get3A_813, %get3A_814] {strides = array<i32>} : memref<256x128xf32, #tpu.memory_space<vmem>>, vector<16xf32>,
      %get3A_816 = arith.index_cast %add3A_789 : i32 to index
      %get3A_817 = arith.constant 48 : index
      %get3A_818 = tpu.vector_load %arg7[%get3A_816, %get3A_817] {strides = array<i32>} : memref<512x128xf32, #tpu.memory_space<vmem>>, vector<16xf32>,
      %mul3A_819 = arith.mulf %get3A_815, %get3A_818 : vector<16xf32>
      %add3A_820 = arith.addf %add3A_812, %mul3A_819 : vector<16xf32>
      %reduce_sum3A_821 = arith.constant true
      %reduce_sum3A_822 = vector.broadcast %reduce_sum3A_821 : i1 to vector<16xi1>
      %reduce_sum3A_823 = tpu.scan <sum>, %add3A_820 masked %reduce_sum3A_822 : vector<16xf32>, vector<16xi1> -> vector<16xf32>
      %reduce_sum3A_824 = vector.extract %reduce_sum3A_823[15] : f32 from vector<16xf32>
      %add3A_825 = arith.constant 3.000000e-01 : f32
      %add3A_826 = arith.addf %reduce_sum3A_824, %add3A_825 : f32
      %max3A_827 = arith.constant 0.000000e+00 : f32
      %max3A_828 = arith.maximumf %add3A_826, %max3A_827 : f32
      %get3A_829 = arith.index_cast %add3A_789 : i32 to index
      %get3A_830 = arith.constant 64 : index
      %get3A_831 = tpu.vector_load %arg7[%get3A_829, %get3A_830] {strides = array<i32>} : memref<512x128xf32, #tpu.memory_space<vmem>>, vector<16xf32>,
      %mul3A_832 = vector.broadcast %max3A_828 : f32 to vector<16xf32>
      %mul3A_833 = arith.mulf %mul3A_832, %get3A_831 : vector<16xf32>
      %add3A_834 = arith.addf %add3A_783, %mul3A_833 : vector<16xf32>
      %mul3A_835 = arith.constant 16 : i32
      %mul3A_836 = arith.muli %scan3A_224, %mul3A_835 : i32
      %add3A_837 = arith.constant 12 : i32
      %add3A_838 = arith.addi %mul3A_836, %add3A_837 : i32
      %add3A_839 = arith.constant 256 : i32
      %add3A_840 = arith.addi %add3A_839, %add3A_838 : i32
      %get3A_841 = arith.index_cast %add3A_838 : i32 to index
      %get3A_842 = arith.constant 64 : index
      %get3A_843 = tpu.vector_load %arg6[%get3A_841, %get3A_842] {strides = array<i32>} : memref<256x128xf32, #tpu.memory_space<vmem>>, vector<16xf32>,
      %get3A_844 = arith.index_cast %add3A_840 : i32 to index
      %get3A_845 = arith.constant 0 : index
      %get3A_846 = tpu.vector_load %arg7[%get3A_844, %get3A_845] {strides = array<i32>} : memref<512x128xf32, #tpu.memory_space<vmem>>, vector<16xf32>,
      %mul3A_847 = arith.mulf %get3A_843, %get3A_846 : vector<16xf32>
      %get3A_848 = arith.index_cast %add3A_838 : i32 to index
      %get3A_849 = arith.constant 80 : index
      %get3A_850 = tpu.vector_load %arg6[%get3A_848, %get3A_849] {strides = array<i32>} : memref<256x128xf32, #tpu.memory_space<vmem>>, vector<16xf32>,
      %get3A_851 = arith.index_cast %add3A_840 : i32 to index
      %get3A_852 = arith.constant 16 : index
      %get3A_853 = tpu.vector_load %arg7[%get3A_851, %get3A_852] {strides = array<i32>} : memref<512x128xf32, #tpu.memory_space<vmem>>, vector<16xf32>,
      %mul3A_854 = arith.mulf %get3A_850, %get3A_853 : vector<16xf32>
      %add3A_855 = arith.addf %mul3A_847, %mul3A_854 : vector<16xf32>
      %get3A_856 = arith.index_cast %add3A_838 : i32 to index
      %get3A_857 = arith.constant 96 : index
      %get3A_858 = tpu.vector_load %arg6[%get3A_856, %get3A_857] {strides = array<i32>} : memref<256x128xf32, #tpu.memory_space<vmem>>, vector<16xf32>,
      %get3A_859 = arith.index_cast %add3A_840 : i32 to index
      %get3A_860 = arith.constant 32 : index
      %get3A_861 = tpu.vector_load %arg7[%get3A_859, %get3A_860] {strides = array<i32>} : memref<512x128xf32, #tpu.memory_space<vmem>>, vector<16xf32>,
      %mul3A_862 = arith.mulf %get3A_858, %get3A_861 : vector<16xf32>
      %add3A_863 = arith.addf %add3A_855, %mul3A_862 : vector<16xf32>
      %get3A_864 = arith.index_cast %add3A_838 : i32 to index
      %get3A_865 = arith.constant 112 : index
      %get3A_866 = tpu.vector_load %arg6[%get3A_864, %get3A_865] {strides = array<i32>} : memref<256x128xf32, #tpu.memory_space<vmem>>, vector<16xf32>,
      %get3A_867 = arith.index_cast %add3A_840 : i32 to index
      %get3A_868 = arith.constant 48 : index
      %get3A_869 = tpu.vector_load %arg7[%get3A_867, %get3A_868] {strides = array<i32>} : memref<512x128xf32, #tpu.memory_space<vmem>>, vector<16xf32>,
      %mul3A_870 = arith.mulf %get3A_866, %get3A_869 : vector<16xf32>
      %add3A_871 = arith.addf %add3A_863, %mul3A_870 : vector<16xf32>
      %reduce_sum3A_872 = arith.constant true
      %reduce_sum3A_873 = vector.broadcast %reduce_sum3A_872 : i1 to vector<16xi1>
      %reduce_sum3A_874 = tpu.scan <sum>, %add3A_871 masked %reduce_sum3A_873 : vector<16xf32>, vector<16xi1> -> vector<16xf32>
      %reduce_sum3A_875 = vector.extract %reduce_sum3A_874[15] : f32 from vector<16xf32>
      %add3A_876 = arith.constant 3.000000e-01 : f32
      %add3A_877 = arith.addf %reduce_sum3A_875, %add3A_876 : f32
      %max3A_878 = arith.constant 0.000000e+00 : f32
      %max3A_879 = arith.maximumf %add3A_877, %max3A_878 : f32
      %get3A_880 = arith.index_cast %add3A_840 : i32 to index
      %get3A_881 = arith.constant 64 : index
      %get3A_882 = tpu.vector_load %arg7[%get3A_880, %get3A_881] {strides = array<i32>} : memref<512x128xf32, #tpu.memory_space<vmem>>, vector<16xf32>,
      %mul3A_883 = vector.broadcast %max3A_879 : f32 to vector<16xf32>
      %mul3A_884 = arith.mulf %mul3A_883, %get3A_882 : vector<16xf32>
      %add3A_885 = arith.addf %add3A_834, %mul3A_884 : vector<16xf32>
      %mul3A_886 = arith.constant 16 : i32
      %mul3A_887 = arith.muli %scan3A_224, %mul3A_886 : i32
      %add3A_888 = arith.constant 13 : i32
      %add3A_889 = arith.addi %mul3A_887, %add3A_888 : i32
      %add3A_890 = arith.constant 256 : i32
      %add3A_891 = arith.addi %add3A_890, %add3A_889 : i32
      %get3A_892 = arith.index_cast %add3A_889 : i32 to index
      %get3A_893 = arith.constant 64 : index
      %get3A_894 = tpu.vector_load %arg6[%get3A_892, %get3A_893] {strides = array<i32>} : memref<256x128xf32, #tpu.memory_space<vmem>>, vector<16xf32>,
      %get3A_895 = arith.index_cast %add3A_891 : i32 to index
      %get3A_896 = arith.constant 0 : index
      %get3A_897 = tpu.vector_load %arg7[%get3A_895, %get3A_896] {strides = array<i32>} : memref<512x128xf32, #tpu.memory_space<vmem>>, vector<16xf32>,
      %mul3A_898 = arith.mulf %get3A_894, %get3A_897 : vector<16xf32>
      %get3A_899 = arith.index_cast %add3A_889 : i32 to index
      %get3A_900 = arith.constant 80 : index
      %get3A_901 = tpu.vector_load %arg6[%get3A_899, %get3A_900] {strides = array<i32>} : memref<256x128xf32, #tpu.memory_space<vmem>>, vector<16xf32>,
      %get3A_902 = arith.index_cast %add3A_891 : i32 to index
      %get3A_903 = arith.constant 16 : index
      %get3A_904 = tpu.vector_load %arg7[%get3A_902, %get3A_903] {strides = array<i32>} : memref<512x128xf32, #tpu.memory_space<vmem>>, vector<16xf32>,
      %mul3A_905 = arith.mulf %get3A_901, %get3A_904 : vector<16xf32>
      %add3A_906 = arith.addf %mul3A_898, %mul3A_905 : vector<16xf32>
      %get3A_907 = arith.index_cast %add3A_889 : i32 to index
      %get3A_908 = arith.constant 96 : index
      %get3A_909 = tpu.vector_load %arg6[%get3A_907, %get3A_908] {strides = array<i32>} : memref<256x128xf32, #tpu.memory_space<vmem>>, vector<16xf32>,
      %get3A_910 = arith.index_cast %add3A_891 : i32 to index
      %get3A_911 = arith.constant 32 : index
      %get3A_912 = tpu.vector_load %arg7[%get3A_910, %get3A_911] {strides = array<i32>} : memref<512x128xf32, #tpu.memory_space<vmem>>, vector<16xf32>,
      %mul3A_913 = arith.mulf %get3A_909, %get3A_912 : vector<16xf32>
      %add3A_914 = arith.addf %add3A_906, %mul3A_913 : vector<16xf32>
      %get3A_915 = arith.index_cast %add3A_889 : i32 to index
      %get3A_916 = arith.constant 112 : index
      %get3A_917 = tpu.vector_load %arg6[%get3A_915, %get3A_916] {strides = array<i32>} : memref<256x128xf32, #tpu.memory_space<vmem>>, vector<16xf32>,
      %get3A_918 = arith.index_cast %add3A_891 : i32 to index
      %get3A_919 = arith.constant 48 : index
      %get3A_920 = tpu.vector_load %arg7[%get3A_918, %get3A_919] {strides = array<i32>} : memref<512x128xf32, #tpu.memory_space<vmem>>, vector<16xf32>,
      %mul3A_921 = arith.mulf %get3A_917, %get3A_920 : vector<16xf32>
      %add3A_922 = arith.addf %add3A_914, %mul3A_921 : vector<16xf32>
      %reduce_sum3A_923 = arith.constant true
      %reduce_sum3A_924 = vector.broadcast %reduce_sum3A_923 : i1 to vector<16xi1>
      %reduce_sum3A_925 = tpu.scan <sum>, %add3A_922 masked %reduce_sum3A_924 : vector<16xf32>, vector<16xi1> -> vector<16xf32>
      %reduce_sum3A_926 = vector.extract %reduce_sum3A_925[15] : f32 from vector<16xf32>
      %add3A_927 = arith.constant 3.000000e-01 : f32
      %add3A_928 = arith.addf %reduce_sum3A_926, %add3A_927 : f32
      %max3A_929 = arith.constant 0.000000e+00 : f32
      %max3A_930 = arith.maximumf %add3A_928, %max3A_929 : f32
      %get3A_931 = arith.index_cast %add3A_891 : i32 to index
      %get3A_932 = arith.constant 64 : index
      %get3A_933 = tpu.vector_load %arg7[%get3A_931, %get3A_932] {strides = array<i32>} : memref<512x128xf32, #tpu.memory_space<vmem>>, vector<16xf32>,
      %mul3A_934 = vector.broadcast %max3A_930 : f32 to vector<16xf32>
      %mul3A_935 = arith.mulf %mul3A_934, %get3A_933 : vector<16xf32>
      %add3A_936 = arith.addf %add3A_885, %mul3A_935 : vector<16xf32>
      %mul3A_937 = arith.constant 16 : i32
      %mul3A_938 = arith.muli %scan3A_224, %mul3A_937 : i32
      %add3A_939 = arith.constant 14 : i32
      %add3A_940 = arith.addi %mul3A_938, %add3A_939 : i32
      %add3A_941 = arith.constant 256 : i32
      %add3A_942 = arith.addi %add3A_941, %add3A_940 : i32
      %get3A_943 = arith.index_cast %add3A_940 : i32 to index
      %get3A_944 = arith.constant 64 : index
      %get3A_945 = tpu.vector_load %arg6[%get3A_943, %get3A_944] {strides = array<i32>} : memref<256x128xf32, #tpu.memory_space<vmem>>, vector<16xf32>,
      %get3A_946 = arith.index_cast %add3A_942 : i32 to index
      %get3A_947 = arith.constant 0 : index
      %get3A_948 = tpu.vector_load %arg7[%get3A_946, %get3A_947] {strides = array<i32>} : memref<512x128xf32, #tpu.memory_space<vmem>>, vector<16xf32>,
      %mul3A_949 = arith.mulf %get3A_945, %get3A_948 : vector<16xf32>
      %get3A_950 = arith.index_cast %add3A_940 : i32 to index
      %get3A_951 = arith.constant 80 : index
      %get3A_952 = tpu.vector_load %arg6[%get3A_950, %get3A_951] {strides = array<i32>} : memref<256x128xf32, #tpu.memory_space<vmem>>, vector<16xf32>,
      %get3A_953 = arith.index_cast %add3A_942 : i32 to index
      %get3A_954 = arith.constant 16 : index
      %get3A_955 = tpu.vector_load %arg7[%get3A_953, %get3A_954] {strides = array<i32>} : memref<512x128xf32, #tpu.memory_space<vmem>>, vector<16xf32>,
      %mul3A_956 = arith.mulf %get3A_952, %get3A_955 : vector<16xf32>
      %add3A_957 = arith.addf %mul3A_949, %mul3A_956 : vector<16xf32>
      %get3A_958 = arith.index_cast %add3A_940 : i32 to index
      %get3A_959 = arith.constant 96 : index
      %get3A_960 = tpu.vector_load %arg6[%get3A_958, %get3A_959] {strides = array<i32>} : memref<256x128xf32, #tpu.memory_space<vmem>>, vector<16xf32>,
      %get3A_961 = arith.index_cast %add3A_942 : i32 to index
      %get3A_962 = arith.constant 32 : index
      %get3A_963 = tpu.vector_load %arg7[%get3A_961, %get3A_962] {strides = array<i32>} : memref<512x128xf32, #tpu.memory_space<vmem>>, vector<16xf32>,
      %mul3A_964 = arith.mulf %get3A_960, %get3A_963 : vector<16xf32>
      %add3A_965 = arith.addf %add3A_957, %mul3A_964 : vector<16xf32>
      %get3A_966 = arith.index_cast %add3A_940 : i32 to index
      %get3A_967 = arith.constant 112 : index
      %get3A_968 = tpu.vector_load %arg6[%get3A_966, %get3A_967] {strides = array<i32>} : memref<256x128xf32, #tpu.memory_space<vmem>>, vector<16xf32>,
      %get3A_969 = arith.index_cast %add3A_942 : i32 to index
      %get3A_970 = arith.constant 48 : index
      %get3A_971 = tpu.vector_load %arg7[%get3A_969, %get3A_970] {strides = array<i32>} : memref<512x128xf32, #tpu.memory_space<vmem>>, vector<16xf32>,
      %mul3A_972 = arith.mulf %get3A_968, %get3A_971 : vector<16xf32>
      %add3A_973 = arith.addf %add3A_965, %mul3A_972 : vector<16xf32>
      %reduce_sum3A_974 = arith.constant true
      %reduce_sum3A_975 = vector.broadcast %reduce_sum3A_974 : i1 to vector<16xi1>
      %reduce_sum3A_976 = tpu.scan <sum>, %add3A_973 masked %reduce_sum3A_975 : vector<16xf32>, vector<16xi1> -> vector<16xf32>
      %reduce_sum3A_977 = vector.extract %reduce_sum3A_976[15] : f32 from vector<16xf32>
      %add3A_978 = arith.constant 3.000000e-01 : f32
      %add3A_979 = arith.addf %reduce_sum3A_977, %add3A_978 : f32
      %max3A_980 = arith.constant 0.000000e+00 : f32
      %max3A_981 = arith.maximumf %add3A_979, %max3A_980 : f32
      %get3A_982 = arith.index_cast %add3A_942 : i32 to index
      %get3A_983 = arith.constant 64 : index
      %get3A_984 = tpu.vector_load %arg7[%get3A_982, %get3A_983] {strides = array<i32>} : memref<512x128xf32, #tpu.memory_space<vmem>>, vector<16xf32>,
      %mul3A_985 = vector.broadcast %max3A_981 : f32 to vector<16xf32>
      %mul3A_986 = arith.mulf %mul3A_985, %get3A_984 : vector<16xf32>
      %add3A_987 = arith.addf %add3A_936, %mul3A_986 : vector<16xf32>
      %mul3A_988 = arith.constant 16 : i32
      %mul3A_989 = arith.muli %scan3A_224, %mul3A_988 : i32
      %add3A_990 = arith.constant 15 : i32
      %add3A_991 = arith.addi %mul3A_989, %add3A_990 : i32
      %add3A_992 = arith.constant 256 : i32
      %add3A_993 = arith.addi %add3A_992, %add3A_991 : i32
      %get3A_994 = arith.index_cast %add3A_991 : i32 to index
      %get3A_995 = arith.constant 64 : index
      %get3A_996 = tpu.vector_load %arg6[%get3A_994, %get3A_995] {strides = array<i32>} : memref<256x128xf32, #tpu.memory_space<vmem>>, vector<16xf32>,
      %get3A_997 = arith.index_cast %add3A_993 : i32 to index
      %get3A_998 = arith.constant 0 : index
      %get3A_999 = tpu.vector_load %arg7[%get3A_997, %get3A_998] {strides = array<i32>} : memref<512x128xf32, #tpu.memory_space<vmem>>, vector<16xf32>,
      %mul3A_1000 = arith.mulf %get3A_996, %get3A_999 : vector<16xf32>
      %get3A_1001 = arith.index_cast %add3A_991 : i32 to index
      %get3A_1002 = arith.constant 80 : index
      %get3A_1003 = tpu.vector_load %arg6[%get3A_1001, %get3A_1002] {strides = array<i32>} : memref<256x128xf32, #tpu.memory_space<vmem>>, vector<16xf32>,
      %get3A_1004 = arith.index_cast %add3A_993 : i32 to index
      %get3A_1005 = arith.constant 16 : index
      %get3A_1006 = tpu.vector_load %arg7[%get3A_1004, %get3A_1005] {strides = array<i32>} : memref<512x128xf32, #tpu.memory_space<vmem>>, vector<16xf32>,
      %mul3A_1007 = arith.mulf %get3A_1003, %get3A_1006 : vector<16xf32>
      %add3A_1008 = arith.addf %mul3A_1000, %mul3A_1007 : vector<16xf32>
      %get3A_1009 = arith.index_cast %add3A_991 : i32 to index
      %get3A_1010 = arith.constant 96 : index
      %get3A_1011 = tpu.vector_load %arg6[%get3A_1009, %get3A_1010] {strides = array<i32>} : memref<256x128xf32, #tpu.memory_space<vmem>>, vector<16xf32>,
      %get3A_1012 = arith.index_cast %add3A_993 : i32 to index
      %get3A_1013 = arith.constant 32 : index
      %get3A_1014 = tpu.vector_load %arg7[%get3A_1012, %get3A_1013] {strides = array<i32>} : memref<512x128xf32, #tpu.memory_space<vmem>>, vector<16xf32>,
      %mul3A_1015 = arith.mulf %get3A_1011, %get3A_1014 : vector<16xf32>
      %add3A_1016 = arith.addf %add3A_1008, %mul3A_1015 : vector<16xf32>
      %get3A_1017 = arith.index_cast %add3A_991 : i32 to index
      %get3A_1018 = arith.constant 112 : index
      %get3A_1019 = tpu.vector_load %arg6[%get3A_1017, %get3A_1018] {strides = array<i32>} : memref<256x128xf32, #tpu.memory_space<vmem>>, vector<16xf32>,
      %get3A_1020 = arith.index_cast %add3A_993 : i32 to index
      %get3A_1021 = arith.constant 48 : index
      %get3A_1022 = tpu.vector_load %arg7[%get3A_1020, %get3A_1021] {strides = array<i32>} : memref<512x128xf32, #tpu.memory_space<vmem>>, vector<16xf32>,
      %mul3A_1023 = arith.mulf %get3A_1019, %get3A_1022 : vector<16xf32>
      %add3A_1024 = arith.addf %add3A_1016, %mul3A_1023 : vector<16xf32>
      %reduce_sum3A_1025 = arith.constant true
      %reduce_sum3A_1026 = vector.broadcast %reduce_sum3A_1025 : i1 to vector<16xi1>
      %reduce_sum3A_1027 = tpu.scan <sum>, %add3A_1024 masked %reduce_sum3A_1026 : vector<16xf32>, vector<16xi1> -> vector<16xf32>
      %reduce_sum3A_1028 = vector.extract %reduce_sum3A_1027[15] : f32 from vector<16xf32>
      %add3A_1029 = arith.constant 3.000000e-01 : f32
      %add3A_1030 = arith.addf %reduce_sum3A_1028, %add3A_1029 : f32
      %max3A_1031 = arith.constant 0.000000e+00 : f32
      %max3A_1032 = arith.maximumf %add3A_1030, %max3A_1031 : f32
      %get3A_1033 = arith.index_cast %add3A_993 : i32 to index
      %get3A_1034 = arith.constant 64 : index
      %get3A_1035 = tpu.vector_load %arg7[%get3A_1033, %get3A_1034] {strides = array<i32>} : memref<512x128xf32, #tpu.memory_space<vmem>>, vector<16xf32>,
      %mul3A_1036 = vector.broadcast %max3A_1032 : f32 to vector<16xf32>
      %mul3A_1037 = arith.mulf %mul3A_1036, %get3A_1035 : vector<16xf32>
      %add3A_1038 = arith.addf %add3A_987, %mul3A_1037 : vector<16xf32>
      scf.yield %add3A_1038 : vector<16xf32>
    }
    %scan3A_222 = arith.constant 16 : i32
    %swap3A = arith.constant 0 : index
    %swap3A_223 = tpu.vector_load %arg9[%swap3A] {strides = array<i32>} : memref<16xf32, #tpu.memory_space<vmem>>, vector<16xf32>,
    tpu.vector_store %arg9[%swap3A], %scan3A_221 {strides = array<i32>} : memref<16xf32, #tpu.memory_space<vmem>>, vector<16xf32>,
    "tpu.region"() ({
      %run_scoped3A = tpu.sem_alloc : memref<!tpu.dma_semaphore, #tpu.memory_space<semaphore_mem>>
      %dma_start3A_224 = arith.constant 0 : i32
      %dma_start3A_225 = tpu.memref_slice %arg5[%arg0, %arg1, %dma_start3A_224] : memref<2x16x16xf32, #tpu.memory_space<hbm>> -> memref<1x1x16xf32, #tpu.memory_space<hbm>>
      %dma_start3A_226 = tpu.memref_squeeze %dma_start3A_225 : memref<1x1x16xf32, #tpu.memory_space<hbm>> -> memref<16xf32, #tpu.memory_space<hbm>>
      %dma_start3A_227 = arith.constant 0 : i32
      %dma_start3A_228 = tpu.memref_slice %arg5[%arg0, %arg1, %dma_start3A_227] : memref<2x16x16xf32, #tpu.memory_space<hbm>> -> memref<1x1x16xf32, #tpu.memory_space<hbm>>
      %dma_start3A_229 = tpu.memref_squeeze %dma_start3A_228 : memref<1x1x16xf32, #tpu.memory_space<hbm>> -> memref<16xf32, #tpu.memory_space<hbm>>
      tpu.enqueue_dma source(%arg9 : memref<16xf32, #tpu.memory_space<vmem>>) target(%dma_start3A_229 : memref<16xf32, #tpu.memory_space<hbm>>) target_semaphore(%run_scoped3A : memref<!tpu.dma_semaphore, #tpu.memory_space<semaphore_mem>>)
      %dma_wait3A_230 = arith.constant 0 : i32
      %dma_wait3A_231 = tpu.memref_slice %arg5[%arg0, %arg1, %dma_wait3A_230] : memref<2x16x16xf32, #tpu.memory_space<hbm>> -> memref<1x1x16xf32, #tpu.memory_space<hbm>>
      %dma_wait3A_232 = tpu.memref_squeeze %dma_wait3A_231 : memref<1x1x16xf32, #tpu.memory_space<hbm>> -> memref<16xf32, #tpu.memory_space<hbm>>
      %dma_wait3A_233 = arith.constant 0 : i32
      %dma_wait3A_234 = tpu.memref_slice %arg5[%arg0, %arg1, %dma_wait3A_233] : memref<2x16x16xf32, #tpu.memory_space<hbm>> -> memref<1x1x16xf32, #tpu.memory_space<hbm>>
      %dma_wait3A_235 = tpu.memref_squeeze %dma_wait3A_234 : memref<1x1x16xf32, #tpu.memory_space<hbm>> -> memref<16xf32, #tpu.memory_space<hbm>>
      tpu.wait_dma2 semaphore(%run_scoped3A : memref<!tpu.dma_semaphore, #tpu.memory_space<semaphore_mem>>) src(%arg9 : memref<16xf32, #tpu.memory_space<vmem>>) dst(%dma_wait3A_235 : memref<16xf32, #tpu.memory_space<hbm>>)
      tpu.yield
    }) : () -> ()
    return
  }
}

module attributes {stable_mosaic.version = 14 : i64} {
  func.func @_centroid_body(%arg0: memref<2x1024x80xf32, #tpu.memory_space<vmem>>, %arg1: memref<1024x128xf32, #tpu.memory_space<vmem>>) attributes {dimension_semantics = [], scalar_prefetch = 0 : i64, scratch_operands = 0 : i64, tpu.core_type = #tpu.core_type<tc>} {
    %get3A = arith.constant 0 : index
    %get3A_0 = arith.constant 0 : index
    %get3A_1 = arith.constant 0 : index
    %get3A_2 = vector.load %arg0[%get3A, %get3A_0, %get3A_1] : memref<2x1024x80xf32, #tpu.memory_space<vmem>>, vector<1x1024x64xf32>
    %get3A_3 = vector.shape_cast %get3A_2 : vector<1x1024x64xf32> to vector<1024x64xf32>
    %get3A_4 = arith.constant 1 : index
    %get3A_5 = arith.constant 0 : index
    %get3A_6 = arith.constant 0 : index
    %get3A_7 = vector.load %arg0[%get3A_4, %get3A_5, %get3A_6] : memref<2x1024x80xf32, #tpu.memory_space<vmem>>, vector<1x1024x64xf32>
    %get3A_8 = vector.shape_cast %get3A_7 : vector<1x1024x64xf32> to vector<1024x64xf32>
    %add3A = arith.addf %get3A_3, %get3A_8 : vector<1024x64xf32>
    %get3A_9 = arith.constant 0 : index
    %get3A_10 = arith.constant 0 : index
    %get3A_11 = arith.constant 64 : index
    %get3A_12 = vector.load %arg0[%get3A_9, %get3A_10, %get3A_11] : memref<2x1024x80xf32, #tpu.memory_space<vmem>>, vector<1x1024x1xf32>
    %get3A_13 = vector.shape_cast %get3A_12 : vector<1x1024x1xf32> to vector<1024x1xf32>
    %get3A_14 = arith.constant 1 : index
    %get3A_15 = arith.constant 0 : index
    %get3A_16 = arith.constant 64 : index
    %get3A_17 = vector.load %arg0[%get3A_14, %get3A_15, %get3A_16] : memref<2x1024x80xf32, #tpu.memory_space<vmem>>, vector<1x1024x1xf32>
    %get3A_18 = vector.shape_cast %get3A_17 : vector<1x1024x1xf32> to vector<1024x1xf32>
    %add3A_19 = arith.addf %get3A_13, %get3A_18 : vector<1024x1xf32>
    %max3A = arith.constant 1.000000e+00 : f32
    %max3A_20 = vector.broadcast %max3A : f32 to vector<1024x1xf32>
    %max3A_21 = arith.maximumf %add3A_19, %max3A_20 : vector<1024x1xf32>
    %div3A = vector.broadcast %max3A_21 : vector<1024x1xf32> to vector<1024x64xf32>
    %div3A_22 = arith.divf %add3A, %div3A : vector<1024x64xf32>
    %mul3A = arith.mulf %div3A_22, %div3A_22 : vector<1024x64xf32>
    %reduce_sum3A = arith.constant dense<0.000000e+00> : vector<1024xf32>
    %reduce_sum3A_23 = vector.multi_reduction <add>, %mul3A, %reduce_sum3A [1] : vector<1024x64xf32> to vector<1024xf32>
    %broadcast_in_dim3A = vector.shape_cast %reduce_sum3A_23 : vector<1024xf32> to vector<1024x1xf32>
    %sqrt3A = math.sqrt %broadcast_in_dim3A : vector<1024x1xf32>
    %max3A_24 = arith.constant 9.99999996E-13 : f32
    %max3A_25 = vector.broadcast %max3A_24 : f32 to vector<1024x1xf32>
    %max3A_26 = arith.maximumf %sqrt3A, %max3A_25 : vector<1024x1xf32>
    %div3A_27 = vector.broadcast %max3A_26 : vector<1024x1xf32> to vector<1024x64xf32>
    %div3A_28 = arith.divf %div3A_22, %div3A_27 : vector<1024x64xf32>
    %mul3A_29 = arith.mulf %div3A_28, %div3A_28 : vector<1024x64xf32>
    %reduce_sum3A_30 = arith.constant dense<0.000000e+00> : vector<1024xf32>
    %reduce_sum3A_31 = vector.multi_reduction <add>, %mul3A_29, %reduce_sum3A_30 [1] : vector<1024x64xf32> to vector<1024xf32>
    %broadcast_in_dim3A_32 = vector.shape_cast %reduce_sum3A_31 : vector<1024xf32> to vector<1024x1xf32>
    %broadcast_in_dim3A_33 = arith.constant 1.000000e+00 : f32
    %broadcast_in_dim3A_34 = vector.broadcast %broadcast_in_dim3A_33 : f32 to vector<1x64xf32>
    %dot_general3A = arith.constant dense<0.000000e+00> : vector<1x1024xf32>
    %dot_general3A_35 = tpu.matmul %broadcast_in_dim3A_34, %mul3A_29, %dot_general3A {dimension_numbers = #tpu.dot_dimension_numbers<[1], [1], [0], [0], [0, 0, 1, 0], [], []>, transpose_lhs_hint = false} : vector<1x64xf32>, vector<1024x64xf32>, vector<1x1024xf32> -> vector<1x1024xf32>
    %dot_general3A_36 = arith.constant dense<0.000000e+00> : vector<1024x1024xf32>
    %dot_general3A_37 = tpu.matmul %div3A_28, %div3A_28, %dot_general3A_36 {dimension_numbers = #tpu.dot_dimension_numbers<[1], [1], [0], [0], [0, 0, 1, 0], [], []>, transpose_lhs_hint = false} : vector<1024x64xf32>, vector<1024x64xf32>, vector<1024x1024xf32> -> vector<1024x1024xf32>
    %add3A_38 = vector.broadcast %broadcast_in_dim3A_32 : vector<1024x1xf32> to vector<1024x1024xf32>
    %add3A_39 = vector.broadcast %dot_general3A_35 : vector<1x1024xf32> to vector<1024x1024xf32>
    %add3A_40 = arith.addf %add3A_38, %add3A_39 : vector<1024x1024xf32>
    %mul3A_41 = arith.constant 2.000000e+00 : f32
    %mul3A_42 = vector.broadcast %mul3A_41 : f32 to vector<1024x1024xf32>
    %mul3A_43 = arith.mulf %mul3A_42, %dot_general3A_37 : vector<1024x1024xf32>
    %sub3A = arith.subf %add3A_40, %mul3A_43 : vector<1024x1024xf32>
    %max3A_44 = arith.constant 0.000000e+00 : f32
    %max3A_45 = vector.broadcast %max3A_44 : f32 to vector<1024x1024xf32>
    %max3A_46 = arith.maximumf %sub3A, %max3A_45 : vector<1024x1024xf32>
    %sqrt3A_47 = math.sqrt %max3A_46 : vector<1024x1024xf32>
    %iota3A = tpu.iota {dimensions = array<i32: 0>} : vector<1024x1024xi32>
    %iota3A_48 = tpu.iota {dimensions = array<i32: 1>} : vector<1024x1024xi32>
    %eq3A = arith.cmpi eq, %iota3A, %iota3A_48 : vector<1024x1024xi32>
    %ge3A = arith.constant 1000 : i32
    %ge3A_49 = vector.broadcast %ge3A : i32 to vector<1024x1024xi32>
    %ge3A_50 = arith.cmpi sge, %iota3A_48, %ge3A_49 : vector<1024x1024xi32>
    %or3A = arith.ori %eq3A, %ge3A_50 : vector<1024x1024xi1>
    %jit3A = arith.constant 0x7F800000 : f32
    %broadcast_in_dim3A_51 = vector.broadcast %jit3A : f32 to vector<1024x1024xf32>
    %select_n3A = arith.select %or3A, %broadcast_in_dim3A_51, %sqrt3A_47 : vector<1024x1024xi1>, vector<1024x1024xf32>
    %reduce_min3A = arith.constant dense<0x7F800000> : vector<1024xf32>
    %reduce_min3A_52 = vector.multi_reduction <minimumf>, %select_n3A, %reduce_min3A [1] : vector<1024x1024xf32> to vector<1024xf32>
    %broadcast_in_dim3A_53 = vector.shape_cast %reduce_min3A_52 : vector<1024xf32> to vector<1024x1xf32>
    %eq3A_54 = vector.broadcast %broadcast_in_dim3A_53 : vector<1024x1xf32> to vector<1024x1024xf32>
    %eq3A_55 = arith.cmpf oeq, %select_n3A, %eq3A_54 : vector<1024x1024xf32>
    %jit3A_56 = arith.constant 1073741824 : i32
    %broadcast_in_dim3A_57 = vector.broadcast %jit3A_56 : i32 to vector<1024x1024xi32>
    %select_n3A_58 = arith.select %eq3A_55, %iota3A_48, %broadcast_in_dim3A_57 : vector<1024x1024xi1>, vector<1024x1024xi32>
    %reduce_min3A_59 = arith.constant dense<2147483647> : vector<1024xi32>
    %reduce_min3A_60 = vector.multi_reduction <minsi>, %select_n3A_58, %reduce_min3A_59 [1] : vector<1024x1024xi32> to vector<1024xi32>
    %broadcast_in_dim3A_61 = vector.shape_cast %reduce_min3A_60 : vector<1024xi32> to vector<1024x1xi32>
    %eq3A_62 = vector.broadcast %broadcast_in_dim3A_61 : vector<1024x1xi32> to vector<1024x1024xi32>
    %eq3A_63 = arith.cmpi eq, %iota3A_48, %eq3A_62 : vector<1024x1024xi32>
    %convert_element_type3A = arith.extui %eq3A_63 : vector<1024x1024xi1> to vector<1024x1024xi32>
    %convert_element_type3A_64 = arith.sitofp %convert_element_type3A : vector<1024x1024xi32> to vector<1024x1024xf32>
    %dot_general3A_65 = arith.constant dense<0.000000e+00> : vector<1024x64xf32>
    %dot_general3A_66 = tpu.matmul %convert_element_type3A_64, %div3A_28, %dot_general3A_65 {dimension_numbers = #tpu.dot_dimension_numbers<[1], [0], [0], [1], [0, 0, 1, 1], [], []>, transpose_lhs_hint = false} : vector<1024x1024xf32>, vector<1024x64xf32>, vector<1024x64xf32> -> vector<1024x64xf32>
    %gt3A = arith.constant 0.000000e+00 : f32
    %gt3A_67 = vector.broadcast %gt3A : f32 to vector<1024x1xf32>
    %gt3A_68 = arith.cmpf ogt, %add3A_19, %gt3A_67 : vector<1024x1xf32>
    %convert_element_type3A_69 = arith.extui %gt3A_68 : vector<1024x1xi1> to vector<1024x1xi32>
    %convert_element_type3A_70 = arith.sitofp %convert_element_type3A_69 : vector<1024x1xi32> to vector<1024x1xf32>
    %reduce_sum3A_71 = arith.constant dense<0.000000e+00> : vector<1xf32>
    %reduce_sum3A_72 = vector.multi_reduction <add>, %convert_element_type3A_70, %reduce_sum3A_71 [0] : vector<1024x1xf32> to vector<1xf32>
    %broadcast_in_dim3A_73 = vector.shape_cast %reduce_sum3A_72 : vector<1xf32> to vector<1x1xf32>
    %max3A_74 = arith.constant 1.000000e+00 : f32
    %max3A_75 = vector.broadcast %max3A_74 : f32 to vector<1x1xf32>
    %max3A_76 = arith.maximumf %broadcast_in_dim3A_73, %max3A_75 : vector<1x1xf32>
    %mul3A_77 = vector.broadcast %max3A_76 : vector<1x1xf32> to vector<1024x1xf32>
    %mul3A_78 = arith.mulf %max3A_21, %mul3A_77 : vector<1024x1xf32>
    %div3A_79 = arith.divf %convert_element_type3A_70, %mul3A_78 : vector<1024x1xf32>
    %iota3A_80 = tpu.iota {dimensions = array<i32: 1>} : vector<1024x64xi32>
    %eq3A_81 = arith.constant 0 : i32
    %eq3A_82 = vector.broadcast %eq3A_81 : i32 to vector<1024x64xi32>
    %eq3A_83 = arith.cmpi eq, %iota3A_80, %eq3A_82 : vector<1024x64xi32>
    %convert_element_type3A_84 = arith.extui %eq3A_83 : vector<1024x64xi1> to vector<1024x64xi32>
    %convert_element_type3A_85 = arith.sitofp %convert_element_type3A_84 : vector<1024x64xi32> to vector<1024x64xf32>
    %mul3A_86 = vector.broadcast %div3A_79 : vector<1024x1xf32> to vector<1024x64xf32>
    %mul3A_87 = arith.mulf %mul3A_86, %convert_element_type3A_85 : vector<1024x64xf32>
    %sub3A_88 = arith.subf %dot_general3A_66, %div3A_28 : vector<1024x64xf32>
    %concatenate3A = tpu.concatenate %sub3A_88, %mul3A_87 in 1 : vector<1024x64xf32>, vector<1024x64xf32> -> vector<1024x128xf32>
    %swap3A = arith.constant 0 : index
    %swap3A_89 = arith.constant 0 : index
    %swap3A_90 = vector.load %arg1[%swap3A, %swap3A_89] : memref<1024x128xf32, #tpu.memory_space<vmem>>, vector<1024x128xf32>
    tpu.vector_store %arg1[%swap3A, %swap3A_89], %concatenate3A {strides = array<i32>} : memref<1024x128xf32, #tpu.memory_space<vmem>>, vector<1024x128xf32>,
    return
  }
}

module attributes {stable_mosaic.version = 14 : i64} {
  func.func @_norm_body(%arg0: memref<64x16384xf32, #tpu.memory_space<vmem>>, %arg1: memref<8192x128xf32, #tpu.memory_space<vmem>>) attributes {dimension_semantics = [], scalar_prefetch = 0 : i64, scratch_operands = 0 : i64, tpu.core_type = #tpu.core_type<tc>} {
    %get3A = arith.constant 0 : index
    %get3A_0 = arith.constant 0 : index
    %get3A_1 = vector.load %arg0[%get3A, %get3A_0] : memref<64x16384xf32, #tpu.memory_space<vmem>>, vector<64x16384xf32>
    %mul3A = arith.mulf %get3A_1, %get3A_1 : vector<64x16384xf32>
    %reduce_sum3A = arith.constant dense<0.000000e+00> : vector<16384xf32>
    %reduce_sum3A_2 = vector.multi_reduction <add>, %mul3A, %reduce_sum3A [0] : vector<64x16384xf32> to vector<16384xf32>
    %broadcast_in_dim3A = vector.shape_cast %reduce_sum3A_2 : vector<16384xf32> to vector<1x16384xf32>
    %sqrt3A = math.sqrt %broadcast_in_dim3A : vector<1x16384xf32>
    %max3A = arith.constant 9.99999996E-13 : f32
    %max3A_3 = vector.broadcast %max3A : f32 to vector<1x16384xf32>
    %max3A_4 = arith.maximumf %sqrt3A, %max3A_3 : vector<1x16384xf32>
    %div3A = arith.constant 1.000000e+00 : f32
    %div3A_5 = vector.broadcast %div3A : f32 to vector<1x16384xf32>
    %div3A_6 = arith.divf %div3A_5, %max3A_4 : vector<1x16384xf32>
    %mul3A_7 = vector.broadcast %div3A_6 : vector<1x16384xf32> to vector<64x16384xf32>
    %mul3A_8 = arith.mulf %get3A_1, %mul3A_7 : vector<64x16384xf32>
    %slice3A = vector.extract_strided_slice %mul3A_8 {offsets = [0, 0], sizes = [64, 8192], strides = [1, 1]} : vector<64x16384xf32> to vector<64x8192xf32>
    %slice3A_9 = vector.extract_strided_slice %mul3A_8 {offsets = [0, 8192], sizes = [64, 8192], strides = [1, 1]} : vector<64x16384xf32> to vector<64x8192xf32>
    %concatenate3A = tpu.concatenate %slice3A, %slice3A_9 in 0 : vector<64x8192xf32>, vector<64x8192xf32> -> vector<128x8192xf32>
    %transpose3A = tpu.transpose %concatenate3A, [1, 0] : vector<128x8192xf32> -> vector<8192x128xf32>
    %swap3A = arith.constant 0 : index
    %swap3A_10 = arith.constant 0 : index
    %swap3A_11 = vector.load %arg1[%swap3A, %swap3A_10] : memref<8192x128xf32, #tpu.memory_space<vmem>>, vector<8192x128xf32>
    tpu.vector_store %arg1[%swap3A, %swap3A_10], %transpose3A {strides = array<i32>} : memref<8192x128xf32, #tpu.memory_space<vmem>>, vector<8192x128xf32>,
    return
  }
}

module attributes {stable_mosaic.version = 14 : i64} {
  func.func @_finalize_body(%arg0: memref<2x16x16xf32, #tpu.memory_space<vmem>>, %arg1: memref<1x1xf32, #tpu.memory_space<vmem>>) attributes {dimension_semantics = [], scalar_prefetch = 0 : i64, scratch_operands = 0 : i64, tpu.core_type = #tpu.core_type<tc>} {
    %get3A = arith.constant 0 : index
    %get3A_0 = arith.constant 0 : index
    %get3A_1 = arith.constant 0 : index
    %get3A_2 = vector.load %arg0[%get3A, %get3A_0, %get3A_1] : memref<2x16x16xf32, #tpu.memory_space<vmem>>, vector<1x16x16xf32>
    %get3A_3 = vector.shape_cast %get3A_2 : vector<1x16x16xf32> to vector<16x16xf32>
    %get3A_4 = arith.constant 1 : index
    %get3A_5 = arith.constant 0 : index
    %get3A_6 = arith.constant 0 : index
    %get3A_7 = vector.load %arg0[%get3A_4, %get3A_5, %get3A_6] : memref<2x16x16xf32, #tpu.memory_space<vmem>>, vector<1x16x16xf32>
    %get3A_8 = vector.shape_cast %get3A_7 : vector<1x16x16xf32> to vector<16x16xf32>
    %add3A = arith.addf %get3A_3, %get3A_8 : vector<16x16xf32>
    %reduce_sum3A = arith.constant dense<0.000000e+00> : vector<16xf32>
    %reduce_sum3A_9 = vector.multi_reduction <add>, %add3A, %reduce_sum3A [0] : vector<16x16xf32> to vector<16xf32>
    %broadcast_in_dim3A = vector.shape_cast %reduce_sum3A_9 : vector<16xf32> to vector<1x16xf32>
    %reduce_sum3A_10 = arith.constant dense<0.000000e+00> : vector<1xf32>
    %reduce_sum3A_11 = vector.multi_reduction <add>, %broadcast_in_dim3A, %reduce_sum3A_10 [1] : vector<1x16xf32> to vector<1xf32>
    %broadcast_in_dim3A_12 = vector.shape_cast %reduce_sum3A_11 : vector<1xf32> to vector<1x1xf32>
    %swap3A = arith.constant 0 : index
    %swap3A_13 = arith.constant 0 : index
    %swap3A_14 = vector.load %arg1[%swap3A, %swap3A_13] : memref<1x1xf32, #tpu.memory_space<vmem>>, vector<1x1xf32>
    tpu.vector_store %arg1[%swap3A, %swap3A_13], %broadcast_in_dim3A_12 {strides = array<i32>} : memref<1x1xf32, #tpu.memory_space<vmem>>, vector<1x1xf32>,
    return
  }
}

</mosaic_0001>

<sc_bundles>
// kernel: kernel.10.cloned.1.call-start
scs
__scs_entry_jumppad:
0x0: {  	(pc) =	sbr.rel $0x88, $3  }
0x1: {  	(tag) =	ssettag $0x0;
	lr =	simm.s32 $0x1  }
0x2: {  	[smem:$0x3F9F] =	sst lr;
	_ =	strace $0xD0000000  }
0x3: {  	_ = 	snop  }
0x4: {  	_ = 	snop  }
0x5: {  	_ = 	snop  }
0x6: {  	_ = 	snop  }
0x7: {  	_ = 	snop  }
__scs_overlays_trampoline_lowered:
0x8: {  	[smem:$0x3FAE] =	sst s0  }
0x9: {  	[smem:$0x3FAF] =	sst s1  }
0xa: {  	[smem:$0x3FB0] =	sst s2  }
0xb: {  	[smem:$0x3FB1] =	sst s3  }
0xc: {  	[smem:$0x3FB2] =	sst s4  }
0xd: {  	[smem:$0x3FB3] =	sst s5  }
0xe: {  	[smem:$0x3FB4] =	sst s6  }
0xf: {  	[smem:$0x3FB5] =	sst s7  }
0x10: {  	[smem:$0x3FB6] =	sst s8  }
0x11: {  	[smem:$0x3FB7] =	sst s9;
	s0 =	simm.s32 @!p0 $0x0  }
0x12: {  	s1 =	sld [smem:$0x3F9D];
	s0 =	simm.s32 @p0 $0x1  }
0x13: {  	[smem:$0x3FB8] =	sst s0;
	s0 =	simm.s32 @!p1 $0x0  }
0x14: {  	s2 =	sld [smem:$0x3F9C];
	s0 =	simm.s32 @p1 $0x1  }
0x15: {  	[smem:$0x3FB9] =	sst s0;
	s0 =	simm.s32 @!p2 $0x0  }
0x16: {  	s3 =	sld [smem:$0x3FDB];
	s0 =	simm.s32 @p2 $0x1  }
0x17: {  	s4 =	simm.s32 $0x1BF5;
	[smem:$0x3FBB] =	sst s0  }
0x18: {  	s0 =	sld [smem:$0x3F9E];
	_ =	swait.ge [sflag:s4], $0x0  }
0x19: {  	s7 =	sld [smem:$0x3F9F]  }
0x1a: {  	s8 =	sadd.s32 $0xFFFFE003, lr  }
0x1b: {  	s9 =	sadd.s32 $0xFFFFFEF7, lr;
	s5 =	simm.s32 $0xFFFFFFFF;
	p2 =	slt.u32 s8, $0xFFFFF086  }
0x1c: {  	p1 =	slt.u32 s9, $0xF7A;
	s5 =	simm.s32 @!p2 $0x0  }
0x1d: {  	s5 =	simm.s32 @p1 $0x1;
	p0 =	seq.s32 s7, s2  }
0x1e: {  	s7 =	smul.u32 @!p0 $0xF7A, s2;
	p2 =	seq.s32 @!p0 s5, $0x0  }
0x1f: {  	s9 =	smul.u32 $0xF7A, s1;
	s8 =	simm.s32 @!p0 $0x1BF5;
	p2 =	por !p2, p0  }
0x20: {  	[sflag:s8] =	ssyncset.s32 @!p0 $0xFFFFF086;
	s6 =	sadd.s32 @!p0 s3, s7;
	s7 =	simm.s32 @!p0 $0x108  }
0x21: {  	s3 =	sadd.s32 s3, s9;
	s6 =	sadd.s32 @!p0 $0x88, s6;
	s7 =	simm.s32 @p2 $0x1082  }
0x22: {  	[simem:s7], [sflag:s8] =	dma.local @!p0 [hbm:s6], $0xF7A  }
0x23: {  	s9 =	sor.u32 $0xD0000000, s2;
	s6 =	simm.s32 $0x108;
	_ =	swait.ge @!p0 [sflag:s8], $0x0  }
0x24: {  	s3 =	sadd.s32 $0x88, s3;
	s6 =	simm.s32 @!p1 $0x1082;
	[sflag:s4] =	ssyncset.s32 $0xFFFFF086  }
0x25: {  	[simem:s6], [sflag:s4] =	dma.local [hbm:s3], $0xF7A  }
0x26: {  	[smem:$0x3F9F] =	sst s1;
	(tag) =	ssettag s2;
	_ =	strace s9  }
0x27: {  	s1 =	sld [smem:$0x3FAF]  }
0x28: {  	s2 =	sld [smem:$0x3FB0]  }
0x29: {  	s4 =	sld [smem:$0x3FB2]  }
0x2a: {  	p0 =	seq.s32 s5, $0x0;
	s5 =	sld [smem:$0x3FB3]  }
0x2b: {  	s6 =	sld [smem:$0x3FB4]  }
0x2c: {  	s7 =	sld [smem:$0x3FB5]  }
0x2d: {  	s3 =	simm.s32 $0x108;
	s8 =	sld [smem:$0x3FB6]  }
0x2e: {  	s3 =	simm.s32 @!p0 $0x1082;
	s9 =	sld [smem:$0x3FB7]  }
0x2f: {  	lr =	sadd.s32 s0, s3;
	s0 =	sld [smem:$0x3FAE]  }
0x30: {  	s3 =	sld [smem:$0x3FB1]  }
0x31: {  	[smem:$0x3FBA] =	sst s10  }
0x32: {  	s10 =	sld [smem:$0x3FB8];
	_ =	sdelay $0x3  }
0x33: {  	p0 =	seq.s32 s10, $0x1;
	s10 =	sld [smem:$0x3FBA];
	_ =	sdelay $0x3  }
0x34: {  	[smem:$0x3FBA] =	sst s10  }
0x35: {  	s10 =	sld [smem:$0x3FB9];
	_ =	sdelay $0x3  }
0x36: {  	p1 =	seq.s32 s10, $0x1;
	s10 =	sld [smem:$0x3FBA];
	_ =	sdelay $0x3  }
0x37: {  	[smem:$0x3FBA] =	sst s10  }
0x38: {  	s10 =	sld [smem:$0x3FBB]  }
0x39: {  	_ = 	snop;
	(pc) =	sbr.ind lr, $3  }
0x3a: {  	_ = 	snop  }
0x3b: {  	_ = 	snop  }
0x3c: {  	p2 =	seq.s32 s10, $0x1;
	s10 =	sld [smem:$0x3FBA]  }
0x3d: {  	_ =	shalt  }
0x3e: {  	_ =	shalt  }
0x3f: {  	_ =	shalt  }
0x40: {  	_ =	shalt  }
0x41: {  	_ =	shalt  }
0x42: {  	_ =	shalt  }
0x43: {  	_ =	shalt  }
0x44: {  	_ =	shalt  }
0x45: {  	_ =	shalt  }
0x46: {  	_ =	shalt  }
0x47: {  	_ =	shalt  }
0x48: {  	_ =	shalt  }
0x49: {  	_ =	shalt  }
0x4a: {  	_ =	shalt  }
0x4b: {  	_ =	shalt  }
0x4c: {  	_ =	shalt  }
0x4d: {  	_ =	shalt  }
0x4e: {  	_ =	shalt  }
0x4f: {  	_ =	shalt  }
0x50: {  	_ =	shalt  }
0x51: {  	_ =	shalt  }
0x52: {  	_ =	shalt  }
0x53: {  	_ =	shalt  }
0x54: {  	_ =	shalt  }
0x55: {  	_ =	shalt  }
0x56: {  	_ =	shalt  }
0x57: {  	_ =	shalt  }
0x58: {  	_ =	shalt  }
0x59: {  	_ =	shalt  }
0x5a: {  	_ =	shalt  }
0x5b: {  	_ =	shalt  }
0x5c: {  	_ =	shalt  }
0x5d: {  	_ =	shalt  }
0x5e: {  	_ =	shalt  }
0x5f: {  	_ =	shalt  }
0x60: {  	_ =	shalt  }
0x61: {  	_ =	shalt  }
0x62: {  	_ =	shalt  }
0x63: {  	_ =	shalt  }
0x64: {  	_ =	shalt  }
0x65: {  	_ =	shalt  }
0x66: {  	_ =	shalt  }
0x67: {  	_ =	shalt  }
0x68: {  	_ =	shalt  }
0x69: {  	_ =	shalt  }
0x6a: {  	_ =	shalt  }
0x6b: {  	_ =	shalt  }
0x6c: {  	_ =	shalt  }
0x6d: {  	_ =	shalt  }
0x6e: {  	_ =	shalt  }
0x6f: {  	_ =	shalt  }
0x70: {  	_ =	shalt  }
0x71: {  	_ =	shalt  }
0x72: {  	_ =	shalt  }
0x73: {  	_ =	shalt  }
0x74: {  	_ =	shalt  }
0x75: {  	_ =	shalt  }
0x76: {  	_ =	shalt  }
0x77: {  	_ =	shalt  }
0x78: {  	_ =	shalt  }
0x79: {  	_ =	shalt  }
0x7a: {  	_ =	shalt  }
0x7b: {  	_ =	shalt  }
0x7c: {  	_ =	shalt  }
0x7d: {  	_ =	shalt  }
0x7e: {  	_ =	shalt  }
0x7f: {  	_ =	shalt  }
0x80: {  	_ =	shalt  }
0x81: {  	_ =	shalt  }
0x82: {  	_ =	shalt  }
0x83: {  	_ =	shalt  }
0x84: {  	_ =	shalt  }
0x85: {  	_ =	shalt  }
0x86: {  	_ =	shalt  }
0x87: {  	_ =	shalt  }
.Lfunc_end0:
.L_simem_size_0:
called_computation.1_lowered:
.L_overlay_start_0:
0x88: {  	s2 =	sld [smem:$0x3FD9]  }
0x89: {  	s3 =	sld [smem:$0x3FFE];
	_ =	sdelay $0x1  }
0x8a: {  	s1 =	srdreg.scid  }
0x8b: {  	s0 =	sand.u32 $0x1, s1  }
0x8c: {  	s17 =	sshll.u32 s0, $0xA;
	s2 =	sadd.s32 s3, s2  }
0x8d: {  	s2 =	sadd.s32 s2, s17  }
0x8e: {  	[smem:$0x3FC6] =	sst s2  }
0x8f: {  	_ = 	snop  }
0x90: {  	s2 =	sld [smem:$0x3FC8];
	(tm) =	ssettm $0x1  }
0x91: {  	s18 =	sld [smem:$0x3FFB];
	_ =	sdelay $0x3  }
0x92: {  	_ =	strace s18  }
0x93: {  	s3 =	sld [smem:$0x3FFC];
	_ =	sdelay $0x3  }
0x94: {  	_ =	strace s3  }
0x95: {  	s3 =	sld [smem:$0x3FFD];
	_ =	sdelay $0x3  }
0x96: {  	_ =	strace s3  }
0x97: {  	_ =	strace $0x8FFFFFFF  }
0x98: {  	s19 =	sld [smem:$0x3FDB];
	_ =	sdelay $0x1  }
0x99: {  	s4 =	simm.s32 $_scs_section_size  }
0x9a: {  	s5 =	simm.s32 $_size__tile_overlayer_lowered;
	s6 =	simm.s32 $_tile_overlayer_lowered  }
0x9b: {  	s22 =	simm.s32 $0x1BFF;
	s21 =	sshll.u32 s6, $0x1;
	s3 =	sadd.s32 s4, s19  }
0x9c: {  	s7 =	simm.s32 $0x0;
	s20 =	sshll.u32 s5, $0x1;
	s5 =	sadd.s32 s21, s3  }
0x9d: {  	[timem:s7], [sflag:s22] =	dma.local [hbm:s5], s20  }
0x9e: {  	_ =	swait.ge [sflag:s22], s20  }
0x9f: {  	s4 =	ssub.s32 $0x0, s20;
	[sflag:s22] =	ssyncset.done $0x0  }
0xa0: {  	[sflag:s22] =	ssyncadd.s32 s4;
	_ =	sdelay $0x1  }
0xa1: {  	s23 =	simm.s32 $0x1B8B  }
0xa2: {  	_ =	swait.ge [sflag:s23], $0x1  }
0xa3: {  	[sflag:s23] =	ssyncset.done $0x0  }
0xa4: {  	s25 =	simm.s32 $0x1B8E;
	s24 =	sld [smem:$0x3FFE];
	[sflag:s23] =	ssyncadd.s32 $0xFFFFFFFF  }
0xa5: {  	s26 =	simm.s32 $execute0_lowered;
	[smem:$0x3FD2] =	sst s25  }
0xa6: {  	s5 =	sshll.u32 s26, $0x1;
	_ =	strace $0x80000049;
	[dreg:$0x1] =	wrdreg $0xFFFFFFFF  }
0xa7: {  	s28 =	simm.s32 $_size_execute0_lowered;
	s3 =	sadd.s32 s3, s5;
	[dreg:$0x0] =	wrdreg $0x0  }
0xa8: {  	s5 =	sshll.u32 s28, $0x1;
	[dreg:$0x2] =	wrdreg s3  }
0xa9: {  	[dreg:$0x3] =	wrdreg s5  }
0xaa: {  	[dreg:$0x4] =	wrdreg $0xC0  }
0xab: {  	_ =	task [dreg:s7], $0x5FFFF  }
0xac: {  	[dreg:$0x1] =	wrdreg $0xFFFFFFFF  }
0xad: {  	[dreg:$0x0] =	wrdreg $0x60  }
0xae: {  	[dreg:$0x2] =	wrdreg s24  }
0xaf: {  	[dreg:$0x3] =	wrdreg s2  }
0xb0: {  	[dreg:$0x4] =	wrdreg $0x9  }
0xb1: {  	_ =	task.clear_ibuf [dreg:s7], $0x5FFFF;
	_ =	strace $0x90000049  }
0xb2: {  	s29 =	simm.s32 $0x9;
	_ =	strace $0x8000004B  }
0xb3: {  	_ =	swait.ge [sflag:s29], $0x1  }
0xb4: {  	[sflag:s29] =	ssyncadd.s32 $0xFFFFFFFF  }
0xb5: {  	_ =	strace $0x9000004B  }
0xb6: {  	_ =	sfence  }
0xb7: {  	s30 =	sld [smem:$0x0];
	_ =	sdelay $0x2  }
0xb8: {  	s31 =	sshll.u32 s1, $0xD;
	s1 =	sshrl.u32 s1, $0x2  }
0xb9: {  	s3 =	sand.u32 $0x4000, s31;
	s1 =	sadd.s32 s1, s30  }
0xba: {  	s0 =	sor.u32 s3, s0;
	s1 =	sshll.u32 s1, $0x11  }
0xbb: {  	s0 =	sor.u32 s1, s0  }
0xbc: {  	s0 =	sadd.s32 $0x8F2B, s0  }
0xbd: {  	[sflag:s0] =	ssyncadd.remote.s32 $0x1  }
0xbe: {  	_ =	sfence.sel $0xFFFF  }
0xbf: {  	[dreg:$0x0] =	wrdreg $0xFFFFFFFF;
	(pc) =	sbr.abs _section_cstart, $3  }
0xc0: {  	[dreg:$0x1] =	wrdreg $0xFFFFFFFF  }
0xc1: {  	_ =	task.clear_ibuf [dreg:s7], $0x2FFFF;
	_ =	strace $0x9FFFFFFF  }
0xc2: {  	(tm) =	ssettm $0x7FFFFFFF  }
0xc3: {  	_ =	shalt  }
tec
execute0_lowered:
.L_overlay_start_1:
0x0: {  	(tag) =	ssettag $0x1  }
0x1: {  	s0 =	srdreg.scid;
	s1 =	rddreg [dreg:$0x0]  }
0x2: {  	s7 =	stileid.u32;
	s4 =	rddreg [dreg:$0x1];
	s2 =	simm.s32 $0x0  }
0x3: {  	s9 =	simm.s32 $0x18000;
	s10 =	simm.s32 $0x18100;
	s11 =	simm.s32 $0x2  }
0x4: {  	s12 =	simm.s32 $0x40;
	s15 =	simm.s32 $0xA000;
	s16 =	simm.s32 $0x18080  }
0x5: {  	s17 =	simm.s32 $0xC000;
	s18 =	simm.s32 $0x180C0;
	s19 =	simm.s32 $0xE000  }
0x6: {  	s20 =	simm.s32 $0x10000;
	s21 =	simm.s32 $0x18140;
	s22 =	simm.s32 $0x12000  }
0x7: {  	s23 =	simm.s32 $0x18180;
	s24 =	simm.s32 $0x14000;
	s25 =	simm.s32 $0x181C0  }
0x8: {  	s28 =	simm.s32 $0x1;
	s29 =	simm.s32 $0x18200;
	s30 =	simm.s32 $0x3  }
0x9: {  	s31 =	simm.s32 $0x0;
	s0 =	sand.u32 $0x1, s0;
	s5 =	sshll.u32 s7, $0x8  }
0xa: {  	[smem:$0x7FF] =	sst s2;
	s7 =	sshll.u32 s7, $0x1;
	s3 =	sshll.u32 s0, $0xC  }
0xb: {  	_ =	strace $0x8000004A;
	s8 =	ssub.s32 $0x2, s0;
	s5 =	sor.u32 s5, s3  }
0xc: {  	s0 =	sshll.u32 s0, $0x5;
	s26 =	sshrl.u32 s8, $0x1;
	s3 =	sshll.u32 s5, $0x4  }
0xd: {  	s5 =	sshrl.u32 s5, $0x3;
	s8 =	ssub.s32 s8, s26;
	s26 =	simm.s32 $0x16000  }
0xe: {  	s6 =	sadd.s32 s3, s1;
	s3 =	sadd.s32 $0x20E00, s1;
	s1 =	sadd.s32 s7, s1  }
0xf: {  	s4 =	sadd.s32 s4, s5;
	s8 =	smax.u32 s8, $0x1;
	s0 =	sadd.s32 s0, s1  }
0x10: {  	s5 =	sadd.s32 $0xE00, s6;
	s6 =	sadd.s32 $0x400, s4;
	s7 =	sadd.s32 $0x24E00, s0  }
.LBB2_1:
0x11: {  	[tilespmem:s2], [sflag:$0x1] =	stream.linear.gather [hbm4b:s5+s2], $0x8000, $0x38;
	[tilespmem:$0x18210] =	vst v63  }
0x12: {  	_ = 	snop  }
0x13: {  	[tilespmem:s9], [sflag:$0x2] =	stream.linear.gather [hbm4b:s4+s2], $0x100, $0x38;
	[tilespmem:$0x18210] =	vst v63  }
0x14: {  	_ = 	snop  }
0x15: {  	[tilespmem:s10], [sflag:$0x2] =	stream.linear.gather [hbm4b:s6+s2], $0x100, $0x38;
	[tilespmem:$0x18210] =	vst v63  }
0x16: {  	_ =	swait.ge [sflag:s11], $0x100  }
0x17: {  	[sflag:s11] =	ssyncset.done $0x0  }
0x18: {  	[sflag:s11] =	ssyncadd.s32 $0xFFFFFF00  }
0x19: {  	_ =	swait.ge [sflag:s11], $0x100  }
0x1a: {  	[sflag:s11] =	ssyncset.done $0x0  }
0x1b: {  	s0 =	simm.s32 $0x8000;
	[sflag:s11] =	ssyncadd.s32 $0xFFFFFF00  }
0x1c: {  	[tilespmem:s0], [sflag:$0x1] =	stream.indirect.gather [hbm4b:s3+s12], $0x80, s9, s12, $0xb8;
	[tilespmem:$0x18210] =	vst v63  }
0x1d: {  	s14 =	simm.s32 $0x18040  }
0x1e: {  	[tilespmem:s15], [sflag:$0x1] =	stream.indirect.gather [hbm4b:s3+s12], $0x80, s14, s12, $0xb8;
	[tilespmem:$0x18210] =	vst v63  }
0x1f: {  	_ = 	snop  }
0x20: {  	[tilespmem:s17], [sflag:$0x1] =	stream.indirect.gather [hbm4b:s3+s12], $0x80, s16, s12, $0xb8;
	[tilespmem:$0x18210] =	vst v63  }
0x21: {  	_ = 	snop  }
0x22: {  	[tilespmem:s19], [sflag:$0x1] =	stream.indirect.gather [hbm4b:s3+s12], $0x80, s18, s12, $0xb8;
	[tilespmem:$0x18210] =	vst v63  }
0x23: {  	_ = 	snop  }
0x24: {  	[tilespmem:s20], [sflag:$0x1] =	stream.indirect.gather [hbm4b:s3+s12], $0x80, s10, s12, $0xb8;
	[tilespmem:$0x18210] =	vst v63  }
0x25: {  	_ = 	snop  }
0x26: {  	[tilespmem:s22], [sflag:$0x1] =	stream.indirect.gather [hbm4b:s3+s12], $0x80, s21, s12, $0xb8;
	[tilespmem:$0x18210] =	vst v63  }
0x27: {  	_ = 	snop  }
0x28: {  	[tilespmem:s24], [sflag:$0x1] =	stream.indirect.gather [hbm4b:s3+s12], $0x80, s23, s12, $0xb8;
	[tilespmem:$0x18210] =	vst v63  }
0x29: {  	_ = 	snop  }
0x2a: {  	[tilespmem:s26], [sflag:$0x1] =	stream.indirect.gather [hbm4b:s3+s12], $0x80, s25, s12, $0xb8;
	[tilespmem:$0x18210] =	vst v63  }
0x2b: {  	_ =	swait.ge [sflag:s28], $0x8000  }
0x2c: {  	[sflag:s28] =	ssyncset.done $0x0  }
0x2d: {  	[sflag:s28] =	ssyncadd.s32 $0xFFFF8000  }
0x2e: {  	_ =	swait.ge [sflag:s28], $0x2000  }
0x2f: {  	[sflag:s28] =	ssyncset.done $0x0  }
0x30: {  	[sflag:s28] =	ssyncadd.s32 $0xFFFFE000  }
0x31: {  	_ =	swait.ge [sflag:s28], $0x2000  }
0x32: {  	[sflag:s28] =	ssyncset.done $0x0  }
0x33: {  	[sflag:s28] =	ssyncadd.s32 $0xFFFFE000  }
0x34: {  	_ =	swait.ge [sflag:s28], $0x2000  }
0x35: {  	[sflag:s28] =	ssyncset.done $0x0  }
0x36: {  	[sflag:s28] =	ssyncadd.s32 $0xFFFFE000  }
0x37: {  	_ =	swait.ge [sflag:s28], $0x2000  }
0x38: {  	[sflag:s28] =	ssyncset.done $0x0  }
0x39: {  	[sflag:s28] =	ssyncadd.s32 $0xFFFFE000  }
0x3a: {  	_ =	swait.ge [sflag:s28], $0x2000  }
0x3b: {  	[sflag:s28] =	ssyncset.done $0x0  }
0x3c: {  	[sflag:s28] =	ssyncadd.s32 $0xFFFFE000  }
0x3d: {  	_ =	swait.ge [sflag:s28], $0x2000  }
0x3e: {  	[sflag:s28] =	ssyncset.done $0x0  }
0x3f: {  	[sflag:s28] =	ssyncadd.s32 $0xFFFFE000  }
0x40: {  	_ =	swait.ge [sflag:s28], $0x2000  }
0x41: {  	[sflag:s28] =	ssyncset.done $0x0  }
0x42: {  	[sflag:s28] =	ssyncadd.s32 $0xFFFFE000  }
0x43: {  	_ =	swait.ge [sflag:s28], $0x2000  }
0x44: {  	[sflag:s28] =	ssyncset.done $0x0  }
0x45: {  	s0 =	simm.s32 $0x0;
	[sflag:s28] =	ssyncadd.s32 $0xFFFFE000  }
0x46: {  	v18 =	vld [tilespmem:s0+$0x7B0]  }
0x47: {  	v19 =	vld [tilespmem:s0+$0x87B0]  }
0x48: {  	v0 =	vld [tilespmem:s0+$0x7A0]  }
0x49: {  	v1 =	vld [tilespmem:s0+$0x87A0]  }
0x4a: {  	v5 =	vld [tilespmem:s0+$0x6B0]  }
0x4b: {  	v8 =	vld [tilespmem:s0+$0x86B0]  }
0x4c: {  	v45 =	vld [tilespmem:s0+$0x780]  }
0x4d: {  	v41 =	vld [tilespmem:s0+$0x8780]  }
0x4e: {  	v44 =	vld [tilespmem:s0+$0x790]  }
0x4f: {  	v40 =	vld [tilespmem:s0+$0x8790]  }
0x50: {  	v2 =	vld [tilespmem:s0+$0x630]  }
0x51: {  	v63 =	vld [tilespmem:s0+$0x6A0]  }
0x52: {  	v56 =	vld [tilespmem:s0+$0x86A0]  }
0x53: {  	v7 =	vld [tilespmem:s0+$0x5B0]  }
0x54: {  	v10 =	vld [tilespmem:s0+$0x85B0]  }
0x55: {  	v61 =	vld [tilespmem:s0+$0x680]  }
0x56: {  	v51 =	vld [tilespmem:s0+$0x8680]  }
0x57: {  	v52 =	vld [tilespmem:s0+$0x690]  }
0x58: {  	v50 =	vld [tilespmem:s0+$0x8690]  }
0x59: {  	v20 =	vld [tilespmem:s0+$0x5A0]  }
0x5a: {  	v22 =	vld [tilespmem:s0+$0x85A0]  }
0x5b: {  	v13 =	vld [tilespmem:s0+$0x4B0]  }
0x5c: {  	v14 =	vld [tilespmem:s0+$0x84B0]  }
0x5d: {  	v55 =	vld [tilespmem:s0+$0x580]  }
0x5e: {  	v57 =	vld [tilespmem:s0+$0x8580]  }
0x5f: {  	v58 =	vld [tilespmem:s0+$0x590]  }
0x60: {  	v59 =	vld [tilespmem:s0+$0x8590]  }
0x61: {  	v60 =	vld [tilespmem:s0+$0x4A0]  }
0x62: {  	v62 =	vld [tilespmem:s0+$0x84A0]  }
0x63: {  	v15 =	vld [tilespmem:s0+$0x3B0]  }
0x64: {  	v16 =	vld [tilespmem:s0+$0x83B0]  }
0x65: {  	v47 =	vld [tilespmem:s0+$0x480]  }
0x66: {  	v37 =	vld [tilespmem:s0+$0x8480]  }
0x67: {  	v30 =	vld [tilespmem:s0+$0x490]  }
0x68: {  	v36 =	vld [tilespmem:s0+$0x8490]  }
0x69: {  	[tilespmem:$0x1FF10] =	vst v2;
	v2 =	vld [tilespmem:s0+$0x8630]  }
0x6a: {  	v17 =	vld [tilespmem:s0+$0x8330]  }
0x6b: {  	v54 =	vld [tilespmem:s0+$0x3A0]  }
0x6c: {  	v53 =	vld [tilespmem:s0+$0x83A0]  }
0x6d: {  	v24 =	vld [tilespmem:s0+$0x400]  }
0x6e: {  	[tilespmem:$0x1FF20] =	vst v2;
	v2 =	vld [tilespmem:s0+$0x700]  }
0x6f: {  	v25 =	vld [tilespmem:s0+$0x8400]  }
0x70: {  	v3 =	vld [tilespmem:s0+$0x82B0]  }
0x71: {  	v49 =	vld [tilespmem:s0+$0x380]  }
0x72: {  	v42 =	vld [tilespmem:s0+$0x8380]  }
0x73: {  	[tilespmem:$0x1FF30] =	vst v2;
	v2 =	vld [tilespmem:s0+$0x8700]  }
0x74: {  	v39 =	vld [tilespmem:s0+$0x390]  }
0x75: {  	v34 =	vld [tilespmem:s0+$0x8390]  }
0x76: {  	v26 =	vld [tilespmem:s0+$0x230]  }
0x77: {  	v27 =	vld [tilespmem:s0+$0x8230]  }
0x78: {  	[tilespmem:$0x1FF40] =	vst v2;
	v2 =	vld [tilespmem:s0+$0x530]  }
0x79: {  	v23 =	vld [tilespmem:s0+$0x2A0]  }
0x7a: {  	v4 =	vld [tilespmem:s0+$0x82A0]  }
0x7b: {  	v28 =	vld [tilespmem:s0+$0x300]  }
0x7c: {  	v29 =	vld [tilespmem:s0+$0x8300]  }
0x7d: {  	[tilespmem:$0x1FF50] =	vst v2;
	v2 =	vld [tilespmem:s0+$0x8530]  }
0x7e: {  	v6 =	vld [tilespmem:s0+$0x81B0]  }
0x7f: {  	v48 =	vld [tilespmem:s0+$0x280]  }
0x80: {  	v43 =	vld [tilespmem:s0+$0x8280]  }
0x81: {  	v46 =	vld [tilespmem:s0+$0x290]  }
0x82: {  	[tilespmem:$0x1FF60] =	vst v2;
	v2 =	vld [tilespmem:s0+$0x600]  }
0x83: {  	v33 =	vld [tilespmem:s0+$0x8290]  }
0x84: {  	v9 =	vld [tilespmem:s0+$0x130]  }
0x85: {  	v11 =	vld [tilespmem:s0+$0x8130]  }
0x86: {  	v35 =	vld [tilespmem:s0+$0x1A0]  }
0x87: {  	[tilespmem:$0x1FF70] =	vst v2;
	v2 =	vld [tilespmem:s0+$0x8600]  }
0x88: {  	v38 =	vld [tilespmem:s0+$0x81A0]  }
0x89: {  	v31 =	vld [tilespmem:s0+$0x200]  }
0x8a: {  	v32 =	vld [tilespmem:s0+$0x8200]  }
0x8b: {  	v12 =	vld [tilespmem:s0+$0x180]  }
0x8c: {  	[tilespmem:$0x1FF80] =	vst v2;
	v2 =	vld [tilespmem:s0+$0x430]  }
0x8d: {  	v21 =	vld [tilespmem:s0+$0x190]  }
0x8e: {  	[tilespmem:$0x1FFE0] =	vst v4;
	v4 =	vld [tilespmem:s0+$0x1B0]  }
0x8f: {  	v44 =	vmul.f32 v40, v44;
	v40 =	vld [tilespmem:s0+$0xB0]  }
0x90: {  	v45 =	vmul.f32 v41, v45;
	v41 =	vld [tilespmem:s0+$0x80B0]  }
0x91: {  	[tilespmem:$0x1FF90] =	vst v2;
	v2 =	vld [tilespmem:s0+$0x8430]  }
0x92: {  	v61 =	vmul.f32 v51, v61;
	v51 =	vld [tilespmem:s0+$0x30]  }
0x93: {  	v36 =	vmul.f32 v36, v30;
	v30 =	vld [tilespmem:s0+$0x80A0]  }
0x94: {  	v42 =	vmul.f32 v42, v49;
	v49 =	vld [tilespmem:s0+$0x80];
	v13 =	vmul.f32 v14, v13  }
0x95: {  	v14 =	vmul.f32 v53, v54;
	v54 =	vld [tilespmem:s0+$0x10];
	v44 =	vadd.f32 v44, v45;
	v45 =	vmul.f32 v1, v0  }
0x96: {  	[tilespmem:$0x1FFA0] =	vst v2;
	v2 =	vld [tilespmem:s0+$0x500]  }
0x97: {  	v50 =	vmul.f32 v50, v52;
	v0 =	vld [tilespmem:s0+$0x8180];
	v44 =	vadd.f32 v45, v44;
	v45 =	vmul.f32 v19, v18  }
0x98: {  	v1 =	vld [tilespmem:s0+$0x8190]  }
0x99: {  	v50 =	vadd.f32 v50, v61;
	v61 =	vmul.f32 v57, v55;
	v57 =	vld [tilespmem:s0+$0xA0];
	v44 =	vadd.f32 v45, v44  }
0x9a: {  	v45 =	vmul.f32 v56, v63;
	v56 =	vld [tilespmem:s0+$0x8030]  }
0x9b: {  	(xrf2) =	vadd.scan.msk.f32 $0xffff, v44;
	[tilespmem:$0x1FFB0] =	vst v2;
	v2 =	vld [tilespmem:s0+$0x8500]  }
0x9c: {  	v63 =	vmul.f32 v59, v58;
	v59 =	vmul.f32 v62, v60;
	v62 =	vld [tilespmem:s0+$0x90]  }
0x9d: {  	v37 =	vmul.f32 v37, v47;
	v34 =	vmul.f32 v34, v39;
	v60 =	vld [tilespmem:s0+$0x0]  }
0x9e: {  	v43 =	vmul.f32 v43, v48;
	v58 =	vmul.f32 v22, v20;
	v55 =	vadd.f32 v63, v61;
	v61 =	vld [tilespmem:s0+$0x100]  }
0x9f: {  	v36 =	vadd.f32 v36, v37;
	v44 =	vadd.f32 v45, v50;
	v45 =	vmul.f32 v8, v5;
	v5 =	vld [tilespmem:$0x1FFE0]  }
0xa0: {  	v34 =	vadd.f32 v34, v42;
	v52 =	vadd.f32 v58, v55;
	v55 =	vmul.f32 v10, v7;
	[tilespmem:$0x1FFC0] =	vst v2;
	v2 =	vld [tilespmem:s0+$0x330]  }
0xa1: {  	v33 =	vmul.f32 v33, v46;
	v63 =	vld [tilespmem:s0+$0x8100];
	v36 =	vadd.f32 v59, v36;
	v44 =	vadd.f32 v45, v44  }
0xa2: {  	v42 =	vmul.f32 v16, v15;
	v34 =	vadd.f32 v14, v34;
	v59 =	vld [tilespmem:s0+$0x8080];
	v39 =	vadd.f32 v55, v52  }
0xa3: {  	v48 =	vmul.f32 v0, v12;
	v0 =	vimm.f32 $0.0e+00;
	v58 =	vld [tilespmem:s0+$0x8090];
	v36 =	vadd.f32 v13, v36;
	(xrf2) =	vadd.scan.msk.f32 $0xffff, v44  }
0xa4: {  	v53 =	vadd.f32 v42, v34;
	v47 =	vmul.f32 v1, v21;
	[tilespmem:$0x1FFF0] =	vst v0;
	v55 =	vld [tilespmem:s0+$0x8000];
	(xrf2) =	vadd.scan.msk.f32 $0xffff, v39  }
0xa5: {  	s1 =	simm.s32 $0x2000;
	v52 =	vadd.f32 v33, v43;
	v50 =	vmul.f32 v5, v23;
	(xrf2) =	vadd.scan.msk.f32 $0xffff, v36;
	v21, _, _ =	vpop (xrf2);
	[tilespmem:$0x1FFD0] =	vst v2;
	v2 =	vld [tilespmem:s0+$0x2B0]  }
.LBB2_2:
0xa6: {  	_ =	sdelay $0x1  }
0xa7: {  	v0 =	vld [tilespmem:s0+$0x8010]  }
0xa8: {  	v13 =	vld [tilespmem:s0+$0x8020]  }
0xa9: {  	v14 =	vld [tilespmem:s0+$0x110];
	v5 =	vmul.f32 v3, v2;
	v34 =	vmul.f32 v38, v35  }
0xaa: {  	v33 =	vadd.f32 v47, v48;
	v3 =	vld [tilespmem:s0+$0x20];
	v36 =	vmul.f32 v59, v49;
	v37 =	vmul.f32 v58, v62  }
0xab: {  	v42 =	vld [tilespmem:s0+$0x8110];
	v1 =	vadd.f32 v50, v52;
	v4 =	vmul.f32 v6, v4  }
0xac: {  	v30 =	vmul.f32 v30, v57;
	v33 =	vadd.f32 v34, v33;
	v6 =	vadd.f32 v37, v36  }
0xad: {  	v44 =	vld [tilespmem:s0+$0x120];
	v43 =	vmul.f32 v0, v54;
	v1 =	vadd.f32 v5, v1;
	v5 =	vmul.f32 v55, v60  }
0xae: {  	v45 =	vld [tilespmem:s0+$0x8120];
	(xrf2) =	vadd.scan.msk.f32 $0xffff, v53;
	v4 =	vadd.f32 v4, v33;
	v6 =	vadd.f32 v30, v6  }
0xaf: {  	v2, _, _ =	vpop (xrf2);
	(xrf2) =	vadd.scan.msk.f32 $0xffff, v1;
	v30 =	vmul.f32 v41, v40;
	v36 =	vadd.f32 v43, v5;
	v3 =	vmul.f32 v13, v3  }
0xb0: {  	v47 =	vmul.f32 v63, v61;
	v5 =	vmul.f32 v42, v14  }
0xb1: {  	v0, _, _ =	vpop (xrf2);
	(xrf2) =	vadd.scan.msk.f32 $0xffff, v4;
	v4 =	vmul.f32 v56, v51;
	v6 =	vadd.f32 v30, v6;
	v3 =	vadd.f32 v3, v36;
	_ =	sdelay $0x1  }
0xb2: {  	v1, _, _ =	vpop (xrf2);
	(xrf2) =	vadd.scan.msk.f32 $0xffff, v6;
	v6 =	vmul.f32 v45, v44;
	v3 =	vadd.f32 v4, v3;
	v4 =	vadd.f32 v5, v47;
	_ =	sdelay $0x1  }
0xb3: {  	v9 =	vmul.f32 v11, v9;
	v4 =	vadd.f32 v6, v4  }
0xb4: {  	v46 =	vld [tilespmem:s0+$0x210]  }
0xb5: {  	v39 =	vld [tilespmem:s0+$0x8220];
	v5 =	vadd.f32 v9, v4  }
0xb6: {  	v7 =	vld [tilespmem:$0x1FFA0];
	v50, _, _ =	vpop (xrf2);
	(xrf2) =	vadd.scan.msk.f32 $0xffff, v3  }
0xb7: {  	v51, _, _ =	vpop (xrf2);
	(xrf2) =	vadd.scan.msk.f32 $0xffff, v5;
	v5 =	vld [tilespmem:$0x1FFD0]  }
0xb8: {  	v20 =	vld [tilespmem:s0+$0x8610]  }
0xb9: {  	v48 =	vld [tilespmem:s0+$0x220]  }
0xba: {  	v49 =	vld [tilespmem:s0+$0x310]  }
0xbb: {  	v30 =	vld [tilespmem:s0+$0x8210]  }
0xbc: {  	v14 =	vmul.f32 v17, v5;
	v5 =	vld [tilespmem:$0x1FF90]  }
0xbd: {  	v11 =	vld [tilespmem:s0+$0x8310]  }
0xbe: {  	v26 =	vmul.f32 v27, v26;
	v27 =	vld [tilespmem:s0+$0x8410]  }
0xbf: {  	v6 =	vmul.f32 v32, v31;
	v31 =	vld [tilespmem:s0+$0x320]  }
0xc0: {  	v30 =	vmul.f32 v30, v46;
	v3 =	vld [tilespmem:s0+$0x8320]  }
0xc1: {  	v8 =	vmul.f32 v7, v5;
	v5 =	vld [tilespmem:$0x1FFB0]  }
0xc2: {  	v6 =	vadd.f32 v30, v6;
	v9 =	vmul.f32 v39, v48;
	v7 =	vld [tilespmem:$0x1FFC0]  }
0xc3: {  	v30 =	vld [tilespmem:s0+$0x410]  }
0xc4: {  	v11 =	vmul.f32 v11, v49;
	v6 =	vadd.f32 v9, v6;
	v9 =	vmul.f32 v29, v28;
	v28 =	vld [tilespmem:s0+$0x420]  }
0xc5: {  	v29 =	vld [tilespmem:s0+$0x8420]  }
0xc6: {  	v9 =	vadd.f32 v11, v9;
	v11 =	vld [tilespmem:s0+$0x510]  }
0xc7: {  	v3 =	vmul.f32 v3, v31;
	v53 =	vmul.f32 v7, v5;
	v5 =	vld [tilespmem:$0x1FF50]  }
0xc8: {  	v7 =	vld [tilespmem:$0x1FF60]  }
0xc9: {  	v6 =	vadd.f32 v26, v6;
	v3 =	vadd.f32 v3, v9;
	v9 =	vmul.f32 v25, v24;
	v25 =	vld [tilespmem:s0+$0x520]  }
0xca: {  	v4, _, _ =	vpop (xrf2);
	v24 =	vmul.f32 v27, v30;
	v17 =	vld [tilespmem:s0+$0x8510]  }
0xcb: {  	v26, _, _ =	vpop (xrf2);
	(xrf2) =	vadd.scan.msk.f32 $0xffff, v6;
	v6 =	vld [tilespmem:s0+$0x8520]  }
0xcc: {  	v9 =	vadd.f32 v24, v9;
	v24 =	vld [tilespmem:s0+$0x610]  }
0xcd: {  	v3 =	vadd.f32 v14, v3;
	v13 =	vmul.f32 v7, v5;
	v5 =	vld [tilespmem:$0x1FF70]  }
0xce: {  	v7 =	vld [tilespmem:$0x1FF80]  }
0xcf: {  	v27, _, _ =	vpop (xrf2);
	(xrf2) =	vadd.scan.msk.f32 $0xffff, v3;
	v3 =	vld [tilespmem:s0+$0x8620];
	v11 =	vmul.f32 v17, v11  }
0xd0: {  	v52 =	vmul.f32 v29, v28;
	(v2sf) =	vpush v27, $0xF;
	v17 =	vld [tilespmem:s0+$0x620]  }
0xd1: {  	(v2sf) =	vpush v26, $0xF;
	v6 =	vmul.f32 v6, v25;
	v19, _, _ =	vpop (xrf2);
	v11 =	vadd.f32 v11, v53  }
0xd2: {  	v15 =	vld [tilespmem:s0+$0x8710];
	v9 =	vadd.f32 v52, v9;
	(v2sf) =	vpush v19, $0xF  }
0xd3: {  	v54 =	vld [tilespmem:s0+$0x710];
	v16 =	vmul.f32 v20, v24;
	v6 =	vadd.f32 v6, v11;
	v5 =	vmul.f32 v7, v5  }
0xd4: {  	v9 =	vadd.f32 v8, v9;
	(v2sf) =	vpush v4, $0xF;
	v8 =	vld [tilespmem:$0x1FF40]  }
0xd5: {  	v3 =	vmul.f32 v3, v17;
	v4 =	vadd.f32 v13, v6;
	v7 =	vld [tilespmem:$0x1FF20];
	v6 =	vadd.f32 v16, v5  }
0xd6: {  	v5 =	vld [tilespmem:$0x1FF10]  }
0xd7: {  	v6 =	vadd.f32 v3, v6;
	v3 =	vld [tilespmem:$0x1FF30]  }
0xd8: {  	v18 =	vld [tilespmem:s0+$0x720];
	(xrf2) =	vadd.scan.msk.f32 $0xffff, v9  }
0xd9: {  	v57 =	vld [tilespmem:s0+$0x8440]  }
0xda: {  	v58 =	vld [tilespmem:s0+$0x83C0];
	v11, _, _ =	vpop (xrf2);
	(xrf2) =	vadd.scan.msk.f32 $0xffff, v4  }
0xdb: {  	v9 =	vld [tilespmem:s0+$0x8720];
	v5 =	vmul.f32 v7, v5  }
0xdc: {  	v59 =	vld [tilespmem:s0+$0x8240];
	v10 =	vmul.f32 v15, v54;
	v8 =	vmul.f32 v8, v3  }
0xdd: {  	v55 =	vld [tilespmem:s0+$0x730];
	v5 =	vadd.f32 v5, v6  }
0xde: {  	(v2sf) =	vpush v11, $0xF;
	v7 =	vld [tilespmem:s0+$0x8730];
	v8 =	vadd.f32 v10, v8  }
0xdf: {  	v11, _, _ =	vpop (xrf2);
	(xrf2) =	vadd.scan.msk.f32 $0xffff, v5;
	v5 =	vld [tilespmem:s0+$0x8040]  }
0xe0: {  	v56 =	vld [tilespmem:s0+$0x80C0];
	s13 =	spop (v2sf);
	(v2sf) =	vpush v51, $0xF;
	v10 =	vmul.f32 v9, v18  }
0xe1: {  	v15 =	vld [tilespmem:s0+$0x81C0];
	s13 =	sadd.f32 $3.000000120e-01, s13;
	(v2sf) =	vpush v11, $0xF  }
0xe2: {  	v4 =	vld [tilespmem:s0+$0x8740];
	(v2sf) =	vpush v50, $0xF;
	v12 =	vadd.f32 v10, v8;
	v8, _, _ =	vpop (xrf2)  }
0xe3: {  	v11 =	vld [tilespmem:s0+$0x85C0];
	s13 =	smax.f32 s13, $0.0e+00;
	v7 =	vmul.f32 v7, v55;
	(v2sf) =	vpush v8, $0xF  }
0xe4: {  	s14 =	spop (v2sf);
	v16 =	vld [tilespmem:s0+$0x82C0];
	(v2sf) =	vpush v1, $0xF;
	v1 =	vmul.f32 s13, v5;
	v5, _, _ =	vpop (xrf2)  }
0xe5: {  	v7 =	vadd.f32 v7, v12;
	s13 =	spop (v2sf);
	(v2sf) =	vpush v5, $0xF;
	v5 =	vld [tilespmem:$0x1FFF0]  }
0xe6: {  	v3 =	vld [tilespmem:s0+$0x87C0]  }
0xe7: {  	s14 =	sadd.f32 $3.000000120e-01, s14;
	(xrf2) =	vadd.scan.msk.f32 $0xffff, v7;
	v7 =	vld [tilespmem:s0+$0x8140]  }
0xe8: {  	v6 =	vld [tilespmem:s0+$0x86C0]  }
0xe9: {  	s14 =	smax.f32 s14, $0.0e+00;
	v9 =	vld [tilespmem:s0+$0x8640];
	s13 =	sadd.f32 $3.000000120e-01, s13  }
0xea: {  	v10 =	vld [tilespmem:s0+$0x8540];
	v1 =	vadd.f32 v1, v5;
	v5 =	vmul.f32 s14, v56  }
0xeb: {  	v8 =	vld [tilespmem:s0+$0x84C0];
	s13 =	smax.f32 s13, $0.0e+00  }
0xec: {  	s14 =	spop (v2sf);
	(v2sf) =	vpush v0, $0xF;
	v0, _, _ =	vpop (xrf2);
	v1 =	vadd.f32 v5, v1;
	v5 =	vmul.f32 s13, v7;
	v7 =	vld [tilespmem:s0+$0x8340];
	s0 =	sshra.s32 s1, $0x2  }
0xed: {  	s13 =	spop (v2sf);
	(v2sf) =	vpush v0, $0xF;
	v0 =	vld [tilespmem:s0+$0x7B0]  }
0xee: {  	v34 =	vld [tilespmem:s0+$0x7A0]  }
0xef: {  	v36 =	vld [tilespmem:s0+$0x87A0]  }
0xf0: {  	v30 =	vld [tilespmem:s0+$0x6B0]  }
0xf1: {  	v33 =	vld [tilespmem:s0+$0x86B0]  }
0xf2: {  	v39 =	vld [tilespmem:s0+$0x8780]  }
0xf3: {  	v41 =	vld [tilespmem:s0+$0x790]  }
0xf4: {  	v45 =	vld [tilespmem:s0+$0x8790]  }
0xf5: {  	v43 =	vld [tilespmem:s0+$0x6A0]  }
0xf6: {  	v44 =	vld [tilespmem:s0+$0x86A0]  }
0xf7: {  	v37 =	vld [tilespmem:s0+$0x5B0]  }
0xf8: {  	v42 =	vld [tilespmem:s0+$0x85B0]  }
0xf9: {  	v49 =	vld [tilespmem:s0+$0x680]  }
0xfa: {  	v51 =	vld [tilespmem:s0+$0x8680]  }
0xfb: {  	v54 =	vld [tilespmem:s0+$0x690]  }
0xfc: {  	v55 =	vld [tilespmem:s0+$0x8690]  }
0xfd: {  	v52 =	vld [tilespmem:s0+$0x5A0]  }
0xfe: {  	v53 =	vld [tilespmem:s0+$0x85A0]  }
0xff: {  	v46 =	vld [tilespmem:s0+$0x4B0]  }
0x100: {  	v47 =	vld [tilespmem:s0+$0x84B0]  }
0x101: {  	v56 =	vld [tilespmem:s0+$0x580]  }
0x102: {  	[tilespmem:$0x1FF00] =	vst v0;
	v0 =	vld [tilespmem:s0+$0x630]  }
0x103: {  	v48 =	vld [tilespmem:s0+$0x3B0]  }
0x104: {  	v50 =	vld [tilespmem:s0+$0x83B0]  }
0x105: {  	v17 =	vld [tilespmem:s0+$0x8330]  }
0x106: {  	v24 =	vld [tilespmem:s0+$0x400]  }
0x107: {  	[tilespmem:$0x1FF10] =	vst v0;
	v0 =	vld [tilespmem:s0+$0x8630]  }
0x108: {  	s14 =	sadd.f32 $3.000000120e-01, s14;
	v25 =	vld [tilespmem:s0+$0x8400]  }
0x109: {  	v12 =	vld [tilespmem:s0+$0x380]  }
0x10a: {  	s14 =	smax.f32 s14, $0.0e+00;
	s13 =	sadd.f32 $3.000000120e-01, s13;
	v13 =	vld [tilespmem:s0+$0x8380]  }
0x10b: {  	v26 =	vld [tilespmem:s0+$0x230];
	v5 =	vadd.f32 v5, v1;
	v15 =	vmul.f32 s14, v15;
	s14 =	spop (v2sf)  }
0x10c: {  	(v2sf) =	vpush v2, $0xF;
	s13 =	smax.f32 s13, $0.0e+00;
	s14 =	sadd.f32 $3.000000120e-01, s14;
	[tilespmem:$0x1FF20] =	vst v0;
	v0 =	vld [tilespmem:s0+$0x700]  }
0x10d: {  	v27 =	vld [tilespmem:s0+$0x8230];
	v60, _, _ =	vpop (xrf2);
	v2 =	vadd.f32 v15, v5;
	v5 =	vmul.f32 s13, v59;
	s13 =	spop (v2sf)  }
0x10e: {  	v18 =	vld [tilespmem:s0+$0x2A0];
	(v2sf) =	vpush v60, $0xF;
	s14 =	smax.f32 s14, $0.0e+00;
	s13 =	sadd.f32 $3.000000120e-01, s13  }
0x10f: {  	v19 =	vld [tilespmem:s0+$0x82A0];
	v2 =	vadd.f32 v5, v2;
	v5 =	vmul.f32 s14, v16;
	s14 =	spop (v2sf)  }
0x110: {  	v28 =	vld [tilespmem:s0+$0x300];
	(v2sf) =	vpush v21, $0xF;
	s13 =	smax.f32 s13, $0.0e+00;
	s14 =	sadd.f32 $3.000000120e-01, s14  }
0x111: {  	v2 =	vadd.f32 v5, v2;
	v5 =	vmul.f32 s13, v7;
	s13 =	spop (v2sf);
	[tilespmem:$0x1FF30] =	vst v0;
	v0 =	vld [tilespmem:s0+$0x8700]  }
0x112: {  	v29 =	vld [tilespmem:s0+$0x8300];
	s14 =	smax.f32 s14, $0.0e+00;
	s13 =	sadd.f32 $3.000000120e-01, s13  }
0x113: {  	v20 =	vld [tilespmem:s0+$0x280];
	v2 =	vadd.f32 v5, v2;
	v7 =	vmul.f32 s14, v58;
	s14 =	spop (v2sf)  }
0x114: {  	v22 =	vld [tilespmem:s0+$0x8280];
	s13 =	smax.f32 s13, $0.0e+00;
	s14 =	sadd.f32 $3.000000120e-01, s14  }
0x115: {  	v23 =	vld [tilespmem:s0+$0x290];
	v2 =	vadd.f32 v7, v2;
	v61 =	vmul.f32 s13, v57;
	s13 =	spop (v2sf)  }
0x116: {  	s14 =	smax.f32 s14, $0.0e+00;
	s13 =	sadd.f32 $3.000000120e-01, s13;
	[tilespmem:$0x1FF40] =	vst v0;
	v0 =	vld [tilespmem:s0+$0x530]  }
0x117: {  	v35 =	vld [tilespmem:s0+$0x1A0];
	v2 =	vadd.f32 v61, v2;
	v62 =	vmul.f32 s14, v8;
	s14 =	spop (v2sf)  }
0x118: {  	v38 =	vld [tilespmem:s0+$0x81A0];
	s13 =	smax.f32 s13, $0.0e+00;
	s14 =	sadd.f32 $3.000000120e-01, s14  }
0x119: {  	v31 =	vld [tilespmem:s0+$0x200];
	v2 =	vadd.f32 v62, v2;
	v63 =	vmul.f32 s13, v10;
	s13 =	spop (v2sf)  }
0x11a: {  	v32 =	vld [tilespmem:s0+$0x8200];
	s14 =	smax.f32 s14, $0.0e+00;
	s13 =	sadd.f32 $3.000000120e-01, s13  }
0x11b: {  	v2 =	vadd.f32 v63, v2;
	v11 =	vmul.f32 s14, v11;
	s14 =	spop (v2sf);
	[tilespmem:$0x1FF50] =	vst v0;
	v0 =	vld [tilespmem:s0+$0x8530]  }
0x11c: {  	v40 =	vld [tilespmem:s0+$0xB0];
	s13 =	smax.f32 s13, $0.0e+00;
	s14 =	sadd.f32 $3.000000120e-01, s14  }
0x11d: {  	v1 =	vld [tilespmem:s0+$0x87B0];
	v2 =	vadd.f32 v11, v2;
	v9 =	vmul.f32 s13, v9;
	s13 =	spop (v2sf)  }
0x11e: {  	v59 =	vld [tilespmem:s0+$0x8590];
	s14 =	smax.f32 s14, $0.0e+00;
	s13 =	sadd.f32 $3.000000120e-01, s13  }
0x11f: {  	v60 =	vld [tilespmem:s0+$0x4A0];
	v2 =	vadd.f32 v9, v2;
	v6 =	vmul.f32 s14, v6;
	s14 =	spop (v2sf)  }
0x120: {  	s13 =	smax.f32 s13, $0.0e+00;
	s14 =	sadd.f32 $3.000000120e-01, s14;
	[tilespmem:$0x1FF60] =	vst v0;
	v0 =	vld [tilespmem:s0+$0x600]  }
0x121: {  	v15 =	vld [tilespmem:s0+$0x390];
	v2 =	vadd.f32 v6, v2;
	v4 =	vmul.f32 s13, v4  }
0x122: {  	v21 =	vld [tilespmem:s0+$0x780];
	s14 =	smax.f32 s14, $0.0e+00  }
0x123: {  	v16 =	vld [tilespmem:s0+$0x8390];
	v2 =	vadd.f32 v4, v2;
	v3 =	vmul.f32 s14, v3  }
0x124: {  	v14 =	vmul.f32 v45, v41;
	v41 =	vld [tilespmem:s0+$0x80B0]  }
0x125: {  	v45 =	vld [tilespmem:s0+$0x180];
	[tilespmem:$0x1FF70] =	vst v0;
	v0 =	vadd.f32 v3, v2  }
0x126: {  	v34 =	vmul.f32 v36, v34;
	v36 =	vld [tilespmem:s0+$0x8180]  }
0x127: {  	[tilespmem:$0x1FFF0] =	vst v0;
	v0 =	vld [tilespmem:s0+$0x8600]  }
0x128: {  	v33 =	vmul.f32 v33, v30;
	v30 =	vld [tilespmem:s0+$0x80A0]  }
0x129: {  	v54 =	vmul.f32 v55, v54;
	v55 =	vld [tilespmem:$0x1FF00]  }
0x12a: {  	v58 =	vld [tilespmem:s0+$0x590]  }
0x12b: {  	v5 =	vld [tilespmem:s0+$0x490]  }
0x12c: {  	[tilespmem:$0x1FF80] =	vst v0;
	v0 =	vld [tilespmem:s0+$0x430]  }
0x12d: {  	v21 =	vmul.f32 v39, v21;
	v39 =	vmul.f32 v51, v49;
	v51 =	vld [tilespmem:s0+$0x30]  }
0x12e: {  	v57 =	vld [tilespmem:s0+$0x8580]  }
0x12f: {  	v7 =	vld [tilespmem:s0+$0x8490]  }
0x130: {  	v21 =	vadd.f32 v14, v21;
	v14 =	vld [tilespmem:s0+$0x190]  }
0x131: {  	[tilespmem:$0x1FF90] =	vst v0;
	v0 =	vld [tilespmem:s0+$0x8430]  }
0x132: {  	v61 =	vld [tilespmem:s0+$0x480]  }
0x133: {  	v8 =	vld [tilespmem:s0+$0x3A0]  }
0x134: {  	v21 =	vadd.f32 v34, v21;
	v34 =	vld [tilespmem:s0+$0x8190]  }
0x135: {  	v49 =	vmul.f32 v59, v58;
	v59 =	vld [tilespmem:s0+$0x8080]  }
0x136: {  	[tilespmem:$0x1FFA0] =	vst v0;
	v0 =	vld [tilespmem:s0+$0x500]  }
0x137: {  	v58 =	vld [tilespmem:s0+$0x8090]  }
0x138: {  	v62 =	vld [tilespmem:s0+$0x84A0]  }
0x139: {  	v43 =	vmul.f32 v44, v43;
	v10 =	vld [tilespmem:s0+$0x83A0]  }
0x13a: {  	v1 =	vmul.f32 v1, v55;
	v44 =	vmul.f32 v57, v56;
	v56 =	vld [tilespmem:s0+$0x8030]  }
0x13b: {  	v39 =	vadd.f32 v54, v39;
	[tilespmem:$0x1FFB0] =	vst v0;
	v0 =	vld [tilespmem:s0+$0x8500]  }
0x13c: {  	v1 =	vadd.f32 v1, v21;
	v57 =	vld [tilespmem:s0+$0xA0]  }
0x13d: {  	v52 =	vmul.f32 v53, v52;
	v21 =	vadd.f32 v43, v39;
	v63 =	vld [tilespmem:s0+$0x8480];
	v49 =	vadd.f32 v49, v44  }
0x13e: {  	v11 =	vld [tilespmem:s0+$0x8130]  }
0x13f: {  	v5 =	vmul.f32 v7, v5;
	v7 =	vadd.f32 v33, v21;
	v21 =	vadd.f32 v52, v49;
	v49 =	vld [tilespmem:s0+$0x80]  }
0x140: {  	[tilespmem:$0x1FFC0] =	vst v0;
	v0 =	vld [tilespmem:s0+$0x330]  }
0x141: {  	v54 =	vmul.f32 v16, v15;
	(xrf2) =	vadd.scan.msk.f32 $0xffff, v1;
	v9 =	vld [tilespmem:s0+$0x130]  }
0x142: {  	(xrf2) =	vadd.scan.msk.f32 $0xffff, v7;
	v7 =	vmul.f32 v13, v12;
	v1 =	vmul.f32 v63, v61;
	v61 =	vld [tilespmem:s0+$0x100]  }
0x143: {  	v63 =	vld [tilespmem:s0+$0x8100]  }
0x144: {  	v7 =	vadd.f32 v54, v7;
	v54 =	vld [tilespmem:s0+$0x10]  }
0x145: {  	v53 =	vmul.f32 v42, v37;
	v1 =	vadd.f32 v5, v1;
	v5 =	vmul.f32 v62, v60;
	[tilespmem:$0x1FFD0] =	vst v0;
	v0 =	vld [tilespmem:s0+$0x8290]  }
0x146: {  	v6 =	vld [tilespmem:s0+$0x81B0]  }
0x147: {  	p0 =	sne.s32 s1, $0x1E000;
	v55 =	vadd.f32 v53, v21;
	v62 =	vld [tilespmem:s0+$0x90];
	v1 =	vadd.f32 v5, v1;
	v5 =	vmul.f32 v47, v46  }
.Ltmp0:
0x148: {  	v8 =	vmul.f32 v10, v8;
	v60 =	vld [tilespmem:s0+$0x0];
	(pc) =	sbr.rel @p0 .LBB2_2-.Ltmp0, $4  }
0x149: {  	v10 =	vmul.f32 v22, v20;
	(xrf2) =	vadd.scan.msk.f32 $0xffff, v55;
	v55 =	vld [tilespmem:s0+$0x8000];
	v1 =	vadd.f32 v5, v1  }
0x14a: {  	v4 =	vld [tilespmem:s0+$0x1B0];
	v5 =	vadd.f32 v8, v7;
	v7 =	vmul.f32 v50, v48;
	v0 =	vmul.f32 v0, v23  }
0x14b: {  	v47 =	vmul.f32 v34, v14;
	v50 =	vmul.f32 v19, v18;
	v2 =	vld [tilespmem:s0+$0x2B0]  }
0x14c: {  	s1 =	sadd.s32 $0x2000, s1;
	v48 =	vmul.f32 v36, v45;
	v21, _, _ =	vpop (xrf2);
	(xrf2) =	vadd.scan.msk.f32 $0xffff, v1;
	v53 =	vadd.f32 v7, v5;
	v3 =	vld [tilespmem:s0+$0x82B0];
	v52 =	vadd.f32 v0, v10  }
0x14d: {  	v0 =	vld [tilespmem:s0+$0x610];
	_ =	sdelay $0x4  }
0x14e: {  	[tilespmem:$0x1FC20] =	vst v0;
	v0 =	vld [tilespmem:s0+$0x8610];
	_ =	sdelay $0x4  }
0x14f: {  	[tilespmem:$0x1FC30] =	vst v0;
	v0 =	vld [tilespmem:s0+$0x620];
	_ =	sdelay $0x4  }
0x150: {  	[tilespmem:$0x1FC40] =	vst v0;
	v0 =	vld [tilespmem:s0+$0x8620];
	_ =	sdelay $0x4  }
0x151: {  	[tilespmem:$0x1FC50] =	vst v0;
	v0 =	vld [tilespmem:s0+$0x710];
	_ =	sdelay $0x4  }
0x152: {  	[tilespmem:$0x1FC60] =	vst v0;
	v0 =	vld [tilespmem:s0+$0x8710];
	_ =	sdelay $0x4  }
0x153: {  	[tilespmem:$0x1FC70] =	vst v0;
	v0 =	vld [tilespmem:s0+$0x720];
	_ =	sdelay $0x4  }
0x154: {  	[tilespmem:$0x1FC90] =	vst v0;
	v0 =	vld [tilespmem:s0+$0x8720];
	_ =	sdelay $0x4  }
0x155: {  	[tilespmem:$0x1FCA0] =	vst v0;
	v0 =	vld [tilespmem:s0+$0x730];
	_ =	sdelay $0x4  }
0x156: {  	[tilespmem:$0x1FCB0] =	vst v0;
	v0 =	vld [tilespmem:s0+$0x8730];
	_ =	sdelay $0x4  }
0x157: {  	[tilespmem:$0x1FCC0] =	vst v0;
	v0 =	vld [tilespmem:s0+$0x87C0];
	_ =	sdelay $0x4  }
0x158: {  	[tilespmem:$0x1FEF0] =	vst v0;
	v0 =	vld [tilespmem:s0+$0x8740];
	_ =	sdelay $0x4  }
0x159: {  	[tilespmem:$0x1FED0] =	vst v0;
	v0 =	vld [tilespmem:s0+$0x86C0];
	_ =	sdelay $0x4  }
0x15a: {  	[tilespmem:$0x1FE90] =	vst v0;
	v0 =	vld [tilespmem:s0+$0x8640];
	_ =	sdelay $0x4  }
0x15b: {  	[tilespmem:$0x1FE00] =	vst v0;
	v0 =	vld [tilespmem:s0+$0x85C0];
	_ =	sdelay $0x4  }
0x15c: {  	[tilespmem:$0x1FDD0] =	vst v0;
	v0 =	vld [tilespmem:s0+$0x8040];
	_ =	sdelay $0x4  }
0x15d: {  	[tilespmem:$0x1FCE0] =	vst v0;
	v0 =	vld [tilespmem:s0+$0x8540];
	_ =	sdelay $0x4  }
0x15e: {  	[tilespmem:$0x1FD80] =	vst v0;
	v0 =	vld [tilespmem:s0+$0x80C0];
	_ =	sdelay $0x4  }
0x15f: {  	[tilespmem:$0x1FCF0] =	vst v0;
	v0 =	vld [tilespmem:s0+$0x84C0];
	_ =	sdelay $0x4  }
0x160: {  	[tilespmem:$0x1FD70] =	vst v0;
	v0 =	vld [tilespmem:s0+$0x8140];
	_ =	sdelay $0x4  }
0x161: {  	[tilespmem:$0x1FD00] =	vst v0;
	v0 =	vld [tilespmem:s0+$0x8440];
	_ =	sdelay $0x4  }
0x162: {  	[tilespmem:$0x1FD60] =	vst v0;
	v0 =	vld [tilespmem:s0+$0x81C0];
	_ =	sdelay $0x4  }
0x163: {  	[tilespmem:$0x1FD10] =	vst v0;
	v0 =	vld [tilespmem:s0+$0x83C0];
	_ =	sdelay $0x4  }
0x164: {  	[tilespmem:$0x1FD50] =	vst v0;
	v0 =	vld [tilespmem:s0+$0x8240];
	_ =	sdelay $0x4  }
0x165: {  	[tilespmem:$0x1FD20] =	vst v0;
	v0 =	vld [tilespmem:s0+$0x8340];
	_ =	sdelay $0x4  }
0x166: {  	[tilespmem:$0x1FD40] =	vst v0;
	v0 =	vld [tilespmem:s0+$0x82C0];
	_ =	sdelay $0x3  }
0x167: {  	s1 =	simm.s32 $0x0  }
0x168: {  	[tilespmem:$0x1FD30] =	vst v0;
	v0 =	vld [tilespmem:s1+$0x7F0];
	_ =	sdelay $0x4  }
0x169: {  	[tilespmem:$0x1FE10] =	vst v0;
	v0 =	vld [tilespmem:s1+$0x107B0];
	_ =	sdelay $0x4  }
0x16a: {  	[tilespmem:$0x1FE20] =	vst v0;
	v0 =	vld [tilespmem:s1+$0x7E0];
	_ =	sdelay $0x4  }
0x16b: {  	[tilespmem:$0x1FDE0] =	vst v0;
	v0 =	vld [tilespmem:s1+$0x107A0];
	_ =	sdelay $0x4  }
0x16c: {  	[tilespmem:$0x1FDF0] =	vst v0;
	v0 =	vld [tilespmem:s1+$0x6F0];
	_ =	sdelay $0x4  }
0x16d: {  	[tilespmem:$0x1FEB0] =	vst v0;
	v0 =	vld [tilespmem:s1+$0x106B0];
	_ =	sdelay $0x4  }
0x16e: {  	[tilespmem:$0x1FEC0] =	vst v0;
	v0 =	vld [tilespmem:s1+$0x7C0];
	_ =	sdelay $0x4  }
0x16f: {  	[tilespmem:$0x1FD90] =	vst v0;
	v0 =	vld [tilespmem:s1+$0x10780];
	_ =	sdelay $0x4  }
0x170: {  	[tilespmem:$0x1FDA0] =	vst v0;
	v0 =	vld [tilespmem:s1+$0x7D0];
	_ =	sdelay $0x4  }
0x171: {  	[tilespmem:$0x1FDB0] =	vst v0;
	v0 =	vld [tilespmem:s1+$0x10790];
	_ =	sdelay $0x4  }
0x172: {  	[tilespmem:$0x1FDC0] =	vst v0;
	v0 =	vld [tilespmem:s1+$0x670];
	_ =	sdelay $0x4  }
0x173: {  	[tilespmem:$0x1FB80] =	vst v0;
	v0 =	vld [tilespmem:s1+$0x10630];
	_ =	sdelay $0x4  }
0x174: {  	[tilespmem:$0x1FB90] =	vst v0;
	v0 =	vld [tilespmem:s1+$0x6E0];
	_ =	sdelay $0x4  }
0x175: {  	[tilespmem:$0x1FE70] =	vst v0;
	v0 =	vld [tilespmem:s1+$0x106A0];
	_ =	sdelay $0x4  }
0x176: {  	[tilespmem:$0x1FE80] =	vst v0;
	v0 =	vld [tilespmem:s1+$0x740];
	_ =	sdelay $0x4  }
0x177: {  	[tilespmem:$0x1FBA0] =	vst v0;
	v0 =	vld [tilespmem:s1+$0x10700];
	_ =	sdelay $0x4  }
0x178: {  	[tilespmem:$0x1FBB0] =	vst v0;
	v0 =	vld [tilespmem:s1+$0x105B0];
	_ =	sdelay $0x4  }
0x179: {  	[tilespmem:$0x1FEE0] =	vst v0;
	v0 =	vld [tilespmem:s1+$0x6C0];
	_ =	sdelay $0x4  }
0x17a: {  	[tilespmem:$0x1FE30] =	vst v0;
	v0 =	vld [tilespmem:s1+$0x10680];
	_ =	sdelay $0x4  }
0x17b: {  	[tilespmem:$0x1FE40] =	vst v0;
	v0 =	vld [tilespmem:s1+$0x6D0];
	_ =	sdelay $0x4  }
0x17c: {  	[tilespmem:$0x1FE50] =	vst v0;
	v0 =	vld [tilespmem:s1+$0x10690];
	_ =	sdelay $0x4  }
0x17d: {  	[tilespmem:$0x1FE60] =	vst v0;
	v0 =	vld [tilespmem:s1+$0x570];
	_ =	sdelay $0x4  }
0x17e: {  	[tilespmem:$0x1FBC0] =	vst v0;
	v0 =	vld [tilespmem:s1+$0x10530];
	_ =	sdelay $0x4  }
0x17f: {  	[tilespmem:$0x1FBD0] =	vst v0;
	v0 =	vld [tilespmem:s1+$0x640];
	_ =	sdelay $0x4  }
0x180: {  	[tilespmem:$0x1FBE0] =	vst v0;
	v0 =	vld [tilespmem:s1+$0x10600];
	_ =	sdelay $0x3  }
0x181: {  	v13 =	vld [tilespmem:s0+$0x110]  }
0x182: {  	[tilespmem:$0x1FBF0] =	vst v0;
	v0 =	vld [tilespmem:s1+$0x5C0]  }
0x183: {  	v12 =	vld [tilespmem:s0+$0x8110]  }
0x184: {  	v23 =	vld [tilespmem:s0+$0x310];
	v35 =	vmul.f32 v38, v35  }
0x185: {  	v22 =	vld [tilespmem:s0+$0x8310];
	v38 =	vmul.f32 v59, v49;
	v62 =	vmul.f32 v58, v62;
	_ =	sdelay $0x1  }
0x186: {  	v30 =	vmul.f32 v30, v57;
	v58 =	vmul.f32 v63, v61;
	v38 =	vadd.f32 v62, v38;
	[tilespmem:$0x1FEA0] =	vst v0;
	v0 =	vld [tilespmem:$0x1FFD0]  }
0x187: {  	v7 =	vld [tilespmem:s0+$0x8010];
	v59 =	vadd.f32 v50, v52;
	v5 =	vmul.f32 v3, v2;
	v12 =	vmul.f32 v12, v13  }
0x188: {  	v10 =	vld [tilespmem:s0+$0x20];
	v50 =	vmul.f32 v55, v60;
	v55 =	vadd.f32 v30, v38;
	v38 =	vmul.f32 v29, v28  }
0x189: {  	v8 =	vld [tilespmem:s0+$0x8020];
	v5 =	vadd.f32 v5, v59;
	v59 =	vadd.f32 v12, v58;
	v12 =	vmul.f32 v22, v23  }
0x18a: {  	v15 =	vld [tilespmem:s0+$0x120]  }
0x18b: {  	v57 =	vmul.f32 v41, v40;
	v40 =	vadd.f32 v12, v38;
	v12 =	vmul.f32 v17, v0;
	v0 =	vld [tilespmem:s1+$0x470]  }
0x18c: {  	v14 =	vld [tilespmem:s0+$0x8120]  }
0x18d: {  	v18 =	vld [tilespmem:s0+$0x210]  }
0x18e: {  	v16 =	vld [tilespmem:s0+$0x8210]  }
0x18f: {  	v20 =	vld [tilespmem:s0+$0x220]  }
0x190: {  	v47 =	vadd.f32 v47, v48;
	[tilespmem:$0x1FC00] =	vst v0;
	v0 =	vld [tilespmem:s1+$0x10430]  }
0x191: {  	v19 =	vld [tilespmem:s0+$0x8220]  }
0x192: {  	v34 =	vld [tilespmem:s0+$0x320];
	v4 =	vmul.f32 v6, v4;
	v47 =	vadd.f32 v35, v47;
	v7 =	vmul.f32 v7, v54  }
0x193: {  	v33 =	vld [tilespmem:s0+$0x8320];
	v61 =	vmul.f32 v32, v31  }
0x194: {  	v1 =	vld [tilespmem:$0x1FFA0];
	v6 =	vadd.f32 v4, v47;
	v54 =	vmul.f32 v8, v10;
	v4 =	vadd.f32 v7, v50  }
0x195: {  	(xrf2) =	vadd.scan.msk.f32 $0xffff, v53;
	v30 =	vmul.f32 v56, v51;
	v62 =	vmul.f32 v16, v18;
	[tilespmem:$0x1FC10] =	vst v0;
	v0 =	vld [tilespmem:$0x1FF90]  }
0x196: {  	v37 =	vld [tilespmem:s0+$0x410];
	v60 =	vmul.f32 v14, v15;
	(xrf2) =	vadd.scan.msk.f32 $0xffff, v5;
	v5 =	vadd.f32 v57, v55;
	v7 =	vadd.f32 v54, v4  }
0x197: {  	v36 =	vld [tilespmem:s0+$0x8410];
	v32 =	vmul.f32 v19, v20;
	v63 =	vadd.f32 v62, v61;
	(xrf2) =	vadd.scan.msk.f32 $0xffff, v6  }
0x198: {  	v42 =	vld [tilespmem:s0+$0x420];
	v8 =	vadd.f32 v60, v59;
	(xrf2) =	vadd.scan.msk.f32 $0xffff, v5;
	v5 =	vmul.f32 v11, v9;
	v7 =	vadd.f32 v30, v7  }
0x199: {  	v39 =	vld [tilespmem:s0+$0x8420];
	v35 =	vmul.f32 v27, v26;
	v41 =	vmul.f32 v33, v34  }
0x19a: {  	v5 =	vadd.f32 v5, v8;
	(xrf2) =	vadd.scan.msk.f32 $0xffff, v7;
	v7 =	vadd.f32 v32, v63;
	v20 =	vmul.f32 v1, v0;
	v0 =	vld [tilespmem:$0x1FFB0]  }
0x19b: {  	v38 =	vmul.f32 v25, v24;
	v1 =	vld [tilespmem:$0x1FFC0]  }
0x19c: {  	v26, _, _ =	vpop (xrf2);
	(xrf2) =	vadd.scan.msk.f32 $0xffff, v5;
	v5 =	vadd.f32 v35, v7;
	v7 =	vadd.f32 v41, v40;
	v17 =	vmul.f32 v36, v37;
	_ =	sdelay $0x1  }
0x19d: {  	v44 =	vld [tilespmem:s0+$0x510];
	v7 =	vadd.f32 v12, v7;
	v8 =	vadd.f32 v17, v38;
	v12 =	vmul.f32 v39, v42  }
0x19e: {  	v43 =	vld [tilespmem:s0+$0x8510]  }
0x19f: {  	v8 =	vadd.f32 v12, v8;
	v12 =	vmul.f32 v1, v0;
	v0 =	vld [tilespmem:$0x1FF50]  }
0x1a0: {  	v1 =	vld [tilespmem:$0x1FF60];
	_ =	sdelay $0x2  }
0x1a1: {  	v46 =	vld [tilespmem:s0+$0x520];
	v22 =	vmul.f32 v43, v44  }
0x1a2: {  	v45 =	vld [tilespmem:s0+$0x8520]  }
0x1a3: {  	v41 =	vadd.f32 v22, v12;
	v22 =	vmul.f32 v1, v0;
	v0 =	vld [tilespmem:$0x1FF70]  }
0x1a4: {  	v1 =	vld [tilespmem:$0x1FF80];
	_ =	sdelay $0x1  }
0x1a5: {  	v15, _, _ =	vpop (xrf2)  }
0x1a6: {  	v16, _, _ =	vpop (xrf2);
	v12 =	vmul.f32 v45, v46  }
0x1a7: {  	v47, _, _ =	vpop (xrf2)  }
0x1a8: {  	v13, _, _ =	vpop (xrf2);
	v40 =	vadd.f32 v20, v8;
	v8 =	vadd.f32 v12, v41;
	v12 =	vmul.f32 v1, v0;
	v0 =	vld [tilespmem:$0x1FC20]  }
0x1a9: {  	(xrf2) =	vadd.scan.msk.f32 $0xffff, v5;
	v5, _, _ =	vpop (xrf2);
	v1 =	vld [tilespmem:$0x1FC30]  }
0x1aa: {  	v18, _, _ =	vpop (xrf2)  }
0x1ab: {  	v19, _, _ =	vpop (xrf2)  }
0x1ac: {  	(v2sf) =	vpush v19, $0xF  }
0x1ad: {  	(v2sf) =	vpush v18, $0xF;
	v18, _, _ =	vpop (xrf2)  }
0x1ae: {  	(v2sf) =	vpush v18, $0xF;
	v18 =	vmul.f32 v1, v0;
	v0 =	vld [tilespmem:$0x1FC40]  }
0x1af: {  	v1 =	vld [tilespmem:$0x1FC50];
	_ =	sdelay $0x4  }
0x1b0: {  	v43 =	vmul.f32 v1, v0;
	v0 =	vld [tilespmem:$0x1FF10]  }
0x1b1: {  	v1 =	vld [tilespmem:$0x1FF20];
	_ =	sdelay $0x3  }
0x1b2: {  	(v2sf) =	vpush v5, $0xF;
	v42 =	vadd.f32 v18, v12;
	v12, _, _ =	vpop (xrf2)  }
0x1b3: {  	(v2sf) =	vpush v12, $0xF;
	v12 =	vmul.f32 v1, v0;
	v0 =	vld [tilespmem:$0x1FF30]  }
0x1b4: {  	v1 =	vld [tilespmem:$0x1FF40];
	_ =	sdelay $0x4  }
0x1b5: {  	v18 =	vmul.f32 v1, v0;
	v0 =	vld [tilespmem:$0x1FC60]  }
0x1b6: {  	v1 =	vld [tilespmem:$0x1FC70];
	_ =	sdelay $0x4  }
0x1b7: {  	v5 =	vadd.f32 v22, v8;
	v22 =	vmul.f32 v1, v0;
	v0 =	vld [tilespmem:s1+$0x10330];
	_ =	sdelay $0x3  }
0x1b8: {  	v1 =	vld [tilespmem:$0x1FCA0]  }
0x1b9: {  	[tilespmem:$0x1FC80] =	vst v0;
	v0 =	vld [tilespmem:$0x1FC90]  }
0x1ba: {  	(xrf2) =	vadd.scan.msk.f32 $0xffff, v7;
	_ =	sdelay $0x3  }
0x1bb: {  	v18 =	vadd.f32 v22, v18;
	v22 =	vmul.f32 v1, v0;
	v0 =	vld [tilespmem:$0x1FCB0]  }
0x1bc: {  	v1 =	vld [tilespmem:$0x1FCC0]  }
0x1bd: {  	v8 =	vadd.f32 v43, v42;
	_ =	sdelay $0x1  }
0x1be: {  	(xrf2) =	vadd.scan.msk.f32 $0xffff, v40;
	v12 =	vadd.f32 v12, v8  }
0x1bf: {  	(xrf2) =	vadd.scan.msk.f32 $0xffff, v5  }
0x1c0: {  	(v2sf) =	vpush v13, $0xF;
	v13, _, _ =	vpop (xrf2);
	(xrf2) =	vadd.scan.msk.f32 $0xffff, v12;
	v12 =	vadd.f32 v22, v18;
	v18 =	vmul.f32 v1, v0;
	v0 =	vld [tilespmem:s1+$0x10400];
	_ =	sdelay $0x4  }
0x1c1: {  	[tilespmem:$0x1FCD0] =	vst v0;
	v0 =	vld [tilespmem:$0x1FCE0]  }
0x1c2: {  	s13 =	spop (v2sf)  }
0x1c3: {  	s0 =	sadd.f32 $3.000000120e-01, s13  }
0x1c4: {  	v12 =	vadd.f32 v18, v12  }
0x1c5: {  	s0 =	smax.f32 s0, $0.0e+00  }
0x1c6: {  	v22, _, _ =	vpop (xrf2);
	(xrf2) =	vadd.scan.msk.f32 $0xffff, v12;
	v12 =	vmul.f32 s0, v0;
	v0 =	vld [tilespmem:$0x1FFF0];
	_ =	sdelay $0x4  }
0x1c7: {  	v12 =	vadd.f32 v12, v0;
	v0 =	vld [tilespmem:$0x1FCF0]  }
0x1c8: {  	s13 =	spop (v2sf);
	(v2sf) =	vpush v13, $0xF  }
0x1c9: {  	s13 =	sadd.f32 $3.000000120e-01, s13;
	(v2sf) =	vpush v47, $0xF  }
0x1ca: {  	(v2sf) =	vpush v22, $0xF  }
0x1cb: {  	s13 =	smax.f32 s13, $0.0e+00;
	(v2sf) =	vpush v16, $0xF;
	v16, _, _ =	vpop (xrf2)  }
0x1cc: {  	s14 =	spop (v2sf);
	(v2sf) =	vpush v16, $0xF;
	v16 =	vmul.f32 s13, v0;
	v0 =	vld [tilespmem:$0x1FD00];
	_ =	sdelay $0x1  }
0x1cd: {  	s0 =	sadd.f32 $3.000000120e-01, s14;
	_ =	sdelay $0x1  }
0x1ce: {  	s0 =	smax.f32 s0, $0.0e+00  }
0x1cf: {  	v22 =	vmul.f32 s0, v0;
	v0 =	vld [tilespmem:$0x1FD10]  }
0x1d0: {  	s14 =	spop (v2sf)  }
0x1d1: {  	s13 =	sadd.f32 $3.000000120e-01, s14;
	_ =	sdelay $0x1  }
0x1d2: {  	s13 =	smax.f32 s13, $0.0e+00  }
0x1d3: {  	v25 =	vmul.f32 s13, v0;
	v0 =	vld [tilespmem:$0x1FD20]  }
0x1d4: {  	s14 =	spop (v2sf)  }
0x1d5: {  	s0 =	sadd.f32 $3.000000120e-01, s14  }
0x1d6: {  	(v2sf) =	vpush v15, $0xF;
	v18 =	vadd.f32 v16, v12;
	v12, _, _ =	vpop (xrf2)  }
0x1d7: {  	(v2sf) =	vpush v12, $0xF;
	s0 =	smax.f32 s0, $0.0e+00  }
0x1d8: {  	s14 =	spop (v2sf);
	(v2sf) =	vpush v26, $0xF;
	v26 =	vmul.f32 s0, v0;
	v0 =	vld [tilespmem:$0x1FD30]  }
0x1d9: {  	v22 =	vadd.f32 v22, v18;
	s13 =	sadd.f32 $3.000000120e-01, s14;
	_ =	sdelay $0x1  }
0x1da: {  	v1 =	vld [tilespmem:$0x1FD50];
	s14 =	spop (v2sf);
	v25 =	vadd.f32 v25, v22;
	s13 =	smax.f32 s13, $0.0e+00  }
0x1db: {  	s0 =	sadd.f32 $3.000000120e-01, s14;
	s14 =	spop (v2sf)  }
0x1dc: {  	v25 =	vadd.f32 v26, v25;
	v26 =	vmul.f32 s13, v0;
	s13 =	sadd.f32 $3.000000120e-01, s14;
	v0 =	vld [tilespmem:$0x1FD40];
	_ =	sdelay $0x1  }
0x1dd: {  	v27, _, _ =	vpop (xrf2);
	s13 =	smax.f32 s13, $0.0e+00  }
0x1de: {  	(v2sf) =	vpush v27, $0xF;
	v27 =	vmul.f32 s13, v1;
	v1 =	vld [tilespmem:$0x1FD60]  }
0x1df: {  	s0 =	smax.f32 s0, $0.0e+00;
	s14 =	spop (v2sf)  }
0x1e0: {  	v25 =	vadd.f32 v26, v25;
	v26 =	vmul.f32 s0, v0;
	s0 =	sadd.f32 $3.000000120e-01, s14;
	_ =	sdelay $0x1  }
0x1e1: {  	s0 =	smax.f32 s0, $0.0e+00  }
0x1e2: {  	v44 =	vmul.f32 s0, v1;
	v1 =	vld [tilespmem:$0x1FD70]  }
0x1e3: {  	s14 =	spop (v2sf)  }
0x1e4: {  	v52 =	vld [tilespmem:s1+$0x5F0];
	s13 =	sadd.f32 $3.000000120e-01, s14  }
0x1e5: {  	v49 =	vld [tilespmem:s1+$0x2E0]  }
0x1e6: {  	v53 =	vld [tilespmem:s1+$0x2D0];
	s13 =	smax.f32 s13, $0.0e+00  }
0x1e7: {  	v47 =	vmul.f32 s13, v1;
	v1 =	vld [tilespmem:$0x1FD80]  }
0x1e8: {  	v56 =	vld [tilespmem:s1+$0x4C0];
	s14 =	spop (v2sf)  }
0x1e9: {  	v51 =	vld [tilespmem:s1+$0x3E0];
	s0 =	sadd.f32 $3.000000120e-01, s14  }
0x1ea: {  	v2 =	vld [tilespmem:s1+$0x2F0]  }
0x1eb: {  	v4 =	vld [tilespmem:$0x1FDA0];
	s0 =	smax.f32 s0, $0.0e+00  }
0x1ec: {  	v48 =	vmul.f32 s0, v1;
	v1 =	vld [tilespmem:$0x1FD90]  }
0x1ed: {  	v3 =	vld [tilespmem:s1+$0x102B0]  }
0x1ee: {  	v28 =	vld [tilespmem:s1+$0x1F0]  }
0x1ef: {  	v29 =	vld [tilespmem:s1+$0x101B0]  }
0x1f0: {  	v14 =	vld [tilespmem:s1+$0x105A0]  }
0x1f1: {  	v8 =	vmul.f32 v4, v1;
	v1 =	vld [tilespmem:$0x1FDB0]  }
0x1f2: {  	v4 =	vld [tilespmem:$0x1FDC0]  }
0x1f3: {  	v34 =	vld [tilespmem:s1+$0x10380]  }
0x1f4: {  	v33 =	vld [tilespmem:s1+$0x2C0];
	v26 =	vadd.f32 v26, v25  }
0x1f5: {  	v61 =	vld [tilespmem:s1+$0x10580]  }
0x1f6: {  	v23 =	vld [tilespmem:s1+$0x3F0];
	v27 =	vadd.f32 v27, v26  }
0x1f7: {  	v10 =	vmul.f32 v4, v1;
	v1 =	vld [tilespmem:$0x1FDD0]  }
0x1f8: {  	v58 =	vld [tilespmem:s1+$0x1E0];
	s14 =	spop (v2sf);
	v27 =	vadd.f32 v44, v27  }
0x1f9: {  	v50 =	vld [tilespmem:s1+$0x101A0];
	s13 =	sadd.f32 $3.000000120e-01, s14  }
0x1fa: {  	v62 =	vld [tilespmem:s1+$0x1C0];
	v36 =	vadd.f32 v47, v27  }
0x1fb: {  	s13 =	smax.f32 s13, $0.0e+00;
	v4 =	vld [tilespmem:$0x1FDF0]  }
0x1fc: {  	v36 =	vadd.f32 v48, v36;
	v48 =	vmul.f32 s13, v1;
	v1 =	vld [tilespmem:$0x1FDE0]  }
0x1fd: {  	v57 =	vld [tilespmem:s1+$0x104A0]  }
0x1fe: {  	v6 =	vld [tilespmem:s1+$0x4F0]  }
0x1ff: {  	v59 =	vld [tilespmem:s1+$0x5D0]  }
0x200: {  	v24 =	vld [tilespmem:s1+$0x103B0]  }
0x201: {  	v55 =	vadd.f32 v10, v8;
	v8 =	vmul.f32 v4, v1;
	v1 =	vld [tilespmem:$0x1FE00]  }
0x202: {  	v54 =	vld [tilespmem:s1+$0x10290];
	s14 =	spop (v2sf)  }
0x203: {  	v9 =	vld [tilespmem:s1+$0x5E0];
	s0 =	sadd.f32 $3.000000120e-01, s14  }
0x204: {  	v11 =	vld [tilespmem:s1+$0x104B0]  }
0x205: {  	s0 =	smax.f32 s0, $0.0e+00;
	v4 =	vld [tilespmem:$0x1FE20]  }
0x206: {  	v10 =	vmul.f32 s0, v1;
	v1 =	vld [tilespmem:$0x1FE10]  }
0x207: {  	v30 =	vld [tilespmem:s1+$0x10590]  }
0x208: {  	v32 =	vld [tilespmem:s1+$0x10490]  }
0x209: {  	v35 =	vld [tilespmem:s1+$0x4D0]  }
0x20a: {  	v63 =	vld [tilespmem:s1+$0x4E0]  }
0x20b: {  	v55 =	vadd.f32 v8, v55;
	v8 =	vmul.f32 v4, v1;
	v1 =	vld [tilespmem:$0x1FE30]  }
0x20c: {  	v4 =	vld [tilespmem:$0x1FE40]  }
0x20d: {  	v59 =	vmul.f32 v30, v59;
	v30 =	vld [tilespmem:s1+$0x10030]  }
0x20e: {  	v32 =	vmul.f32 v32, v35;
	v35 =	vld [tilespmem:s1+$0x100A0]  }
0x20f: {  	v38 =	vld [tilespmem:s1+$0x10480]  }
0x210: {  	v37 =	vld [tilespmem:s1+$0x3C0]  }
0x211: {  	v12 =	vmul.f32 v4, v1;
	v1 =	vld [tilespmem:$0x1FE50]  }
0x212: {  	v4 =	vld [tilespmem:$0x1FE60]  }
0x213: {  	v19 =	vld [tilespmem:s1+$0x540]  }
0x214: {  	v17 =	vld [tilespmem:s1+$0x370];
	v38 =	vmul.f32 v38, v56  }
0x215: {  	v34 =	vmul.f32 v34, v37;
	v37 =	vld [tilespmem:s1+$0xC0]  }
0x216: {  	v38 =	vadd.f32 v32, v38;
	v32 =	vld [tilespmem:s1+$0x10100]  }
0x217: {  	v5 =	vmul.f32 v4, v1;
	v1 =	vld [tilespmem:$0x1FE70]  }
0x218: {  	v4 =	vld [tilespmem:$0x1FE80]  }
0x219: {  	v45 =	vld [tilespmem:s1+$0x3D0]  }
0x21a: {  	v57 =	vmul.f32 v57, v63;
	v46 =	vld [tilespmem:s1+$0x10390]  }
0x21b: {  	v41 =	vld [tilespmem:s1+$0x102A0]  }
0x21c: {  	v7 =	vadd.f32 v57, v38;
	v38 =	vld [tilespmem:s1+$0x10080]  }
0x21d: {  	v31 =	vmul.f32 v4, v1;
	v1 =	vld [tilespmem:$0x1FE90]  }
0x21e: {  	v20 =	vld [tilespmem:s1+$0x10500];
	s14 =	spop (v2sf)  }
0x21f: {  	v40 =	vld [tilespmem:s1+$0x103A0];
	s13 =	sadd.f32 $3.000000120e-01, s14  }
0x220: {  	v45 =	vmul.f32 v46, v45;
	v46 =	vmul.f32 v41, v49;
	v41 =	vld [tilespmem:s1+$0x10000];
	v36 =	vadd.f32 v48, v36  }
0x221: {  	v13 =	vld [tilespmem:s1+$0x440];
	s13 =	smax.f32 s13, $0.0e+00  }
0x222: {  	v39 =	vadd.f32 v10, v36;
	v10 =	vmul.f32 s13, v1;
	v1 =	vld [tilespmem:$0x1FEA0]  }
0x223: {  	v42 =	vld [tilespmem:s1+$0x100B0]  }
0x224: {  	v43 =	vld [tilespmem:s1+$0x10190]  }
0x225: {  	v15 =	vld [tilespmem:s1+$0x270]  }
0x226: {  	(v2sf) =	vpush v21, $0xF;
	v4 =	vld [tilespmem:$0x1FEC0]  }
0x227: {  	v5 =	vadd.f32 v5, v12;
	v12 =	vmul.f32 v61, v1;
	v1 =	vld [tilespmem:$0x1FEB0]  }
0x228: {  	v16 =	vld [tilespmem:s1+$0x10230]  }
0x229: {  	v18 =	vld [tilespmem:s1+$0x340]  }
0x22a: {  	v22 =	vld [tilespmem:s1+$0x10300]  }
0x22b: {  	v21 =	vld [tilespmem:s1+$0x240]  }
0x22c: {  	v55 =	vadd.f32 v8, v55;
	v8 =	vmul.f32 v4, v1;
	v1 =	vld [tilespmem:$0x1FED0]  }
0x22d: {  	v0 =	vld [tilespmem:s1+$0x10280];
	s14 =	spop (v2sf)  }
0x22e: {  	v25 =	vld [tilespmem:s1+$0x170];
	s0 =	sadd.f32 $3.000000120e-01, s14  }
0x22f: {  	v26 =	vld [tilespmem:s1+$0x10130]  }
0x230: {  	v44 =	vld [tilespmem:s1+$0x1D0];
	s0 =	smax.f32 s0, $0.0e+00  }
0x231: {  	v60 =	vadd.f32 v10, v39;
	v10 =	vmul.f32 s0, v1;
	v1 =	vld [tilespmem:$0x1FEE0]  }
0x232: {  	v27 =	vld [tilespmem:s1+$0x10200];
	(xrf2) =	vadd.scan.msk.f32 $0xffff, v55  }
0x233: {  	v47 =	vld [tilespmem:s1+$0xF0];
	v12 =	vadd.f32 v59, v12  }
0x234: {  	v55 =	vadd.f32 v10, v60;
	v60 =	vmul.f32 v14, v9;
	v10 =	vmul.f32 v0, v33;
	v0 =	vld [tilespmem:$0x1FEF0]  }
0x235: {  	v49 =	vmul.f32 v43, v44;
	v43 =	vld [tilespmem:s1+$0x50];
	s14 =	spop (v2sf);
	v5 =	vadd.f32 v31, v5  }
0x236: {  	v48 =	vld [tilespmem:s1+$0x10180];
	s0 =	sadd.f32 $3.000000120e-01, s14;
	v12 =	vadd.f32 v60, v12;
	v63 =	vmul.f32 v1, v52  }
0x237: {  	v36 =	vld [tilespmem:s1+$0x70];
	v5 =	vadd.f32 v8, v5;
	v8 =	vmul.f32 v11, v6  }
0x238: {  	v34 =	vadd.f32 v45, v34;
	v31 =	vld [tilespmem:s1+$0x140];
	v9 =	vmul.f32 v40, v51;
	s0 =	smax.f32 s0, $0.0e+00;
	v12 =	vadd.f32 v63, v12  }
0x239: {  	v39 =	vld [tilespmem:s1+$0xE0];
	v60 =	vadd.f32 v8, v7;
	v11 =	vmul.f32 s0, v0  }
0x23a: {  	(xrf2) =	vadd.scan.msk.f32 $0xffff, v5;
	v33 =	vld [tilespmem:s1+$0xD0];
	v61 =	vadd.f32 v9, v34;
	v0 =	vmul.f32 v54, v53;
	v63 =	vmul.f32 v24, v23  }
0x23b: {  	v40 =	vld [tilespmem:s1+$0x10090];
	v55 =	vadd.f32 v11, v55;
	(xrf2) =	vadd.scan.msk.f32 $0xffff, v12  }
0x23c: {  	v48 =	vmul.f32 v48, v62;
	v34 =	vld [tilespmem:s1+$0x40];
	s0 =	simm.s32 $0x2000;
	v45 =	vadd.f32 v0, v10;
	v44 =	vadd.f32 v63, v61;
	(xrf2) =	vadd.scan.msk.f32 $0xffff, v60;
	v12, _, _ =	vpop (xrf2)  }
.LBB2_4:
0x23d: {  	v51 =	vld [tilespmem:s1+$0x10010];
	_ =	sdelay $0x1  }
0x23e: {  	v0 =	vmul.f32 v3, v2;
	v57 =	vld [tilespmem:s1+$0x60]  }
0x23f: {  	v60 =	vld [tilespmem:s1+$0x10020];
	v45 =	vadd.f32 v46, v45;
	v59 =	vmul.f32 v50, v58;
	v37 =	vmul.f32 v38, v37  }
0x240: {  	v62 =	vld [tilespmem:s1+$0x150];
	v24 =	vadd.f32 v49, v48;
	v33 =	vmul.f32 v40, v33;
	v28 =	vmul.f32 v29, v28  }
0x241: {  	v6 =	vld [tilespmem:s1+$0x10110];
	v61 =	vadd.f32 v0, v45;
	v34 =	vmul.f32 v41, v34;
	v7 =	vmul.f32 v51, v43  }
0x242: {  	v8 =	vld [tilespmem:s1+$0x160];
	v63 =	vmul.f32 v35, v39;
	v0 =	vadd.f32 v59, v24;
	v29 =	vadd.f32 v33, v37  }
0x243: {  	v10 =	vld [tilespmem:s1+$0x10120];
	(xrf2) =	vadd.scan.msk.f32 $0xffff, v44;
	v9 =	vmul.f32 v42, v47;
	v34 =	vadd.f32 v7, v34  }
0x244: {  	v23, _, _ =	vpop (xrf2);
	(xrf2) =	vadd.scan.msk.f32 $0xffff, v61;
	v11 =	vmul.f32 v60, v57;
	v0 =	vadd.f32 v28, v0;
	v29 =	vadd.f32 v63, v29  }
0x245: {  	v30 =	vmul.f32 v30, v36;
	v31 =	vmul.f32 v32, v31  }
0x246: {  	v46 =	vmul.f32 v6, v62;
	v24, _, _ =	vpop (xrf2);
	(xrf2) =	vadd.scan.msk.f32 $0xffff, v0;
	v29 =	vadd.f32 v9, v29;
	v0 =	vadd.f32 v11, v34;
	_ =	sdelay $0x1  }
0x247: {  	v1 =	vld [tilespmem:$0x1FC10];
	v28, _, _ =	vpop (xrf2);
	(xrf2) =	vadd.scan.msk.f32 $0xffff, v29;
	v29 =	vadd.f32 v30, v0;
	v30 =	vadd.f32 v46, v31;
	v31 =	vmul.f32 v10, v8  }
0x248: {  	v52 =	vld [tilespmem:s1+$0x10620]  }
0x249: {  	v53 =	vld [tilespmem:s1+$0x10720];
	v25 =	vmul.f32 v26, v25;
	v30 =	vadd.f32 v31, v30  }
0x24a: {  	v56 =	vld [tilespmem:s1+$0x770]  }
0x24b: {  	v2 =	vld [tilespmem:$0x1FBA0];
	v0 =	vadd.f32 v25, v30  }
0x24c: {  	v3 =	vld [tilespmem:$0x1FBB0];
	v50, _, _ =	vpop (xrf2);
	(xrf2) =	vadd.scan.msk.f32 $0xffff, v29  }
0x24d: {  	v51, _, _ =	vpop (xrf2);
	(xrf2) =	vadd.scan.msk.f32 $0xffff, v0;
	v0 =	vld [tilespmem:$0x1FC80]  }
0x24e: {  	v44 =	vld [tilespmem:s1+$0x250]  }
0x24f: {  	v48 =	vld [tilespmem:s1+$0x10220]  }
0x250: {  	v49 =	vld [tilespmem:s1+$0x350]  }
0x251: {  	v45 =	vld [tilespmem:s1+$0x10210]  }
0x252: {  	v7 =	vmul.f32 v0, v17;
	v0 =	vld [tilespmem:$0x1FCD0]  }
0x253: {  	v26 =	vld [tilespmem:s1+$0x10310]  }
0x254: {  	v47 =	vld [tilespmem:s1+$0x260]  }
0x255: {  	v15 =	vmul.f32 v16, v15;
	v16 =	vld [tilespmem:s1+$0x10410]  }
0x256: {  	v21 =	vmul.f32 v27, v21;
	v31 =	vld [tilespmem:s1+$0x360]  }
0x257: {  	v27 =	vmul.f32 v45, v44;
	v10 =	vmul.f32 v0, v13;
	v0 =	vld [tilespmem:$0x1FC00]  }
0x258: {  	v18 =	vmul.f32 v22, v18;
	v22 =	vmul.f32 v26, v49;
	v29 =	vld [tilespmem:s1+$0x10320]  }
0x259: {  	v26 =	vld [tilespmem:s1+$0x460];
	v21 =	vadd.f32 v27, v21;
	v27 =	vmul.f32 v48, v47  }
0x25a: {  	v18 =	vadd.f32 v22, v18;
	v22 =	vld [tilespmem:s1+$0x550]  }
0x25b: {  	v21 =	vadd.f32 v27, v21;
	v27 =	vld [tilespmem:s1+$0x10420]  }
0x25c: {  	v14 =	vmul.f32 v1, v0;
	v0 =	vld [tilespmem:$0x1FBC0]  }
0x25d: {  	v15 =	vadd.f32 v15, v21;
	v21 =	vmul.f32 v29, v31;
	v1 =	vld [tilespmem:$0x1FBD0]  }
0x25e: {  	v8 =	vld [tilespmem:s1+$0x10510]  }
0x25f: {  	v30 =	vld [tilespmem:s1+$0x450];
	v18 =	vadd.f32 v21, v18  }
0x260: {  	v17 =	vld [tilespmem:s1+$0x10610]  }
0x261: {  	v7 =	vadd.f32 v7, v18;
	v18 =	vld [tilespmem:s1+$0x650]  }
0x262: {  	v25, _, _ =	vpop (xrf2);
	v4 =	vmul.f32 v1, v0;
	v0 =	vld [tilespmem:$0x1FBE0]  }
0x263: {  	v29, _, _ =	vpop (xrf2);
	v1 =	vld [tilespmem:$0x1FBF0]  }
0x264: {  	(xrf2) =	vadd.scan.msk.f32 $0xffff, v15;
	v15 =	vld [tilespmem:s1+$0x10520];
	v21, _, _ =	vpop (xrf2);
	v13 =	vmul.f32 v16, v30  }
0x265: {  	(v2sf) =	vpush v21, $0xF;
	v16 =	vld [tilespmem:s1+$0x560]  }
0x266: {  	v6 =	vld [tilespmem:s1+$0x10710];
	v10 =	vadd.f32 v13, v10;
	v13 =	vmul.f32 v27, v26  }
0x267: {  	v57 =	vld [tilespmem:s1+$0x10740];
	v8 =	vmul.f32 v8, v22;
	(v2sf) =	vpush v29, $0xF;
	v11 =	vmul.f32 v17, v18  }
0x268: {  	v10 =	vadd.f32 v13, v10;
	v13 =	vmul.f32 v20, v19;
	v19 =	vld [tilespmem:s1+$0x660];
	v0 =	vmul.f32 v1, v0  }
0x269: {  	(xrf2) =	vadd.scan.msk.f32 $0xffff, v7;
	v1 =	vld [tilespmem:$0x1FB90]  }
0x26a: {  	v8 =	vadd.f32 v8, v13;
	v13 =	vmul.f32 v15, v16;
	v54 =	vadd.f32 v11, v0;
	v0 =	vld [tilespmem:$0x1FB80]  }
0x26b: {  	v60 =	vld [tilespmem:s1+$0x105C0];
	v15, _, _ =	vpop (xrf2);
	v10 =	vadd.f32 v14, v10  }
0x26c: {  	v61 =	vld [tilespmem:s1+$0x100C0];
	(v2sf) =	vpush v15, $0xF;
	v8 =	vadd.f32 v13, v8  }
0x26d: {  	v14 =	vld [tilespmem:s1+$0x750];
	v7 =	vmul.f32 v52, v19  }
0x26e: {  	v62 =	vld [tilespmem:s1+$0x10440];
	(xrf2) =	vadd.scan.msk.f32 $0xffff, v10;
	v4 =	vadd.f32 v4, v8  }
0x26f: {  	v13 =	vld [tilespmem:s1+$0x760];
	v8 =	vadd.f32 v7, v54;
	v0 =	vmul.f32 v1, v0  }
0x270: {  	v59 =	vld [tilespmem:s1+$0x10640];
	v9, _, _ =	vpop (xrf2);
	(xrf2) =	vadd.scan.msk.f32 $0xffff, v4  }
0x271: {  	v1 =	vld [tilespmem:s1+$0x10730];
	v0 =	vadd.f32 v0, v8  }
0x272: {  	v2 =	vmul.f32 v3, v2;
	v63 =	vld [tilespmem:s1+$0x103C0];
	v3 =	vmul.f32 v6, v14  }
0x273: {  	(v2sf) =	vpush v25, $0xF;
	v58, _, _ =	vpop (xrf2);
	(xrf2) =	vadd.scan.msk.f32 $0xffff, v0;
	v0 =	vld [tilespmem:s1+$0x10040]  }
0x274: {  	v16 =	vld [tilespmem:s1+$0x102C0];
	s13 =	spop (v2sf);
	v2 =	vadd.f32 v3, v2;
	v3 =	vmul.f32 v53, v13  }
0x275: {  	(v2sf) =	vpush v9, $0xF;
	v14 =	vld [tilespmem:s1+$0x101C0];
	s13 =	sadd.f32 $3.000000120e-01, s13  }
0x276: {  	(v2sf) =	vpush v51, $0xF;
	s14 =	spop (v2sf);
	v4 =	vld [tilespmem:s1+$0x106C0];
	v5 =	vadd.f32 v3, v2;
	v1 =	vmul.f32 v1, v56  }
0x277: {  	(v2sf) =	vpush v58, $0xF;
	s14 =	sadd.f32 $3.000000120e-01, s14;
	s13 =	smax.f32 s13, $0.0e+00;
	v3 =	vld [tilespmem:s1+$0x10540]  }
0x278: {  	(v2sf) =	vpush v50, $0xF;
	v7 =	vld [tilespmem:s1+$0x107C0];
	v2, _, _ =	vpop (xrf2);
	v1 =	vadd.f32 v1, v5;
	v0 =	vmul.f32 s13, v0  }
0x279: {  	s14 =	smax.f32 s14, $0.0e+00;
	(v2sf) =	vpush v2, $0xF;
	v2 =	vld [tilespmem:s1+$0x104C0]  }
0x27a: {  	(v2sf) =	vpush v28, $0xF;
	v13, _, _ =	vpop (xrf2);
	v5 =	vmul.f32 s14, v61;
	(xrf2) =	vadd.scan.msk.f32 $0xffff, v1;
	v1 =	vld [tilespmem:s1+$0x10140];
	v0 =	vadd.f32 v0, v55  }
0x27b: {  	s13 =	spop (v2sf);
	(v2sf) =	vpush v13, $0xF;
	v13 =	vld [tilespmem:s1+$0x10240]  }
0x27c: {  	v0 =	vadd.f32 v5, v0;
	v5 =	vld [tilespmem:s1+$0x10340];
	s1 =	sshra.s32 s0, $0x2  }
0x27d: {  	v30 =	vld [tilespmem:s1+$0x7F0]  }
0x27e: {  	v31 =	vld [tilespmem:s1+$0x107B0]  }
0x27f: {  	v34 =	vld [tilespmem:s1+$0x7E0]  }
0x280: {  	v35 =	vld [tilespmem:s1+$0x107A0]  }
0x281: {  	s13 =	sadd.f32 $3.000000120e-01, s13;
	v33 =	vld [tilespmem:s1+$0x106B0]  }
0x282: {  	s14 =	spop (v2sf);
	v36 =	vld [tilespmem:s1+$0x10780]  }
0x283: {  	s14 =	sadd.f32 $3.000000120e-01, s14;
	s13 =	smax.f32 s13, $0.0e+00;
	v40 =	vld [tilespmem:s1+$0x7D0]  }
0x284: {  	v1 =	vmul.f32 s13, v1;
	s13 =	spop (v2sf);
	v42 =	vld [tilespmem:s1+$0x10790]  }
0x285: {  	s14 =	smax.f32 s14, $0.0e+00;
	v39 =	vld [tilespmem:s1+$0x6E0];
	s13 =	sadd.f32 $3.000000120e-01, s13  }
0x286: {  	v38 =	vld [tilespmem:s1+$0x105B0];
	v0 =	vadd.f32 v1, v0;
	v1 =	vmul.f32 s14, v14;
	s14 =	spop (v2sf)  }
0x287: {  	v46 =	vld [tilespmem:s1+$0x6C0];
	s13 =	smax.f32 s13, $0.0e+00;
	s14 =	sadd.f32 $3.000000120e-01, s14  }
0x288: {  	v51 =	vld [tilespmem:s1+$0x10680];
	v0 =	vadd.f32 v1, v0;
	v1 =	vmul.f32 s13, v13;
	s13 =	spop (v2sf)  }
0x289: {  	v53 =	vld [tilespmem:s1+$0x6D0];
	s14 =	smax.f32 s14, $0.0e+00;
	s13 =	sadd.f32 $3.000000120e-01, s13  }
0x28a: {  	v54 =	vld [tilespmem:s1+$0x10690];
	v0 =	vadd.f32 v1, v0;
	v1 =	vmul.f32 s14, v16  }
0x28b: {  	v49 =	vld [tilespmem:s1+$0x5E0];
	s13 =	smax.f32 s13, $0.0e+00  }
0x28c: {  	v37 =	vld [tilespmem:s1+$0x105A0];
	v0 =	vadd.f32 v1, v0;
	v1 =	vmul.f32 s13, v5  }
0x28d: {  	v55 =	vld [tilespmem:s1+$0x5C0]  }
0x28e: {  	v1 =	vadd.f32 v1, v0;
	v0 =	vld [tilespmem:s1+$0x670]  }
0x28f: {  	v56 =	vld [tilespmem:s1+$0x10580]  }
0x290: {  	v61 =	vld [tilespmem:s1+$0x104A0]  }
0x291: {  	v48 =	vld [tilespmem:s1+$0x103B0]  }
0x292: {  	v52 =	vld [tilespmem:s1+$0x102B0]  }
0x293: {  	[tilespmem:$0x1FB80] =	vst v0;
	v0 =	vld [tilespmem:s1+$0x10630]  }
0x294: {  	v6 =	vld [tilespmem:s1+$0x10380]  }
0x295: {  	v11 =	vld [tilespmem:s1+$0x10390]  }
0x296: {  	v17 =	vld [tilespmem:s1+$0x102A0]  }
0x297: {  	v18 =	vld [tilespmem:s1+$0x340]  }
0x298: {  	[tilespmem:$0x1FB90] =	vst v0;
	v0 =	vld [tilespmem:s1+$0x740]  }
0x299: {  	v22 =	vld [tilespmem:s1+$0x10300]  }
0x29a: {  	v28 =	vld [tilespmem:s1+$0x1F0]  }
0x29b: {  	v29 =	vld [tilespmem:s1+$0x101B0]  }
0x29c: {  	v19 =	vld [tilespmem:s1+$0x2C0]  }
0x29d: {  	[tilespmem:$0x1FBA0] =	vst v0;
	v0 =	vld [tilespmem:s1+$0x10700]  }
0x29e: {  	v20 =	vld [tilespmem:s1+$0x10280]  }
0x29f: {  	v25 =	vld [tilespmem:s1+$0x170]  }
0x2a0: {  	v26 =	vld [tilespmem:s1+$0x10130]  }
0x2a1: {  	v58 =	vld [tilespmem:s1+$0x1E0]  }
0x2a2: {  	[tilespmem:$0x1FBB0] =	vst v0;
	v0 =	vld [tilespmem:s1+$0x5F0]  }
0x2a3: {  	v50 =	vld [tilespmem:s1+$0x101A0]  }
0x2a4: {  	v21 =	vld [tilespmem:s1+$0x240]  }
0x2a5: {  	v27 =	vld [tilespmem:s1+$0x10200]  }
0x2a6: {  	v47 =	vld [tilespmem:s1+$0xF0]  }
0x2a7: {  	[tilespmem:$0x1FB50] =	vst v0;
	v0 =	vld [tilespmem:s1+$0x570]  }
0x2a8: {  	(v2sf) =	vpush v24, $0xF;
	v15, _, _ =	vpop (xrf2);
	v10 =	vld [tilespmem:s1+$0x10180]  }
0x2a9: {  	(v2sf) =	vpush v15, $0xF;
	v15 =	vld [tilespmem:s1+$0x270]  }
0x2aa: {  	(v2sf) =	vpush v23, $0xF;
	v23 =	vld [tilespmem:s1+$0x2F0]  }
0x2ab: {  	v14 =	vld [tilespmem:s1+$0x2E0]  }
0x2ac: {  	[tilespmem:$0x1FBC0] =	vst v0;
	v0 =	vld [tilespmem:s1+$0x10530]  }
0x2ad: {  	v13, _, _ =	vpop (xrf2);
	v46 =	vmul.f32 v51, v46;
	v51 =	vld [tilespmem:s1+$0x1D0]  }
0x2ae: {  	(v2sf) =	vpush v13, $0xF;
	v13 =	vld [tilespmem:s1+$0x6F0];
	s14 =	spop (v2sf)  }
0x2af: {  	v16 =	vld [tilespmem:s1+$0x10230];
	s14 =	sadd.f32 $3.000000120e-01, s14  }
0x2b0: {  	(v2sf) =	vpush v12, $0xF;
	v12 =	vld [tilespmem:s1+$0x7C0];
	s13 =	spop (v2sf)  }
0x2b1: {  	s14 =	smax.f32 s14, $0.0e+00;
	s13 =	sadd.f32 $3.000000120e-01, s13;
	[tilespmem:$0x1FBD0] =	vst v0;
	v0 =	vld [tilespmem:s1+$0x640]  }
0x2b2: {  	v5 =	vmul.f32 s14, v63;
	v63 =	vld [tilespmem:s1+$0x10480]  }
0x2b3: {  	[tilespmem:$0x1FB40] =	vst v13;
	s13 =	smax.f32 s13, $0.0e+00;
	v13 =	vld [tilespmem:s1+$0x440]  }
0x2b4: {  	v32 =	vmul.f32 s13, v62;
	v62 =	vld [tilespmem:s1+$0x4C0]  }
0x2b5: {  	v5 =	vadd.f32 v5, v1;
	v1 =	vld [tilespmem:s1+$0x10490]  }
0x2b6: {  	s14 =	spop (v2sf);
	[tilespmem:$0x1FBE0] =	vst v0;
	v0 =	vld [tilespmem:s1+$0x10600]  }
0x2b7: {  	s14 =	sadd.f32 $3.000000120e-01, s14;
	v12 =	vmul.f32 v36, v12;
	v36 =	vmul.f32 v42, v40;
	v42 =	vld [tilespmem:s1+$0x100B0]  }
0x2b8: {  	v40 =	vmul.f32 v54, v53;
	v53 =	vld [tilespmem:s1+$0x10190]  }
0x2b9: {  	s14 =	smax.f32 s14, $0.0e+00;
	v5 =	vadd.f32 v32, v5;
	v32 =	vld [tilespmem:s1+$0x106A0]  }
0x2ba: {  	v41 =	vmul.f32 s14, v2;
	v2 =	vld [tilespmem:s1+$0x10330]  }
0x2bb: {  	s13 =	spop (v2sf);
	[tilespmem:$0x1FBF0] =	vst v0;
	v0 =	vld [tilespmem:s1+$0x4F0]  }
0x2bc: {  	s13 =	sadd.f32 $3.000000120e-01, s13;
	v12 =	vadd.f32 v36, v12;
	v36 =	vld [tilespmem:s1+$0x70]  }
0x2bd: {  	v30 =	vmul.f32 v31, v30;
	s14 =	spop (v2sf);
	v31 =	vadd.f32 v40, v46;
	v40 =	vld [tilespmem:s1+$0x10090]  }
0x2be: {  	s13 =	smax.f32 s13, $0.0e+00;
	s14 =	sadd.f32 $3.000000120e-01, s14;
	v5 =	vadd.f32 v41, v5;
	v41 =	vld [tilespmem:s1+$0x10500]  }
0x2bf: {  	v34 =	vmul.f32 v35, v34;
	v43 =	vmul.f32 s13, v3;
	v3 =	vld [tilespmem:s1+$0x103A0]  }
0x2c0: {  	s13 =	spop (v2sf);
	s14 =	smax.f32 s14, $0.0e+00;
	[tilespmem:$0x1FB60] =	vst v0;
	v0 =	vld [tilespmem:s1+$0x104B0]  }
0x2c1: {  	v12 =	vadd.f32 v34, v12;
	s13 =	sadd.f32 $3.000000120e-01, s13;
	v9 =	vmul.f32 s14, v60;
	v60 =	vld [tilespmem:s1+$0x4E0]  }
0x2c2: {  	v5 =	vadd.f32 v43, v5;
	s14 =	spop (v2sf);
	v43 =	vld [tilespmem:s1+$0x370]  }
0x2c3: {  	v12 =	vadd.f32 v30, v12;
	v30 =	vld [tilespmem:s1+$0x10030];
	s13 =	smax.f32 s13, $0.0e+00;
	s14 =	sadd.f32 $3.000000120e-01, s14  }
0x2c4: {  	[tilespmem:$0x1FC80] =	vst v2;
	v2 =	vld [tilespmem:s1+$0x3E0];
	v5 =	vadd.f32 v9, v5;
	v8 =	vmul.f32 s13, v59;
	s13 =	spop (v2sf)  }
0x2c5: {  	s14 =	smax.f32 s14, $0.0e+00;
	s13 =	sadd.f32 $3.000000120e-01, s13;
	[tilespmem:$0x1FB70] =	vst v0;
	v0 =	vld [tilespmem:s1+$0x470]  }
0x2c6: {  	v34 =	vmul.f32 v32, v39;
	v39 =	vld [tilespmem:s1+$0xE0];
	v5 =	vadd.f32 v8, v5;
	v44 =	vmul.f32 s14, v4;
	s14 =	spop (v2sf)  }
0x2c7: {  	v32 =	vld [tilespmem:s1+$0x10100];
	s14 =	sadd.f32 $3.000000120e-01, s14;
	s13 =	smax.f32 s13, $0.0e+00  }
0x2c8: {  	v59 =	vld [tilespmem:s1+$0x10590];
	v5 =	vadd.f32 v44, v5;
	v45 =	vmul.f32 s13, v57  }
0x2c9: {  	v9 =	vld [tilespmem:s1+$0x3D0];
	s14 =	smax.f32 s14, $0.0e+00  }
0x2ca: {  	v7 =	vmul.f32 s14, v7;
	v5 =	vadd.f32 v45, v5;
	[tilespmem:$0x1FC00] =	vst v0;
	v0 =	vld [tilespmem:s1+$0x10430]  }
0x2cb: {  	(xrf2) =	vadd.scan.msk.f32 $0xffff, v12;
	v31 =	vadd.f32 v34, v31;
	v34 =	vld [tilespmem:s1+$0x40]  }
0x2cc: {  	v12 =	vmul.f32 v63, v62;
	v63 =	vmul.f32 v20, v19;
	v20 =	vmovc v41;
	v41 =	vld [tilespmem:s1+$0x10000];
	v24 =	vadd.f32 v7, v5  }
0x2cd: {  	v4 =	vld [tilespmem:s1+$0x10400]  }
0x2ce: {  	v35 =	vmul.f32 v56, v55;
	v55 =	vmov v24;
	v24 =	vld [tilespmem:$0x1FB40]  }
0x2cf: {  	[tilespmem:$0x1FC10] =	vst v0;
	v0 =	vld [tilespmem:s1+$0x4D0]  }
0x2d0: {  	v8 =	vld [tilespmem:s1+$0x1C0]  }
0x2d1: {  	v57 =	vld [tilespmem:s1+$0x5D0]  }
0x2d2: {  	[tilespmem:$0x1FCD0] =	vst v4;
	v4 =	vld [tilespmem:s1+$0x3C0]  }
0x2d3: {  	v5 =	vld [tilespmem:s1+$0x2D0]  }
0x2d4: {  	v54 =	vmul.f32 v33, v24;
	v24 =	vld [tilespmem:$0x1FB50];
	v0 =	vmul.f32 v1, v0  }
0x2d5: {  	v62 =	vld [tilespmem:$0x1FB70]  }
0x2d6: {  	v46 =	vmul.f32 v59, v57;
	v0 =	vadd.f32 v0, v12;
	v12 =	vmul.f32 v61, v60;
	v61 =	vld [tilespmem:$0x1FB60]  }
0x2d7: {  	v7 =	vld [tilespmem:s1+$0x10290];
	v1 =	vadd.f32 v54, v31  }
0x2d8: {  	v45 =	vld [tilespmem:s1+$0x3F0];
	v57 =	vmul.f32 v37, v49;
	v56 =	vadd.f32 v46, v35  }
0x2d9: {  	v44 =	vld [tilespmem:s1+$0x540];
	(xrf2) =	vadd.scan.msk.f32 $0xffff, v1;
	v1 =	vmul.f32 v6, v4;
	v4 =	vmul.f32 v11, v9  }
0x2da: {  	p0 =	sne.s32 s0, $0x1E000;
	v2 =	vmul.f32 v3, v2;
	v37 =	vld [tilespmem:s1+$0xC0];
	v33 =	vadd.f32 v57, v56;
	v59 =	vmul.f32 v38, v24  }
.Ltmp1:
0x2db: {  	v35 =	vld [tilespmem:s1+$0x100A0];
	v0 =	vadd.f32 v12, v0;
	v1 =	vadd.f32 v4, v1;
	v9 =	vmul.f32 v62, v61;
	(pc) =	sbr.rel @p0 .LBB2_4-.Ltmp1, $4  }
0x2dc: {  	v46 =	vmul.f32 v17, v14;
	v17 =	vmovc v43;
	v43 =	vld [tilespmem:s1+$0x50];
	v60 =	vadd.f32 v59, v33;
	v4 =	vmul.f32 v7, v5  }
0x2dd: {  	v38 =	vld [tilespmem:s1+$0x10080];
	v5 =	vmul.f32 v48, v45;
	v1 =	vadd.f32 v2, v1;
	v0 =	vadd.f32 v9, v0  }
0x2de: {  	v3 =	vmovc v52;
	v19 =	vmov v44;
	v49 =	vmul.f32 v53, v51;
	v31 =	vld [tilespmem:s1+$0x140];
	(xrf2) =	vadd.scan.msk.f32 $0xffff, v60;
	v48 =	vmul.f32 v10, v8  }
0x2df: {  	s0 =	sadd.s32 $0x2000, s0;
	v33 =	vld [tilespmem:s1+$0xD0];
	v45 =	vadd.f32 v4, v63;
	v2 =	vmov v23;
	v12, _, _ =	vpop (xrf2);
	v44 =	vadd.f32 v5, v1;
	(xrf2) =	vadd.scan.msk.f32 $0xffff, v0  }
0x2e0: {  	v0 =	vld [tilespmem:s1+$0x10010]  }
0x2e1: {  	v1 =	vld [tilespmem:s1+$0x60]  }
0x2e2: {  	v24 =	vld [tilespmem:s1+$0x10020]  }
0x2e3: {  	v7 =	vld [tilespmem:s1+$0x150]  }
0x2e4: {  	v11 =	vld [tilespmem:s1+$0x10110]  }
0x2e5: {  	v14 =	vld [tilespmem:s1+$0x160]  }
0x2e6: {  	v4 =	vadd.f32 v49, v48;
	v48 =	vld [tilespmem:s1+$0x250]  }
0x2e7: {  	v52 =	vld [tilespmem:s1+$0x10210]  }
0x2e8: {  	v54 =	vld [tilespmem:s1+$0x260]  }
0x2e9: {  	v57 =	vld [tilespmem:s1+$0x10220]  }
0x2ea: {  	v59 =	vld [tilespmem:s1+$0x350]  }
0x2eb: {  	v61 =	vld [tilespmem:s1+$0x10310]  }
0x2ec: {  	v2 =	vmul.f32 v3, v2;
	v63 =	vld [tilespmem:s1+$0x360]  }
0x2ed: {  	v5 =	vmul.f32 v50, v58;
	v62 =	vmul.f32 v27, v21;
	v21 =	vld [tilespmem:s1+$0x10320]  }
0x2ee: {  	v10 =	vmul.f32 v29, v28;
	v60 =	vmul.f32 v26, v25;
	v25 =	vld [tilespmem:s1+$0x450]  }
0x2ef: {  	v41 =	vmul.f32 v41, v34;
	v50 =	vmul.f32 v42, v47;
	v27 =	vld [tilespmem:s1+$0x10410]  }
0x2f0: {  	v29 =	vld [tilespmem:s1+$0x460];
	v6 =	vmul.f32 v38, v37;
	v9 =	vmul.f32 v40, v33  }
0x2f1: {  	v51 =	vmul.f32 v30, v36;
	v8 =	vadd.f32 v46, v45;
	v46 =	vld [tilespmem:s1+$0x10120];
	v0 =	vmul.f32 v0, v43  }
0x2f2: {  	v30 =	vld [tilespmem:s1+$0x10420];
	v45 =	vmul.f32 v35, v39;
	v4 =	vadd.f32 v5, v4;
	v6 =	vadd.f32 v9, v6  }
0x2f3: {  	v34 =	vld [tilespmem:$0x1FC80];
	v2 =	vadd.f32 v2, v8;
	v1 =	vmul.f32 v24, v1;
	v0 =	vadd.f32 v0, v41  }
0x2f4: {  	v42 =	vld [tilespmem:s1+$0x650];
	v53 =	vmul.f32 v32, v31;
	v7 =	vmul.f32 v11, v7;
	v49 =	vadd.f32 v45, v6  }
0x2f5: {  	v28 =	vmul.f32 v22, v18;
	v22 =	vld [tilespmem:$0x1FB90];
	(xrf2) =	vadd.scan.msk.f32 $0xffff, v44;
	v4 =	vadd.f32 v10, v4;
	v0 =	vadd.f32 v1, v0  }
0x2f6: {  	v35 =	vld [tilespmem:s1+$0x10510];
	(xrf2) =	vadd.scan.msk.f32 $0xffff, v2;
	v58 =	vmul.f32 v46, v14;
	v1 =	vadd.f32 v7, v53;
	v56 =	vadd.f32 v50, v49  }
0x2f7: {  	v44 =	vld [tilespmem:$0x1FC00];
	(xrf2) =	vadd.scan.msk.f32 $0xffff, v4;
	v0 =	vadd.f32 v51, v0  }
0x2f8: {  	v37 =	vld [tilespmem:$0x1FCD0];
	v1 =	vadd.f32 v58, v1;
	(xrf2) =	vadd.scan.msk.f32 $0xffff, v56  }
0x2f9: {  	v38 =	vld [tilespmem:s1+$0x560];
	v3 =	vmul.f32 v52, v48;
	(xrf2) =	vadd.scan.msk.f32 $0xffff, v0  }
0x2fa: {  	v32 =	vld [tilespmem:s1+$0x550];
	v1 =	vadd.f32 v60, v1  }
0x2fb: {  	v40 =	vld [tilespmem:s1+$0x10520];
	v24 =	vmul.f32 v57, v54;
	v23 =	vadd.f32 v3, v62  }
0x2fc: {  	v5, _, _ =	vpop (xrf2);
	v48 =	vld [tilespmem:s1+$0x660]  }
0x2fd: {  	v26 =	vmul.f32 v16, v15;
	v57 =	vld [tilespmem:$0x1FBD0];
	v11, _, _ =	vpop (xrf2);
	v6 =	vmul.f32 v61, v59;
	v2 =	vadd.f32 v24, v23;
	(xrf2) =	vadd.scan.msk.f32 $0xffff, v1  }
0x2fe: {  	v4 =	vmul.f32 v27, v25;
	v46 =	vld [tilespmem:s1+$0x10610];
	v1, _, _ =	vpop (xrf2)  }
0x2ff: {  	v25 =	vld [tilespmem:$0x1FBB0];
	v3 =	vadd.f32 v6, v28;
	v2 =	vadd.f32 v26, v2;
	v0 =	vmul.f32 v21, v63;
	v31, _, _ =	vpop (xrf2)  }
0x300: {  	v45 =	vld [tilespmem:$0x1FC10];
	v33, _, _ =	vpop (xrf2)  }
0x301: {  	v9 =	vmul.f32 v34, v17;
	v59 =	vld [tilespmem:$0x1FBE0];
	v0 =	vadd.f32 v0, v3;
	v3 =	vmul.f32 v37, v13;
	(xrf2) =	vadd.scan.msk.f32 $0xffff, v2;
	v36, _, _ =	vpop (xrf2)  }
0x302: {  	v53 =	vld [tilespmem:s1+$0x750];
	v39, _, _ =	vpop (xrf2)  }
0x303: {  	v41 =	vmul.f32 v30, v29;
	v56 =	vld [tilespmem:$0x1FBC0];
	v0 =	vadd.f32 v9, v0;
	v3 =	vadd.f32 v4, v3;
	v43, _, _ =	vpop (xrf2)  }
0x304: {  	v47 =	vmul.f32 v20, v19;
	v60 =	vld [tilespmem:$0x1FBF0];
	(v2sf) =	vpush v43, $0xF  }
0x305: {  	v24 =	vld [tilespmem:$0x1FBA0];
	v6 =	vmul.f32 v35, v32;
	v14 =	vmul.f32 v45, v44;
	v3 =	vadd.f32 v41, v3;
	(xrf2) =	vadd.scan.msk.f32 $0xffff, v0  }
0x306: {  	v49 =	vld [tilespmem:s1+$0x10620];
	(v2sf) =	vpush v39, $0xF  }
0x307: {  	v52 =	vmul.f32 v40, v38;
	v58 =	vld [tilespmem:s1+$0x10710];
	v51 =	vadd.f32 v6, v47;
	v50 =	vadd.f32 v14, v3;
	v54, _, _ =	vpop (xrf2)  }
0x308: {  	v7 =	vmul.f32 v46, v42;
	v21 =	vld [tilespmem:$0x1FB80];
	(v2sf) =	vpush v54, $0xF  }
0x309: {  	v62 =	vld [tilespmem:s1+$0x10720];
	v13 =	vmul.f32 v57, v56;
	v4 =	vmul.f32 v60, v59;
	v3 =	vadd.f32 v52, v51;
	(xrf2) =	vadd.scan.msk.f32 $0xffff, v50  }
0x30a: {  	v61 =	vld [tilespmem:s1+$0x760];
	(v2sf) =	vpush v36, $0xF  }
0x30b: {  	v23 =	vld [tilespmem:s1+$0x10730];
	v0 =	vmul.f32 v49, v48;
	v4 =	vadd.f32 v7, v4;
	v3 =	vadd.f32 v13, v3;
	v20, _, _ =	vpop (xrf2)  }
0x30c: {  	v63 =	vld [tilespmem:s1+$0x770];
	v6 =	vmul.f32 v58, v53;
	(v2sf) =	vpush v20, $0xF  }
0x30d: {  	v0 =	vadd.f32 v0, v4;
	v4 =	vmul.f32 v25, v24;
	v13 =	vmul.f32 v22, v21;
	(xrf2) =	vadd.scan.msk.f32 $0xffff, v3  }
0x30e: {  	(v2sf) =	vpush v33, $0xF  }
0x30f: {  	v2 =	vmul.f32 v62, v61;
	v26 =	vadd.f32 v6, v4;
	v0 =	vadd.f32 v13, v0;
	v27, _, _ =	vpop (xrf2)  }
0x310: {  	(v2sf) =	vpush v27, $0xF  }
0x311: {  	v28 =	vmul.f32 v23, v63;
	v2 =	vadd.f32 v2, v26;
	(xrf2) =	vadd.scan.msk.f32 $0xffff, v0  }
0x312: {  	v29 =	vld [tilespmem:s1+$0x10040];
	(v2sf) =	vpush v31, $0xF  }
0x313: {  	v2 =	vadd.f32 v28, v2;
	v30, _, _ =	vpop (xrf2);
	s0 =	spop (v2sf)  }
0x314: {  	v31 =	vld [tilespmem:s1+$0x100C0];
	(v2sf) =	vpush v30, $0xF;
	s0 =	sadd.f32 $3.000000120e-01, s0  }
0x315: {  	(xrf2) =	vadd.scan.msk.f32 $0xffff, v2;
	s13 =	spop (v2sf)  }
0x316: {  	v32 =	vld [tilespmem:s1+$0x10140];
	(v2sf) =	vpush v1, $0xF;
	s13 =	sadd.f32 $3.000000120e-01, s13;
	s0 =	smax.f32 s0, $0.0e+00  }
0x317: {  	v33, _, _ =	vpop (xrf2);
	s14 =	spop (v2sf);
	v0 =	vmul.f32 s0, v29  }
0x318: {  	v34 =	vld [tilespmem:s1+$0x101C0];
	(v2sf) =	vpush v33, $0xF;
	s13 =	smax.f32 s13, $0.0e+00;
	s0 =	sadd.f32 $3.000000120e-01, s14  }
0x319: {  	s14 =	spop (v2sf);
	v35 =	vmul.f32 s13, v31;
	v0 =	vadd.f32 v0, v55  }
0x31a: {  	v36 =	vld [tilespmem:s1+$0x10240];
	(v2sf) =	vpush v11, $0xF;
	s13 =	sadd.f32 $3.000000120e-01, s14;
	s0 =	smax.f32 s0, $0.0e+00  }
0x31b: {  	v38, _, _ =	vpop (xrf2);
	s14 =	spop (v2sf);
	v37 =	vmul.f32 s0, v32;
	v0 =	vadd.f32 v35, v0  }
0x31c: {  	v39 =	vld [tilespmem:s1+$0x102C0];
	(v2sf) =	vpush v38, $0xF;
	s13 =	smax.f32 s13, $0.0e+00;
	s0 =	sadd.f32 $3.000000120e-01, s14  }
0x31d: {  	s14 =	spop (v2sf);
	v40 =	vmul.f32 s13, v34;
	v0 =	vadd.f32 v37, v0  }
0x31e: {  	v41 =	vld [tilespmem:s1+$0x10340];
	(v2sf) =	vpush v5, $0xF;
	s13 =	sadd.f32 $3.000000120e-01, s14;
	s0 =	smax.f32 s0, $0.0e+00  }
0x31f: {  	v43, _, _ =	vpop (xrf2);
	s14 =	spop (v2sf);
	v42 =	vmul.f32 s0, v36;
	v0 =	vadd.f32 v40, v0  }
0x320: {  	v44 =	vld [tilespmem:s1+$0x103C0];
	(v2sf) =	vpush v43, $0xF;
	s13 =	smax.f32 s13, $0.0e+00;
	s0 =	sadd.f32 $3.000000120e-01, s14  }
0x321: {  	s14 =	spop (v2sf);
	v45 =	vmul.f32 s13, v39;
	v0 =	vadd.f32 v42, v0  }
0x322: {  	v46 =	vld [tilespmem:s1+$0x10440];
	(v2sf) =	vpush v12, $0xF;
	s13 =	sadd.f32 $3.000000120e-01, s14;
	s0 =	smax.f32 s0, $0.0e+00  }
0x323: {  	v47 =	vmul.f32 s0, v41;
	s14 =	spop (v2sf);
	v0 =	vadd.f32 v45, v0  }
0x324: {  	v48 =	vld [tilespmem:s1+$0x104C0];
	s13 =	smax.f32 s13, $0.0e+00;
	s0 =	sadd.f32 $3.000000120e-01, s14  }
0x325: {  	v49 =	vmul.f32 s13, v44;
	s14 =	spop (v2sf);
	v0 =	vadd.f32 v47, v0  }
0x326: {  	v50 =	vld [tilespmem:s1+$0x10540];
	s13 =	sadd.f32 $3.000000120e-01, s14;
	s0 =	smax.f32 s0, $0.0e+00  }
0x327: {  	s14 =	spop (v2sf);
	v51 =	vmul.f32 s0, v46;
	v0 =	vadd.f32 v49, v0  }
0x328: {  	v52 =	vld [tilespmem:s1+$0x105C0];
	s13 =	smax.f32 s13, $0.0e+00;
	s0 =	sadd.f32 $3.000000120e-01, s14  }
0x329: {  	s14 =	spop (v2sf);
	v53 =	vmul.f32 s13, v48;
	v0 =	vadd.f32 v51, v0  }
0x32a: {  	v54 =	vld [tilespmem:s1+$0x10640];
	s13 =	sadd.f32 $3.000000120e-01, s14;
	s0 =	smax.f32 s0, $0.0e+00  }
0x32b: {  	s14 =	spop (v2sf);
	v55 =	vmul.f32 s0, v50;
	v0 =	vadd.f32 v53, v0  }
0x32c: {  	v56 =	vld [tilespmem:s1+$0x106C0];
	s13 =	smax.f32 s13, $0.0e+00;
	s0 =	sadd.f32 $3.000000120e-01, s14  }
0x32d: {  	s14 =	spop (v2sf);
	v57 =	vmul.f32 s13, v52;
	v0 =	vadd.f32 v55, v0  }
0x32e: {  	v58 =	vld [tilespmem:s1+$0x10740];
	s13 =	sadd.f32 $3.000000120e-01, s14;
	s0 =	smax.f32 s0, $0.0e+00  }
0x32f: {  	v59 =	vmul.f32 s0, v54;
	s0 =	spop (v2sf);
	v0 =	vadd.f32 v57, v0  }
0x330: {  	v60 =	vld [tilespmem:s1+$0x107C0];
	s14 =	smax.f32 s13, $0.0e+00;
	s0 =	sadd.f32 $3.000000120e-01, s0  }
0x331: {  	v61 =	vmul.f32 s14, v56;
	s13 =	spop (v2sf);
	v0 =	vadd.f32 v59, v0  }
0x332: {  	s1 =	sadd.f32 $3.000000120e-01, s13;
	s0 =	smax.f32 s0, $0.0e+00  }
0x333: {  	v62 =	vmul.f32 s0, v58;
	v0 =	vadd.f32 v61, v0  }
0x334: {  	s14 =	smax.f32 s1, $0.0e+00  }
0x335: {  	v63 =	vmul.f32 s14, v60;
	v0 =	vadd.f32 v62, v0;
	_ =	sdelay $0x1  }
0x336: {  	s31 =	sadd.s32 $0x1, s31;
	v0 =	vadd.f32 v63, v0  }
0x337: {  	p0 =	sne.s32 s31, s8  }
.Ltmp2:
0x338: {  	[tilespmem:$0x18200] =	vst v0;
	(pc) =	sbr.rel @p0 .LBB2_1-.Ltmp2, $4  }
0x339: {  	[hbm4b:s7+s2] =	stream.linear.scatter [tilespmem:s29], [sflag:$0x3], $0x10, $0x38;
	[tilespmem:$0x18210] =	vst v63  }
0x33a: {  	_ =	swait.ge [sflag:s30], $0x10  }
0x33b: {  	[sflag:s30] =	ssyncset.done $0x0  }
0x33c: {  	[sflag:s30] =	ssyncadd.s32 $0xFFFFFFF0  }
0x33d: {  	_ =	sfence.sel $0x180000  }
0x33e: {  	[bflag:$0x0] =	sbarrier.arrive $0xFFFF  }
0x33f: {  	_ =	strace $0x9000004A  }
0x340: {  	s0 =	stileid.u32;
	[bflag:$0x2] =	sbarrier.arrive $0xFFFF  }
0x341: {  	p0 =	sne.s32 s0, $0x0;
	s0 =	rddreg [dreg:$0x2]  }
0x342: {  	s0 =	sadd.s32 @!p0 $0x100000, s0  }
0x343: {  	[sflag:s0] =	ssyncadd.tile.s32 @!p0 $0x1;
	_ =	shalt  }
.Lfunc_end2:
_tile_overlayer_lowered:
.L_overlay_start_2:
0x344: {  	(tag) =	ssettag $0x2  }
0x345: {  	s0 =	rddreg [dreg:$0x0];
	s2 =	stileid.u32  }
0x346: {  	s1 =	rddreg [dreg:$0x1];
	p0 =	sne.s32 s2, $0x0  }
0x347: {  	s3 =	rddreg [dreg:$0x2];
	[bflag:$0x3] =	sbarrier.arrive $0xFFFF;
	s2 =	simm.s32 @!p0 $0x1C03  }
0x348: {  	[timem:s3], [sflag:s2] =	dma.local @!p0 [hbm:s0], s1  }
0x349: {  	s0 =	simm.s32 @!p0 $0x3  }
0x34a: {  	_ =	swait.ge @!p0 [sflag:s0], s1  }
0x34b: {  	s1 =	ssub.s32 @!p0 $0x0, s1;
	[sflag:s0] =	ssyncset.done @!p0 $0x0  }
0x34c: {  	[sflag:s0] =	ssyncadd.s32 @!p0 s1  }
0x34d: {  	[bflag:$0x3] =	sbarrier.arrive $0xFFFF  }
0x34e: {  	_ =	shalt  }

// kernel: kernel.7.cloned.1.call-start
scs
__scs_entry_jumppad:
0x0: {  	(pc) =	sbr.rel $0x88, $3  }
0x1: {  	(tag) =	ssettag $0x0;
	lr =	simm.s32 $0x1  }
0x2: {  	[smem:$0x3F9F] =	sst lr;
	_ =	strace $0xD0000000  }
0x3: {  	_ = 	snop  }
0x4: {  	_ = 	snop  }
0x5: {  	_ = 	snop  }
0x6: {  	_ = 	snop  }
0x7: {  	_ = 	snop  }
__scs_overlays_trampoline_lowered:
0x8: {  	[smem:$0x3FAE] =	sst s0  }
0x9: {  	[smem:$0x3FAF] =	sst s1  }
0xa: {  	[smem:$0x3FB0] =	sst s2  }
0xb: {  	[smem:$0x3FB1] =	sst s3  }
0xc: {  	[smem:$0x3FB2] =	sst s4  }
0xd: {  	[smem:$0x3FB3] =	sst s5  }
0xe: {  	[smem:$0x3FB4] =	sst s6  }
0xf: {  	[smem:$0x3FB5] =	sst s7  }
0x10: {  	[smem:$0x3FB6] =	sst s8  }
0x11: {  	[smem:$0x3FB7] =	sst s9;
	s0 =	simm.s32 @!p0 $0x0  }
0x12: {  	s1 =	sld [smem:$0x3F9D];
	s0 =	simm.s32 @p0 $0x1  }
0x13: {  	[smem:$0x3FB8] =	sst s0;
	s0 =	simm.s32 @!p1 $0x0  }
0x14: {  	s2 =	sld [smem:$0x3F9C];
	s0 =	simm.s32 @p1 $0x1  }
0x15: {  	[smem:$0x3FB9] =	sst s0;
	s0 =	simm.s32 @!p2 $0x0  }
0x16: {  	s3 =	sld [smem:$0x3FDB];
	s0 =	simm.s32 @p2 $0x1  }
0x17: {  	s4 =	simm.s32 $0x1BF5;
	[smem:$0x3FBB] =	sst s0  }
0x18: {  	s0 =	sld [smem:$0x3F9E];
	_ =	swait.ge [sflag:s4], $0x0  }
0x19: {  	s7 =	sld [smem:$0x3F9F]  }
0x1a: {  	s8 =	sadd.s32 $0xFFFFE003, lr  }
0x1b: {  	s9 =	sadd.s32 $0xFFFFFEF7, lr;
	s5 =	simm.s32 $0xFFFFFFFF;
	p2 =	slt.u32 s8, $0xFFFFF086  }
0x1c: {  	p1 =	slt.u32 s9, $0xF7A;
	s5 =	simm.s32 @!p2 $0x0  }
0x1d: {  	s5 =	simm.s32 @p1 $0x1;
	p0 =	seq.s32 s7, s2  }
0x1e: {  	s7 =	smul.u32 @!p0 $0xF7A, s2;
	p2 =	seq.s32 @!p0 s5, $0x0  }
0x1f: {  	s9 =	smul.u32 $0xF7A, s1;
	s8 =	simm.s32 @!p0 $0x1BF5;
	p2 =	por !p2, p0  }
0x20: {  	[sflag:s8] =	ssyncset.s32 @!p0 $0xFFFFF086;
	s6 =	sadd.s32 @!p0 s3, s7;
	s7 =	simm.s32 @!p0 $0x108  }
0x21: {  	s3 =	sadd.s32 s3, s9;
	s6 =	sadd.s32 @!p0 $0x88, s6;
	s7 =	simm.s32 @p2 $0x1082  }
0x22: {  	[simem:s7], [sflag:s8] =	dma.local @!p0 [hbm:s6], $0xF7A  }
0x23: {  	s9 =	sor.u32 $0xD0000000, s2;
	s6 =	simm.s32 $0x108;
	_ =	swait.ge @!p0 [sflag:s8], $0x0  }
0x24: {  	s3 =	sadd.s32 $0x88, s3;
	s6 =	simm.s32 @!p1 $0x1082;
	[sflag:s4] =	ssyncset.s32 $0xFFFFF086  }
0x25: {  	[simem:s6], [sflag:s4] =	dma.local [hbm:s3], $0xF7A  }
0x26: {  	[smem:$0x3F9F] =	sst s1;
	(tag) =	ssettag s2;
	_ =	strace s9  }
0x27: {  	s1 =	sld [smem:$0x3FAF]  }
0x28: {  	s2 =	sld [smem:$0x3FB0]  }
0x29: {  	s4 =	sld [smem:$0x3FB2]  }
0x2a: {  	p0 =	seq.s32 s5, $0x0;
	s5 =	sld [smem:$0x3FB3]  }
0x2b: {  	s6 =	sld [smem:$0x3FB4]  }
0x2c: {  	s7 =	sld [smem:$0x3FB5]  }
0x2d: {  	s3 =	simm.s32 $0x108;
	s8 =	sld [smem:$0x3FB6]  }
0x2e: {  	s3 =	simm.s32 @!p0 $0x1082;
	s9 =	sld [smem:$0x3FB7]  }
0x2f: {  	lr =	sadd.s32 s0, s3;
	s0 =	sld [smem:$0x3FAE]  }
0x30: {  	s3 =	sld [smem:$0x3FB1]  }
0x31: {  	[smem:$0x3FBA] =	sst s10  }
0x32: {  	s10 =	sld [smem:$0x3FB8];
	_ =	sdelay $0x3  }
0x33: {  	p0 =	seq.s32 s10, $0x1;
	s10 =	sld [smem:$0x3FBA];
	_ =	sdelay $0x3  }
0x34: {  	[smem:$0x3FBA] =	sst s10  }
0x35: {  	s10 =	sld [smem:$0x3FB9];
	_ =	sdelay $0x3  }
0x36: {  	p1 =	seq.s32 s10, $0x1;
	s10 =	sld [smem:$0x3FBA];
	_ =	sdelay $0x3  }
0x37: {  	[smem:$0x3FBA] =	sst s10  }
0x38: {  	s10 =	sld [smem:$0x3FBB]  }
0x39: {  	_ = 	snop;
	(pc) =	sbr.ind lr, $3  }
0x3a: {  	_ = 	snop  }
0x3b: {  	_ = 	snop  }
0x3c: {  	p2 =	seq.s32 s10, $0x1;
	s10 =	sld [smem:$0x3FBA]  }
0x3d: {  	_ =	shalt  }
0x3e: {  	_ =	shalt  }
0x3f: {  	_ =	shalt  }
0x40: {  	_ =	shalt  }
0x41: {  	_ =	shalt  }
0x42: {  	_ =	shalt  }
0x43: {  	_ =	shalt  }
0x44: {  	_ =	shalt  }
0x45: {  	_ =	shalt  }
0x46: {  	_ =	shalt  }
0x47: {  	_ =	shalt  }
0x48: {  	_ =	shalt  }
0x49: {  	_ =	shalt  }
0x4a: {  	_ =	shalt  }
0x4b: {  	_ =	shalt  }
0x4c: {  	_ =	shalt  }
0x4d: {  	_ =	shalt  }
0x4e: {  	_ =	shalt  }
0x4f: {  	_ =	shalt  }
0x50: {  	_ =	shalt  }
0x51: {  	_ =	shalt  }
0x52: {  	_ =	shalt  }
0x53: {  	_ =	shalt  }
0x54: {  	_ =	shalt  }
0x55: {  	_ =	shalt  }
0x56: {  	_ =	shalt  }
0x57: {  	_ =	shalt  }
0x58: {  	_ =	shalt  }
0x59: {  	_ =	shalt  }
0x5a: {  	_ =	shalt  }
0x5b: {  	_ =	shalt  }
0x5c: {  	_ =	shalt  }
0x5d: {  	_ =	shalt  }
0x5e: {  	_ =	shalt  }
0x5f: {  	_ =	shalt  }
0x60: {  	_ =	shalt  }
0x61: {  	_ =	shalt  }
0x62: {  	_ =	shalt  }
0x63: {  	_ =	shalt  }
0x64: {  	_ =	shalt  }
0x65: {  	_ =	shalt  }
0x66: {  	_ =	shalt  }
0x67: {  	_ =	shalt  }
0x68: {  	_ =	shalt  }
0x69: {  	_ =	shalt  }
0x6a: {  	_ =	shalt  }
0x6b: {  	_ =	shalt  }
0x6c: {  	_ =	shalt  }
0x6d: {  	_ =	shalt  }
0x6e: {  	_ =	shalt  }
0x6f: {  	_ =	shalt  }
0x70: {  	_ =	shalt  }
0x71: {  	_ =	shalt  }
0x72: {  	_ =	shalt  }
0x73: {  	_ =	shalt  }
0x74: {  	_ =	shalt  }
0x75: {  	_ =	shalt  }
0x76: {  	_ =	shalt  }
0x77: {  	_ =	shalt  }
0x78: {  	_ =	shalt  }
0x79: {  	_ =	shalt  }
0x7a: {  	_ =	shalt  }
0x7b: {  	_ =	shalt  }
0x7c: {  	_ =	shalt  }
0x7d: {  	_ =	shalt  }
0x7e: {  	_ =	shalt  }
0x7f: {  	_ =	shalt  }
0x80: {  	_ =	shalt  }
0x81: {  	_ =	shalt  }
0x82: {  	_ =	shalt  }
0x83: {  	_ =	shalt  }
0x84: {  	_ =	shalt  }
0x85: {  	_ =	shalt  }
0x86: {  	_ =	shalt  }
0x87: {  	_ =	shalt  }
.Lfunc_end0:
.L_simem_size_0:
called_computation_lowered:
.L_overlay_start_0:
0x88: {  	s2 =	sld [smem:$0x3FD9]  }
0x89: {  	s3 =	sld [smem:$0x3FFE];
	_ =	sdelay $0x1  }
0x8a: {  	s1 =	srdreg.scid  }
0x8b: {  	s0 =	sand.u32 $0x1, s1  }
0x8c: {  	s17 =	sshll.u32 s0, $0xA;
	s2 =	sadd.s32 s3, s2  }
0x8d: {  	s2 =	sadd.s32 s2, s17  }
0x8e: {  	[smem:$0x3FC6] =	sst s2  }
0x8f: {  	_ = 	snop  }
0x90: {  	s2 =	sld [smem:$0x3FC8];
	(tm) =	ssettm $0x1  }
0x91: {  	s18 =	sld [smem:$0x3FFB];
	_ =	sdelay $0x3  }
0x92: {  	_ =	strace s18  }
0x93: {  	s3 =	sld [smem:$0x3FFC];
	_ =	sdelay $0x3  }
0x94: {  	_ =	strace s3  }
0x95: {  	s3 =	sld [smem:$0x3FFD];
	_ =	sdelay $0x3  }
0x96: {  	_ =	strace s3  }
0x97: {  	_ =	strace $0x8FFFFFFF  }
0x98: {  	s19 =	sld [smem:$0x3FDB];
	_ =	sdelay $0x1  }
0x99: {  	s4 =	simm.s32 $_scs_section_size  }
0x9a: {  	s5 =	simm.s32 $_size__tile_overlayer_lowered;
	s6 =	simm.s32 $_tile_overlayer_lowered  }
0x9b: {  	s22 =	simm.s32 $0x1BFF;
	s21 =	sshll.u32 s6, $0x1;
	s3 =	sadd.s32 s4, s19  }
0x9c: {  	s7 =	simm.s32 $0x0;
	s20 =	sshll.u32 s5, $0x1;
	s5 =	sadd.s32 s21, s3  }
0x9d: {  	[timem:s7], [sflag:s22] =	dma.local [hbm:s5], s20  }
0x9e: {  	_ =	swait.ge [sflag:s22], s20  }
0x9f: {  	s4 =	ssub.s32 $0x0, s20;
	[sflag:s22] =	ssyncset.done $0x0  }
0xa0: {  	[sflag:s22] =	ssyncadd.s32 s4;
	_ =	sdelay $0x1  }
0xa1: {  	s23 =	simm.s32 $0x1B8B  }
0xa2: {  	_ =	swait.ge [sflag:s23], $0x1  }
0xa3: {  	[sflag:s23] =	ssyncset.done $0x0  }
0xa4: {  	s25 =	simm.s32 $0x1B8E;
	s24 =	sld [smem:$0x3FFE];
	[sflag:s23] =	ssyncadd.s32 $0xFFFFFFFF  }
0xa5: {  	s26 =	simm.s32 $execute0_lowered;
	[smem:$0x3FD2] =	sst s25  }
0xa6: {  	s5 =	sshll.u32 s26, $0x1;
	_ =	strace $0x80000046;
	[dreg:$0x1] =	wrdreg $0xFFFFFFFF  }
0xa7: {  	s28 =	simm.s32 $_size_execute0_lowered;
	s3 =	sadd.s32 s3, s5;
	[dreg:$0x0] =	wrdreg $0x0  }
0xa8: {  	s5 =	sshll.u32 s28, $0x1;
	[dreg:$0x2] =	wrdreg s3  }
0xa9: {  	[dreg:$0x3] =	wrdreg s5  }
0xaa: {  	[dreg:$0x4] =	wrdreg $0xC0  }
0xab: {  	_ =	task [dreg:s7], $0x5FFFF  }
0xac: {  	[dreg:$0x1] =	wrdreg $0xFFFFFFFF  }
0xad: {  	[dreg:$0x0] =	wrdreg $0x60  }
0xae: {  	[dreg:$0x2] =	wrdreg s24  }
0xaf: {  	[dreg:$0x3] =	wrdreg s2  }
0xb0: {  	[dreg:$0x4] =	wrdreg $0x122000  }
0xb1: {  	[dreg:$0x5] =	wrdreg $0x9  }
0xb2: {  	_ =	task.clear_ibuf [dreg:s7], $0x6FFFF;
	_ =	strace $0x90000046  }
0xb3: {  	s29 =	simm.s32 $0x9;
	_ =	strace $0x80000048  }
0xb4: {  	_ =	swait.ge [sflag:s29], $0x1  }
0xb5: {  	[sflag:s29] =	ssyncadd.s32 $0xFFFFFFFF  }
0xb6: {  	_ =	strace $0x90000048  }
0xb7: {  	_ =	sfence  }
0xb8: {  	s30 =	sld [smem:$0x0];
	_ =	sdelay $0x2  }
0xb9: {  	s31 =	sshll.u32 s1, $0xD;
	s1 =	sshrl.u32 s1, $0x2  }
0xba: {  	s3 =	sand.u32 $0x4000, s31;
	s1 =	sadd.s32 s1, s30  }
0xbb: {  	s0 =	sor.u32 s3, s0;
	s1 =	sshll.u32 s1, $0x11  }
0xbc: {  	s0 =	sor.u32 s1, s0  }
0xbd: {  	s0 =	sadd.s32 $0x8F2B, s0  }
0xbe: {  	[sflag:s0] =	ssyncadd.remote.s32 $0x1  }
0xbf: {  	_ =	sfence.sel $0xFFFF  }
0xc0: {  	[dreg:$0x0] =	wrdreg $0xFFFFFFFF;
	(pc) =	sbr.abs _section_cstart, $3  }
0xc1: {  	[dreg:$0x1] =	wrdreg $0xFFFFFFFF  }
0xc2: {  	_ =	task.clear_ibuf [dreg:s7], $0x2FFFF;
	_ =	strace $0x9FFFFFFF  }
0xc3: {  	(tm) =	ssettm $0x7FFFFFFF  }
tec
execute0_lowered:
.L_overlay_start_1:
0x0: {  	(tag) =	ssettag $0x1  }
0x1: {  	s0 =	rddreg [dreg:$0x0]  }
0x2: {  	s1 =	rddreg [dreg:$0x1];
	s3 =	srdreg.scid  }
0x3: {  	s2 =	rddreg [dreg:$0x2];
	s13 =	stileid.u32  }
0x4: {  	s14 =	simm.s32 $0x12100;
	s15 =	simm.s32 $0x1;
	s16 =	simm.s32 $0x40  }
0x5: {  	s22 =	simm.s32 $0x120C0;
	s23 =	simm.s32 $0xBC00;
	s24 =	simm.s32 $0xD000  }
0x6: {  	s28 =	simm.s32 $0x12180;
	s29 =	simm.s32 $0xF800;
	s30 =	simm.s32 $0x121C0  }
0x7: {  	s31 =	simm.s32 $0x10C00;
	s4 =	sand.u32 $0x1, s3;
	s6 =	sshll.u32 s13, $0x8  }
0x8: {  	s3 =	simm.s32 $0x0;
	s25 =	smul.u32 $0x1400, s13;
	s5 =	sshll.u32 s4, $0xC  }
0x9: {  	[smem:$0x7FF] =	sst s3;
	s8 =	smul.u32 $0x14000, s4;
	s4 =	ssub.s32 $0x2, s4  }
0xa: {  	s6 =	sor.u32 s6, s5;
	_ =	strace $0x80000047;
	s9 =	sshrl.u32 s25, $0x3  }
0xb: {  	s10 =	sshrl.u32 s4, $0x1;
	s12 =	sadd.s32 s25, s2;
	s5 =	sshll.u32 s13, $0x6  }
0xc: {  	s13 =	simm.s32 $0x12000;
	s7 =	sshll.u32 s6, $0x4;
	s8 =	sadd.s32 s25, s8  }
0xd: {  	s9 =	sadd.s32 s9, s0;
	s11 =	ssub.s32 s4, s10;
	s26 =	sshrl.u32 s6, $0x3  }
0xe: {  	s6 =	sor.u32 $0x1C01, s5;
	s12 =	sshrl.u32 s12, $0x3;
	s25 =	simm.s32 $0x12140  }
0xf: {  	s7 =	sadd.s32 s7, s0;
	s8 =	sshrl.u32 s8, $0x3;
	s4 =	sadd.s32 $0x20E00, s9  }
0x10: {  	s11 =	smax.u32 s11, $0x1;
	s0 =	sadd.s32 s8, s0;
	s7 =	sadd.s32 $0xE00, s7  }
0x11: {  	v0 =	vimm.f32 $0.0e+00;
	vm0 =	vcmask $0x300;
	s8 =	sadd.s32 s1, s26;
	s26 =	simm.s32 $0xE400;
	s1 =	simm.s32 $0x0  }
0x12: {  	v0 =	vsel vm0, $0x3F800000, v0;
	s9 =	sadd.s32 $0x400, s8;
	s10 =	sadd.s32 $0x23600, s0;
	s0 =	simm.s32 $0x2  }
.LBB2_1:
0x13: {  	[spmem:s12], [sflag:s6] =	dma.local [hbm:s4], $0x280  }
0x14: {  	[tilespmem:s3], [sflag:$0x1] =	stream.linear.gather [hbm4b:s7+s3], $0x8000, $0x38;
	[tilespmem:$0x13600] =	vst v63  }
0x15: {  	_ = 	snop  }
0x16: {  	[tilespmem:s13], [sflag:$0x1] =	stream.linear.gather [hbm4b:s8+s3], $0x100, $0x38;
	[tilespmem:$0x13600] =	vst v63  }
0x17: {  	_ = 	snop  }
0x18: {  	[tilespmem:s14], [sflag:$0x1] =	stream.linear.gather [hbm4b:s9+s3], $0x100, $0x38;
	[tilespmem:$0x13600] =	vst v63  }
0x19: {  	_ =	swait.ge [sflag:s15], $0x280  }
0x1a: {  	[sflag:s15] =	ssyncset.done $0x0  }
0x1b: {  	[sflag:s15] =	ssyncadd.s32 $0xFFFFFD80  }
0x1c: {  	_ =	swait.ge [sflag:s15], $0x8000  }
0x1d: {  	[sflag:s15] =	ssyncset.done $0x0  }
0x1e: {  	[sflag:s15] =	ssyncadd.s32 $0xFFFF8000  }
0x1f: {  	_ =	swait.ge [sflag:s15], $0x100  }
0x20: {  	[sflag:s15] =	ssyncset.done $0x0  }
0x21: {  	[sflag:s15] =	ssyncadd.s32 $0xFFFFFF00  }
0x22: {  	_ =	swait.ge [sflag:s15], $0x100  }
0x23: {  	[sflag:s15] =	ssyncset.done $0x0  }
0x24: {  	s17 =	simm.s32 $0x0;
	[sflag:s15] =	ssyncadd.s32 $0xFFFFFF00  }
.LBB2_2:
0x25: {  	s18 =	sshll.u32 s17, $0xB  }
0x26: {  	s19 =	sand.u32 $0x3FFFF800, s18  }
0x27: {  	v1 =	vld [tilespmem:s19+$0x0];
	_ =	sdelay $0x1  }
0x28: {  	s20 =	smul.u32 $0x1400, s17;
	_ =	sdelay $0x1  }
0x29: {  	s18 =	sshra.s32 s20, $0x2  }
0x2a: {  	[tilespmem:s18+$0x8000] =	vst v1  }
0x2b: {  	v1 =	vld [tilespmem:s19+$0x40];
	_ =	sdelay $0x4  }
0x2c: {  	[tilespmem:s18+$0xD000] =	vst v1  }
0x2d: {  	v1 =	vld [tilespmem:s19+$0x10];
	_ =	sdelay $0x4  }
0x2e: {  	[tilespmem:s18+$0x8010] =	vst v1  }
0x2f: {  	v1 =	vld [tilespmem:s19+$0x50];
	_ =	sdelay $0x4  }
0x30: {  	[tilespmem:s18+$0xD010] =	vst v1  }
0x31: {  	v1 =	vld [tilespmem:s19+$0x20];
	_ =	sdelay $0x4  }
0x32: {  	[tilespmem:s18+$0x8020] =	vst v1  }
0x33: {  	v1 =	vld [tilespmem:s19+$0x60];
	_ =	sdelay $0x4  }
0x34: {  	[tilespmem:s18+$0xD020] =	vst v1  }
0x35: {  	v1 =	vld [tilespmem:s19+$0x30];
	_ =	sdelay $0x4  }
0x36: {  	[tilespmem:s18+$0x8030] =	vst v1  }
0x37: {  	v1 =	vld [tilespmem:s19+$0x70];
	_ =	sdelay $0x1  }
0x38: {  	s19 =	sshll.u32 s17, $0x4  }
0x39: {  	[tilespmem:s18+$0x8040] =	vst v0;
	s20 =	sor.u32 $0x1, s19  }
0x3a: {  	[tilespmem:s18+$0xD040] =	vst v0;
	s21 =	sshll.u32 s20, $0x7  }
0x3b: {  	s21 =	sand.u32 $0x3FFFF880, s21;
	[tilespmem:s18+$0xD030] =	vst v1  }
0x3c: {  	v1 =	vld [tilespmem:s21+$0x0];
	_ =	sdelay $0x1  }
0x3d: {  	s20 =	smul.u32 $0x140, s20;
	_ =	sdelay $0x1  }
0x3e: {  	s20 =	sshra.s32 s20, $0x2  }
0x3f: {  	[tilespmem:s20+$0x8000] =	vst v1  }
0x40: {  	v1 =	vld [tilespmem:s21+$0x40];
	_ =	sdelay $0x4  }
0x41: {  	[tilespmem:s18+$0xD050] =	vst v1  }
0x42: {  	v1 =	vld [tilespmem:s21+$0x10];
	_ =	sdelay $0x4  }
0x43: {  	[tilespmem:s20+$0x8010] =	vst v1  }
0x44: {  	v1 =	vld [tilespmem:s21+$0x50];
	_ =	sdelay $0x4  }
0x45: {  	[tilespmem:s18+$0xD060] =	vst v1  }
0x46: {  	v1 =	vld [tilespmem:s21+$0x20];
	_ =	sdelay $0x4  }
0x47: {  	[tilespmem:s20+$0x8020] =	vst v1  }
0x48: {  	v1 =	vld [tilespmem:s21+$0x60];
	_ =	sdelay $0x4  }
0x49: {  	[tilespmem:s18+$0xD070] =	vst v1  }
0x4a: {  	v1 =	vld [tilespmem:s21+$0x30];
	_ =	sdelay $0x4  }
0x4b: {  	[tilespmem:s20+$0x8030] =	vst v1  }
0x4c: {  	v1 =	vld [tilespmem:s21+$0x70];
	_ =	sdelay $0x4  }
0x4d: {  	s21 =	sor.u32 $0x2, s19;
	[tilespmem:s18+$0xD080] =	vst v1  }
0x4e: {  	[tilespmem:s20+$0x8040] =	vst v0;
	s20 =	sshll.u32 s21, $0x7  }
0x4f: {  	[tilespmem:s18+$0xD090] =	vst v0;
	s20 =	sand.u32 $0x3FFFF900, s20  }
0x50: {  	v1 =	vld [tilespmem:s20+$0x0];
	_ =	sdelay $0x1  }
0x51: {  	s21 =	smul.u32 $0x140, s21;
	_ =	sdelay $0x1  }
0x52: {  	s21 =	sshra.s32 s21, $0x2  }
0x53: {  	[tilespmem:s21+$0x8000] =	vst v1  }
0x54: {  	v1 =	vld [tilespmem:s20+$0x40];
	_ =	sdelay $0x4  }
0x55: {  	[tilespmem:s18+$0xD0A0] =	vst v1  }
0x56: {  	v1 =	vld [tilespmem:s20+$0x10];
	_ =	sdelay $0x4  }
0x57: {  	[tilespmem:s21+$0x8010] =	vst v1  }
0x58: {  	v1 =	vld [tilespmem:s20+$0x50];
	_ =	sdelay $0x4  }
0x59: {  	[tilespmem:s18+$0xD0B0] =	vst v1  }
0x5a: {  	v1 =	vld [tilespmem:s20+$0x20];
	_ =	sdelay $0x4  }
0x5b: {  	[tilespmem:s21+$0x8020] =	vst v1  }
0x5c: {  	v1 =	vld [tilespmem:s20+$0x60];
	_ =	sdelay $0x4  }
0x5d: {  	[tilespmem:s18+$0xD0C0] =	vst v1  }
0x5e: {  	v1 =	vld [tilespmem:s20+$0x30];
	_ =	sdelay $0x4  }
0x5f: {  	[tilespmem:s21+$0x8030] =	vst v1  }
0x60: {  	v1 =	vld [tilespmem:s20+$0x70];
	_ =	sdelay $0x4  }
0x61: {  	s20 =	sor.u32 $0x3, s19;
	[tilespmem:s18+$0xD0D0] =	vst v1  }
0x62: {  	[tilespmem:s21+$0x8040] =	vst v0;
	s21 =	sshll.u32 s20, $0x7  }
0x63: {  	[tilespmem:s18+$0xD0E0] =	vst v0;
	s21 =	sand.u32 $0x3FFFF980, s21  }
0x64: {  	v1 =	vld [tilespmem:s21+$0x0];
	_ =	sdelay $0x1  }
0x65: {  	s20 =	smul.u32 $0x140, s20;
	_ =	sdelay $0x1  }
0x66: {  	s20 =	sshra.s32 s20, $0x2  }
0x67: {  	[tilespmem:s20+$0x8000] =	vst v1  }
0x68: {  	v1 =	vld [tilespmem:s21+$0x40];
	_ =	sdelay $0x4  }
0x69: {  	[tilespmem:s18+$0xD0F0] =	vst v1  }
0x6a: {  	v1 =	vld [tilespmem:s21+$0x10];
	_ =	sdelay $0x4  }
0x6b: {  	[tilespmem:s20+$0x8010] =	vst v1  }
0x6c: {  	v1 =	vld [tilespmem:s21+$0x50];
	_ =	sdelay $0x4  }
0x6d: {  	[tilespmem:s18+$0xD100] =	vst v1  }
0x6e: {  	v1 =	vld [tilespmem:s21+$0x20];
	_ =	sdelay $0x4  }
0x6f: {  	[tilespmem:s20+$0x8020] =	vst v1  }
0x70: {  	v1 =	vld [tilespmem:s21+$0x60];
	_ =	sdelay $0x4  }
0x71: {  	[tilespmem:s18+$0xD110] =	vst v1  }
0x72: {  	v1 =	vld [tilespmem:s21+$0x30];
	_ =	sdelay $0x4  }
0x73: {  	[tilespmem:s20+$0x8030] =	vst v1  }
0x74: {  	v1 =	vld [tilespmem:s21+$0x70];
	_ =	sdelay $0x4  }
0x75: {  	s21 =	sor.u32 $0x4, s19;
	[tilespmem:s18+$0xD120] =	vst v1  }
0x76: {  	[tilespmem:s20+$0x8040] =	vst v0;
	s20 =	sshll.u32 s21, $0x7  }
0x77: {  	[tilespmem:s18+$0xD130] =	vst v0;
	s20 =	sand.u32 $0x3FFFFA00, s20  }
0x78: {  	v1 =	vld [tilespmem:s20+$0x0];
	_ =	sdelay $0x1  }
0x79: {  	s21 =	smul.u32 $0x140, s21;
	_ =	sdelay $0x1  }
0x7a: {  	s21 =	sshra.s32 s21, $0x2  }
0x7b: {  	[tilespmem:s21+$0x8000] =	vst v1  }
0x7c: {  	v1 =	vld [tilespmem:s20+$0x40];
	_ =	sdelay $0x4  }
0x7d: {  	[tilespmem:s18+$0xD140] =	vst v1  }
0x7e: {  	v1 =	vld [tilespmem:s20+$0x10];
	_ =	sdelay $0x4  }
0x7f: {  	[tilespmem:s21+$0x8010] =	vst v1  }
0x80: {  	v1 =	vld [tilespmem:s20+$0x50];
	_ =	sdelay $0x4  }
0x81: {  	[tilespmem:s18+$0xD150] =	vst v1  }
0x82: {  	v1 =	vld [tilespmem:s20+$0x20];
	_ =	sdelay $0x4  }
0x83: {  	[tilespmem:s21+$0x8020] =	vst v1  }
0x84: {  	v1 =	vld [tilespmem:s20+$0x60];
	_ =	sdelay $0x4  }
0x85: {  	[tilespmem:s18+$0xD160] =	vst v1  }
0x86: {  	v1 =	vld [tilespmem:s20+$0x30];
	_ =	sdelay $0x4  }
0x87: {  	[tilespmem:s21+$0x8030] =	vst v1  }
0x88: {  	v1 =	vld [tilespmem:s20+$0x70];
	_ =	sdelay $0x4  }
0x89: {  	s20 =	sor.u32 $0x5, s19;
	[tilespmem:s18+$0xD170] =	vst v1  }
0x8a: {  	[tilespmem:s21+$0x8040] =	vst v0;
	s21 =	sshll.u32 s20, $0x7  }
0x8b: {  	[tilespmem:s18+$0xD180] =	vst v0;
	s21 =	sand.u32 $0x3FFFFA80, s21  }
0x8c: {  	v1 =	vld [tilespmem:s21+$0x0];
	_ =	sdelay $0x1  }
0x8d: {  	s20 =	smul.u32 $0x140, s20;
	_ =	sdelay $0x1  }
0x8e: {  	s20 =	sshra.s32 s20, $0x2  }
0x8f: {  	[tilespmem:s20+$0x8000] =	vst v1  }
0x90: {  	v1 =	vld [tilespmem:s21+$0x40];
	_ =	sdelay $0x4  }
0x91: {  	[tilespmem:s18+$0xD190] =	vst v1  }
0x92: {  	v1 =	vld [tilespmem:s21+$0x10];
	_ =	sdelay $0x4  }
0x93: {  	[tilespmem:s20+$0x8010] =	vst v1  }
0x94: {  	v1 =	vld [tilespmem:s21+$0x50];
	_ =	sdelay $0x4  }
0x95: {  	[tilespmem:s18+$0xD1A0] =	vst v1  }
0x96: {  	v1 =	vld [tilespmem:s21+$0x20];
	_ =	sdelay $0x4  }
0x97: {  	[tilespmem:s20+$0x8020] =	vst v1  }
0x98: {  	v1 =	vld [tilespmem:s21+$0x60];
	_ =	sdelay $0x4  }
0x99: {  	[tilespmem:s18+$0xD1B0] =	vst v1  }
0x9a: {  	v1 =	vld [tilespmem:s21+$0x30];
	_ =	sdelay $0x4  }
0x9b: {  	[tilespmem:s20+$0x8030] =	vst v1  }
0x9c: {  	v1 =	vld [tilespmem:s21+$0x70];
	_ =	sdelay $0x4  }
0x9d: {  	s21 =	sor.u32 $0x6, s19;
	[tilespmem:s18+$0xD1C0] =	vst v1  }
0x9e: {  	[tilespmem:s20+$0x8040] =	vst v0;
	s20 =	sshll.u32 s21, $0x7  }
0x9f: {  	[tilespmem:s18+$0xD1D0] =	vst v0;
	s20 =	sand.u32 $0x3FFFFB00, s20  }
0xa0: {  	v1 =	vld [tilespmem:s20+$0x0];
	_ =	sdelay $0x1  }
0xa1: {  	s21 =	smul.u32 $0x140, s21;
	_ =	sdelay $0x1  }
0xa2: {  	s21 =	sshra.s32 s21, $0x2  }
0xa3: {  	[tilespmem:s21+$0x8000] =	vst v1  }
0xa4: {  	v1 =	vld [tilespmem:s20+$0x40];
	_ =	sdelay $0x4  }
0xa5: {  	[tilespmem:s18+$0xD1E0] =	vst v1  }
0xa6: {  	v1 =	vld [tilespmem:s20+$0x10];
	_ =	sdelay $0x4  }
0xa7: {  	[tilespmem:s21+$0x8010] =	vst v1  }
0xa8: {  	v1 =	vld [tilespmem:s20+$0x50];
	_ =	sdelay $0x4  }
0xa9: {  	[tilespmem:s18+$0xD1F0] =	vst v1  }
0xaa: {  	v1 =	vld [tilespmem:s20+$0x20];
	_ =	sdelay $0x4  }
0xab: {  	[tilespmem:s21+$0x8020] =	vst v1  }
0xac: {  	v1 =	vld [tilespmem:s20+$0x60];
	_ =	sdelay $0x4  }
0xad: {  	[tilespmem:s18+$0xD200] =	vst v1  }
0xae: {  	v1 =	vld [tilespmem:s20+$0x30];
	_ =	sdelay $0x4  }
0xaf: {  	[tilespmem:s21+$0x8030] =	vst v1  }
0xb0: {  	v1 =	vld [tilespmem:s20+$0x70];
	_ =	sdelay $0x4  }
0xb1: {  	s20 =	sor.u32 $0x7, s19;
	[tilespmem:s18+$0xD210] =	vst v1  }
0xb2: {  	[tilespmem:s21+$0x8040] =	vst v0;
	s21 =	sshll.u32 s20, $0x7  }
0xb3: {  	[tilespmem:s18+$0xD220] =	vst v0;
	s21 =	sand.u32 $0x3FFFFB80, s21  }
0xb4: {  	v1 =	vld [tilespmem:s21+$0x0];
	_ =	sdelay $0x1  }
0xb5: {  	s20 =	smul.u32 $0x140, s20;
	_ =	sdelay $0x1  }
0xb6: {  	s20 =	sshra.s32 s20, $0x2  }
0xb7: {  	[tilespmem:s20+$0x8000] =	vst v1  }
0xb8: {  	v1 =	vld [tilespmem:s21+$0x40];
	_ =	sdelay $0x4  }
0xb9: {  	[tilespmem:s18+$0xD230] =	vst v1  }
0xba: {  	v1 =	vld [tilespmem:s21+$0x10];
	_ =	sdelay $0x4  }
0xbb: {  	[tilespmem:s20+$0x8010] =	vst v1  }
0xbc: {  	v1 =	vld [tilespmem:s21+$0x50];
	_ =	sdelay $0x4  }
0xbd: {  	[tilespmem:s18+$0xD240] =	vst v1  }
0xbe: {  	v1 =	vld [tilespmem:s21+$0x20];
	_ =	sdelay $0x4  }
0xbf: {  	[tilespmem:s20+$0x8020] =	vst v1  }
0xc0: {  	v1 =	vld [tilespmem:s21+$0x60];
	_ =	sdelay $0x4  }
0xc1: {  	[tilespmem:s18+$0xD250] =	vst v1  }
0xc2: {  	v1 =	vld [tilespmem:s21+$0x30];
	_ =	sdelay $0x4  }
0xc3: {  	[tilespmem:s20+$0x8030] =	vst v1  }
0xc4: {  	v1 =	vld [tilespmem:s21+$0x70];
	_ =	sdelay $0x4  }
0xc5: {  	s21 =	sor.u32 $0x8, s19;
	[tilespmem:s18+$0xD260] =	vst v1  }
0xc6: {  	[tilespmem:s20+$0x8040] =	vst v0;
	s20 =	sshll.u32 s21, $0x7  }
0xc7: {  	[tilespmem:s18+$0xD270] =	vst v0;
	s20 =	sand.u32 $0x3FFFFC00, s20  }
0xc8: {  	v1 =	vld [tilespmem:s20+$0x0];
	_ =	sdelay $0x1  }
0xc9: {  	s21 =	smul.u32 $0x140, s21;
	_ =	sdelay $0x1  }
0xca: {  	s21 =	sshra.s32 s21, $0x2  }
0xcb: {  	[tilespmem:s21+$0x8000] =	vst v1  }
0xcc: {  	v1 =	vld [tilespmem:s20+$0x40];
	_ =	sdelay $0x4  }
0xcd: {  	[tilespmem:s18+$0xD280] =	vst v1  }
0xce: {  	v1 =	vld [tilespmem:s20+$0x10];
	_ =	sdelay $0x4  }
0xcf: {  	[tilespmem:s21+$0x8010] =	vst v1  }
0xd0: {  	v1 =	vld [tilespmem:s20+$0x50];
	_ =	sdelay $0x4  }
0xd1: {  	[tilespmem:s18+$0xD290] =	vst v1  }
0xd2: {  	v1 =	vld [tilespmem:s20+$0x20];
	_ =	sdelay $0x4  }
0xd3: {  	[tilespmem:s21+$0x8020] =	vst v1  }
0xd4: {  	v1 =	vld [tilespmem:s20+$0x60];
	_ =	sdelay $0x4  }
0xd5: {  	[tilespmem:s18+$0xD2A0] =	vst v1  }
0xd6: {  	v1 =	vld [tilespmem:s20+$0x30];
	_ =	sdelay $0x4  }
0xd7: {  	[tilespmem:s21+$0x8030] =	vst v1  }
0xd8: {  	v1 =	vld [tilespmem:s20+$0x70];
	_ =	sdelay $0x4  }
0xd9: {  	s20 =	sor.u32 $0x9, s19;
	[tilespmem:s18+$0xD2B0] =	vst v1  }
0xda: {  	[tilespmem:s21+$0x8040] =	vst v0;
	s21 =	sshll.u32 s20, $0x7  }
0xdb: {  	[tilespmem:s18+$0xD2C0] =	vst v0;
	s21 =	sand.u32 $0x3FFFFC80, s21  }
0xdc: {  	v1 =	vld [tilespmem:s21+$0x0];
	_ =	sdelay $0x1  }
0xdd: {  	s20 =	smul.u32 $0x140, s20;
	_ =	sdelay $0x1  }
0xde: {  	s20 =	sshra.s32 s20, $0x2  }
0xdf: {  	[tilespmem:s20+$0x8000] =	vst v1  }
0xe0: {  	v1 =	vld [tilespmem:s21+$0x40];
	_ =	sdelay $0x4  }
0xe1: {  	[tilespmem:s18+$0xD2D0] =	vst v1  }
0xe2: {  	v1 =	vld [tilespmem:s21+$0x10];
	_ =	sdelay $0x4  }
0xe3: {  	[tilespmem:s20+$0x8010] =	vst v1  }
0xe4: {  	v1 =	vld [tilespmem:s21+$0x50];
	_ =	sdelay $0x4  }
0xe5: {  	[tilespmem:s18+$0xD2E0] =	vst v1  }
0xe6: {  	v1 =	vld [tilespmem:s21+$0x20];
	_ =	sdelay $0x4  }
0xe7: {  	[tilespmem:s20+$0x8020] =	vst v1  }
0xe8: {  	v1 =	vld [tilespmem:s21+$0x60];
	_ =	sdelay $0x4  }
0xe9: {  	[tilespmem:s18+$0xD2F0] =	vst v1  }
0xea: {  	v1 =	vld [tilespmem:s21+$0x30];
	_ =	sdelay $0x4  }
0xeb: {  	[tilespmem:s20+$0x8030] =	vst v1  }
0xec: {  	v1 =	vld [tilespmem:s21+$0x70];
	_ =	sdelay $0x4  }
0xed: {  	s21 =	sor.u32 $0xA, s19;
	[tilespmem:s18+$0xD300] =	vst v1  }
0xee: {  	[tilespmem:s20+$0x8040] =	vst v0;
	s20 =	sshll.u32 s21, $0x7  }
0xef: {  	[tilespmem:s18+$0xD310] =	vst v0;
	s20 =	sand.u32 $0x3FFFFD00, s20  }
0xf0: {  	v1 =	vld [tilespmem:s20+$0x0];
	_ =	sdelay $0x1  }
0xf1: {  	s21 =	smul.u32 $0x140, s21;
	_ =	sdelay $0x1  }
0xf2: {  	s21 =	sshra.s32 s21, $0x2  }
0xf3: {  	[tilespmem:s21+$0x8000] =	vst v1  }
0xf4: {  	v1 =	vld [tilespmem:s20+$0x40];
	_ =	sdelay $0x4  }
0xf5: {  	[tilespmem:s18+$0xD320] =	vst v1  }
0xf6: {  	v1 =	vld [tilespmem:s20+$0x10];
	_ =	sdelay $0x4  }
0xf7: {  	[tilespmem:s21+$0x8010] =	vst v1  }
0xf8: {  	v1 =	vld [tilespmem:s20+$0x50];
	_ =	sdelay $0x4  }
0xf9: {  	[tilespmem:s18+$0xD330] =	vst v1  }
0xfa: {  	v1 =	vld [tilespmem:s20+$0x20];
	_ =	sdelay $0x4  }
0xfb: {  	[tilespmem:s21+$0x8020] =	vst v1  }
0xfc: {  	v1 =	vld [tilespmem:s20+$0x60];
	_ =	sdelay $0x4  }
0xfd: {  	[tilespmem:s18+$0xD340] =	vst v1  }
0xfe: {  	v1 =	vld [tilespmem:s20+$0x30];
	_ =	sdelay $0x4  }
0xff: {  	[tilespmem:s21+$0x8030] =	vst v1  }
0x100: {  	v1 =	vld [tilespmem:s20+$0x70];
	_ =	sdelay $0x4  }
0x101: {  	s20 =	sor.u32 $0xB, s19;
	[tilespmem:s18+$0xD350] =	vst v1  }
0x102: {  	[tilespmem:s21+$0x8040] =	vst v0;
	s21 =	sshll.u32 s20, $0x7  }
0x103: {  	[tilespmem:s18+$0xD360] =	vst v0;
	s21 =	sand.u32 $0x3FFFFD80, s21  }
0x104: {  	v1 =	vld [tilespmem:s21+$0x0];
	_ =	sdelay $0x1  }
0x105: {  	s20 =	smul.u32 $0x140, s20;
	_ =	sdelay $0x1  }
0x106: {  	s20 =	sshra.s32 s20, $0x2  }
0x107: {  	[tilespmem:s20+$0x8000] =	vst v1  }
0x108: {  	v1 =	vld [tilespmem:s21+$0x40];
	_ =	sdelay $0x4  }
0x109: {  	[tilespmem:s18+$0xD370] =	vst v1  }
0x10a: {  	v1 =	vld [tilespmem:s21+$0x10];
	_ =	sdelay $0x4  }
0x10b: {  	[tilespmem:s20+$0x8010] =	vst v1  }
0x10c: {  	v1 =	vld [tilespmem:s21+$0x50];
	_ =	sdelay $0x4  }
0x10d: {  	[tilespmem:s18+$0xD380] =	vst v1  }
0x10e: {  	v1 =	vld [tilespmem:s21+$0x20];
	_ =	sdelay $0x4  }
0x10f: {  	[tilespmem:s20+$0x8020] =	vst v1  }
0x110: {  	v1 =	vld [tilespmem:s21+$0x60];
	_ =	sdelay $0x4  }
0x111: {  	[tilespmem:s18+$0xD390] =	vst v1  }
0x112: {  	v1 =	vld [tilespmem:s21+$0x30];
	_ =	sdelay $0x4  }
0x113: {  	[tilespmem:s20+$0x8030] =	vst v1  }
0x114: {  	v1 =	vld [tilespmem:s21+$0x70];
	_ =	sdelay $0x4  }
0x115: {  	s21 =	sor.u32 $0xC, s19;
	[tilespmem:s18+$0xD3A0] =	vst v1  }
0x116: {  	[tilespmem:s20+$0x8040] =	vst v0;
	s20 =	sshll.u32 s21, $0x7  }
0x117: {  	[tilespmem:s18+$0xD3B0] =	vst v0;
	s20 =	sand.u32 $0x3FFFFE00, s20  }
0x118: {  	v1 =	vld [tilespmem:s20+$0x0];
	_ =	sdelay $0x1  }
0x119: {  	s21 =	smul.u32 $0x140, s21;
	_ =	sdelay $0x1  }
0x11a: {  	s21 =	sshra.s32 s21, $0x2  }
0x11b: {  	[tilespmem:s21+$0x8000] =	vst v1  }
0x11c: {  	v1 =	vld [tilespmem:s20+$0x40];
	_ =	sdelay $0x4  }
0x11d: {  	[tilespmem:s18+$0xD3C0] =	vst v1  }
0x11e: {  	v1 =	vld [tilespmem:s20+$0x10];
	_ =	sdelay $0x4  }
0x11f: {  	[tilespmem:s21+$0x8010] =	vst v1  }
0x120: {  	v1 =	vld [tilespmem:s20+$0x50];
	_ =	sdelay $0x4  }
0x121: {  	[tilespmem:s18+$0xD3D0] =	vst v1  }
0x122: {  	v1 =	vld [tilespmem:s20+$0x20];
	_ =	sdelay $0x4  }
0x123: {  	[tilespmem:s21+$0x8020] =	vst v1  }
0x124: {  	v1 =	vld [tilespmem:s20+$0x60];
	_ =	sdelay $0x4  }
0x125: {  	[tilespmem:s18+$0xD3E0] =	vst v1  }
0x126: {  	v1 =	vld [tilespmem:s20+$0x30];
	_ =	sdelay $0x4  }
0x127: {  	[tilespmem:s21+$0x8030] =	vst v1  }
0x128: {  	v1 =	vld [tilespmem:s20+$0x70];
	_ =	sdelay $0x4  }
0x129: {  	s20 =	sor.u32 $0xD, s19;
	[tilespmem:s18+$0xD3F0] =	vst v1  }
0x12a: {  	[tilespmem:s21+$0x8040] =	vst v0;
	s21 =	sshll.u32 s20, $0x7  }
0x12b: {  	[tilespmem:s18+$0xD400] =	vst v0;
	s21 =	sand.u32 $0x3FFFFE80, s21  }
0x12c: {  	v1 =	vld [tilespmem:s21+$0x0];
	_ =	sdelay $0x1  }
0x12d: {  	s20 =	smul.u32 $0x140, s20;
	_ =	sdelay $0x1  }
0x12e: {  	s20 =	sshra.s32 s20, $0x2  }
0x12f: {  	[tilespmem:s20+$0x8000] =	vst v1  }
0x130: {  	v1 =	vld [tilespmem:s21+$0x40];
	_ =	sdelay $0x4  }
0x131: {  	[tilespmem:s18+$0xD410] =	vst v1  }
0x132: {  	v1 =	vld [tilespmem:s21+$0x10];
	_ =	sdelay $0x4  }
0x133: {  	[tilespmem:s20+$0x8010] =	vst v1  }
0x134: {  	v1 =	vld [tilespmem:s21+$0x50];
	_ =	sdelay $0x4  }
0x135: {  	[tilespmem:s18+$0xD420] =	vst v1  }
0x136: {  	v1 =	vld [tilespmem:s21+$0x20];
	_ =	sdelay $0x4  }
0x137: {  	[tilespmem:s20+$0x8020] =	vst v1  }
0x138: {  	v1 =	vld [tilespmem:s21+$0x60];
	_ =	sdelay $0x4  }
0x139: {  	[tilespmem:s18+$0xD430] =	vst v1  }
0x13a: {  	v1 =	vld [tilespmem:s21+$0x30];
	_ =	sdelay $0x4  }
0x13b: {  	[tilespmem:s20+$0x8030] =	vst v1  }
0x13c: {  	v1 =	vld [tilespmem:s21+$0x70];
	_ =	sdelay $0x4  }
0x13d: {  	s19 =	sor.u32 $0xE, s19;
	[tilespmem:s18+$0xD440] =	vst v1  }
0x13e: {  	s21 =	sshll.u32 s19, $0x7;
	[tilespmem:s20+$0x8040] =	vst v0  }
0x13f: {  	s20 =	sand.u32 $0x3FFFFF00, s21;
	[tilespmem:s18+$0xD450] =	vst v0  }
0x140: {  	v1 =	vld [tilespmem:s20+$0x0];
	_ =	sdelay $0x1  }
0x141: {  	s19 =	smul.u32 $0x140, s19;
	_ =	sdelay $0x1  }
0x142: {  	s19 =	sshra.s32 s19, $0x2  }
0x143: {  	[tilespmem:s19+$0x8000] =	vst v1  }
0x144: {  	v1 =	vld [tilespmem:s20+$0x40];
	_ =	sdelay $0x4  }
0x145: {  	[tilespmem:s18+$0xD460] =	vst v1  }
0x146: {  	v1 =	vld [tilespmem:s20+$0x10];
	_ =	sdelay $0x4  }
0x147: {  	[tilespmem:s19+$0x8010] =	vst v1  }
0x148: {  	v1 =	vld [tilespmem:s20+$0x50];
	_ =	sdelay $0x4  }
0x149: {  	[tilespmem:s18+$0xD470] =	vst v1  }
0x14a: {  	v1 =	vld [tilespmem:s20+$0x20];
	_ =	sdelay $0x4  }
0x14b: {  	[tilespmem:s19+$0x8020] =	vst v1  }
0x14c: {  	v1 =	vld [tilespmem:s20+$0x60];
	_ =	sdelay $0x4  }
0x14d: {  	[tilespmem:s18+$0xD480] =	vst v1  }
0x14e: {  	v1 =	vld [tilespmem:s20+$0x30];
	_ =	sdelay $0x4  }
0x14f: {  	[tilespmem:s19+$0x8030] =	vst v1  }
0x150: {  	v1 =	vld [tilespmem:s20+$0x70];
	_ =	sdelay $0x4  }
0x151: {  	s20 =	sshllo.u32 s17, $0x4;
	[tilespmem:s18+$0xD490] =	vst v1  }
0x152: {  	s21 =	sshll.u32 s20, $0x7;
	[tilespmem:s19+$0x8040] =	vst v0  }
0x153: {  	s19 =	sand.u32 $0x3FFFFF80, s21;
	[tilespmem:s18+$0xD4A0] =	vst v0  }
0x154: {  	v1 =	vld [tilespmem:s19+$0x0];
	_ =	sdelay $0x1  }
0x155: {  	s20 =	smul.u32 $0x140, s20;
	_ =	sdelay $0x1  }
0x156: {  	s20 =	sshra.s32 s20, $0x2  }
0x157: {  	[tilespmem:s20+$0x8000] =	vst v1  }
0x158: {  	v1 =	vld [tilespmem:s19+$0x40];
	_ =	sdelay $0x4  }
0x159: {  	[tilespmem:s18+$0xD4B0] =	vst v1  }
0x15a: {  	v1 =	vld [tilespmem:s19+$0x10];
	_ =	sdelay $0x4  }
0x15b: {  	[tilespmem:s20+$0x8010] =	vst v1  }
0x15c: {  	v1 =	vld [tilespmem:s19+$0x50];
	_ =	sdelay $0x4  }
0x15d: {  	[tilespmem:s18+$0xD4C0] =	vst v1  }
0x15e: {  	v1 =	vld [tilespmem:s19+$0x20];
	_ =	sdelay $0x4  }
0x15f: {  	[tilespmem:s20+$0x8020] =	vst v1  }
0x160: {  	v1 =	vld [tilespmem:s19+$0x60];
	_ =	sdelay $0x4  }
0x161: {  	[tilespmem:s18+$0xD4D0] =	vst v1  }
0x162: {  	v1 =	vld [tilespmem:s19+$0x30];
	_ =	sdelay $0x4  }
0x163: {  	[tilespmem:s20+$0x8030] =	vst v1  }
0x164: {  	v1 =	vld [tilespmem:s19+$0x70];
	_ =	sdelay $0x1  }
0x165: {  	p0 =	sne.s32 s17, $0xF  }
.Ltmp0:
0x166: {  	_ = 	snop;
	(pc) =	sbr.rel @p0 .LBB2_2-.Ltmp0, $4  }
0x167: {  	_ = 	snop  }
0x168: {  	[tilespmem:s18+$0xD4E0] =	vst v1  }
0x169: {  	[tilespmem:s20+$0x8040] =	vst v0  }
0x16a: {  	s17 =	sadd.s32 $0x1, s17;
	[tilespmem:s18+$0xD4F0] =	vst v0  }
0x16b: {  	[bflag:$0x0] =	sbarrier.arrive $0xFFFF;
	s17 =	simm.s32 $0x8000  }
0x16c: {  	[spmem:s2] =	stream.indirect.scatter.add.f32 [tilespmem:s17], [sflag:$0x1], $0x50, s13, s16, $0xb8;
	[tilespmem:$0x13600] =	vst v63  }
0x16d: {  	s21 =	simm.s32 $0x12040;
	s18 =	simm.s32 $0x9400  }
0x16e: {  	[spmem:s2] =	stream.indirect.scatter.add.f32 [tilespmem:s18], [sflag:$0x1], $0x50, s21, s16, $0xb8;
	[tilespmem:$0x13600] =	vst v63  }
0x16f: {  	s19 =	simm.s32 $0x12080;
	s20 =	simm.s32 $0xA800  }
0x170: {  	[spmem:s2] =	stream.indirect.scatter.add.f32 [tilespmem:s20], [sflag:$0x1], $0x50, s19, s16, $0xb8;
	[tilespmem:$0x13600] =	vst v63  }
0x171: {  	_ = 	snop  }
0x172: {  	[spmem:s2] =	stream.indirect.scatter.add.f32 [tilespmem:s23], [sflag:$0x1], $0x50, s22, s16, $0xb8;
	[tilespmem:$0x13600] =	vst v63  }
0x173: {  	_ = 	snop  }
0x174: {  	[spmem:s2] =	stream.indirect.scatter.add.f32 [tilespmem:s24], [sflag:$0x1], $0x50, s14, s16, $0xb8;
	[tilespmem:$0x13600] =	vst v63  }
0x175: {  	_ = 	snop  }
0x176: {  	[spmem:s2] =	stream.indirect.scatter.add.f32 [tilespmem:s26], [sflag:$0x1], $0x50, s25, s16, $0xb8;
	[tilespmem:$0x13600] =	vst v63  }
0x177: {  	_ = 	snop  }
0x178: {  	[spmem:s2] =	stream.indirect.scatter.add.f32 [tilespmem:s29], [sflag:$0x1], $0x50, s28, s16, $0xb8;
	[tilespmem:$0x13600] =	vst v63  }
0x179: {  	_ = 	snop  }
0x17a: {  	[spmem:s2] =	stream.indirect.scatter.add.f32 [tilespmem:s31], [sflag:$0x1], $0x50, s30, s16, $0xb8;
	[tilespmem:$0x13600] =	vst v63  }
0x17b: {  	_ =	swait.ge [sflag:s15], $0x1400  }
0x17c: {  	[sflag:s15] =	ssyncset.done $0x0  }
0x17d: {  	[sflag:s15] =	ssyncadd.s32 $0xFFFFEC00  }
0x17e: {  	_ =	swait.ge [sflag:s15], $0x1400  }
0x17f: {  	[sflag:s15] =	ssyncset.done $0x0  }
0x180: {  	[sflag:s15] =	ssyncadd.s32 $0xFFFFEC00  }
0x181: {  	_ =	swait.ge [sflag:s15], $0x1400  }
0x182: {  	[sflag:s15] =	ssyncset.done $0x0  }
0x183: {  	[sflag:s15] =	ssyncadd.s32 $0xFFFFEC00  }
0x184: {  	_ =	swait.ge [sflag:s15], $0x1400  }
0x185: {  	[sflag:s15] =	ssyncset.done $0x0  }
0x186: {  	[sflag:s15] =	ssyncadd.s32 $0xFFFFEC00  }
0x187: {  	_ =	swait.ge [sflag:s15], $0x1400  }
0x188: {  	[sflag:s15] =	ssyncset.done $0x0  }
0x189: {  	[sflag:s15] =	ssyncadd.s32 $0xFFFFEC00  }
0x18a: {  	_ =	swait.ge [sflag:s15], $0x1400  }
0x18b: {  	[sflag:s15] =	ssyncset.done $0x0  }
0x18c: {  	[sflag:s15] =	ssyncadd.s32 $0xFFFFEC00  }
0x18d: {  	_ =	swait.ge [sflag:s15], $0x1400  }
0x18e: {  	[sflag:s15] =	ssyncset.done $0x0  }
0x18f: {  	[sflag:s15] =	ssyncadd.s32 $0xFFFFEC00  }
0x190: {  	_ =	swait.ge [sflag:s15], $0x1400  }
0x191: {  	s1 =	sadd.s32 $0x1, s1;
	[sflag:s15] =	ssyncset.done $0x0  }
0x192: {  	p0 =	sne.s32 s1, s11;
	[sflag:s15] =	ssyncadd.s32 $0xFFFFEC00  }
.Ltmp1:
0x193: {  	s21 =	sor.u32 $0x1C02, s5;
	[bflag:$0x0] =	sbarrier.arrive $0xFFFF;
	(pc) =	sbr.rel @p0 .LBB2_1-.Ltmp1, $4  }
0x194: {  	[hbm:s10], [sflag:s21] =	dma.local [spmem:s12], $0x280  }
0x195: {  	_ =	swait.ge [sflag:s0], $0x280  }
0x196: {  	[sflag:s0] =	ssyncset.done $0x0  }
0x197: {  	[sflag:s0] =	ssyncadd.s32 $0xFFFFFD80  }
0x198: {  	_ =	sfence.sel $0x180000  }
0x199: {  	[bflag:$0x0] =	sbarrier.arrive $0xFFFF  }
0x19a: {  	_ =	strace $0x90000047  }
0x19b: {  	s0 =	stileid.u32;
	[bflag:$0x2] =	sbarrier.arrive $0xFFFF  }
0x19c: {  	p0 =	sne.s32 s0, $0x0;
	s0 =	rddreg [dreg:$0x3]  }
0x19d: {  	s0 =	sadd.s32 @!p0 $0x100000, s0  }
0x19e: {  	[sflag:s0] =	ssyncadd.tile.s32 @!p0 $0x1;
	_ =	shalt  }
.Lfunc_end2:
_tile_overlayer_lowered:
.L_overlay_start_2:
0x19f: {  	(tag) =	ssettag $0x2  }
0x1a0: {  	s0 =	rddreg [dreg:$0x0];
	s2 =	stileid.u32  }
0x1a1: {  	s1 =	rddreg [dreg:$0x1];
	p0 =	sne.s32 s2, $0x0  }
0x1a2: {  	s3 =	rddreg [dreg:$0x2];
	[bflag:$0x3] =	sbarrier.arrive $0xFFFF;
	s2 =	simm.s32 @!p0 $0x1C02  }
0x1a3: {  	[timem:s3], [sflag:s2] =	dma.local @!p0 [hbm:s0], s1  }
0x1a4: {  	s0 =	simm.s32 @!p0 $0x2  }
0x1a5: {  	_ =	swait.ge @!p0 [sflag:s0], s1  }
0x1a6: {  	s1 =	ssub.s32 @!p0 $0x0, s1;
	[sflag:s0] =	ssyncset.done @!p0 $0x0  }
0x1a7: {  	[sflag:s0] =	ssyncadd.s32 @!p0 s1  }
0x1a8: {  	[bflag:$0x3] =	sbarrier.arrive $0xFFFF  }
0x1a9: {  	_ =	shalt  }

</sc_bundles>
